<compile_context>
chip_gen: v7x
topology: tpu7x:2x2x1
jax: 0.10.2.dev20260603
libtpu: 0.0.44.dev20260713+nightly
codegen_flags: <defaults>
</compile_context>

<pallas_src>
import functools
import math

import jax
import jax.numpy as jnp
from jax import lax
from jax.experimental import pallas as pl
from jax.experimental.pallas import tpu as pltpu
from jax.experimental.pallas import tpu_sc as plsc

VOCAB = 100000
D = 128
B_TOKENS = 1024 * 200
NUM_WORKERS = 32
PER_WORKER = B_TOKENS // NUM_WORKERS
CHUNK = 128
CHUNKS_PER_WORKER = PER_WORKER // CHUNK
SCALE = math.sqrt(D)

_mesh = plsc.VectorSubcoreMesh(core_axis_name="c", subcore_axis_name="s")

NBUF = 5
STEADY_GROUPS = CHUNKS_PER_WORKER // NBUF


@functools.partial(
    pl.kernel,
    out_type=jax.ShapeDtypeStruct((B_TOKENS, D), jnp.float32),
    mesh=_mesh,
    scratch_types=[
        pltpu.VMEM((CHUNKS_PER_WORKER, CHUNK), jnp.int32),
        [pltpu.VMEM((CHUNK, D), jnp.float32) for _ in range(NBUF)],
        pltpu.SemaphoreType.DMA((NBUF,)),
        pltpu.SemaphoreType.DMA((NBUF,)),
    ],
)
def _embed_gather(table_hbm, tok_hbm, out_hbm, idx_v, bufs, gsems, wsems):
    wid = lax.axis_index("s") * 2 + lax.axis_index("c")
    base = wid * PER_WORKER
    pltpu.sync_copy(tok_hbm.at[wid], idx_v)

    def gather_start(j, k):
        pltpu.async_copy(table_hbm.at[idx_v.at[j]], bufs[k], gsems.at[k])

    def gather_wait(j, k):
        pltpu.make_async_copy(table_hbm.at[idx_v.at[j]], bufs[k],
                              gsems.at[k]).wait()

    def write_start(j, k):
        pltpu.async_copy(bufs[k], out_hbm.at[pl.ds(base + j * CHUNK, CHUNK)],
                         wsems.at[k])

    def write_wait(j, k):
        pltpu.make_async_copy(bufs[k],
                              out_hbm.at[pl.ds(base + j * CHUNK, CHUNK)],
                              wsems.at[k]).wait()

    def scale_buf(k):
        buf = bufs[k]

        @plsc.parallel_loop(0, CHUNK, unroll=4)
        def _(r):
            for c in range(D // 16):
                buf[r, pl.ds(c * 16, 16)] = buf[r, pl.ds(c * 16, 16)] * SCALE

    def step(j, k, wait_write, prefetch):
        gather_wait(j, k)
        scale_buf(k)
        write_start(j, k)
        kb = (k + NBUF - 1) % NBUF
        if prefetch:
            if wait_write:
                write_wait(j - 1, kb)
            gather_start(j + NBUF - 1, kb)

    for k in range(NBUF - 1):
        gather_start(k, k)
    for k in range(NBUF):
        step(k, k, wait_write=(k >= 1), prefetch=True)

    def group_body(g, carry):
        for k in range(NBUF):
            step(NBUF * g + k, k, wait_write=True, prefetch=True)
        return carry

    lax.fori_loop(1, STEADY_GROUPS - 1, group_body, 0)

    j0 = NBUF * (STEADY_GROUPS - 1)
    step(j0, 0, wait_write=True, prefetch=True)
    for k in range(1, NBUF):
        step(j0 + k, k, wait_write=False, prefetch=False)
    for k in range(NBUF):
        write_wait(j0 + k, k)


def kernel(tokens, table):
    tok = tokens.reshape(NUM_WORKERS, CHUNKS_PER_WORKER, CHUNK).astype(jnp.int32)
    out = _embed_gather(table, tok)
    return out.reshape(tokens.shape[0], tokens.shape[1], D)

# --- scband reference (transcript-rebuilt; emitter-appended) ---
"""Pipeline reference for scband-token-embedding-58059367907832 (READ-ONLY COPY).

The authoritative reference and input builder live on the scoring server;
editing this copy changes nothing except your own understanding.
"""

import jax, jax.numpy as jnp
import numpy as np
import math

VOCAB_SIZE = 100000
EMBED_SIZE = 128
PAD_TOKEN = 0

def setup_inputs(seed: int = 0) -> dict:
    key = jax.random.key(seed)
    k_tok, k_tab = jax.random.split(key)
    tokens = jax.random.randint(k_tok, (1024, 200), 0, VOCAB_SIZE, dtype=jnp.int64 if jax.config.jax_enable_x64 else jnp.int32)
    table = jax.random.normal(k_tab, (VOCAB_SIZE, EMBED_SIZE), dtype=jnp.float32)
    # nn.Embedding with padding_idx zeroes the padding row at init
    table = table.at[PAD_TOKEN].set(0.0)
    return {"tokens": tokens, "table": table}

def reference(tokens, table):
    # TokenEmbedding.forward: embedding(tokens.long()) * sqrt(embed_size)
    emb = jnp.take(table, tokens, axis=0)
    return emb * math.sqrt(EMBED_SIZE)

if __name__ == "__main__":
    import jax
    _d = setup_inputs()
    print(jax.jit(kernel)(*tuple(_d.values())))

</pallas_src>

<mosaic_0001>
#map = affine_map<(d0, d1) -> (0, 0)>
#map1 = affine_map<(d0, d1) -> (0, 0, 0)>
module attributes {stable_mosaic.version = 14 : i64} {
  func.func @_embed_gather(%arg0: i32, %arg1: i32, %arg2: memref<100000x128xf32, #tpu.memory_space<hbm>>, %arg3: memref<32x50x128xi32, #tpu.memory_space<hbm>>, %arg4: memref<204800x128xf32, #tpu.memory_space<hbm>>, %arg5: memref<50x128xi32, #tpu.memory_space<vmem>>, %arg6: memref<128x128xf32, #tpu.memory_space<vmem>>, %arg7: memref<128x128xf32, #tpu.memory_space<vmem>>, %arg8: memref<128x128xf32, #tpu.memory_space<vmem>>, %arg9: memref<128x128xf32, #tpu.memory_space<vmem>>, %arg10: memref<128x128xf32, #tpu.memory_space<vmem>>, %arg11: memref<5x!tpu.dma_semaphore, #tpu.memory_space<semaphore_mem>>, %arg12: memref<5x!tpu.dma_semaphore, #tpu.memory_space<semaphore_mem>>) attributes {dimension_semantics = [#tpu.dimension_semantics<core_parallel>, #tpu.dimension_semantics<subcore_parallel>], iteration_bounds = array<i64: 2, 16>, scalar_prefetch = 0 : i64, scratch_operands = 8 : i64, tpu.core_type = #tpu.core_type<sc_vector_subcore>, window_params = [{transform_indices = #map}, {transform_indices = #map1}, {transform_indices = #map}]} {
    %mul3A = arith.constant 2 : i32
    %mul3A_0 = arith.muli %arg1, %mul3A : i32
    %add3A = arith.addi %mul3A_0, %arg0 : i32
    %mul3A_1 = arith.constant 6400 : i32
    %mul3A_2 = arith.muli %add3A, %mul3A_1 : i32
    "tpu.region"() ({
      %run_scoped3A = tpu.sem_alloc : memref<!tpu.dma_semaphore, #tpu.memory_space<semaphore_mem>>
      %dma_start3A_415 = arith.constant 0 : i32
      %dma_start3A_416 = arith.constant 0 : i32
      %dma_start3A_417 = tpu.memref_slice %arg3[%add3A, %dma_start3A_415, %dma_start3A_416] : memref<32x50x128xi32, #tpu.memory_space<hbm>> -> memref<1x50x128xi32, #tpu.memory_space<hbm>>
      %dma_start3A_418 = tpu.memref_squeeze %dma_start3A_417 : memref<1x50x128xi32, #tpu.memory_space<hbm>> -> memref<50x128xi32, #tpu.memory_space<hbm>>
      %dma_start3A_419 = arith.constant 0 : i32
      %dma_start3A_420 = arith.constant 0 : i32
      %dma_start3A_421 = tpu.memref_slice %arg3[%add3A, %dma_start3A_419, %dma_start3A_420] : memref<32x50x128xi32, #tpu.memory_space<hbm>> -> memref<1x50x128xi32, #tpu.memory_space<hbm>>
      %dma_start3A_422 = tpu.memref_squeeze %dma_start3A_421 : memref<1x50x128xi32, #tpu.memory_space<hbm>> -> memref<50x128xi32, #tpu.memory_space<hbm>>
      tpu.enqueue_dma source(%dma_start3A_422 : memref<50x128xi32, #tpu.memory_space<hbm>>) target(%arg5 : memref<50x128xi32, #tpu.memory_space<vmem>>) target_semaphore(%run_scoped3A : memref<!tpu.dma_semaphore, #tpu.memory_space<semaphore_mem>>)
      %dma_wait3A_423 = arith.constant 0 : i32
      %dma_wait3A_424 = arith.constant 0 : i32
      %dma_wait3A_425 = tpu.memref_slice %arg3[%add3A, %dma_wait3A_423, %dma_wait3A_424] : memref<32x50x128xi32, #tpu.memory_space<hbm>> -> memref<1x50x128xi32, #tpu.memory_space<hbm>>
      %dma_wait3A_426 = tpu.memref_squeeze %dma_wait3A_425 : memref<1x50x128xi32, #tpu.memory_space<hbm>> -> memref<50x128xi32, #tpu.memory_space<hbm>>
      %dma_wait3A_427 = arith.constant 0 : i32
      %dma_wait3A_428 = arith.constant 0 : i32
      %dma_wait3A_429 = tpu.memref_slice %arg3[%add3A, %dma_wait3A_427, %dma_wait3A_428] : memref<32x50x128xi32, #tpu.memory_space<hbm>> -> memref<1x50x128xi32, #tpu.memory_space<hbm>>
      %dma_wait3A_430 = tpu.memref_squeeze %dma_wait3A_429 : memref<1x50x128xi32, #tpu.memory_space<hbm>> -> memref<50x128xi32, #tpu.memory_space<hbm>>
      tpu.wait_dma2 semaphore(%run_scoped3A : memref<!tpu.dma_semaphore, #tpu.memory_space<semaphore_mem>>) src(%dma_wait3A_430 : memref<50x128xi32, #tpu.memory_space<hbm>>) dst(%arg5 : memref<50x128xi32, #tpu.memory_space<vmem>>)
      tpu.yield
    }) : () -> ()
    %dma_start3A = arith.constant 0 : i32
    %dma_start3A_3 = arith.constant 0 : i32
    %dma_start3A_4 = arith.constant 0 : i32
    %dma_start3A_5 = tpu.memref_slice %arg5[%dma_start3A, %dma_start3A_4] : memref<50x128xi32, #tpu.memory_space<vmem>> -> memref<1x128xi32, #tpu.memory_space<vmem>>
    %dma_start3A_6 = tpu.memref_squeeze %dma_start3A_5 : memref<1x128xi32, #tpu.memory_space<vmem>> -> memref<128xi32, #tpu.memory_space<vmem>>
    %dma_start3A_7 = arith.constant 0 : i32
    %dma_start3A_8 = arith.constant 0 : i32
    %dma_start3A_9 = tpu.memref_slice %arg2[%dma_start3A_7, %dma_start3A_8] : memref<100000x128xf32, #tpu.memory_space<hbm>> -> memref<100000x128xf32, #tpu.memory_space<hbm>>
    %dma_start3A_10 = tpu.memref_slice %arg11[%dma_start3A_3] : memref<5x!tpu.dma_semaphore, #tpu.memory_space<semaphore_mem>> -> memref<1x!tpu.dma_semaphore, #tpu.memory_space<semaphore_mem>>
    %dma_start3A_11 = tpu.memref_squeeze %dma_start3A_10 : memref<1x!tpu.dma_semaphore, #tpu.memory_space<semaphore_mem>> -> memref<!tpu.dma_semaphore, #tpu.memory_space<semaphore_mem>>
    tpu.enqueue_indirect_dma source(%dma_start3A_9 : memref<100000x128xf32, #tpu.memory_space<hbm>>) target(%arg6 : memref<128x128xf32, #tpu.memory_space<vmem>>) offsets(%dma_start3A_6 : memref<128xi32, #tpu.memory_space<vmem>>) semaphore(%dma_start3A_11 : memref<!tpu.dma_semaphore, #tpu.memory_space<semaphore_mem>>)
    %dma_start3A_12 = arith.constant 1 : i32
    %dma_start3A_13 = arith.constant 1 : i32
    %dma_start3A_14 = arith.constant 0 : i32
    %dma_start3A_15 = tpu.memref_slice %arg5[%dma_start3A_12, %dma_start3A_14] : memref<50x128xi32, #tpu.memory_space<vmem>> -> memref<1x128xi32, #tpu.memory_space<vmem>>
    %dma_start3A_16 = tpu.memref_squeeze %dma_start3A_15 : memref<1x128xi32, #tpu.memory_space<vmem>> -> memref<128xi32, #tpu.memory_space<vmem>>
    %dma_start3A_17 = arith.constant 0 : i32
    %dma_start3A_18 = arith.constant 0 : i32
    %dma_start3A_19 = tpu.memref_slice %arg2[%dma_start3A_17, %dma_start3A_18] : memref<100000x128xf32, #tpu.memory_space<hbm>> -> memref<100000x128xf32, #tpu.memory_space<hbm>>
    %dma_start3A_20 = tpu.memref_slice %arg11[%dma_start3A_13] : memref<5x!tpu.dma_semaphore, #tpu.memory_space<semaphore_mem>> -> memref<1x!tpu.dma_semaphore, #tpu.memory_space<semaphore_mem>>
    %dma_start3A_21 = tpu.memref_squeeze %dma_start3A_20 : memref<1x!tpu.dma_semaphore, #tpu.memory_space<semaphore_mem>> -> memref<!tpu.dma_semaphore, #tpu.memory_space<semaphore_mem>>
    tpu.enqueue_indirect_dma source(%dma_start3A_19 : memref<100000x128xf32, #tpu.memory_space<hbm>>) target(%arg7 : memref<128x128xf32, #tpu.memory_space<vmem>>) offsets(%dma_start3A_16 : memref<128xi32, #tpu.memory_space<vmem>>) semaphore(%dma_start3A_21 : memref<!tpu.dma_semaphore, #tpu.memory_space<semaphore_mem>>)
    %dma_start3A_22 = arith.constant 2 : i32
    %dma_start3A_23 = arith.constant 2 : i32
    %dma_start3A_24 = arith.constant 0 : i32
    %dma_start3A_25 = tpu.memref_slice %arg5[%dma_start3A_22, %dma_start3A_24] : memref<50x128xi32, #tpu.memory_space<vmem>> -> memref<1x128xi32, #tpu.memory_space<vmem>>
    %dma_start3A_26 = tpu.memref_squeeze %dma_start3A_25 : memref<1x128xi32, #tpu.memory_space<vmem>> -> memref<128xi32, #tpu.memory_space<vmem>>
    %dma_start3A_27 = arith.constant 0 : i32
    %dma_start3A_28 = arith.constant 0 : i32
    %dma_start3A_29 = tpu.memref_slice %arg2[%dma_start3A_27, %dma_start3A_28] : memref<100000x128xf32, #tpu.memory_space<hbm>> -> memref<100000x128xf32, #tpu.memory_space<hbm>>
    %dma_start3A_30 = tpu.memref_slice %arg11[%dma_start3A_23] : memref<5x!tpu.dma_semaphore, #tpu.memory_space<semaphore_mem>> -> memref<1x!tpu.dma_semaphore, #tpu.memory_space<semaphore_mem>>
    %dma_start3A_31 = tpu.memref_squeeze %dma_start3A_30 : memref<1x!tpu.dma_semaphore, #tpu.memory_space<semaphore_mem>> -> memref<!tpu.dma_semaphore, #tpu.memory_space<semaphore_mem>>
    tpu.enqueue_indirect_dma source(%dma_start3A_29 : memref<100000x128xf32, #tpu.memory_space<hbm>>) target(%arg8 : memref<128x128xf32, #tpu.memory_space<vmem>>) offsets(%dma_start3A_26 : memref<128xi32, #tpu.memory_space<vmem>>) semaphore(%dma_start3A_31 : memref<!tpu.dma_semaphore, #tpu.memory_space<semaphore_mem>>)
    %dma_start3A_32 = arith.constant 3 : i32
    %dma_start3A_33 = arith.constant 3 : i32
    %dma_start3A_34 = arith.constant 0 : i32
    %dma_start3A_35 = tpu.memref_slice %arg5[%dma_start3A_32, %dma_start3A_34] : memref<50x128xi32, #tpu.memory_space<vmem>> -> memref<1x128xi32, #tpu.memory_space<vmem>>
    %dma_start3A_36 = tpu.memref_squeeze %dma_start3A_35 : memref<1x128xi32, #tpu.memory_space<vmem>> -> memref<128xi32, #tpu.memory_space<vmem>>
    %dma_start3A_37 = arith.constant 0 : i32
    %dma_start3A_38 = arith.constant 0 : i32
    %dma_start3A_39 = tpu.memref_slice %arg2[%dma_start3A_37, %dma_start3A_38] : memref<100000x128xf32, #tpu.memory_space<hbm>> -> memref<100000x128xf32, #tpu.memory_space<hbm>>
    %dma_start3A_40 = tpu.memref_slice %arg11[%dma_start3A_33] : memref<5x!tpu.dma_semaphore, #tpu.memory_space<semaphore_mem>> -> memref<1x!tpu.dma_semaphore, #tpu.memory_space<semaphore_mem>>
    %dma_start3A_41 = tpu.memref_squeeze %dma_start3A_40 : memref<1x!tpu.dma_semaphore, #tpu.memory_space<semaphore_mem>> -> memref<!tpu.dma_semaphore, #tpu.memory_space<semaphore_mem>>
    tpu.enqueue_indirect_dma source(%dma_start3A_39 : memref<100000x128xf32, #tpu.memory_space<hbm>>) target(%arg9 : memref<128x128xf32, #tpu.memory_space<vmem>>) offsets(%dma_start3A_36 : memref<128xi32, #tpu.memory_space<vmem>>) semaphore(%dma_start3A_41 : memref<!tpu.dma_semaphore, #tpu.memory_space<semaphore_mem>>)
    %dma_wait3A = arith.constant 0 : i32
    %dma_wait3A_42 = arith.constant 0 : i32
    %dma_wait3A_43 = arith.constant 0 : i32
    %dma_wait3A_44 = tpu.memref_slice %arg5[%dma_wait3A, %dma_wait3A_43] : memref<50x128xi32, #tpu.memory_space<vmem>> -> memref<1x128xi32, #tpu.memory_space<vmem>>
    %dma_wait3A_45 = tpu.memref_squeeze %dma_wait3A_44 : memref<1x128xi32, #tpu.memory_space<vmem>> -> memref<128xi32, #tpu.memory_space<vmem>>
    %dma_wait3A_46 = arith.constant 0 : i32
    %dma_wait3A_47 = arith.constant 0 : i32
    %dma_wait3A_48 = tpu.memref_slice %arg2[%dma_wait3A_46, %dma_wait3A_47] : memref<100000x128xf32, #tpu.memory_space<hbm>> -> memref<100000x128xf32, #tpu.memory_space<hbm>>
    %dma_wait3A_49 = tpu.memref_slice %arg11[%dma_wait3A_42] : memref<5x!tpu.dma_semaphore, #tpu.memory_space<semaphore_mem>> -> memref<1x!tpu.dma_semaphore, #tpu.memory_space<semaphore_mem>>
    %dma_wait3A_50 = tpu.memref_squeeze %dma_wait3A_49 : memref<1x!tpu.dma_semaphore, #tpu.memory_space<semaphore_mem>> -> memref<!tpu.dma_semaphore, #tpu.memory_space<semaphore_mem>>
    tpu.wait_indirect_dma semaphore(%dma_wait3A_50 : memref<!tpu.dma_semaphore, #tpu.memory_space<semaphore_mem>>) src(%dma_wait3A_48 : memref<100000x128xf32, #tpu.memory_space<hbm>>) dst(%arg6 : memref<128x128xf32, #tpu.memory_space<vmem>>)
    %parallel_loop3A = arith.constant 0 : i32
    %parallel_loop3A_51 = arith.constant 128 : i32
    %parallel_loop3A_52 = arith.constant 1 : i32
    scf.for %parallel_loop3A_415 = %parallel_loop3A to %parallel_loop3A_51 step %parallel_loop3A_52  : i32 {
      %parallel_loop3A_416 = arith.index_cast %parallel_loop3A_415 : i32 to index
      %parallel_loop3A_417 = arith.constant 0 : index
      %parallel_loop3A_418 = tpu.vector_load %arg6[%parallel_loop3A_416, %parallel_loop3A_417] {strides = array<i32>} : memref<128x128xf32, #tpu.memory_space<vmem>>, vector<1x16xf32>,
      %parallel_loop3A_419 = vector.shape_cast %parallel_loop3A_418 : vector<1x16xf32> to vector<16xf32>
      %parallel_loop3A_420 = arith.constant 11.3137083 : f32
      %parallel_loop3A_421 = vector.broadcast %parallel_loop3A_420 : f32 to vector<16xf32>
      %parallel_loop3A_422 = arith.mulf %parallel_loop3A_419, %parallel_loop3A_421 : vector<16xf32>
      %parallel_loop3A_423 = arith.index_cast %parallel_loop3A_415 : i32 to index
      %parallel_loop3A_424 = arith.constant 0 : index
      %parallel_loop3A_425 = tpu.vector_load %arg6[%parallel_loop3A_423, %parallel_loop3A_424] {strides = array<i32>} : memref<128x128xf32, #tpu.memory_space<vmem>>, vector<1x16xf32>,
      %parallel_loop3A_426 = vector.shape_cast %parallel_loop3A_425 : vector<1x16xf32> to vector<16xf32>
      %parallel_loop3A_427 = vector.shape_cast %parallel_loop3A_422 : vector<16xf32> to vector<1x16xf32>
      tpu.vector_store %arg6[%parallel_loop3A_423, %parallel_loop3A_424], %parallel_loop3A_427 {strides = array<i32>} : memref<128x128xf32, #tpu.memory_space<vmem>>, vector<1x16xf32>,
      %parallel_loop3A_428 = arith.index_cast %parallel_loop3A_415 : i32 to index
      %parallel_loop3A_429 = arith.constant 16 : index
      %parallel_loop3A_430 = tpu.vector_load %arg6[%parallel_loop3A_428, %parallel_loop3A_429] {strides = array<i32>} : memref<128x128xf32, #tpu.memory_space<vmem>>, vector<1x16xf32>,
      %parallel_loop3A_431 = vector.shape_cast %parallel_loop3A_430 : vector<1x16xf32> to vector<16xf32>
      %parallel_loop3A_432 = arith.constant 11.3137083 : f32
      %parallel_loop3A_433 = vector.broadcast %parallel_loop3A_432 : f32 to vector<16xf32>
      %parallel_loop3A_434 = arith.mulf %parallel_loop3A_431, %parallel_loop3A_433 : vector<16xf32>
      %parallel_loop3A_435 = arith.index_cast %parallel_loop3A_415 : i32 to index
      %parallel_loop3A_436 = arith.constant 16 : index
      %parallel_loop3A_437 = tpu.vector_load %arg6[%parallel_loop3A_435, %parallel_loop3A_436] {strides = array<i32>} : memref<128x128xf32, #tpu.memory_space<vmem>>, vector<1x16xf32>,
      %parallel_loop3A_438 = vector.shape_cast %parallel_loop3A_437 : vector<1x16xf32> to vector<16xf32>
      %parallel_loop3A_439 = vector.shape_cast %parallel_loop3A_434 : vector<16xf32> to vector<1x16xf32>
      tpu.vector_store %arg6[%parallel_loop3A_435, %parallel_loop3A_436], %parallel_loop3A_439 {strides = array<i32>} : memref<128x128xf32, #tpu.memory_space<vmem>>, vector<1x16xf32>,
      %parallel_loop3A_440 = arith.index_cast %parallel_loop3A_415 : i32 to index
      %parallel_loop3A_441 = arith.constant 32 : index
      %parallel_loop3A_442 = tpu.vector_load %arg6[%parallel_loop3A_440, %parallel_loop3A_441] {strides = array<i32>} : memref<128x128xf32, #tpu.memory_space<vmem>>, vector<1x16xf32>,
      %parallel_loop3A_443 = vector.shape_cast %parallel_loop3A_442 : vector<1x16xf32> to vector<16xf32>
      %parallel_loop3A_444 = arith.constant 11.3137083 : f32
      %parallel_loop3A_445 = vector.broadcast %parallel_loop3A_444 : f32 to vector<16xf32>
      %parallel_loop3A_446 = arith.mulf %parallel_loop3A_443, %parallel_loop3A_445 : vector<16xf32>
      %parallel_loop3A_447 = arith.index_cast %parallel_loop3A_415 : i32 to index
      %parallel_loop3A_448 = arith.constant 32 : index
      %parallel_loop3A_449 = tpu.vector_load %arg6[%parallel_loop3A_447, %parallel_loop3A_448] {strides = array<i32>} : memref<128x128xf32, #tpu.memory_space<vmem>>, vector<1x16xf32>,
      %parallel_loop3A_450 = vector.shape_cast %parallel_loop3A_449 : vector<1x16xf32> to vector<16xf32>
      %parallel_loop3A_451 = vector.shape_cast %parallel_loop3A_446 : vector<16xf32> to vector<1x16xf32>
      tpu.vector_store %arg6[%parallel_loop3A_447, %parallel_loop3A_448], %parallel_loop3A_451 {strides = array<i32>} : memref<128x128xf32, #tpu.memory_space<vmem>>, vector<1x16xf32>,
      %parallel_loop3A_452 = arith.index_cast %parallel_loop3A_415 : i32 to index
      %parallel_loop3A_453 = arith.constant 48 : index
      %parallel_loop3A_454 = tpu.vector_load %arg6[%parallel_loop3A_452, %parallel_loop3A_453] {strides = array<i32>} : memref<128x128xf32, #tpu.memory_space<vmem>>, vector<1x16xf32>,
      %parallel_loop3A_455 = vector.shape_cast %parallel_loop3A_454 : vector<1x16xf32> to vector<16xf32>
      %parallel_loop3A_456 = arith.constant 11.3137083 : f32
      %parallel_loop3A_457 = vector.broadcast %parallel_loop3A_456 : f32 to vector<16xf32>
      %parallel_loop3A_458 = arith.mulf %parallel_loop3A_455, %parallel_loop3A_457 : vector<16xf32>
      %parallel_loop3A_459 = arith.index_cast %parallel_loop3A_415 : i32 to index
      %parallel_loop3A_460 = arith.constant 48 : index
      %parallel_loop3A_461 = tpu.vector_load %arg6[%parallel_loop3A_459, %parallel_loop3A_460] {strides = array<i32>} : memref<128x128xf32, #tpu.memory_space<vmem>>, vector<1x16xf32>,
      %parallel_loop3A_462 = vector.shape_cast %parallel_loop3A_461 : vector<1x16xf32> to vector<16xf32>
      %parallel_loop3A_463 = vector.shape_cast %parallel_loop3A_458 : vector<16xf32> to vector<1x16xf32>
      tpu.vector_store %arg6[%parallel_loop3A_459, %parallel_loop3A_460], %parallel_loop3A_463 {strides = array<i32>} : memref<128x128xf32, #tpu.memory_space<vmem>>, vector<1x16xf32>,
      %parallel_loop3A_464 = arith.index_cast %parallel_loop3A_415 : i32 to index
      %parallel_loop3A_465 = arith.constant 64 : index
      %parallel_loop3A_466 = tpu.vector_load %arg6[%parallel_loop3A_464, %parallel_loop3A_465] {strides = array<i32>} : memref<128x128xf32, #tpu.memory_space<vmem>>, vector<1x16xf32>,
      %parallel_loop3A_467 = vector.shape_cast %parallel_loop3A_466 : vector<1x16xf32> to vector<16xf32>
      %parallel_loop3A_468 = arith.constant 11.3137083 : f32
      %parallel_loop3A_469 = vector.broadcast %parallel_loop3A_468 : f32 to vector<16xf32>
      %parallel_loop3A_470 = arith.mulf %parallel_loop3A_467, %parallel_loop3A_469 : vector<16xf32>
      %parallel_loop3A_471 = arith.index_cast %parallel_loop3A_415 : i32 to index
      %parallel_loop3A_472 = arith.constant 64 : index
      %parallel_loop3A_473 = tpu.vector_load %arg6[%parallel_loop3A_471, %parallel_loop3A_472] {strides = array<i32>} : memref<128x128xf32, #tpu.memory_space<vmem>>, vector<1x16xf32>,
      %parallel_loop3A_474 = vector.shape_cast %parallel_loop3A_473 : vector<1x16xf32> to vector<16xf32>
      %parallel_loop3A_475 = vector.shape_cast %parallel_loop3A_470 : vector<16xf32> to vector<1x16xf32>
      tpu.vector_store %arg6[%parallel_loop3A_471, %parallel_loop3A_472], %parallel_loop3A_475 {strides = array<i32>} : memref<128x128xf32, #tpu.memory_space<vmem>>, vector<1x16xf32>,
      %parallel_loop3A_476 = arith.index_cast %parallel_loop3A_415 : i32 to index
      %parallel_loop3A_477 = arith.constant 80 : index
      %parallel_loop3A_478 = tpu.vector_load %arg6[%parallel_loop3A_476, %parallel_loop3A_477] {strides = array<i32>} : memref<128x128xf32, #tpu.memory_space<vmem>>, vector<1x16xf32>,
      %parallel_loop3A_479 = vector.shape_cast %parallel_loop3A_478 : vector<1x16xf32> to vector<16xf32>
      %parallel_loop3A_480 = arith.constant 11.3137083 : f32
      %parallel_loop3A_481 = vector.broadcast %parallel_loop3A_480 : f32 to vector<16xf32>
      %parallel_loop3A_482 = arith.mulf %parallel_loop3A_479, %parallel_loop3A_481 : vector<16xf32>
      %parallel_loop3A_483 = arith.index_cast %parallel_loop3A_415 : i32 to index
      %parallel_loop3A_484 = arith.constant 80 : index
      %parallel_loop3A_485 = tpu.vector_load %arg6[%parallel_loop3A_483, %parallel_loop3A_484] {strides = array<i32>} : memref<128x128xf32, #tpu.memory_space<vmem>>, vector<1x16xf32>,
      %parallel_loop3A_486 = vector.shape_cast %parallel_loop3A_485 : vector<1x16xf32> to vector<16xf32>
      %parallel_loop3A_487 = vector.shape_cast %parallel_loop3A_482 : vector<16xf32> to vector<1x16xf32>
      tpu.vector_store %arg6[%parallel_loop3A_483, %parallel_loop3A_484], %parallel_loop3A_487 {strides = array<i32>} : memref<128x128xf32, #tpu.memory_space<vmem>>, vector<1x16xf32>,
      %parallel_loop3A_488 = arith.index_cast %parallel_loop3A_415 : i32 to index
      %parallel_loop3A_489 = arith.constant 96 : index
      %parallel_loop3A_490 = tpu.vector_load %arg6[%parallel_loop3A_488, %parallel_loop3A_489] {strides = array<i32>} : memref<128x128xf32, #tpu.memory_space<vmem>>, vector<1x16xf32>,
      %parallel_loop3A_491 = vector.shape_cast %parallel_loop3A_490 : vector<1x16xf32> to vector<16xf32>
      %parallel_loop3A_492 = arith.constant 11.3137083 : f32
      %parallel_loop3A_493 = vector.broadcast %parallel_loop3A_492 : f32 to vector<16xf32>
      %parallel_loop3A_494 = arith.mulf %parallel_loop3A_491, %parallel_loop3A_493 : vector<16xf32>
      %parallel_loop3A_495 = arith.index_cast %parallel_loop3A_415 : i32 to index
      %parallel_loop3A_496 = arith.constant 96 : index
      %parallel_loop3A_497 = tpu.vector_load %arg6[%parallel_loop3A_495, %parallel_loop3A_496] {strides = array<i32>} : memref<128x128xf32, #tpu.memory_space<vmem>>, vector<1x16xf32>,
      %parallel_loop3A_498 = vector.shape_cast %parallel_loop3A_497 : vector<1x16xf32> to vector<16xf32>
      %parallel_loop3A_499 = vector.shape_cast %parallel_loop3A_494 : vector<16xf32> to vector<1x16xf32>
      tpu.vector_store %arg6[%parallel_loop3A_495, %parallel_loop3A_496], %parallel_loop3A_499 {strides = array<i32>} : memref<128x128xf32, #tpu.memory_space<vmem>>, vector<1x16xf32>,
      %parallel_loop3A_500 = arith.index_cast %parallel_loop3A_415 : i32 to index
      %parallel_loop3A_501 = arith.constant 112 : index
      %parallel_loop3A_502 = tpu.vector_load %arg6[%parallel_loop3A_500, %parallel_loop3A_501] {strides = array<i32>} : memref<128x128xf32, #tpu.memory_space<vmem>>, vector<1x16xf32>,
      %parallel_loop3A_503 = vector.shape_cast %parallel_loop3A_502 : vector<1x16xf32> to vector<16xf32>
      %parallel_loop3A_504 = arith.constant 11.3137083 : f32
      %parallel_loop3A_505 = vector.broadcast %parallel_loop3A_504 : f32 to vector<16xf32>
      %parallel_loop3A_506 = arith.mulf %parallel_loop3A_503, %parallel_loop3A_505 : vector<16xf32>
      %parallel_loop3A_507 = arith.index_cast %parallel_loop3A_415 : i32 to index
      %parallel_loop3A_508 = arith.constant 112 : index
      %parallel_loop3A_509 = tpu.vector_load %arg6[%parallel_loop3A_507, %parallel_loop3A_508] {strides = array<i32>} : memref<128x128xf32, #tpu.memory_space<vmem>>, vector<1x16xf32>,
      %parallel_loop3A_510 = vector.shape_cast %parallel_loop3A_509 : vector<1x16xf32> to vector<16xf32>
      %parallel_loop3A_511 = vector.shape_cast %parallel_loop3A_506 : vector<16xf32> to vector<1x16xf32>
      tpu.vector_store %arg6[%parallel_loop3A_507, %parallel_loop3A_508], %parallel_loop3A_511 {strides = array<i32>} : memref<128x128xf32, #tpu.memory_space<vmem>>, vector<1x16xf32>,
    } {sc.loop_unroll_factor = 4 : i64, sc.parallel_access}
    %add3A_53 = arith.constant 0 : i32
    %add3A_54 = arith.addi %mul3A_2, %add3A_53 : i32
    %dma_start3A_55 = arith.constant 0 : i32
    %dma_start3A_56 = arith.constant 0 : i32
    %dma_start3A_57 = tpu.memref_slice %arg4[%add3A_54, %dma_start3A_56] : memref<204800x128xf32, #tpu.memory_space<hbm>> -> memref<128x128xf32, #tpu.memory_space<hbm>>
    %dma_start3A_58 = tpu.memref_slice %arg12[%dma_start3A_55] : memref<5x!tpu.dma_semaphore, #tpu.memory_space<semaphore_mem>> -> memref<1x!tpu.dma_semaphore, #tpu.memory_space<semaphore_mem>>
    %dma_start3A_59 = tpu.memref_squeeze %dma_start3A_58 : memref<1x!tpu.dma_semaphore, #tpu.memory_space<semaphore_mem>> -> memref<!tpu.dma_semaphore, #tpu.memory_space<semaphore_mem>>
    %dma_start3A_60 = arith.constant 0 : i32
    %dma_start3A_61 = tpu.memref_slice %arg4[%add3A_54, %dma_start3A_60] : memref<204800x128xf32, #tpu.memory_space<hbm>> -> memref<128x128xf32, #tpu.memory_space<hbm>>
    tpu.enqueue_dma source(%arg6 : memref<128x128xf32, #tpu.memory_space<vmem>>) target(%dma_start3A_61 : memref<128x128xf32, #tpu.memory_space<hbm>>) target_semaphore(%dma_start3A_59 : memref<!tpu.dma_semaphore, #tpu.memory_space<semaphore_mem>>)
    %dma_start3A_62 = arith.constant 4 : i32
    %dma_start3A_63 = arith.constant 4 : i32
    %dma_start3A_64 = arith.constant 0 : i32
    %dma_start3A_65 = tpu.memref_slice %arg5[%dma_start3A_62, %dma_start3A_64] : memref<50x128xi32, #tpu.memory_space<vmem>> -> memref<1x128xi32, #tpu.memory_space<vmem>>
    %dma_start3A_66 = tpu.memref_squeeze %dma_start3A_65 : memref<1x128xi32, #tpu.memory_space<vmem>> -> memref<128xi32, #tpu.memory_space<vmem>>
    %dma_start3A_67 = arith.constant 0 : i32
    %dma_start3A_68 = arith.constant 0 : i32
    %dma_start3A_69 = tpu.memref_slice %arg2[%dma_start3A_67, %dma_start3A_68] : memref<100000x128xf32, #tpu.memory_space<hbm>> -> memref<100000x128xf32, #tpu.memory_space<hbm>>
    %dma_start3A_70 = tpu.memref_slice %arg11[%dma_start3A_63] : memref<5x!tpu.dma_semaphore, #tpu.memory_space<semaphore_mem>> -> memref<1x!tpu.dma_semaphore, #tpu.memory_space<semaphore_mem>>
    %dma_start3A_71 = tpu.memref_squeeze %dma_start3A_70 : memref<1x!tpu.dma_semaphore, #tpu.memory_space<semaphore_mem>> -> memref<!tpu.dma_semaphore, #tpu.memory_space<semaphore_mem>>
    tpu.enqueue_indirect_dma source(%dma_start3A_69 : memref<100000x128xf32, #tpu.memory_space<hbm>>) target(%arg10 : memref<128x128xf32, #tpu.memory_space<vmem>>) offsets(%dma_start3A_66 : memref<128xi32, #tpu.memory_space<vmem>>) semaphore(%dma_start3A_71 : memref<!tpu.dma_semaphore, #tpu.memory_space<semaphore_mem>>)
    %dma_wait3A_72 = arith.constant 1 : i32
    %dma_wait3A_73 = arith.constant 1 : i32
    %dma_wait3A_74 = arith.constant 0 : i32
    %dma_wait3A_75 = tpu.memref_slice %arg5[%dma_wait3A_72, %dma_wait3A_74] : memref<50x128xi32, #tpu.memory_space<vmem>> -> memref<1x128xi32, #tpu.memory_space<vmem>>
    %dma_wait3A_76 = tpu.memref_squeeze %dma_wait3A_75 : memref<1x128xi32, #tpu.memory_space<vmem>> -> memref<128xi32, #tpu.memory_space<vmem>>
    %dma_wait3A_77 = arith.constant 0 : i32
    %dma_wait3A_78 = arith.constant 0 : i32
    %dma_wait3A_79 = tpu.memref_slice %arg2[%dma_wait3A_77, %dma_wait3A_78] : memref<100000x128xf32, #tpu.memory_space<hbm>> -> memref<100000x128xf32, #tpu.memory_space<hbm>>
    %dma_wait3A_80 = tpu.memref_slice %arg11[%dma_wait3A_73] : memref<5x!tpu.dma_semaphore, #tpu.memory_space<semaphore_mem>> -> memref<1x!tpu.dma_semaphore, #tpu.memory_space<semaphore_mem>>
    %dma_wait3A_81 = tpu.memref_squeeze %dma_wait3A_80 : memref<1x!tpu.dma_semaphore, #tpu.memory_space<semaphore_mem>> -> memref<!tpu.dma_semaphore, #tpu.memory_space<semaphore_mem>>
    tpu.wait_indirect_dma semaphore(%dma_wait3A_81 : memref<!tpu.dma_semaphore, #tpu.memory_space<semaphore_mem>>) src(%dma_wait3A_79 : memref<100000x128xf32, #tpu.memory_space<hbm>>) dst(%arg7 : memref<128x128xf32, #tpu.memory_space<vmem>>)
    %parallel_loop3A_82 = arith.constant 0 : i32
    %parallel_loop3A_83 = arith.constant 128 : i32
    %parallel_loop3A_84 = arith.constant 1 : i32
    scf.for %parallel_loop3A_415 = %parallel_loop3A_82 to %parallel_loop3A_83 step %parallel_loop3A_84  : i32 {
      %parallel_loop3A_416 = arith.index_cast %parallel_loop3A_415 : i32 to index
      %parallel_loop3A_417 = arith.constant 0 : index
      %parallel_loop3A_418 = tpu.vector_load %arg7[%parallel_loop3A_416, %parallel_loop3A_417] {strides = array<i32>} : memref<128x128xf32, #tpu.memory_space<vmem>>, vector<1x16xf32>,
      %parallel_loop3A_419 = vector.shape_cast %parallel_loop3A_418 : vector<1x16xf32> to vector<16xf32>
      %parallel_loop3A_420 = arith.constant 11.3137083 : f32
      %parallel_loop3A_421 = vector.broadcast %parallel_loop3A_420 : f32 to vector<16xf32>
      %parallel_loop3A_422 = arith.mulf %parallel_loop3A_419, %parallel_loop3A_421 : vector<16xf32>
      %parallel_loop3A_423 = arith.index_cast %parallel_loop3A_415 : i32 to index
      %parallel_loop3A_424 = arith.constant 0 : index
      %parallel_loop3A_425 = tpu.vector_load %arg7[%parallel_loop3A_423, %parallel_loop3A_424] {strides = array<i32>} : memref<128x128xf32, #tpu.memory_space<vmem>>, vector<1x16xf32>,
      %parallel_loop3A_426 = vector.shape_cast %parallel_loop3A_425 : vector<1x16xf32> to vector<16xf32>
      %parallel_loop3A_427 = vector.shape_cast %parallel_loop3A_422 : vector<16xf32> to vector<1x16xf32>
      tpu.vector_store %arg7[%parallel_loop3A_423, %parallel_loop3A_424], %parallel_loop3A_427 {strides = array<i32>} : memref<128x128xf32, #tpu.memory_space<vmem>>, vector<1x16xf32>,
      %parallel_loop3A_428 = arith.index_cast %parallel_loop3A_415 : i32 to index
      %parallel_loop3A_429 = arith.constant 16 : index
      %parallel_loop3A_430 = tpu.vector_load %arg7[%parallel_loop3A_428, %parallel_loop3A_429] {strides = array<i32>} : memref<128x128xf32, #tpu.memory_space<vmem>>, vector<1x16xf32>,
      %parallel_loop3A_431 = vector.shape_cast %parallel_loop3A_430 : vector<1x16xf32> to vector<16xf32>
      %parallel_loop3A_432 = arith.constant 11.3137083 : f32
      %parallel_loop3A_433 = vector.broadcast %parallel_loop3A_432 : f32 to vector<16xf32>
      %parallel_loop3A_434 = arith.mulf %parallel_loop3A_431, %parallel_loop3A_433 : vector<16xf32>
      %parallel_loop3A_435 = arith.index_cast %parallel_loop3A_415 : i32 to index
      %parallel_loop3A_436 = arith.constant 16 : index
      %parallel_loop3A_437 = tpu.vector_load %arg7[%parallel_loop3A_435, %parallel_loop3A_436] {strides = array<i32>} : memref<128x128xf32, #tpu.memory_space<vmem>>, vector<1x16xf32>,
      %parallel_loop3A_438 = vector.shape_cast %parallel_loop3A_437 : vector<1x16xf32> to vector<16xf32>
      %parallel_loop3A_439 = vector.shape_cast %parallel_loop3A_434 : vector<16xf32> to vector<1x16xf32>
      tpu.vector_store %arg7[%parallel_loop3A_435, %parallel_loop3A_436], %parallel_loop3A_439 {strides = array<i32>} : memref<128x128xf32, #tpu.memory_space<vmem>>, vector<1x16xf32>,
      %parallel_loop3A_440 = arith.index_cast %parallel_loop3A_415 : i32 to index
      %parallel_loop3A_441 = arith.constant 32 : index
      %parallel_loop3A_442 = tpu.vector_load %arg7[%parallel_loop3A_440, %parallel_loop3A_441] {strides = array<i32>} : memref<128x128xf32, #tpu.memory_space<vmem>>, vector<1x16xf32>,
      %parallel_loop3A_443 = vector.shape_cast %parallel_loop3A_442 : vector<1x16xf32> to vector<16xf32>
      %parallel_loop3A_444 = arith.constant 11.3137083 : f32
      %parallel_loop3A_445 = vector.broadcast %parallel_loop3A_444 : f32 to vector<16xf32>
      %parallel_loop3A_446 = arith.mulf %parallel_loop3A_443, %parallel_loop3A_445 : vector<16xf32>
      %parallel_loop3A_447 = arith.index_cast %parallel_loop3A_415 : i32 to index
      %parallel_loop3A_448 = arith.constant 32 : index
      %parallel_loop3A_449 = tpu.vector_load %arg7[%parallel_loop3A_447, %parallel_loop3A_448] {strides = array<i32>} : memref<128x128xf32, #tpu.memory_space<vmem>>, vector<1x16xf32>,
      %parallel_loop3A_450 = vector.shape_cast %parallel_loop3A_449 : vector<1x16xf32> to vector<16xf32>
      %parallel_loop3A_451 = vector.shape_cast %parallel_loop3A_446 : vector<16xf32> to vector<1x16xf32>
      tpu.vector_store %arg7[%parallel_loop3A_447, %parallel_loop3A_448], %parallel_loop3A_451 {strides = array<i32>} : memref<128x128xf32, #tpu.memory_space<vmem>>, vector<1x16xf32>,
      %parallel_loop3A_452 = arith.index_cast %parallel_loop3A_415 : i32 to index
      %parallel_loop3A_453 = arith.constant 48 : index
      %parallel_loop3A_454 = tpu.vector_load %arg7[%parallel_loop3A_452, %parallel_loop3A_453] {strides = array<i32>} : memref<128x128xf32, #tpu.memory_space<vmem>>, vector<1x16xf32>,
      %parallel_loop3A_455 = vector.shape_cast %parallel_loop3A_454 : vector<1x16xf32> to vector<16xf32>
      %parallel_loop3A_456 = arith.constant 11.3137083 : f32
      %parallel_loop3A_457 = vector.broadcast %parallel_loop3A_456 : f32 to vector<16xf32>
      %parallel_loop3A_458 = arith.mulf %parallel_loop3A_455, %parallel_loop3A_457 : vector<16xf32>
      %parallel_loop3A_459 = arith.index_cast %parallel_loop3A_415 : i32 to index
      %parallel_loop3A_460 = arith.constant 48 : index
      %parallel_loop3A_461 = tpu.vector_load %arg7[%parallel_loop3A_459, %parallel_loop3A_460] {strides = array<i32>} : memref<128x128xf32, #tpu.memory_space<vmem>>, vector<1x16xf32>,
      %parallel_loop3A_462 = vector.shape_cast %parallel_loop3A_461 : vector<1x16xf32> to vector<16xf32>
      %parallel_loop3A_463 = vector.shape_cast %parallel_loop3A_458 : vector<16xf32> to vector<1x16xf32>
      tpu.vector_store %arg7[%parallel_loop3A_459, %parallel_loop3A_460], %parallel_loop3A_463 {strides = array<i32>} : memref<128x128xf32, #tpu.memory_space<vmem>>, vector<1x16xf32>,
      %parallel_loop3A_464 = arith.index_cast %parallel_loop3A_415 : i32 to index
      %parallel_loop3A_465 = arith.constant 64 : index
      %parallel_loop3A_466 = tpu.vector_load %arg7[%parallel_loop3A_464, %parallel_loop3A_465] {strides = array<i32>} : memref<128x128xf32, #tpu.memory_space<vmem>>, vector<1x16xf32>,
      %parallel_loop3A_467 = vector.shape_cast %parallel_loop3A_466 : vector<1x16xf32> to vector<16xf32>
      %parallel_loop3A_468 = arith.constant 11.3137083 : f32
      %parallel_loop3A_469 = vector.broadcast %parallel_loop3A_468 : f32 to vector<16xf32>
      %parallel_loop3A_470 = arith.mulf %parallel_loop3A_467, %parallel_loop3A_469 : vector<16xf32>
      %parallel_loop3A_471 = arith.index_cast %parallel_loop3A_415 : i32 to index
      %parallel_loop3A_472 = arith.constant 64 : index
      %parallel_loop3A_473 = tpu.vector_load %arg7[%parallel_loop3A_471, %parallel_loop3A_472] {strides = array<i32>} : memref<128x128xf32, #tpu.memory_space<vmem>>, vector<1x16xf32>,
      %parallel_loop3A_474 = vector.shape_cast %parallel_loop3A_473 : vector<1x16xf32> to vector<16xf32>
      %parallel_loop3A_475 = vector.shape_cast %parallel_loop3A_470 : vector<16xf32> to vector<1x16xf32>
      tpu.vector_store %arg7[%parallel_loop3A_471, %parallel_loop3A_472], %parallel_loop3A_475 {strides = array<i32>} : memref<128x128xf32, #tpu.memory_space<vmem>>, vector<1x16xf32>,
      %parallel_loop3A_476 = arith.index_cast %parallel_loop3A_415 : i32 to index
      %parallel_loop3A_477 = arith.constant 80 : index
      %parallel_loop3A_478 = tpu.vector_load %arg7[%parallel_loop3A_476, %parallel_loop3A_477] {strides = array<i32>} : memref<128x128xf32, #tpu.memory_space<vmem>>, vector<1x16xf32>,
      %parallel_loop3A_479 = vector.shape_cast %parallel_loop3A_478 : vector<1x16xf32> to vector<16xf32>
      %parallel_loop3A_480 = arith.constant 11.3137083 : f32
      %parallel_loop3A_481 = vector.broadcast %parallel_loop3A_480 : f32 to vector<16xf32>
      %parallel_loop3A_482 = arith.mulf %parallel_loop3A_479, %parallel_loop3A_481 : vector<16xf32>
      %parallel_loop3A_483 = arith.index_cast %parallel_loop3A_415 : i32 to index
      %parallel_loop3A_484 = arith.constant 80 : index
      %parallel_loop3A_485 = tpu.vector_load %arg7[%parallel_loop3A_483, %parallel_loop3A_484] {strides = array<i32>} : memref<128x128xf32, #tpu.memory_space<vmem>>, vector<1x16xf32>,
      %parallel_loop3A_486 = vector.shape_cast %parallel_loop3A_485 : vector<1x16xf32> to vector<16xf32>
      %parallel_loop3A_487 = vector.shape_cast %parallel_loop3A_482 : vector<16xf32> to vector<1x16xf32>
      tpu.vector_store %arg7[%parallel_loop3A_483, %parallel_loop3A_484], %parallel_loop3A_487 {strides = array<i32>} : memref<128x128xf32, #tpu.memory_space<vmem>>, vector<1x16xf32>,
      %parallel_loop3A_488 = arith.index_cast %parallel_loop3A_415 : i32 to index
      %parallel_loop3A_489 = arith.constant 96 : index
      %parallel_loop3A_490 = tpu.vector_load %arg7[%parallel_loop3A_488, %parallel_loop3A_489] {strides = array<i32>} : memref<128x128xf32, #tpu.memory_space<vmem>>, vector<1x16xf32>,
      %parallel_loop3A_491 = vector.shape_cast %parallel_loop3A_490 : vector<1x16xf32> to vector<16xf32>
      %parallel_loop3A_492 = arith.constant 11.3137083 : f32
      %parallel_loop3A_493 = vector.broadcast %parallel_loop3A_492 : f32 to vector<16xf32>
      %parallel_loop3A_494 = arith.mulf %parallel_loop3A_491, %parallel_loop3A_493 : vector<16xf32>
      %parallel_loop3A_495 = arith.index_cast %parallel_loop3A_415 : i32 to index
      %parallel_loop3A_496 = arith.constant 96 : index
      %parallel_loop3A_497 = tpu.vector_load %arg7[%parallel_loop3A_495, %parallel_loop3A_496] {strides = array<i32>} : memref<128x128xf32, #tpu.memory_space<vmem>>, vector<1x16xf32>,
      %parallel_loop3A_498 = vector.shape_cast %parallel_loop3A_497 : vector<1x16xf32> to vector<16xf32>
      %parallel_loop3A_499 = vector.shape_cast %parallel_loop3A_494 : vector<16xf32> to vector<1x16xf32>
      tpu.vector_store %arg7[%parallel_loop3A_495, %parallel_loop3A_496], %parallel_loop3A_499 {strides = array<i32>} : memref<128x128xf32, #tpu.memory_space<vmem>>, vector<1x16xf32>,
      %parallel_loop3A_500 = arith.index_cast %parallel_loop3A_415 : i32 to index
      %parallel_loop3A_501 = arith.constant 112 : index
      %parallel_loop3A_502 = tpu.vector_load %arg7[%parallel_loop3A_500, %parallel_loop3A_501] {strides = array<i32>} : memref<128x128xf32, #tpu.memory_space<vmem>>, vector<1x16xf32>,
      %parallel_loop3A_503 = vector.shape_cast %parallel_loop3A_502 : vector<1x16xf32> to vector<16xf32>
      %parallel_loop3A_504 = arith.constant 11.3137083 : f32
      %parallel_loop3A_505 = vector.broadcast %parallel_loop3A_504 : f32 to vector<16xf32>
      %parallel_loop3A_506 = arith.mulf %parallel_loop3A_503, %parallel_loop3A_505 : vector<16xf32>
      %parallel_loop3A_507 = arith.index_cast %parallel_loop3A_415 : i32 to index
      %parallel_loop3A_508 = arith.constant 112 : index
      %parallel_loop3A_509 = tpu.vector_load %arg7[%parallel_loop3A_507, %parallel_loop3A_508] {strides = array<i32>} : memref<128x128xf32, #tpu.memory_space<vmem>>, vector<1x16xf32>,
      %parallel_loop3A_510 = vector.shape_cast %parallel_loop3A_509 : vector<1x16xf32> to vector<16xf32>
      %parallel_loop3A_511 = vector.shape_cast %parallel_loop3A_506 : vector<16xf32> to vector<1x16xf32>
      tpu.vector_store %arg7[%parallel_loop3A_507, %parallel_loop3A_508], %parallel_loop3A_511 {strides = array<i32>} : memref<128x128xf32, #tpu.memory_space<vmem>>, vector<1x16xf32>,
    } {sc.loop_unroll_factor = 4 : i64, sc.parallel_access}
    %add3A_85 = arith.constant 128 : i32
    %add3A_86 = arith.addi %mul3A_2, %add3A_85 : i32
    %dma_start3A_87 = arith.constant 1 : i32
    %dma_start3A_88 = arith.constant 0 : i32
    %dma_start3A_89 = tpu.memref_slice %arg4[%add3A_86, %dma_start3A_88] : memref<204800x128xf32, #tpu.memory_space<hbm>> -> memref<128x128xf32, #tpu.memory_space<hbm>>
    %dma_start3A_90 = tpu.memref_slice %arg12[%dma_start3A_87] : memref<5x!tpu.dma_semaphore, #tpu.memory_space<semaphore_mem>> -> memref<1x!tpu.dma_semaphore, #tpu.memory_space<semaphore_mem>>
    %dma_start3A_91 = tpu.memref_squeeze %dma_start3A_90 : memref<1x!tpu.dma_semaphore, #tpu.memory_space<semaphore_mem>> -> memref<!tpu.dma_semaphore, #tpu.memory_space<semaphore_mem>>
    %dma_start3A_92 = arith.constant 0 : i32
    %dma_start3A_93 = tpu.memref_slice %arg4[%add3A_86, %dma_start3A_92] : memref<204800x128xf32, #tpu.memory_space<hbm>> -> memref<128x128xf32, #tpu.memory_space<hbm>>
    tpu.enqueue_dma source(%arg7 : memref<128x128xf32, #tpu.memory_space<vmem>>) target(%dma_start3A_93 : memref<128x128xf32, #tpu.memory_space<hbm>>) target_semaphore(%dma_start3A_91 : memref<!tpu.dma_semaphore, #tpu.memory_space<semaphore_mem>>)
    %add3A_94 = arith.constant 0 : i32
    %add3A_95 = arith.addi %mul3A_2, %add3A_94 : i32
    %dma_wait3A_96 = arith.constant 0 : i32
    %dma_wait3A_97 = arith.constant 0 : i32
    %dma_wait3A_98 = tpu.memref_slice %arg4[%add3A_95, %dma_wait3A_97] : memref<204800x128xf32, #tpu.memory_space<hbm>> -> memref<128x128xf32, #tpu.memory_space<hbm>>
    %dma_wait3A_99 = tpu.memref_slice %arg12[%dma_wait3A_96] : memref<5x!tpu.dma_semaphore, #tpu.memory_space<semaphore_mem>> -> memref<1x!tpu.dma_semaphore, #tpu.memory_space<semaphore_mem>>
    %dma_wait3A_100 = tpu.memref_squeeze %dma_wait3A_99 : memref<1x!tpu.dma_semaphore, #tpu.memory_space<semaphore_mem>> -> memref<!tpu.dma_semaphore, #tpu.memory_space<semaphore_mem>>
    %dma_wait3A_101 = arith.constant 0 : i32
    %dma_wait3A_102 = tpu.memref_slice %arg4[%add3A_95, %dma_wait3A_101] : memref<204800x128xf32, #tpu.memory_space<hbm>> -> memref<128x128xf32, #tpu.memory_space<hbm>>
    tpu.wait_dma2 semaphore(%dma_wait3A_100 : memref<!tpu.dma_semaphore, #tpu.memory_space<semaphore_mem>>) src(%arg6 : memref<128x128xf32, #tpu.memory_space<vmem>>) dst(%dma_wait3A_102 : memref<128x128xf32, #tpu.memory_space<hbm>>)
    %dma_start3A_103 = arith.constant 5 : i32
    %dma_start3A_104 = arith.constant 0 : i32
    %dma_start3A_105 = arith.constant 0 : i32
    %dma_start3A_106 = tpu.memref_slice %arg5[%dma_start3A_103, %dma_start3A_105] : memref<50x128xi32, #tpu.memory_space<vmem>> -> memref<1x128xi32, #tpu.memory_space<vmem>>
    %dma_start3A_107 = tpu.memref_squeeze %dma_start3A_106 : memref<1x128xi32, #tpu.memory_space<vmem>> -> memref<128xi32, #tpu.memory_space<vmem>>
    %dma_start3A_108 = arith.constant 0 : i32
    %dma_start3A_109 = arith.constant 0 : i32
    %dma_start3A_110 = tpu.memref_slice %arg2[%dma_start3A_108, %dma_start3A_109] : memref<100000x128xf32, #tpu.memory_space<hbm>> -> memref<100000x128xf32, #tpu.memory_space<hbm>>
    %dma_start3A_111 = tpu.memref_slice %arg11[%dma_start3A_104] : memref<5x!tpu.dma_semaphore, #tpu.memory_space<semaphore_mem>> -> memref<1x!tpu.dma_semaphore, #tpu.memory_space<semaphore_mem>>
    %dma_start3A_112 = tpu.memref_squeeze %dma_start3A_111 : memref<1x!tpu.dma_semaphore, #tpu.memory_space<semaphore_mem>> -> memref<!tpu.dma_semaphore, #tpu.memory_space<semaphore_mem>>
    tpu.enqueue_indirect_dma source(%dma_start3A_110 : memref<100000x128xf32, #tpu.memory_space<hbm>>) target(%arg6 : memref<128x128xf32, #tpu.memory_space<vmem>>) offsets(%dma_start3A_107 : memref<128xi32, #tpu.memory_space<vmem>>) semaphore(%dma_start3A_112 : memref<!tpu.dma_semaphore, #tpu.memory_space<semaphore_mem>>)
    %dma_wait3A_113 = arith.constant 2 : i32
    %dma_wait3A_114 = arith.constant 2 : i32
    %dma_wait3A_115 = arith.constant 0 : i32
    %dma_wait3A_116 = tpu.memref_slice %arg5[%dma_wait3A_113, %dma_wait3A_115] : memref<50x128xi32, #tpu.memory_space<vmem>> -> memref<1x128xi32, #tpu.memory_space<vmem>>
    %dma_wait3A_117 = tpu.memref_squeeze %dma_wait3A_116 : memref<1x128xi32, #tpu.memory_space<vmem>> -> memref<128xi32, #tpu.memory_space<vmem>>
    %dma_wait3A_118 = arith.constant 0 : i32
    %dma_wait3A_119 = arith.constant 0 : i32
    %dma_wait3A_120 = tpu.memref_slice %arg2[%dma_wait3A_118, %dma_wait3A_119] : memref<100000x128xf32, #tpu.memory_space<hbm>> -> memref<100000x128xf32, #tpu.memory_space<hbm>>
    %dma_wait3A_121 = tpu.memref_slice %arg11[%dma_wait3A_114] : memref<5x!tpu.dma_semaphore, #tpu.memory_space<semaphore_mem>> -> memref<1x!tpu.dma_semaphore, #tpu.memory_space<semaphore_mem>>
    %dma_wait3A_122 = tpu.memref_squeeze %dma_wait3A_121 : memref<1x!tpu.dma_semaphore, #tpu.memory_space<semaphore_mem>> -> memref<!tpu.dma_semaphore, #tpu.memory_space<semaphore_mem>>
    tpu.wait_indirect_dma semaphore(%dma_wait3A_122 : memref<!tpu.dma_semaphore, #tpu.memory_space<semaphore_mem>>) src(%dma_wait3A_120 : memref<100000x128xf32, #tpu.memory_space<hbm>>) dst(%arg8 : memref<128x128xf32, #tpu.memory_space<vmem>>)
    %parallel_loop3A_123 = arith.constant 0 : i32
    %parallel_loop3A_124 = arith.constant 128 : i32
    %parallel_loop3A_125 = arith.constant 1 : i32
    scf.for %parallel_loop3A_415 = %parallel_loop3A_123 to %parallel_loop3A_124 step %parallel_loop3A_125  : i32 {
      %parallel_loop3A_416 = arith.index_cast %parallel_loop3A_415 : i32 to index
      %parallel_loop3A_417 = arith.constant 0 : index
      %parallel_loop3A_418 = tpu.vector_load %arg8[%parallel_loop3A_416, %parallel_loop3A_417] {strides = array<i32>} : memref<128x128xf32, #tpu.memory_space<vmem>>, vector<1x16xf32>,
      %parallel_loop3A_419 = vector.shape_cast %parallel_loop3A_418 : vector<1x16xf32> to vector<16xf32>
      %parallel_loop3A_420 = arith.constant 11.3137083 : f32
      %parallel_loop3A_421 = vector.broadcast %parallel_loop3A_420 : f32 to vector<16xf32>
      %parallel_loop3A_422 = arith.mulf %parallel_loop3A_419, %parallel_loop3A_421 : vector<16xf32>
      %parallel_loop3A_423 = arith.index_cast %parallel_loop3A_415 : i32 to index
      %parallel_loop3A_424 = arith.constant 0 : index
      %parallel_loop3A_425 = tpu.vector_load %arg8[%parallel_loop3A_423, %parallel_loop3A_424] {strides = array<i32>} : memref<128x128xf32, #tpu.memory_space<vmem>>, vector<1x16xf32>,
      %parallel_loop3A_426 = vector.shape_cast %parallel_loop3A_425 : vector<1x16xf32> to vector<16xf32>
      %parallel_loop3A_427 = vector.shape_cast %parallel_loop3A_422 : vector<16xf32> to vector<1x16xf32>
      tpu.vector_store %arg8[%parallel_loop3A_423, %parallel_loop3A_424], %parallel_loop3A_427 {strides = array<i32>} : memref<128x128xf32, #tpu.memory_space<vmem>>, vector<1x16xf32>,
      %parallel_loop3A_428 = arith.index_cast %parallel_loop3A_415 : i32 to index
      %parallel_loop3A_429 = arith.constant 16 : index
      %parallel_loop3A_430 = tpu.vector_load %arg8[%parallel_loop3A_428, %parallel_loop3A_429] {strides = array<i32>} : memref<128x128xf32, #tpu.memory_space<vmem>>, vector<1x16xf32>,
      %parallel_loop3A_431 = vector.shape_cast %parallel_loop3A_430 : vector<1x16xf32> to vector<16xf32>
      %parallel_loop3A_432 = arith.constant 11.3137083 : f32
      %parallel_loop3A_433 = vector.broadcast %parallel_loop3A_432 : f32 to vector<16xf32>
      %parallel_loop3A_434 = arith.mulf %parallel_loop3A_431, %parallel_loop3A_433 : vector<16xf32>
      %parallel_loop3A_435 = arith.index_cast %parallel_loop3A_415 : i32 to index
      %parallel_loop3A_436 = arith.constant 16 : index
      %parallel_loop3A_437 = tpu.vector_load %arg8[%parallel_loop3A_435, %parallel_loop3A_436] {strides = array<i32>} : memref<128x128xf32, #tpu.memory_space<vmem>>, vector<1x16xf32>,
      %parallel_loop3A_438 = vector.shape_cast %parallel_loop3A_437 : vector<1x16xf32> to vector<16xf32>
      %parallel_loop3A_439 = vector.shape_cast %parallel_loop3A_434 : vector<16xf32> to vector<1x16xf32>
      tpu.vector_store %arg8[%parallel_loop3A_435, %parallel_loop3A_436], %parallel_loop3A_439 {strides = array<i32>} : memref<128x128xf32, #tpu.memory_space<vmem>>, vector<1x16xf32>,
      %parallel_loop3A_440 = arith.index_cast %parallel_loop3A_415 : i32 to index
      %parallel_loop3A_441 = arith.constant 32 : index
      %parallel_loop3A_442 = tpu.vector_load %arg8[%parallel_loop3A_440, %parallel_loop3A_441] {strides = array<i32>} : memref<128x128xf32, #tpu.memory_space<vmem>>, vector<1x16xf32>,
      %parallel_loop3A_443 = vector.shape_cast %parallel_loop3A_442 : vector<1x16xf32> to vector<16xf32>
      %parallel_loop3A_444 = arith.constant 11.3137083 : f32
      %parallel_loop3A_445 = vector.broadcast %parallel_loop3A_444 : f32 to vector<16xf32>
      %parallel_loop3A_446 = arith.mulf %parallel_loop3A_443, %parallel_loop3A_445 : vector<16xf32>
      %parallel_loop3A_447 = arith.index_cast %parallel_loop3A_415 : i32 to index
      %parallel_loop3A_448 = arith.constant 32 : index
      %parallel_loop3A_449 = tpu.vector_load %arg8[%parallel_loop3A_447, %parallel_loop3A_448] {strides = array<i32>} : memref<128x128xf32, #tpu.memory_space<vmem>>, vector<1x16xf32>,
      %parallel_loop3A_450 = vector.shape_cast %parallel_loop3A_449 : vector<1x16xf32> to vector<16xf32>
      %parallel_loop3A_451 = vector.shape_cast %parallel_loop3A_446 : vector<16xf32> to vector<1x16xf32>
      tpu.vector_store %arg8[%parallel_loop3A_447, %parallel_loop3A_448], %parallel_loop3A_451 {strides = array<i32>} : memref<128x128xf32, #tpu.memory_space<vmem>>, vector<1x16xf32>,
      %parallel_loop3A_452 = arith.index_cast %parallel_loop3A_415 : i32 to index
      %parallel_loop3A_453 = arith.constant 48 : index
      %parallel_loop3A_454 = tpu.vector_load %arg8[%parallel_loop3A_452, %parallel_loop3A_453] {strides = array<i32>} : memref<128x128xf32, #tpu.memory_space<vmem>>, vector<1x16xf32>,
      %parallel_loop3A_455 = vector.shape_cast %parallel_loop3A_454 : vector<1x16xf32> to vector<16xf32>
      %parallel_loop3A_456 = arith.constant 11.3137083 : f32
      %parallel_loop3A_457 = vector.broadcast %parallel_loop3A_456 : f32 to vector<16xf32>
      %parallel_loop3A_458 = arith.mulf %parallel_loop3A_455, %parallel_loop3A_457 : vector<16xf32>
      %parallel_loop3A_459 = arith.index_cast %parallel_loop3A_415 : i32 to index
      %parallel_loop3A_460 = arith.constant 48 : index
      %parallel_loop3A_461 = tpu.vector_load %arg8[%parallel_loop3A_459, %parallel_loop3A_460] {strides = array<i32>} : memref<128x128xf32, #tpu.memory_space<vmem>>, vector<1x16xf32>,
      %parallel_loop3A_462 = vector.shape_cast %parallel_loop3A_461 : vector<1x16xf32> to vector<16xf32>
      %parallel_loop3A_463 = vector.shape_cast %parallel_loop3A_458 : vector<16xf32> to vector<1x16xf32>
      tpu.vector_store %arg8[%parallel_loop3A_459, %parallel_loop3A_460], %parallel_loop3A_463 {strides = array<i32>} : memref<128x128xf32, #tpu.memory_space<vmem>>, vector<1x16xf32>,
      %parallel_loop3A_464 = arith.index_cast %parallel_loop3A_415 : i32 to index
      %parallel_loop3A_465 = arith.constant 64 : index
      %parallel_loop3A_466 = tpu.vector_load %arg8[%parallel_loop3A_464, %parallel_loop3A_465] {strides = array<i32>} : memref<128x128xf32, #tpu.memory_space<vmem>>, vector<1x16xf32>,
      %parallel_loop3A_467 = vector.shape_cast %parallel_loop3A_466 : vector<1x16xf32> to vector<16xf32>
      %parallel_loop3A_468 = arith.constant 11.3137083 : f32
      %parallel_loop3A_469 = vector.broadcast %parallel_loop3A_468 : f32 to vector<16xf32>
      %parallel_loop3A_470 = arith.mulf %parallel_loop3A_467, %parallel_loop3A_469 : vector<16xf32>
      %parallel_loop3A_471 = arith.index_cast %parallel_loop3A_415 : i32 to index
      %parallel_loop3A_472 = arith.constant 64 : index
      %parallel_loop3A_473 = tpu.vector_load %arg8[%parallel_loop3A_471, %parallel_loop3A_472] {strides = array<i32>} : memref<128x128xf32, #tpu.memory_space<vmem>>, vector<1x16xf32>,
      %parallel_loop3A_474 = vector.shape_cast %parallel_loop3A_473 : vector<1x16xf32> to vector<16xf32>
      %parallel_loop3A_475 = vector.shape_cast %parallel_loop3A_470 : vector<16xf32> to vector<1x16xf32>
      tpu.vector_store %arg8[%parallel_loop3A_471, %parallel_loop3A_472], %parallel_loop3A_475 {strides = array<i32>} : memref<128x128xf32, #tpu.memory_space<vmem>>, vector<1x16xf32>,
      %parallel_loop3A_476 = arith.index_cast %parallel_loop3A_415 : i32 to index
      %parallel_loop3A_477 = arith.constant 80 : index
      %parallel_loop3A_478 = tpu.vector_load %arg8[%parallel_loop3A_476, %parallel_loop3A_477] {strides = array<i32>} : memref<128x128xf32, #tpu.memory_space<vmem>>, vector<1x16xf32>,
      %parallel_loop3A_479 = vector.shape_cast %parallel_loop3A_478 : vector<1x16xf32> to vector<16xf32>
      %parallel_loop3A_480 = arith.constant 11.3137083 : f32
      %parallel_loop3A_481 = vector.broadcast %parallel_loop3A_480 : f32 to vector<16xf32>
      %parallel_loop3A_482 = arith.mulf %parallel_loop3A_479, %parallel_loop3A_481 : vector<16xf32>
      %parallel_loop3A_483 = arith.index_cast %parallel_loop3A_415 : i32 to index
      %parallel_loop3A_484 = arith.constant 80 : index
      %parallel_loop3A_485 = tpu.vector_load %arg8[%parallel_loop3A_483, %parallel_loop3A_484] {strides = array<i32>} : memref<128x128xf32, #tpu.memory_space<vmem>>, vector<1x16xf32>,
      %parallel_loop3A_486 = vector.shape_cast %parallel_loop3A_485 : vector<1x16xf32> to vector<16xf32>
      %parallel_loop3A_487 = vector.shape_cast %parallel_loop3A_482 : vector<16xf32> to vector<1x16xf32>
      tpu.vector_store %arg8[%parallel_loop3A_483, %parallel_loop3A_484], %parallel_loop3A_487 {strides = array<i32>} : memref<128x128xf32, #tpu.memory_space<vmem>>, vector<1x16xf32>,
      %parallel_loop3A_488 = arith.index_cast %parallel_loop3A_415 : i32 to index
      %parallel_loop3A_489 = arith.constant 96 : index
      %parallel_loop3A_490 = tpu.vector_load %arg8[%parallel_loop3A_488, %parallel_loop3A_489] {strides = array<i32>} : memref<128x128xf32, #tpu.memory_space<vmem>>, vector<1x16xf32>,
      %parallel_loop3A_491 = vector.shape_cast %parallel_loop3A_490 : vector<1x16xf32> to vector<16xf32>
      %parallel_loop3A_492 = arith.constant 11.3137083 : f32
      %parallel_loop3A_493 = vector.broadcast %parallel_loop3A_492 : f32 to vector<16xf32>
      %parallel_loop3A_494 = arith.mulf %parallel_loop3A_491, %parallel_loop3A_493 : vector<16xf32>
      %parallel_loop3A_495 = arith.index_cast %parallel_loop3A_415 : i32 to index
      %parallel_loop3A_496 = arith.constant 96 : index
      %parallel_loop3A_497 = tpu.vector_load %arg8[%parallel_loop3A_495, %parallel_loop3A_496] {strides = array<i32>} : memref<128x128xf32, #tpu.memory_space<vmem>>, vector<1x16xf32>,
      %parallel_loop3A_498 = vector.shape_cast %parallel_loop3A_497 : vector<1x16xf32> to vector<16xf32>
      %parallel_loop3A_499 = vector.shape_cast %parallel_loop3A_494 : vector<16xf32> to vector<1x16xf32>
      tpu.vector_store %arg8[%parallel_loop3A_495, %parallel_loop3A_496], %parallel_loop3A_499 {strides = array<i32>} : memref<128x128xf32, #tpu.memory_space<vmem>>, vector<1x16xf32>,
      %parallel_loop3A_500 = arith.index_cast %parallel_loop3A_415 : i32 to index
      %parallel_loop3A_501 = arith.constant 112 : index
      %parallel_loop3A_502 = tpu.vector_load %arg8[%parallel_loop3A_500, %parallel_loop3A_501] {strides = array<i32>} : memref<128x128xf32, #tpu.memory_space<vmem>>, vector<1x16xf32>,
      %parallel_loop3A_503 = vector.shape_cast %parallel_loop3A_502 : vector<1x16xf32> to vector<16xf32>
      %parallel_loop3A_504 = arith.constant 11.3137083 : f32
      %parallel_loop3A_505 = vector.broadcast %parallel_loop3A_504 : f32 to vector<16xf32>
      %parallel_loop3A_506 = arith.mulf %parallel_loop3A_503, %parallel_loop3A_505 : vector<16xf32>
      %parallel_loop3A_507 = arith.index_cast %parallel_loop3A_415 : i32 to index
      %parallel_loop3A_508 = arith.constant 112 : index
      %parallel_loop3A_509 = tpu.vector_load %arg8[%parallel_loop3A_507, %parallel_loop3A_508] {strides = array<i32>} : memref<128x128xf32, #tpu.memory_space<vmem>>, vector<1x16xf32>,
      %parallel_loop3A_510 = vector.shape_cast %parallel_loop3A_509 : vector<1x16xf32> to vector<16xf32>
      %parallel_loop3A_511 = vector.shape_cast %parallel_loop3A_506 : vector<16xf32> to vector<1x16xf32>
      tpu.vector_store %arg8[%parallel_loop3A_507, %parallel_loop3A_508], %parallel_loop3A_511 {strides = array<i32>} : memref<128x128xf32, #tpu.memory_space<vmem>>, vector<1x16xf32>,
    } {sc.loop_unroll_factor = 4 : i64, sc.parallel_access}
    %add3A_126 = arith.constant 256 : i32
    %add3A_127 = arith.addi %mul3A_2, %add3A_126 : i32
    %dma_start3A_128 = arith.constant 2 : i32
    %dma_start3A_129 = arith.constant 0 : i32
    %dma_start3A_130 = tpu.memref_slice %arg4[%add3A_127, %dma_start3A_129] : memref<204800x128xf32, #tpu.memory_space<hbm>> -> memref<128x128xf32, #tpu.memory_space<hbm>>
    %dma_start3A_131 = tpu.memref_slice %arg12[%dma_start3A_128] : memref<5x!tpu.dma_semaphore, #tpu.memory_space<semaphore_mem>> -> memref<1x!tpu.dma_semaphore, #tpu.memory_space<semaphore_mem>>
    %dma_start3A_132 = tpu.memref_squeeze %dma_start3A_131 : memref<1x!tpu.dma_semaphore, #tpu.memory_space<semaphore_mem>> -> memref<!tpu.dma_semaphore, #tpu.memory_space<semaphore_mem>>
    %dma_start3A_133 = arith.constant 0 : i32
    %dma_start3A_134 = tpu.memref_slice %arg4[%add3A_127, %dma_start3A_133] : memref<204800x128xf32, #tpu.memory_space<hbm>> -> memref<128x128xf32, #tpu.memory_space<hbm>>
    tpu.enqueue_dma source(%arg8 : memref<128x128xf32, #tpu.memory_space<vmem>>) target(%dma_start3A_134 : memref<128x128xf32, #tpu.memory_space<hbm>>) target_semaphore(%dma_start3A_132 : memref<!tpu.dma_semaphore, #tpu.memory_space<semaphore_mem>>)
    %add3A_135 = arith.constant 128 : i32
    %add3A_136 = arith.addi %mul3A_2, %add3A_135 : i32
    %dma_wait3A_137 = arith.constant 1 : i32
    %dma_wait3A_138 = arith.constant 0 : i32
    %dma_wait3A_139 = tpu.memref_slice %arg4[%add3A_136, %dma_wait3A_138] : memref<204800x128xf32, #tpu.memory_space<hbm>> -> memref<128x128xf32, #tpu.memory_space<hbm>>
    %dma_wait3A_140 = tpu.memref_slice %arg12[%dma_wait3A_137] : memref<5x!tpu.dma_semaphore, #tpu.memory_space<semaphore_mem>> -> memref<1x!tpu.dma_semaphore, #tpu.memory_space<semaphore_mem>>
    %dma_wait3A_141 = tpu.memref_squeeze %dma_wait3A_140 : memref<1x!tpu.dma_semaphore, #tpu.memory_space<semaphore_mem>> -> memref<!tpu.dma_semaphore, #tpu.memory_space<semaphore_mem>>
    %dma_wait3A_142 = arith.constant 0 : i32
    %dma_wait3A_143 = tpu.memref_slice %arg4[%add3A_136, %dma_wait3A_142] : memref<204800x128xf32, #tpu.memory_space<hbm>> -> memref<128x128xf32, #tpu.memory_space<hbm>>
    tpu.wait_dma2 semaphore(%dma_wait3A_141 : memref<!tpu.dma_semaphore, #tpu.memory_space<semaphore_mem>>) src(%arg7 : memref<128x128xf32, #tpu.memory_space<vmem>>) dst(%dma_wait3A_143 : memref<128x128xf32, #tpu.memory_space<hbm>>)
    %dma_start3A_144 = arith.constant 6 : i32
    %dma_start3A_145 = arith.constant 1 : i32
    %dma_start3A_146 = arith.constant 0 : i32
    %dma_start3A_147 = tpu.memref_slice %arg5[%dma_start3A_144, %dma_start3A_146] : memref<50x128xi32, #tpu.memory_space<vmem>> -> memref<1x128xi32, #tpu.memory_space<vmem>>
    %dma_start3A_148 = tpu.memref_squeeze %dma_start3A_147 : memref<1x128xi32, #tpu.memory_space<vmem>> -> memref<128xi32, #tpu.memory_space<vmem>>
    %dma_start3A_149 = arith.constant 0 : i32
    %dma_start3A_150 = arith.constant 0 : i32
    %dma_start3A_151 = tpu.memref_slice %arg2[%dma_start3A_149, %dma_start3A_150] : memref<100000x128xf32, #tpu.memory_space<hbm>> -> memref<100000x128xf32, #tpu.memory_space<hbm>>
    %dma_start3A_152 = tpu.memref_slice %arg11[%dma_start3A_145] : memref<5x!tpu.dma_semaphore, #tpu.memory_space<semaphore_mem>> -> memref<1x!tpu.dma_semaphore, #tpu.memory_space<semaphore_mem>>
    %dma_start3A_153 = tpu.memref_squeeze %dma_start3A_152 : memref<1x!tpu.dma_semaphore, #tpu.memory_space<semaphore_mem>> -> memref<!tpu.dma_semaphore, #tpu.memory_space<semaphore_mem>>
    tpu.enqueue_indirect_dma source(%dma_start3A_151 : memref<100000x128xf32, #tpu.memory_space<hbm>>) target(%arg7 : memref<128x128xf32, #tpu.memory_space<vmem>>) offsets(%dma_start3A_148 : memref<128xi32, #tpu.memory_space<vmem>>) semaphore(%dma_start3A_153 : memref<!tpu.dma_semaphore, #tpu.memory_space<semaphore_mem>>)
    %dma_wait3A_154 = arith.constant 3 : i32
    %dma_wait3A_155 = arith.constant 3 : i32
    %dma_wait3A_156 = arith.constant 0 : i32
    %dma_wait3A_157 = tpu.memref_slice %arg5[%dma_wait3A_154, %dma_wait3A_156] : memref<50x128xi32, #tpu.memory_space<vmem>> -> memref<1x128xi32, #tpu.memory_space<vmem>>
    %dma_wait3A_158 = tpu.memref_squeeze %dma_wait3A_157 : memref<1x128xi32, #tpu.memory_space<vmem>> -> memref<128xi32, #tpu.memory_space<vmem>>
    %dma_wait3A_159 = arith.constant 0 : i32
    %dma_wait3A_160 = arith.constant 0 : i32
    %dma_wait3A_161 = tpu.memref_slice %arg2[%dma_wait3A_159, %dma_wait3A_160] : memref<100000x128xf32, #tpu.memory_space<hbm>> -> memref<100000x128xf32, #tpu.memory_space<hbm>>
    %dma_wait3A_162 = tpu.memref_slice %arg11[%dma_wait3A_155] : memref<5x!tpu.dma_semaphore, #tpu.memory_space<semaphore_mem>> -> memref<1x!tpu.dma_semaphore, #tpu.memory_space<semaphore_mem>>
    %dma_wait3A_163 = tpu.memref_squeeze %dma_wait3A_162 : memref<1x!tpu.dma_semaphore, #tpu.memory_space<semaphore_mem>> -> memref<!tpu.dma_semaphore, #tpu.memory_space<semaphore_mem>>
    tpu.wait_indirect_dma semaphore(%dma_wait3A_163 : memref<!tpu.dma_semaphore, #tpu.memory_space<semaphore_mem>>) src(%dma_wait3A_161 : memref<100000x128xf32, #tpu.memory_space<hbm>>) dst(%arg9 : memref<128x128xf32, #tpu.memory_space<vmem>>)
    %parallel_loop3A_164 = arith.constant 0 : i32
    %parallel_loop3A_165 = arith.constant 128 : i32
    %parallel_loop3A_166 = arith.constant 1 : i32
    scf.for %parallel_loop3A_415 = %parallel_loop3A_164 to %parallel_loop3A_165 step %parallel_loop3A_166  : i32 {
      %parallel_loop3A_416 = arith.index_cast %parallel_loop3A_415 : i32 to index
      %parallel_loop3A_417 = arith.constant 0 : index
      %parallel_loop3A_418 = tpu.vector_load %arg9[%parallel_loop3A_416, %parallel_loop3A_417] {strides = array<i32>} : memref<128x128xf32, #tpu.memory_space<vmem>>, vector<1x16xf32>,
      %parallel_loop3A_419 = vector.shape_cast %parallel_loop3A_418 : vector<1x16xf32> to vector<16xf32>
      %parallel_loop3A_420 = arith.constant 11.3137083 : f32
      %parallel_loop3A_421 = vector.broadcast %parallel_loop3A_420 : f32 to vector<16xf32>
      %parallel_loop3A_422 = arith.mulf %parallel_loop3A_419, %parallel_loop3A_421 : vector<16xf32>
      %parallel_loop3A_423 = arith.index_cast %parallel_loop3A_415 : i32 to index
      %parallel_loop3A_424 = arith.constant 0 : index
      %parallel_loop3A_425 = tpu.vector_load %arg9[%parallel_loop3A_423, %parallel_loop3A_424] {strides = array<i32>} : memref<128x128xf32, #tpu.memory_space<vmem>>, vector<1x16xf32>,
      %parallel_loop3A_426 = vector.shape_cast %parallel_loop3A_425 : vector<1x16xf32> to vector<16xf32>
      %parallel_loop3A_427 = vector.shape_cast %parallel_loop3A_422 : vector<16xf32> to vector<1x16xf32>
      tpu.vector_store %arg9[%parallel_loop3A_423, %parallel_loop3A_424], %parallel_loop3A_427 {strides = array<i32>} : memref<128x128xf32, #tpu.memory_space<vmem>>, vector<1x16xf32>,
      %parallel_loop3A_428 = arith.index_cast %parallel_loop3A_415 : i32 to index
      %parallel_loop3A_429 = arith.constant 16 : index
      %parallel_loop3A_430 = tpu.vector_load %arg9[%parallel_loop3A_428, %parallel_loop3A_429] {strides = array<i32>} : memref<128x128xf32, #tpu.memory_space<vmem>>, vector<1x16xf32>,
      %parallel_loop3A_431 = vector.shape_cast %parallel_loop3A_430 : vector<1x16xf32> to vector<16xf32>
      %parallel_loop3A_432 = arith.constant 11.3137083 : f32
      %parallel_loop3A_433 = vector.broadcast %parallel_loop3A_432 : f32 to vector<16xf32>
      %parallel_loop3A_434 = arith.mulf %parallel_loop3A_431, %parallel_loop3A_433 : vector<16xf32>
      %parallel_loop3A_435 = arith.index_cast %parallel_loop3A_415 : i32 to index
      %parallel_loop3A_436 = arith.constant 16 : index
      %parallel_loop3A_437 = tpu.vector_load %arg9[%parallel_loop3A_435, %parallel_loop3A_436] {strides = array<i32>} : memref<128x128xf32, #tpu.memory_space<vmem>>, vector<1x16xf32>,
      %parallel_loop3A_438 = vector.shape_cast %parallel_loop3A_437 : vector<1x16xf32> to vector<16xf32>
      %parallel_loop3A_439 = vector.shape_cast %parallel_loop3A_434 : vector<16xf32> to vector<1x16xf32>
      tpu.vector_store %arg9[%parallel_loop3A_435, %parallel_loop3A_436], %parallel_loop3A_439 {strides = array<i32>} : memref<128x128xf32, #tpu.memory_space<vmem>>, vector<1x16xf32>,
      %parallel_loop3A_440 = arith.index_cast %parallel_loop3A_415 : i32 to index
      %parallel_loop3A_441 = arith.constant 32 : index
      %parallel_loop3A_442 = tpu.vector_load %arg9[%parallel_loop3A_440, %parallel_loop3A_441] {strides = array<i32>} : memref<128x128xf32, #tpu.memory_space<vmem>>, vector<1x16xf32>,
      %parallel_loop3A_443 = vector.shape_cast %parallel_loop3A_442 : vector<1x16xf32> to vector<16xf32>
      %parallel_loop3A_444 = arith.constant 11.3137083 : f32
      %parallel_loop3A_445 = vector.broadcast %parallel_loop3A_444 : f32 to vector<16xf32>
      %parallel_loop3A_446 = arith.mulf %parallel_loop3A_443, %parallel_loop3A_445 : vector<16xf32>
      %parallel_loop3A_447 = arith.index_cast %parallel_loop3A_415 : i32 to index
      %parallel_loop3A_448 = arith.constant 32 : index
      %parallel_loop3A_449 = tpu.vector_load %arg9[%parallel_loop3A_447, %parallel_loop3A_448] {strides = array<i32>} : memref<128x128xf32, #tpu.memory_space<vmem>>, vector<1x16xf32>,
      %parallel_loop3A_450 = vector.shape_cast %parallel_loop3A_449 : vector<1x16xf32> to vector<16xf32>
      %parallel_loop3A_451 = vector.shape_cast %parallel_loop3A_446 : vector<16xf32> to vector<1x16xf32>
      tpu.vector_store %arg9[%parallel_loop3A_447, %parallel_loop3A_448], %parallel_loop3A_451 {strides = array<i32>} : memref<128x128xf32, #tpu.memory_space<vmem>>, vector<1x16xf32>,
      %parallel_loop3A_452 = arith.index_cast %parallel_loop3A_415 : i32 to index
      %parallel_loop3A_453 = arith.constant 48 : index
      %parallel_loop3A_454 = tpu.vector_load %arg9[%parallel_loop3A_452, %parallel_loop3A_453] {strides = array<i32>} : memref<128x128xf32, #tpu.memory_space<vmem>>, vector<1x16xf32>,
      %parallel_loop3A_455 = vector.shape_cast %parallel_loop3A_454 : vector<1x16xf32> to vector<16xf32>
      %parallel_loop3A_456 = arith.constant 11.3137083 : f32
      %parallel_loop3A_457 = vector.broadcast %parallel_loop3A_456 : f32 to vector<16xf32>
      %parallel_loop3A_458 = arith.mulf %parallel_loop3A_455, %parallel_loop3A_457 : vector<16xf32>
      %parallel_loop3A_459 = arith.index_cast %parallel_loop3A_415 : i32 to index
      %parallel_loop3A_460 = arith.constant 48 : index
      %parallel_loop3A_461 = tpu.vector_load %arg9[%parallel_loop3A_459, %parallel_loop3A_460] {strides = array<i32>} : memref<128x128xf32, #tpu.memory_space<vmem>>, vector<1x16xf32>,
      %parallel_loop3A_462 = vector.shape_cast %parallel_loop3A_461 : vector<1x16xf32> to vector<16xf32>
      %parallel_loop3A_463 = vector.shape_cast %parallel_loop3A_458 : vector<16xf32> to vector<1x16xf32>
      tpu.vector_store %arg9[%parallel_loop3A_459, %parallel_loop3A_460], %parallel_loop3A_463 {strides = array<i32>} : memref<128x128xf32, #tpu.memory_space<vmem>>, vector<1x16xf32>,
      %parallel_loop3A_464 = arith.index_cast %parallel_loop3A_415 : i32 to index
      %parallel_loop3A_465 = arith.constant 64 : index
      %parallel_loop3A_466 = tpu.vector_load %arg9[%parallel_loop3A_464, %parallel_loop3A_465] {strides = array<i32>} : memref<128x128xf32, #tpu.memory_space<vmem>>, vector<1x16xf32>,
      %parallel_loop3A_467 = vector.shape_cast %parallel_loop3A_466 : vector<1x16xf32> to vector<16xf32>
      %parallel_loop3A_468 = arith.constant 11.3137083 : f32
      %parallel_loop3A_469 = vector.broadcast %parallel_loop3A_468 : f32 to vector<16xf32>
      %parallel_loop3A_470 = arith.mulf %parallel_loop3A_467, %parallel_loop3A_469 : vector<16xf32>
      %parallel_loop3A_471 = arith.index_cast %parallel_loop3A_415 : i32 to index
      %parallel_loop3A_472 = arith.constant 64 : index
      %parallel_loop3A_473 = tpu.vector_load %arg9[%parallel_loop3A_471, %parallel_loop3A_472] {strides = array<i32>} : memref<128x128xf32, #tpu.memory_space<vmem>>, vector<1x16xf32>,
      %parallel_loop3A_474 = vector.shape_cast %parallel_loop3A_473 : vector<1x16xf32> to vector<16xf32>
      %parallel_loop3A_475 = vector.shape_cast %parallel_loop3A_470 : vector<16xf32> to vector<1x16xf32>
      tpu.vector_store %arg9[%parallel_loop3A_471, %parallel_loop3A_472], %parallel_loop3A_475 {strides = array<i32>} : memref<128x128xf32, #tpu.memory_space<vmem>>, vector<1x16xf32>,
      %parallel_loop3A_476 = arith.index_cast %parallel_loop3A_415 : i32 to index
      %parallel_loop3A_477 = arith.constant 80 : index
      %parallel_loop3A_478 = tpu.vector_load %arg9[%parallel_loop3A_476, %parallel_loop3A_477] {strides = array<i32>} : memref<128x128xf32, #tpu.memory_space<vmem>>, vector<1x16xf32>,
      %parallel_loop3A_479 = vector.shape_cast %parallel_loop3A_478 : vector<1x16xf32> to vector<16xf32>
      %parallel_loop3A_480 = arith.constant 11.3137083 : f32
      %parallel_loop3A_481 = vector.broadcast %parallel_loop3A_480 : f32 to vector<16xf32>
      %parallel_loop3A_482 = arith.mulf %parallel_loop3A_479, %parallel_loop3A_481 : vector<16xf32>
      %parallel_loop3A_483 = arith.index_cast %parallel_loop3A_415 : i32 to index
      %parallel_loop3A_484 = arith.constant 80 : index
      %parallel_loop3A_485 = tpu.vector_load %arg9[%parallel_loop3A_483, %parallel_loop3A_484] {strides = array<i32>} : memref<128x128xf32, #tpu.memory_space<vmem>>, vector<1x16xf32>,
      %parallel_loop3A_486 = vector.shape_cast %parallel_loop3A_485 : vector<1x16xf32> to vector<16xf32>
      %parallel_loop3A_487 = vector.shape_cast %parallel_loop3A_482 : vector<16xf32> to vector<1x16xf32>
      tpu.vector_store %arg9[%parallel_loop3A_483, %parallel_loop3A_484], %parallel_loop3A_487 {strides = array<i32>} : memref<128x128xf32, #tpu.memory_space<vmem>>, vector<1x16xf32>,
      %parallel_loop3A_488 = arith.index_cast %parallel_loop3A_415 : i32 to index
      %parallel_loop3A_489 = arith.constant 96 : index
      %parallel_loop3A_490 = tpu.vector_load %arg9[%parallel_loop3A_488, %parallel_loop3A_489] {strides = array<i32>} : memref<128x128xf32, #tpu.memory_space<vmem>>, vector<1x16xf32>,
      %parallel_loop3A_491 = vector.shape_cast %parallel_loop3A_490 : vector<1x16xf32> to vector<16xf32>
      %parallel_loop3A_492 = arith.constant 11.3137083 : f32
      %parallel_loop3A_493 = vector.broadcast %parallel_loop3A_492 : f32 to vector<16xf32>
      %parallel_loop3A_494 = arith.mulf %parallel_loop3A_491, %parallel_loop3A_493 : vector<16xf32>
      %parallel_loop3A_495 = arith.index_cast %parallel_loop3A_415 : i32 to index
      %parallel_loop3A_496 = arith.constant 96 : index
      %parallel_loop3A_497 = tpu.vector_load %arg9[%parallel_loop3A_495, %parallel_loop3A_496] {strides = array<i32>} : memref<128x128xf32, #tpu.memory_space<vmem>>, vector<1x16xf32>,
      %parallel_loop3A_498 = vector.shape_cast %parallel_loop3A_497 : vector<1x16xf32> to vector<16xf32>
      %parallel_loop3A_499 = vector.shape_cast %parallel_loop3A_494 : vector<16xf32> to vector<1x16xf32>
      tpu.vector_store %arg9[%parallel_loop3A_495, %parallel_loop3A_496], %parallel_loop3A_499 {strides = array<i32>} : memref<128x128xf32, #tpu.memory_space<vmem>>, vector<1x16xf32>,
      %parallel_loop3A_500 = arith.index_cast %parallel_loop3A_415 : i32 to index
      %parallel_loop3A_501 = arith.constant 112 : index
      %parallel_loop3A_502 = tpu.vector_load %arg9[%parallel_loop3A_500, %parallel_loop3A_501] {strides = array<i32>} : memref<128x128xf32, #tpu.memory_space<vmem>>, vector<1x16xf32>,
      %parallel_loop3A_503 = vector.shape_cast %parallel_loop3A_502 : vector<1x16xf32> to vector<16xf32>
      %parallel_loop3A_504 = arith.constant 11.3137083 : f32
      %parallel_loop3A_505 = vector.broadcast %parallel_loop3A_504 : f32 to vector<16xf32>
      %parallel_loop3A_506 = arith.mulf %parallel_loop3A_503, %parallel_loop3A_505 : vector<16xf32>
      %parallel_loop3A_507 = arith.index_cast %parallel_loop3A_415 : i32 to index
      %parallel_loop3A_508 = arith.constant 112 : index
      %parallel_loop3A_509 = tpu.vector_load %arg9[%parallel_loop3A_507, %parallel_loop3A_508] {strides = array<i32>} : memref<128x128xf32, #tpu.memory_space<vmem>>, vector<1x16xf32>,
      %parallel_loop3A_510 = vector.shape_cast %parallel_loop3A_509 : vector<1x16xf32> to vector<16xf32>
      %parallel_loop3A_511 = vector.shape_cast %parallel_loop3A_506 : vector<16xf32> to vector<1x16xf32>
      tpu.vector_store %arg9[%parallel_loop3A_507, %parallel_loop3A_508], %parallel_loop3A_511 {strides = array<i32>} : memref<128x128xf32, #tpu.memory_space<vmem>>, vector<1x16xf32>,
    } {sc.loop_unroll_factor = 4 : i64, sc.parallel_access}
    %add3A_167 = arith.constant 384 : i32
    %add3A_168 = arith.addi %mul3A_2, %add3A_167 : i32
    %dma_start3A_169 = arith.constant 3 : i32
    %dma_start3A_170 = arith.constant 0 : i32
    %dma_start3A_171 = tpu.memref_slice %arg4[%add3A_168, %dma_start3A_170] : memref<204800x128xf32, #tpu.memory_space<hbm>> -> memref<128x128xf32, #tpu.memory_space<hbm>>
    %dma_start3A_172 = tpu.memref_slice %arg12[%dma_start3A_169] : memref<5x!tpu.dma_semaphore, #tpu.memory_space<semaphore_mem>> -> memref<1x!tpu.dma_semaphore, #tpu.memory_space<semaphore_mem>>
    %dma_start3A_173 = tpu.memref_squeeze %dma_start3A_172 : memref<1x!tpu.dma_semaphore, #tpu.memory_space<semaphore_mem>> -> memref<!tpu.dma_semaphore, #tpu.memory_space<semaphore_mem>>
    %dma_start3A_174 = arith.constant 0 : i32
    %dma_start3A_175 = tpu.memref_slice %arg4[%add3A_168, %dma_start3A_174] : memref<204800x128xf32, #tpu.memory_space<hbm>> -> memref<128x128xf32, #tpu.memory_space<hbm>>
    tpu.enqueue_dma source(%arg9 : memref<128x128xf32, #tpu.memory_space<vmem>>) target(%dma_start3A_175 : memref<128x128xf32, #tpu.memory_space<hbm>>) target_semaphore(%dma_start3A_173 : memref<!tpu.dma_semaphore, #tpu.memory_space<semaphore_mem>>)
    %add3A_176 = arith.constant 256 : i32
    %add3A_177 = arith.addi %mul3A_2, %add3A_176 : i32
    %dma_wait3A_178 = arith.constant 2 : i32
    %dma_wait3A_179 = arith.constant 0 : i32
    %dma_wait3A_180 = tpu.memref_slice %arg4[%add3A_177, %dma_wait3A_179] : memref<204800x128xf32, #tpu.memory_space<hbm>> -> memref<128x128xf32, #tpu.memory_space<hbm>>
    %dma_wait3A_181 = tpu.memref_slice %arg12[%dma_wait3A_178] : memref<5x!tpu.dma_semaphore, #tpu.memory_space<semaphore_mem>> -> memref<1x!tpu.dma_semaphore, #tpu.memory_space<semaphore_mem>>
    %dma_wait3A_182 = tpu.memref_squeeze %dma_wait3A_181 : memref<1x!tpu.dma_semaphore, #tpu.memory_space<semaphore_mem>> -> memref<!tpu.dma_semaphore, #tpu.memory_space<semaphore_mem>>
    %dma_wait3A_183 = arith.constant 0 : i32
    %dma_wait3A_184 = tpu.memref_slice %arg4[%add3A_177, %dma_wait3A_183] : memref<204800x128xf32, #tpu.memory_space<hbm>> -> memref<128x128xf32, #tpu.memory_space<hbm>>
    tpu.wait_dma2 semaphore(%dma_wait3A_182 : memref<!tpu.dma_semaphore, #tpu.memory_space<semaphore_mem>>) src(%arg8 : memref<128x128xf32, #tpu.memory_space<vmem>>) dst(%dma_wait3A_184 : memref<128x128xf32, #tpu.memory_space<hbm>>)
    %dma_start3A_185 = arith.constant 7 : i32
    %dma_start3A_186 = arith.constant 2 : i32
    %dma_start3A_187 = arith.constant 0 : i32
    %dma_start3A_188 = tpu.memref_slice %arg5[%dma_start3A_185, %dma_start3A_187] : memref<50x128xi32, #tpu.memory_space<vmem>> -> memref<1x128xi32, #tpu.memory_space<vmem>>
    %dma_start3A_189 = tpu.memref_squeeze %dma_start3A_188 : memref<1x128xi32, #tpu.memory_space<vmem>> -> memref<128xi32, #tpu.memory_space<vmem>>
    %dma_start3A_190 = arith.constant 0 : i32
    %dma_start3A_191 = arith.constant 0 : i32
    %dma_start3A_192 = tpu.memref_slice %arg2[%dma_start3A_190, %dma_start3A_191] : memref<100000x128xf32, #tpu.memory_space<hbm>> -> memref<100000x128xf32, #tpu.memory_space<hbm>>
    %dma_start3A_193 = tpu.memref_slice %arg11[%dma_start3A_186] : memref<5x!tpu.dma_semaphore, #tpu.memory_space<semaphore_mem>> -> memref<1x!tpu.dma_semaphore, #tpu.memory_space<semaphore_mem>>
    %dma_start3A_194 = tpu.memref_squeeze %dma_start3A_193 : memref<1x!tpu.dma_semaphore, #tpu.memory_space<semaphore_mem>> -> memref<!tpu.dma_semaphore, #tpu.memory_space<semaphore_mem>>
    tpu.enqueue_indirect_dma source(%dma_start3A_192 : memref<100000x128xf32, #tpu.memory_space<hbm>>) target(%arg8 : memref<128x128xf32, #tpu.memory_space<vmem>>) offsets(%dma_start3A_189 : memref<128xi32, #tpu.memory_space<vmem>>) semaphore(%dma_start3A_194 : memref<!tpu.dma_semaphore, #tpu.memory_space<semaphore_mem>>)
    %dma_wait3A_195 = arith.constant 4 : i32
    %dma_wait3A_196 = arith.constant 4 : i32
    %dma_wait3A_197 = arith.constant 0 : i32
    %dma_wait3A_198 = tpu.memref_slice %arg5[%dma_wait3A_195, %dma_wait3A_197] : memref<50x128xi32, #tpu.memory_space<vmem>> -> memref<1x128xi32, #tpu.memory_space<vmem>>
    %dma_wait3A_199 = tpu.memref_squeeze %dma_wait3A_198 : memref<1x128xi32, #tpu.memory_space<vmem>> -> memref<128xi32, #tpu.memory_space<vmem>>
    %dma_wait3A_200 = arith.constant 0 : i32
    %dma_wait3A_201 = arith.constant 0 : i32
    %dma_wait3A_202 = tpu.memref_slice %arg2[%dma_wait3A_200, %dma_wait3A_201] : memref<100000x128xf32, #tpu.memory_space<hbm>> -> memref<100000x128xf32, #tpu.memory_space<hbm>>
    %dma_wait3A_203 = tpu.memref_slice %arg11[%dma_wait3A_196] : memref<5x!tpu.dma_semaphore, #tpu.memory_space<semaphore_mem>> -> memref<1x!tpu.dma_semaphore, #tpu.memory_space<semaphore_mem>>
    %dma_wait3A_204 = tpu.memref_squeeze %dma_wait3A_203 : memref<1x!tpu.dma_semaphore, #tpu.memory_space<semaphore_mem>> -> memref<!tpu.dma_semaphore, #tpu.memory_space<semaphore_mem>>
    tpu.wait_indirect_dma semaphore(%dma_wait3A_204 : memref<!tpu.dma_semaphore, #tpu.memory_space<semaphore_mem>>) src(%dma_wait3A_202 : memref<100000x128xf32, #tpu.memory_space<hbm>>) dst(%arg10 : memref<128x128xf32, #tpu.memory_space<vmem>>)
    %parallel_loop3A_205 = arith.constant 0 : i32
    %parallel_loop3A_206 = arith.constant 128 : i32
    %parallel_loop3A_207 = arith.constant 1 : i32
    scf.for %parallel_loop3A_415 = %parallel_loop3A_205 to %parallel_loop3A_206 step %parallel_loop3A_207  : i32 {
      %parallel_loop3A_416 = arith.index_cast %parallel_loop3A_415 : i32 to index
      %parallel_loop3A_417 = arith.constant 0 : index
      %parallel_loop3A_418 = tpu.vector_load %arg10[%parallel_loop3A_416, %parallel_loop3A_417] {strides = array<i32>} : memref<128x128xf32, #tpu.memory_space<vmem>>, vector<1x16xf32>,
      %parallel_loop3A_419 = vector.shape_cast %parallel_loop3A_418 : vector<1x16xf32> to vector<16xf32>
      %parallel_loop3A_420 = arith.constant 11.3137083 : f32
      %parallel_loop3A_421 = vector.broadcast %parallel_loop3A_420 : f32 to vector<16xf32>
      %parallel_loop3A_422 = arith.mulf %parallel_loop3A_419, %parallel_loop3A_421 : vector<16xf32>
      %parallel_loop3A_423 = arith.index_cast %parallel_loop3A_415 : i32 to index
      %parallel_loop3A_424 = arith.constant 0 : index
      %parallel_loop3A_425 = tpu.vector_load %arg10[%parallel_loop3A_423, %parallel_loop3A_424] {strides = array<i32>} : memref<128x128xf32, #tpu.memory_space<vmem>>, vector<1x16xf32>,
      %parallel_loop3A_426 = vector.shape_cast %parallel_loop3A_425 : vector<1x16xf32> to vector<16xf32>
      %parallel_loop3A_427 = vector.shape_cast %parallel_loop3A_422 : vector<16xf32> to vector<1x16xf32>
      tpu.vector_store %arg10[%parallel_loop3A_423, %parallel_loop3A_424], %parallel_loop3A_427 {strides = array<i32>} : memref<128x128xf32, #tpu.memory_space<vmem>>, vector<1x16xf32>,
      %parallel_loop3A_428 = arith.index_cast %parallel_loop3A_415 : i32 to index
      %parallel_loop3A_429 = arith.constant 16 : index
      %parallel_loop3A_430 = tpu.vector_load %arg10[%parallel_loop3A_428, %parallel_loop3A_429] {strides = array<i32>} : memref<128x128xf32, #tpu.memory_space<vmem>>, vector<1x16xf32>,
      %parallel_loop3A_431 = vector.shape_cast %parallel_loop3A_430 : vector<1x16xf32> to vector<16xf32>
      %parallel_loop3A_432 = arith.constant 11.3137083 : f32
      %parallel_loop3A_433 = vector.broadcast %parallel_loop3A_432 : f32 to vector<16xf32>
      %parallel_loop3A_434 = arith.mulf %parallel_loop3A_431, %parallel_loop3A_433 : vector<16xf32>
      %parallel_loop3A_435 = arith.index_cast %parallel_loop3A_415 : i32 to index
      %parallel_loop3A_436 = arith.constant 16 : index
      %parallel_loop3A_437 = tpu.vector_load %arg10[%parallel_loop3A_435, %parallel_loop3A_436] {strides = array<i32>} : memref<128x128xf32, #tpu.memory_space<vmem>>, vector<1x16xf32>,
      %parallel_loop3A_438 = vector.shape_cast %parallel_loop3A_437 : vector<1x16xf32> to vector<16xf32>
      %parallel_loop3A_439 = vector.shape_cast %parallel_loop3A_434 : vector<16xf32> to vector<1x16xf32>
      tpu.vector_store %arg10[%parallel_loop3A_435, %parallel_loop3A_436], %parallel_loop3A_439 {strides = array<i32>} : memref<128x128xf32, #tpu.memory_space<vmem>>, vector<1x16xf32>,
      %parallel_loop3A_440 = arith.index_cast %parallel_loop3A_415 : i32 to index
      %parallel_loop3A_441 = arith.constant 32 : index
      %parallel_loop3A_442 = tpu.vector_load %arg10[%parallel_loop3A_440, %parallel_loop3A_441] {strides = array<i32>} : memref<128x128xf32, #tpu.memory_space<vmem>>, vector<1x16xf32>,
      %parallel_loop3A_443 = vector.shape_cast %parallel_loop3A_442 : vector<1x16xf32> to vector<16xf32>
      %parallel_loop3A_444 = arith.constant 11.3137083 : f32
      %parallel_loop3A_445 = vector.broadcast %parallel_loop3A_444 : f32 to vector<16xf32>
      %parallel_loop3A_446 = arith.mulf %parallel_loop3A_443, %parallel_loop3A_445 : vector<16xf32>
      %parallel_loop3A_447 = arith.index_cast %parallel_loop3A_415 : i32 to index
      %parallel_loop3A_448 = arith.constant 32 : index
      %parallel_loop3A_449 = tpu.vector_load %arg10[%parallel_loop3A_447, %parallel_loop3A_448] {strides = array<i32>} : memref<128x128xf32, #tpu.memory_space<vmem>>, vector<1x16xf32>,
      %parallel_loop3A_450 = vector.shape_cast %parallel_loop3A_449 : vector<1x16xf32> to vector<16xf32>
      %parallel_loop3A_451 = vector.shape_cast %parallel_loop3A_446 : vector<16xf32> to vector<1x16xf32>
      tpu.vector_store %arg10[%parallel_loop3A_447, %parallel_loop3A_448], %parallel_loop3A_451 {strides = array<i32>} : memref<128x128xf32, #tpu.memory_space<vmem>>, vector<1x16xf32>,
      %parallel_loop3A_452 = arith.index_cast %parallel_loop3A_415 : i32 to index
      %parallel_loop3A_453 = arith.constant 48 : index
      %parallel_loop3A_454 = tpu.vector_load %arg10[%parallel_loop3A_452, %parallel_loop3A_453] {strides = array<i32>} : memref<128x128xf32, #tpu.memory_space<vmem>>, vector<1x16xf32>,
      %parallel_loop3A_455 = vector.shape_cast %parallel_loop3A_454 : vector<1x16xf32> to vector<16xf32>
      %parallel_loop3A_456 = arith.constant 11.3137083 : f32
      %parallel_loop3A_457 = vector.broadcast %parallel_loop3A_456 : f32 to vector<16xf32>
      %parallel_loop3A_458 = arith.mulf %parallel_loop3A_455, %parallel_loop3A_457 : vector<16xf32>
      %parallel_loop3A_459 = arith.index_cast %parallel_loop3A_415 : i32 to index
      %parallel_loop3A_460 = arith.constant 48 : index
      %parallel_loop3A_461 = tpu.vector_load %arg10[%parallel_loop3A_459, %parallel_loop3A_460] {strides = array<i32>} : memref<128x128xf32, #tpu.memory_space<vmem>>, vector<1x16xf32>,
      %parallel_loop3A_462 = vector.shape_cast %parallel_loop3A_461 : vector<1x16xf32> to vector<16xf32>
      %parallel_loop3A_463 = vector.shape_cast %parallel_loop3A_458 : vector<16xf32> to vector<1x16xf32>
      tpu.vector_store %arg10[%parallel_loop3A_459, %parallel_loop3A_460], %parallel_loop3A_463 {strides = array<i32>} : memref<128x128xf32, #tpu.memory_space<vmem>>, vector<1x16xf32>,
      %parallel_loop3A_464 = arith.index_cast %parallel_loop3A_415 : i32 to index
      %parallel_loop3A_465 = arith.constant 64 : index
      %parallel_loop3A_466 = tpu.vector_load %arg10[%parallel_loop3A_464, %parallel_loop3A_465] {strides = array<i32>} : memref<128x128xf32, #tpu.memory_space<vmem>>, vector<1x16xf32>,
      %parallel_loop3A_467 = vector.shape_cast %parallel_loop3A_466 : vector<1x16xf32> to vector<16xf32>
      %parallel_loop3A_468 = arith.constant 11.3137083 : f32
      %parallel_loop3A_469 = vector.broadcast %parallel_loop3A_468 : f32 to vector<16xf32>
      %parallel_loop3A_470 = arith.mulf %parallel_loop3A_467, %parallel_loop3A_469 : vector<16xf32>
      %parallel_loop3A_471 = arith.index_cast %parallel_loop3A_415 : i32 to index
      %parallel_loop3A_472 = arith.constant 64 : index
      %parallel_loop3A_473 = tpu.vector_load %arg10[%parallel_loop3A_471, %parallel_loop3A_472] {strides = array<i32>} : memref<128x128xf32, #tpu.memory_space<vmem>>, vector<1x16xf32>,
      %parallel_loop3A_474 = vector.shape_cast %parallel_loop3A_473 : vector<1x16xf32> to vector<16xf32>
      %parallel_loop3A_475 = vector.shape_cast %parallel_loop3A_470 : vector<16xf32> to vector<1x16xf32>
      tpu.vector_store %arg10[%parallel_loop3A_471, %parallel_loop3A_472], %parallel_loop3A_475 {strides = array<i32>} : memref<128x128xf32, #tpu.memory_space<vmem>>, vector<1x16xf32>,
      %parallel_loop3A_476 = arith.index_cast %parallel_loop3A_415 : i32 to index
      %parallel_loop3A_477 = arith.constant 80 : index
      %parallel_loop3A_478 = tpu.vector_load %arg10[%parallel_loop3A_476, %parallel_loop3A_477] {strides = array<i32>} : memref<128x128xf32, #tpu.memory_space<vmem>>, vector<1x16xf32>,
      %parallel_loop3A_479 = vector.shape_cast %parallel_loop3A_478 : vector<1x16xf32> to vector<16xf32>
      %parallel_loop3A_480 = arith.constant 11.3137083 : f32
      %parallel_loop3A_481 = vector.broadcast %parallel_loop3A_480 : f32 to vector<16xf32>
      %parallel_loop3A_482 = arith.mulf %parallel_loop3A_479, %parallel_loop3A_481 : vector<16xf32>
      %parallel_loop3A_483 = arith.index_cast %parallel_loop3A_415 : i32 to index
      %parallel_loop3A_484 = arith.constant 80 : index
      %parallel_loop3A_485 = tpu.vector_load %arg10[%parallel_loop3A_483, %parallel_loop3A_484] {strides = array<i32>} : memref<128x128xf32, #tpu.memory_space<vmem>>, vector<1x16xf32>,
      %parallel_loop3A_486 = vector.shape_cast %parallel_loop3A_485 : vector<1x16xf32> to vector<16xf32>
      %parallel_loop3A_487 = vector.shape_cast %parallel_loop3A_482 : vector<16xf32> to vector<1x16xf32>
      tpu.vector_store %arg10[%parallel_loop3A_483, %parallel_loop3A_484], %parallel_loop3A_487 {strides = array<i32>} : memref<128x128xf32, #tpu.memory_space<vmem>>, vector<1x16xf32>,
      %parallel_loop3A_488 = arith.index_cast %parallel_loop3A_415 : i32 to index
      %parallel_loop3A_489 = arith.constant 96 : index
      %parallel_loop3A_490 = tpu.vector_load %arg10[%parallel_loop3A_488, %parallel_loop3A_489] {strides = array<i32>} : memref<128x128xf32, #tpu.memory_space<vmem>>, vector<1x16xf32>,
      %parallel_loop3A_491 = vector.shape_cast %parallel_loop3A_490 : vector<1x16xf32> to vector<16xf32>
      %parallel_loop3A_492 = arith.constant 11.3137083 : f32
      %parallel_loop3A_493 = vector.broadcast %parallel_loop3A_492 : f32 to vector<16xf32>
      %parallel_loop3A_494 = arith.mulf %parallel_loop3A_491, %parallel_loop3A_493 : vector<16xf32>
      %parallel_loop3A_495 = arith.index_cast %parallel_loop3A_415 : i32 to index
      %parallel_loop3A_496 = arith.constant 96 : index
      %parallel_loop3A_497 = tpu.vector_load %arg10[%parallel_loop3A_495, %parallel_loop3A_496] {strides = array<i32>} : memref<128x128xf32, #tpu.memory_space<vmem>>, vector<1x16xf32>,
      %parallel_loop3A_498 = vector.shape_cast %parallel_loop3A_497 : vector<1x16xf32> to vector<16xf32>
      %parallel_loop3A_499 = vector.shape_cast %parallel_loop3A_494 : vector<16xf32> to vector<1x16xf32>
      tpu.vector_store %arg10[%parallel_loop3A_495, %parallel_loop3A_496], %parallel_loop3A_499 {strides = array<i32>} : memref<128x128xf32, #tpu.memory_space<vmem>>, vector<1x16xf32>,
      %parallel_loop3A_500 = arith.index_cast %parallel_loop3A_415 : i32 to index
      %parallel_loop3A_501 = arith.constant 112 : index
      %parallel_loop3A_502 = tpu.vector_load %arg10[%parallel_loop3A_500, %parallel_loop3A_501] {strides = array<i32>} : memref<128x128xf32, #tpu.memory_space<vmem>>, vector<1x16xf32>,
      %parallel_loop3A_503 = vector.shape_cast %parallel_loop3A_502 : vector<1x16xf32> to vector<16xf32>
      %parallel_loop3A_504 = arith.constant 11.3137083 : f32
      %parallel_loop3A_505 = vector.broadcast %parallel_loop3A_504 : f32 to vector<16xf32>
      %parallel_loop3A_506 = arith.mulf %parallel_loop3A_503, %parallel_loop3A_505 : vector<16xf32>
      %parallel_loop3A_507 = arith.index_cast %parallel_loop3A_415 : i32 to index
      %parallel_loop3A_508 = arith.constant 112 : index
      %parallel_loop3A_509 = tpu.vector_load %arg10[%parallel_loop3A_507, %parallel_loop3A_508] {strides = array<i32>} : memref<128x128xf32, #tpu.memory_space<vmem>>, vector<1x16xf32>,
      %parallel_loop3A_510 = vector.shape_cast %parallel_loop3A_509 : vector<1x16xf32> to vector<16xf32>
      %parallel_loop3A_511 = vector.shape_cast %parallel_loop3A_506 : vector<16xf32> to vector<1x16xf32>
      tpu.vector_store %arg10[%parallel_loop3A_507, %parallel_loop3A_508], %parallel_loop3A_511 {strides = array<i32>} : memref<128x128xf32, #tpu.memory_space<vmem>>, vector<1x16xf32>,
    } {sc.loop_unroll_factor = 4 : i64, sc.parallel_access}
    %add3A_208 = arith.constant 512 : i32
    %add3A_209 = arith.addi %mul3A_2, %add3A_208 : i32
    %dma_start3A_210 = arith.constant 4 : i32
    %dma_start3A_211 = arith.constant 0 : i32
    %dma_start3A_212 = tpu.memref_slice %arg4[%add3A_209, %dma_start3A_211] : memref<204800x128xf32, #tpu.memory_space<hbm>> -> memref<128x128xf32, #tpu.memory_space<hbm>>
    %dma_start3A_213 = tpu.memref_slice %arg12[%dma_start3A_210] : memref<5x!tpu.dma_semaphore, #tpu.memory_space<semaphore_mem>> -> memref<1x!tpu.dma_semaphore, #tpu.memory_space<semaphore_mem>>
    %dma_start3A_214 = tpu.memref_squeeze %dma_start3A_213 : memref<1x!tpu.dma_semaphore, #tpu.memory_space<semaphore_mem>> -> memref<!tpu.dma_semaphore, #tpu.memory_space<semaphore_mem>>
    %dma_start3A_215 = arith.constant 0 : i32
    %dma_start3A_216 = tpu.memref_slice %arg4[%add3A_209, %dma_start3A_215] : memref<204800x128xf32, #tpu.memory_space<hbm>> -> memref<128x128xf32, #tpu.memory_space<hbm>>
    tpu.enqueue_dma source(%arg10 : memref<128x128xf32, #tpu.memory_space<vmem>>) target(%dma_start3A_216 : memref<128x128xf32, #tpu.memory_space<hbm>>) target_semaphore(%dma_start3A_214 : memref<!tpu.dma_semaphore, #tpu.memory_space<semaphore_mem>>)
    %add3A_217 = arith.constant 384 : i32
    %add3A_218 = arith.addi %mul3A_2, %add3A_217 : i32
    %dma_wait3A_219 = arith.constant 3 : i32
    %dma_wait3A_220 = arith.constant 0 : i32
    %dma_wait3A_221 = tpu.memref_slice %arg4[%add3A_218, %dma_wait3A_220] : memref<204800x128xf32, #tpu.memory_space<hbm>> -> memref<128x128xf32, #tpu.memory_space<hbm>>
    %dma_wait3A_222 = tpu.memref_slice %arg12[%dma_wait3A_219] : memref<5x!tpu.dma_semaphore, #tpu.memory_space<semaphore_mem>> -> memref<1x!tpu.dma_semaphore, #tpu.memory_space<semaphore_mem>>
    %dma_wait3A_223 = tpu.memref_squeeze %dma_wait3A_222 : memref<1x!tpu.dma_semaphore, #tpu.memory_space<semaphore_mem>> -> memref<!tpu.dma_semaphore, #tpu.memory_space<semaphore_mem>>
    %dma_wait3A_224 = arith.constant 0 : i32
    %dma_wait3A_225 = tpu.memref_slice %arg4[%add3A_218, %dma_wait3A_224] : memref<204800x128xf32, #tpu.memory_space<hbm>> -> memref<128x128xf32, #tpu.memory_space<hbm>>
    tpu.wait_dma2 semaphore(%dma_wait3A_223 : memref<!tpu.dma_semaphore, #tpu.memory_space<semaphore_mem>>) src(%arg9 : memref<128x128xf32, #tpu.memory_space<vmem>>) dst(%dma_wait3A_225 : memref<128x128xf32, #tpu.memory_space<hbm>>)
    %dma_start3A_226 = arith.constant 8 : i32
    %dma_start3A_227 = arith.constant 3 : i32
    %dma_start3A_228 = arith.constant 0 : i32
    %dma_start3A_229 = tpu.memref_slice %arg5[%dma_start3A_226, %dma_start3A_228] : memref<50x128xi32, #tpu.memory_space<vmem>> -> memref<1x128xi32, #tpu.memory_space<vmem>>
    %dma_start3A_230 = tpu.memref_squeeze %dma_start3A_229 : memref<1x128xi32, #tpu.memory_space<vmem>> -> memref<128xi32, #tpu.memory_space<vmem>>
    %dma_start3A_231 = arith.constant 0 : i32
    %dma_start3A_232 = arith.constant 0 : i32
    %dma_start3A_233 = tpu.memref_slice %arg2[%dma_start3A_231, %dma_start3A_232] : memref<100000x128xf32, #tpu.memory_space<hbm>> -> memref<100000x128xf32, #tpu.memory_space<hbm>>
    %dma_start3A_234 = tpu.memref_slice %arg11[%dma_start3A_227] : memref<5x!tpu.dma_semaphore, #tpu.memory_space<semaphore_mem>> -> memref<1x!tpu.dma_semaphore, #tpu.memory_space<semaphore_mem>>
    %dma_start3A_235 = tpu.memref_squeeze %dma_start3A_234 : memref<1x!tpu.dma_semaphore, #tpu.memory_space<semaphore_mem>> -> memref<!tpu.dma_semaphore, #tpu.memory_space<semaphore_mem>>
    tpu.enqueue_indirect_dma source(%dma_start3A_233 : memref<100000x128xf32, #tpu.memory_space<hbm>>) target(%arg9 : memref<128x128xf32, #tpu.memory_space<vmem>>) offsets(%dma_start3A_230 : memref<128xi32, #tpu.memory_space<vmem>>) semaphore(%dma_start3A_235 : memref<!tpu.dma_semaphore, #tpu.memory_space<semaphore_mem>>)
    %scan3A = arith.constant 0 : i32
    %scan3A_236 = arith.constant 1 : i32
    %scan3A_237 = arith.constant 8 : i32
    %scan3A_238 = arith.addi %scan3A_236, %scan3A_237 : i32
    %scan3A_239 = arith.constant 1 : i32
    scf.for %scan3A_415 = %scan3A_236 to %scan3A_238 step %scan3A_239  : i32 {
      %mul3A_416 = arith.constant 5 : i32
      %mul3A_417 = arith.muli %mul3A_416, %scan3A_415 : i32
      %add3A_418 = arith.constant 0 : i32
      %add3A_419 = arith.addi %mul3A_417, %add3A_418 : i32
      %dma_wait3A_420 = arith.constant 0 : i32
      %dma_wait3A_421 = arith.constant 0 : i32
      %dma_wait3A_422 = tpu.memref_slice %arg5[%add3A_419, %dma_wait3A_421] : memref<50x128xi32, #tpu.memory_space<vmem>> -> memref<1x128xi32, #tpu.memory_space<vmem>>
      %dma_wait3A_423 = tpu.memref_squeeze %dma_wait3A_422 : memref<1x128xi32, #tpu.memory_space<vmem>> -> memref<128xi32, #tpu.memory_space<vmem>>
      %dma_wait3A_424 = arith.constant 0 : i32
      %dma_wait3A_425 = arith.constant 0 : i32
      %dma_wait3A_426 = tpu.memref_slice %arg2[%dma_wait3A_424, %dma_wait3A_425] : memref<100000x128xf32, #tpu.memory_space<hbm>> -> memref<100000x128xf32, #tpu.memory_space<hbm>>
      %dma_wait3A_427 = tpu.memref_slice %arg11[%dma_wait3A_420] : memref<5x!tpu.dma_semaphore, #tpu.memory_space<semaphore_mem>> -> memref<1x!tpu.dma_semaphore, #tpu.memory_space<semaphore_mem>>
      %dma_wait3A_428 = tpu.memref_squeeze %dma_wait3A_427 : memref<1x!tpu.dma_semaphore, #tpu.memory_space<semaphore_mem>> -> memref<!tpu.dma_semaphore, #tpu.memory_space<semaphore_mem>>
      tpu.wait_indirect_dma semaphore(%dma_wait3A_428 : memref<!tpu.dma_semaphore, #tpu.memory_space<semaphore_mem>>) src(%dma_wait3A_426 : memref<100000x128xf32, #tpu.memory_space<hbm>>) dst(%arg6 : memref<128x128xf32, #tpu.memory_space<vmem>>)
      %parallel_loop3A_429 = arith.constant 0 : i32
      %parallel_loop3A_430 = arith.constant 128 : i32
      %parallel_loop3A_431 = arith.constant 1 : i32
      scf.for %parallel_loop3A_670 = %parallel_loop3A_429 to %parallel_loop3A_430 step %parallel_loop3A_431  : i32 {
        %parallel_loop3A_671 = arith.index_cast %parallel_loop3A_670 : i32 to index
        %parallel_loop3A_672 = arith.constant 0 : index
        %parallel_loop3A_673 = tpu.vector_load %arg6[%parallel_loop3A_671, %parallel_loop3A_672] {strides = array<i32>} : memref<128x128xf32, #tpu.memory_space<vmem>>, vector<1x16xf32>,
        %parallel_loop3A_674 = vector.shape_cast %parallel_loop3A_673 : vector<1x16xf32> to vector<16xf32>
        %parallel_loop3A_675 = arith.constant 11.3137083 : f32
        %parallel_loop3A_676 = vector.broadcast %parallel_loop3A_675 : f32 to vector<16xf32>
        %parallel_loop3A_677 = arith.mulf %parallel_loop3A_674, %parallel_loop3A_676 : vector<16xf32>
        %parallel_loop3A_678 = arith.index_cast %parallel_loop3A_670 : i32 to index
        %parallel_loop3A_679 = arith.constant 0 : index
        %parallel_loop3A_680 = tpu.vector_load %arg6[%parallel_loop3A_678, %parallel_loop3A_679] {strides = array<i32>} : memref<128x128xf32, #tpu.memory_space<vmem>>, vector<1x16xf32>,
        %parallel_loop3A_681 = vector.shape_cast %parallel_loop3A_680 : vector<1x16xf32> to vector<16xf32>
        %parallel_loop3A_682 = vector.shape_cast %parallel_loop3A_677 : vector<16xf32> to vector<1x16xf32>
        tpu.vector_store %arg6[%parallel_loop3A_678, %parallel_loop3A_679], %parallel_loop3A_682 {strides = array<i32>} : memref<128x128xf32, #tpu.memory_space<vmem>>, vector<1x16xf32>,
        %parallel_loop3A_683 = arith.index_cast %parallel_loop3A_670 : i32 to index
        %parallel_loop3A_684 = arith.constant 16 : index
        %parallel_loop3A_685 = tpu.vector_load %arg6[%parallel_loop3A_683, %parallel_loop3A_684] {strides = array<i32>} : memref<128x128xf32, #tpu.memory_space<vmem>>, vector<1x16xf32>,
        %parallel_loop3A_686 = vector.shape_cast %parallel_loop3A_685 : vector<1x16xf32> to vector<16xf32>
        %parallel_loop3A_687 = arith.constant 11.3137083 : f32
        %parallel_loop3A_688 = vector.broadcast %parallel_loop3A_687 : f32 to vector<16xf32>
        %parallel_loop3A_689 = arith.mulf %parallel_loop3A_686, %parallel_loop3A_688 : vector<16xf32>
        %parallel_loop3A_690 = arith.index_cast %parallel_loop3A_670 : i32 to index
        %parallel_loop3A_691 = arith.constant 16 : index
        %parallel_loop3A_692 = tpu.vector_load %arg6[%parallel_loop3A_690, %parallel_loop3A_691] {strides = array<i32>} : memref<128x128xf32, #tpu.memory_space<vmem>>, vector<1x16xf32>,
        %parallel_loop3A_693 = vector.shape_cast %parallel_loop3A_692 : vector<1x16xf32> to vector<16xf32>
        %parallel_loop3A_694 = vector.shape_cast %parallel_loop3A_689 : vector<16xf32> to vector<1x16xf32>
        tpu.vector_store %arg6[%parallel_loop3A_690, %parallel_loop3A_691], %parallel_loop3A_694 {strides = array<i32>} : memref<128x128xf32, #tpu.memory_space<vmem>>, vector<1x16xf32>,
        %parallel_loop3A_695 = arith.index_cast %parallel_loop3A_670 : i32 to index
        %parallel_loop3A_696 = arith.constant 32 : index
        %parallel_loop3A_697 = tpu.vector_load %arg6[%parallel_loop3A_695, %parallel_loop3A_696] {strides = array<i32>} : memref<128x128xf32, #tpu.memory_space<vmem>>, vector<1x16xf32>,
        %parallel_loop3A_698 = vector.shape_cast %parallel_loop3A_697 : vector<1x16xf32> to vector<16xf32>
        %parallel_loop3A_699 = arith.constant 11.3137083 : f32
        %parallel_loop3A_700 = vector.broadcast %parallel_loop3A_699 : f32 to vector<16xf32>
        %parallel_loop3A_701 = arith.mulf %parallel_loop3A_698, %parallel_loop3A_700 : vector<16xf32>
        %parallel_loop3A_702 = arith.index_cast %parallel_loop3A_670 : i32 to index
        %parallel_loop3A_703 = arith.constant 32 : index
        %parallel_loop3A_704 = tpu.vector_load %arg6[%parallel_loop3A_702, %parallel_loop3A_703] {strides = array<i32>} : memref<128x128xf32, #tpu.memory_space<vmem>>, vector<1x16xf32>,
        %parallel_loop3A_705 = vector.shape_cast %parallel_loop3A_704 : vector<1x16xf32> to vector<16xf32>
        %parallel_loop3A_706 = vector.shape_cast %parallel_loop3A_701 : vector<16xf32> to vector<1x16xf32>
        tpu.vector_store %arg6[%parallel_loop3A_702, %parallel_loop3A_703], %parallel_loop3A_706 {strides = array<i32>} : memref<128x128xf32, #tpu.memory_space<vmem>>, vector<1x16xf32>,
        %parallel_loop3A_707 = arith.index_cast %parallel_loop3A_670 : i32 to index
        %parallel_loop3A_708 = arith.constant 48 : index
        %parallel_loop3A_709 = tpu.vector_load %arg6[%parallel_loop3A_707, %parallel_loop3A_708] {strides = array<i32>} : memref<128x128xf32, #tpu.memory_space<vmem>>, vector<1x16xf32>,
        %parallel_loop3A_710 = vector.shape_cast %parallel_loop3A_709 : vector<1x16xf32> to vector<16xf32>
        %parallel_loop3A_711 = arith.constant 11.3137083 : f32
        %parallel_loop3A_712 = vector.broadcast %parallel_loop3A_711 : f32 to vector<16xf32>
        %parallel_loop3A_713 = arith.mulf %parallel_loop3A_710, %parallel_loop3A_712 : vector<16xf32>
        %parallel_loop3A_714 = arith.index_cast %parallel_loop3A_670 : i32 to index
        %parallel_loop3A_715 = arith.constant 48 : index
        %parallel_loop3A_716 = tpu.vector_load %arg6[%parallel_loop3A_714, %parallel_loop3A_715] {strides = array<i32>} : memref<128x128xf32, #tpu.memory_space<vmem>>, vector<1x16xf32>,
        %parallel_loop3A_717 = vector.shape_cast %parallel_loop3A_716 : vector<1x16xf32> to vector<16xf32>
        %parallel_loop3A_718 = vector.shape_cast %parallel_loop3A_713 : vector<16xf32> to vector<1x16xf32>
        tpu.vector_store %arg6[%parallel_loop3A_714, %parallel_loop3A_715], %parallel_loop3A_718 {strides = array<i32>} : memref<128x128xf32, #tpu.memory_space<vmem>>, vector<1x16xf32>,
        %parallel_loop3A_719 = arith.index_cast %parallel_loop3A_670 : i32 to index
        %parallel_loop3A_720 = arith.constant 64 : index
        %parallel_loop3A_721 = tpu.vector_load %arg6[%parallel_loop3A_719, %parallel_loop3A_720] {strides = array<i32>} : memref<128x128xf32, #tpu.memory_space<vmem>>, vector<1x16xf32>,
        %parallel_loop3A_722 = vector.shape_cast %parallel_loop3A_721 : vector<1x16xf32> to vector<16xf32>
        %parallel_loop3A_723 = arith.constant 11.3137083 : f32
        %parallel_loop3A_724 = vector.broadcast %parallel_loop3A_723 : f32 to vector<16xf32>
        %parallel_loop3A_725 = arith.mulf %parallel_loop3A_722, %parallel_loop3A_724 : vector<16xf32>
        %parallel_loop3A_726 = arith.index_cast %parallel_loop3A_670 : i32 to index
        %parallel_loop3A_727 = arith.constant 64 : index
        %parallel_loop3A_728 = tpu.vector_load %arg6[%parallel_loop3A_726, %parallel_loop3A_727] {strides = array<i32>} : memref<128x128xf32, #tpu.memory_space<vmem>>, vector<1x16xf32>,
        %parallel_loop3A_729 = vector.shape_cast %parallel_loop3A_728 : vector<1x16xf32> to vector<16xf32>
        %parallel_loop3A_730 = vector.shape_cast %parallel_loop3A_725 : vector<16xf32> to vector<1x16xf32>
        tpu.vector_store %arg6[%parallel_loop3A_726, %parallel_loop3A_727], %parallel_loop3A_730 {strides = array<i32>} : memref<128x128xf32, #tpu.memory_space<vmem>>, vector<1x16xf32>,
        %parallel_loop3A_731 = arith.index_cast %parallel_loop3A_670 : i32 to index
        %parallel_loop3A_732 = arith.constant 80 : index
        %parallel_loop3A_733 = tpu.vector_load %arg6[%parallel_loop3A_731, %parallel_loop3A_732] {strides = array<i32>} : memref<128x128xf32, #tpu.memory_space<vmem>>, vector<1x16xf32>,
        %parallel_loop3A_734 = vector.shape_cast %parallel_loop3A_733 : vector<1x16xf32> to vector<16xf32>
        %parallel_loop3A_735 = arith.constant 11.3137083 : f32
        %parallel_loop3A_736 = vector.broadcast %parallel_loop3A_735 : f32 to vector<16xf32>
        %parallel_loop3A_737 = arith.mulf %parallel_loop3A_734, %parallel_loop3A_736 : vector<16xf32>
        %parallel_loop3A_738 = arith.index_cast %parallel_loop3A_670 : i32 to index
        %parallel_loop3A_739 = arith.constant 80 : index
        %parallel_loop3A_740 = tpu.vector_load %arg6[%parallel_loop3A_738, %parallel_loop3A_739] {strides = array<i32>} : memref<128x128xf32, #tpu.memory_space<vmem>>, vector<1x16xf32>,
        %parallel_loop3A_741 = vector.shape_cast %parallel_loop3A_740 : vector<1x16xf32> to vector<16xf32>
        %parallel_loop3A_742 = vector.shape_cast %parallel_loop3A_737 : vector<16xf32> to vector<1x16xf32>
        tpu.vector_store %arg6[%parallel_loop3A_738, %parallel_loop3A_739], %parallel_loop3A_742 {strides = array<i32>} : memref<128x128xf32, #tpu.memory_space<vmem>>, vector<1x16xf32>,
        %parallel_loop3A_743 = arith.index_cast %parallel_loop3A_670 : i32 to index
        %parallel_loop3A_744 = arith.constant 96 : index
        %parallel_loop3A_745 = tpu.vector_load %arg6[%parallel_loop3A_743, %parallel_loop3A_744] {strides = array<i32>} : memref<128x128xf32, #tpu.memory_space<vmem>>, vector<1x16xf32>,
        %parallel_loop3A_746 = vector.shape_cast %parallel_loop3A_745 : vector<1x16xf32> to vector<16xf32>
        %parallel_loop3A_747 = arith.constant 11.3137083 : f32
        %parallel_loop3A_748 = vector.broadcast %parallel_loop3A_747 : f32 to vector<16xf32>
        %parallel_loop3A_749 = arith.mulf %parallel_loop3A_746, %parallel_loop3A_748 : vector<16xf32>
        %parallel_loop3A_750 = arith.index_cast %parallel_loop3A_670 : i32 to index
        %parallel_loop3A_751 = arith.constant 96 : index
        %parallel_loop3A_752 = tpu.vector_load %arg6[%parallel_loop3A_750, %parallel_loop3A_751] {strides = array<i32>} : memref<128x128xf32, #tpu.memory_space<vmem>>, vector<1x16xf32>,
        %parallel_loop3A_753 = vector.shape_cast %parallel_loop3A_752 : vector<1x16xf32> to vector<16xf32>
        %parallel_loop3A_754 = vector.shape_cast %parallel_loop3A_749 : vector<16xf32> to vector<1x16xf32>
        tpu.vector_store %arg6[%parallel_loop3A_750, %parallel_loop3A_751], %parallel_loop3A_754 {strides = array<i32>} : memref<128x128xf32, #tpu.memory_space<vmem>>, vector<1x16xf32>,
        %parallel_loop3A_755 = arith.index_cast %parallel_loop3A_670 : i32 to index
        %parallel_loop3A_756 = arith.constant 112 : index
        %parallel_loop3A_757 = tpu.vector_load %arg6[%parallel_loop3A_755, %parallel_loop3A_756] {strides = array<i32>} : memref<128x128xf32, #tpu.memory_space<vmem>>, vector<1x16xf32>,
        %parallel_loop3A_758 = vector.shape_cast %parallel_loop3A_757 : vector<1x16xf32> to vector<16xf32>
        %parallel_loop3A_759 = arith.constant 11.3137083 : f32
        %parallel_loop3A_760 = vector.broadcast %parallel_loop3A_759 : f32 to vector<16xf32>
        %parallel_loop3A_761 = arith.mulf %parallel_loop3A_758, %parallel_loop3A_760 : vector<16xf32>
        %parallel_loop3A_762 = arith.index_cast %parallel_loop3A_670 : i32 to index
        %parallel_loop3A_763 = arith.constant 112 : index
        %parallel_loop3A_764 = tpu.vector_load %arg6[%parallel_loop3A_762, %parallel_loop3A_763] {strides = array<i32>} : memref<128x128xf32, #tpu.memory_space<vmem>>, vector<1x16xf32>,
        %parallel_loop3A_765 = vector.shape_cast %parallel_loop3A_764 : vector<1x16xf32> to vector<16xf32>
        %parallel_loop3A_766 = vector.shape_cast %parallel_loop3A_761 : vector<16xf32> to vector<1x16xf32>
        tpu.vector_store %arg6[%parallel_loop3A_762, %parallel_loop3A_763], %parallel_loop3A_766 {strides = array<i32>} : memref<128x128xf32, #tpu.memory_space<vmem>>, vector<1x16xf32>,
      } {sc.loop_unroll_factor = 4 : i64, sc.parallel_access}
      %mul3A_432 = arith.constant 128 : i32
      %mul3A_433 = arith.muli %add3A_419, %mul3A_432 : i32
      %add3A_434 = arith.addi %mul3A_2, %mul3A_433 : i32
      %dma_start3A_435 = arith.constant 0 : i32
      %dma_start3A_436 = arith.constant 0 : i32
      %dma_start3A_437 = tpu.memref_slice %arg4[%add3A_434, %dma_start3A_436] : memref<204800x128xf32, #tpu.memory_space<hbm>> -> memref<128x128xf32, #tpu.memory_space<hbm>>
      %dma_start3A_438 = tpu.memref_slice %arg12[%dma_start3A_435] : memref<5x!tpu.dma_semaphore, #tpu.memory_space<semaphore_mem>> -> memref<1x!tpu.dma_semaphore, #tpu.memory_space<semaphore_mem>>
      %dma_start3A_439 = tpu.memref_squeeze %dma_start3A_438 : memref<1x!tpu.dma_semaphore, #tpu.memory_space<semaphore_mem>> -> memref<!tpu.dma_semaphore, #tpu.memory_space<semaphore_mem>>
      %dma_start3A_440 = arith.constant 0 : i32
      %dma_start3A_441 = tpu.memref_slice %arg4[%add3A_434, %dma_start3A_440] : memref<204800x128xf32, #tpu.memory_space<hbm>> -> memref<128x128xf32, #tpu.memory_space<hbm>>
      tpu.enqueue_dma source(%arg6 : memref<128x128xf32, #tpu.memory_space<vmem>>) target(%dma_start3A_441 : memref<128x128xf32, #tpu.memory_space<hbm>>) target_semaphore(%dma_start3A_439 : memref<!tpu.dma_semaphore, #tpu.memory_space<semaphore_mem>>)
      %sub3A = arith.constant 1 : i32
      %sub3A_442 = arith.subi %add3A_419, %sub3A : i32
      %mul3A_443 = arith.constant 128 : i32
      %mul3A_444 = arith.muli %sub3A_442, %mul3A_443 : i32
      %add3A_445 = arith.addi %mul3A_2, %mul3A_444 : i32
      %dma_wait3A_446 = arith.constant 4 : i32
      %dma_wait3A_447 = arith.constant 0 : i32
      %dma_wait3A_448 = tpu.memref_slice %arg4[%add3A_445, %dma_wait3A_447] : memref<204800x128xf32, #tpu.memory_space<hbm>> -> memref<128x128xf32, #tpu.memory_space<hbm>>
      %dma_wait3A_449 = tpu.memref_slice %arg12[%dma_wait3A_446] : memref<5x!tpu.dma_semaphore, #tpu.memory_space<semaphore_mem>> -> memref<1x!tpu.dma_semaphore, #tpu.memory_space<semaphore_mem>>
      %dma_wait3A_450 = tpu.memref_squeeze %dma_wait3A_449 : memref<1x!tpu.dma_semaphore, #tpu.memory_space<semaphore_mem>> -> memref<!tpu.dma_semaphore, #tpu.memory_space<semaphore_mem>>
      %dma_wait3A_451 = arith.constant 0 : i32
      %dma_wait3A_452 = tpu.memref_slice %arg4[%add3A_445, %dma_wait3A_451] : memref<204800x128xf32, #tpu.memory_space<hbm>> -> memref<128x128xf32, #tpu.memory_space<hbm>>
      tpu.wait_dma2 semaphore(%dma_wait3A_450 : memref<!tpu.dma_semaphore, #tpu.memory_space<semaphore_mem>>) src(%arg10 : memref<128x128xf32, #tpu.memory_space<vmem>>) dst(%dma_wait3A_452 : memref<128x128xf32, #tpu.memory_space<hbm>>)
      %add3A_453 = arith.constant 5 : i32
      %add3A_454 = arith.addi %add3A_419, %add3A_453 : i32
      %sub3A_455 = arith.constant 1 : i32
      %sub3A_456 = arith.subi %add3A_454, %sub3A_455 : i32
      %dma_start3A_457 = arith.constant 4 : i32
      %dma_start3A_458 = arith.constant 0 : i32
      %dma_start3A_459 = tpu.memref_slice %arg5[%sub3A_456, %dma_start3A_458] : memref<50x128xi32, #tpu.memory_space<vmem>> -> memref<1x128xi32, #tpu.memory_space<vmem>>
      %dma_start3A_460 = tpu.memref_squeeze %dma_start3A_459 : memref<1x128xi32, #tpu.memory_space<vmem>> -> memref<128xi32, #tpu.memory_space<vmem>>
      %dma_start3A_461 = arith.constant 0 : i32
      %dma_start3A_462 = arith.constant 0 : i32
      %dma_start3A_463 = tpu.memref_slice %arg2[%dma_start3A_461, %dma_start3A_462] : memref<100000x128xf32, #tpu.memory_space<hbm>> -> memref<100000x128xf32, #tpu.memory_space<hbm>>
      %dma_start3A_464 = tpu.memref_slice %arg11[%dma_start3A_457] : memref<5x!tpu.dma_semaphore, #tpu.memory_space<semaphore_mem>> -> memref<1x!tpu.dma_semaphore, #tpu.memory_space<semaphore_mem>>
      %dma_start3A_465 = tpu.memref_squeeze %dma_start3A_464 : memref<1x!tpu.dma_semaphore, #tpu.memory_space<semaphore_mem>> -> memref<!tpu.dma_semaphore, #tpu.memory_space<semaphore_mem>>
      tpu.enqueue_indirect_dma source(%dma_start3A_463 : memref<100000x128xf32, #tpu.memory_space<hbm>>) target(%arg10 : memref<128x128xf32, #tpu.memory_space<vmem>>) offsets(%dma_start3A_460 : memref<128xi32, #tpu.memory_space<vmem>>) semaphore(%dma_start3A_465 : memref<!tpu.dma_semaphore, #tpu.memory_space<semaphore_mem>>)
      %mul3A_466 = arith.constant 5 : i32
      %mul3A_467 = arith.muli %mul3A_466, %scan3A_415 : i32
      %add3A_468 = arith.constant 1 : i32
      %add3A_469 = arith.addi %mul3A_467, %add3A_468 : i32
      %dma_wait3A_470 = arith.constant 1 : i32
      %dma_wait3A_471 = arith.constant 0 : i32
      %dma_wait3A_472 = tpu.memref_slice %arg5[%add3A_469, %dma_wait3A_471] : memref<50x128xi32, #tpu.memory_space<vmem>> -> memref<1x128xi32, #tpu.memory_space<vmem>>
      %dma_wait3A_473 = tpu.memref_squeeze %dma_wait3A_472 : memref<1x128xi32, #tpu.memory_space<vmem>> -> memref<128xi32, #tpu.memory_space<vmem>>
      %dma_wait3A_474 = arith.constant 0 : i32
      %dma_wait3A_475 = arith.constant 0 : i32
      %dma_wait3A_476 = tpu.memref_slice %arg2[%dma_wait3A_474, %dma_wait3A_475] : memref<100000x128xf32, #tpu.memory_space<hbm>> -> memref<100000x128xf32, #tpu.memory_space<hbm>>
      %dma_wait3A_477 = tpu.memref_slice %arg11[%dma_wait3A_470] : memref<5x!tpu.dma_semaphore, #tpu.memory_space<semaphore_mem>> -> memref<1x!tpu.dma_semaphore, #tpu.memory_space<semaphore_mem>>
      %dma_wait3A_478 = tpu.memref_squeeze %dma_wait3A_477 : memref<1x!tpu.dma_semaphore, #tpu.memory_space<semaphore_mem>> -> memref<!tpu.dma_semaphore, #tpu.memory_space<semaphore_mem>>
      tpu.wait_indirect_dma semaphore(%dma_wait3A_478 : memref<!tpu.dma_semaphore, #tpu.memory_space<semaphore_mem>>) src(%dma_wait3A_476 : memref<100000x128xf32, #tpu.memory_space<hbm>>) dst(%arg7 : memref<128x128xf32, #tpu.memory_space<vmem>>)
      %parallel_loop3A_479 = arith.constant 0 : i32
      %parallel_loop3A_480 = arith.constant 128 : i32
      %parallel_loop3A_481 = arith.constant 1 : i32
      scf.for %parallel_loop3A_670 = %parallel_loop3A_479 to %parallel_loop3A_480 step %parallel_loop3A_481  : i32 {
        %parallel_loop3A_671 = arith.index_cast %parallel_loop3A_670 : i32 to index
        %parallel_loop3A_672 = arith.constant 0 : index
        %parallel_loop3A_673 = tpu.vector_load %arg7[%parallel_loop3A_671, %parallel_loop3A_672] {strides = array<i32>} : memref<128x128xf32, #tpu.memory_space<vmem>>, vector<1x16xf32>,
        %parallel_loop3A_674 = vector.shape_cast %parallel_loop3A_673 : vector<1x16xf32> to vector<16xf32>
        %parallel_loop3A_675 = arith.constant 11.3137083 : f32
        %parallel_loop3A_676 = vector.broadcast %parallel_loop3A_675 : f32 to vector<16xf32>
        %parallel_loop3A_677 = arith.mulf %parallel_loop3A_674, %parallel_loop3A_676 : vector<16xf32>
        %parallel_loop3A_678 = arith.index_cast %parallel_loop3A_670 : i32 to index
        %parallel_loop3A_679 = arith.constant 0 : index
        %parallel_loop3A_680 = tpu.vector_load %arg7[%parallel_loop3A_678, %parallel_loop3A_679] {strides = array<i32>} : memref<128x128xf32, #tpu.memory_space<vmem>>, vector<1x16xf32>,
        %parallel_loop3A_681 = vector.shape_cast %parallel_loop3A_680 : vector<1x16xf32> to vector<16xf32>
        %parallel_loop3A_682 = vector.shape_cast %parallel_loop3A_677 : vector<16xf32> to vector<1x16xf32>
        tpu.vector_store %arg7[%parallel_loop3A_678, %parallel_loop3A_679], %parallel_loop3A_682 {strides = array<i32>} : memref<128x128xf32, #tpu.memory_space<vmem>>, vector<1x16xf32>,
        %parallel_loop3A_683 = arith.index_cast %parallel_loop3A_670 : i32 to index
        %parallel_loop3A_684 = arith.constant 16 : index
        %parallel_loop3A_685 = tpu.vector_load %arg7[%parallel_loop3A_683, %parallel_loop3A_684] {strides = array<i32>} : memref<128x128xf32, #tpu.memory_space<vmem>>, vector<1x16xf32>,
        %parallel_loop3A_686 = vector.shape_cast %parallel_loop3A_685 : vector<1x16xf32> to vector<16xf32>
        %parallel_loop3A_687 = arith.constant 11.3137083 : f32
        %parallel_loop3A_688 = vector.broadcast %parallel_loop3A_687 : f32 to vector<16xf32>
        %parallel_loop3A_689 = arith.mulf %parallel_loop3A_686, %parallel_loop3A_688 : vector<16xf32>
        %parallel_loop3A_690 = arith.index_cast %parallel_loop3A_670 : i32 to index
        %parallel_loop3A_691 = arith.constant 16 : index
        %parallel_loop3A_692 = tpu.vector_load %arg7[%parallel_loop3A_690, %parallel_loop3A_691] {strides = array<i32>} : memref<128x128xf32, #tpu.memory_space<vmem>>, vector<1x16xf32>,
        %parallel_loop3A_693 = vector.shape_cast %parallel_loop3A_692 : vector<1x16xf32> to vector<16xf32>
        %parallel_loop3A_694 = vector.shape_cast %parallel_loop3A_689 : vector<16xf32> to vector<1x16xf32>
        tpu.vector_store %arg7[%parallel_loop3A_690, %parallel_loop3A_691], %parallel_loop3A_694 {strides = array<i32>} : memref<128x128xf32, #tpu.memory_space<vmem>>, vector<1x16xf32>,
        %parallel_loop3A_695 = arith.index_cast %parallel_loop3A_670 : i32 to index
        %parallel_loop3A_696 = arith.constant 32 : index
        %parallel_loop3A_697 = tpu.vector_load %arg7[%parallel_loop3A_695, %parallel_loop3A_696] {strides = array<i32>} : memref<128x128xf32, #tpu.memory_space<vmem>>, vector<1x16xf32>,
        %parallel_loop3A_698 = vector.shape_cast %parallel_loop3A_697 : vector<1x16xf32> to vector<16xf32>
        %parallel_loop3A_699 = arith.constant 11.3137083 : f32
        %parallel_loop3A_700 = vector.broadcast %parallel_loop3A_699 : f32 to vector<16xf32>
        %parallel_loop3A_701 = arith.mulf %parallel_loop3A_698, %parallel_loop3A_700 : vector<16xf32>
        %parallel_loop3A_702 = arith.index_cast %parallel_loop3A_670 : i32 to index
        %parallel_loop3A_703 = arith.constant 32 : index
        %parallel_loop3A_704 = tpu.vector_load %arg7[%parallel_loop3A_702, %parallel_loop3A_703] {strides = array<i32>} : memref<128x128xf32, #tpu.memory_space<vmem>>, vector<1x16xf32>,
        %parallel_loop3A_705 = vector.shape_cast %parallel_loop3A_704 : vector<1x16xf32> to vector<16xf32>
        %parallel_loop3A_706 = vector.shape_cast %parallel_loop3A_701 : vector<16xf32> to vector<1x16xf32>
        tpu.vector_store %arg7[%parallel_loop3A_702, %parallel_loop3A_703], %parallel_loop3A_706 {strides = array<i32>} : memref<128x128xf32, #tpu.memory_space<vmem>>, vector<1x16xf32>,
        %parallel_loop3A_707 = arith.index_cast %parallel_loop3A_670 : i32 to index
        %parallel_loop3A_708 = arith.constant 48 : index
        %parallel_loop3A_709 = tpu.vector_load %arg7[%parallel_loop3A_707, %parallel_loop3A_708] {strides = array<i32>} : memref<128x128xf32, #tpu.memory_space<vmem>>, vector<1x16xf32>,
        %parallel_loop3A_710 = vector.shape_cast %parallel_loop3A_709 : vector<1x16xf32> to vector<16xf32>
        %parallel_loop3A_711 = arith.constant 11.3137083 : f32
        %parallel_loop3A_712 = vector.broadcast %parallel_loop3A_711 : f32 to vector<16xf32>
        %parallel_loop3A_713 = arith.mulf %parallel_loop3A_710, %parallel_loop3A_712 : vector<16xf32>
        %parallel_loop3A_714 = arith.index_cast %parallel_loop3A_670 : i32 to index
        %parallel_loop3A_715 = arith.constant 48 : index
        %parallel_loop3A_716 = tpu.vector_load %arg7[%parallel_loop3A_714, %parallel_loop3A_715] {strides = array<i32>} : memref<128x128xf32, #tpu.memory_space<vmem>>, vector<1x16xf32>,
        %parallel_loop3A_717 = vector.shape_cast %parallel_loop3A_716 : vector<1x16xf32> to vector<16xf32>
        %parallel_loop3A_718 = vector.shape_cast %parallel_loop3A_713 : vector<16xf32> to vector<1x16xf32>
        tpu.vector_store %arg7[%parallel_loop3A_714, %parallel_loop3A_715], %parallel_loop3A_718 {strides = array<i32>} : memref<128x128xf32, #tpu.memory_space<vmem>>, vector<1x16xf32>,
        %parallel_loop3A_719 = arith.index_cast %parallel_loop3A_670 : i32 to index
        %parallel_loop3A_720 = arith.constant 64 : index
        %parallel_loop3A_721 = tpu.vector_load %arg7[%parallel_loop3A_719, %parallel_loop3A_720] {strides = array<i32>} : memref<128x128xf32, #tpu.memory_space<vmem>>, vector<1x16xf32>,
        %parallel_loop3A_722 = vector.shape_cast %parallel_loop3A_721 : vector<1x16xf32> to vector<16xf32>
        %parallel_loop3A_723 = arith.constant 11.3137083 : f32
        %parallel_loop3A_724 = vector.broadcast %parallel_loop3A_723 : f32 to vector<16xf32>
        %parallel_loop3A_725 = arith.mulf %parallel_loop3A_722, %parallel_loop3A_724 : vector<16xf32>
        %parallel_loop3A_726 = arith.index_cast %parallel_loop3A_670 : i32 to index
        %parallel_loop3A_727 = arith.constant 64 : index
        %parallel_loop3A_728 = tpu.vector_load %arg7[%parallel_loop3A_726, %parallel_loop3A_727] {strides = array<i32>} : memref<128x128xf32, #tpu.memory_space<vmem>>, vector<1x16xf32>,
        %parallel_loop3A_729 = vector.shape_cast %parallel_loop3A_728 : vector<1x16xf32> to vector<16xf32>
        %parallel_loop3A_730 = vector.shape_cast %parallel_loop3A_725 : vector<16xf32> to vector<1x16xf32>
        tpu.vector_store %arg7[%parallel_loop3A_726, %parallel_loop3A_727], %parallel_loop3A_730 {strides = array<i32>} : memref<128x128xf32, #tpu.memory_space<vmem>>, vector<1x16xf32>,
        %parallel_loop3A_731 = arith.index_cast %parallel_loop3A_670 : i32 to index
        %parallel_loop3A_732 = arith.constant 80 : index
        %parallel_loop3A_733 = tpu.vector_load %arg7[%parallel_loop3A_731, %parallel_loop3A_732] {strides = array<i32>} : memref<128x128xf32, #tpu.memory_space<vmem>>, vector<1x16xf32>,
        %parallel_loop3A_734 = vector.shape_cast %parallel_loop3A_733 : vector<1x16xf32> to vector<16xf32>
        %parallel_loop3A_735 = arith.constant 11.3137083 : f32
        %parallel_loop3A_736 = vector.broadcast %parallel_loop3A_735 : f32 to vector<16xf32>
        %parallel_loop3A_737 = arith.mulf %parallel_loop3A_734, %parallel_loop3A_736 : vector<16xf32>
        %parallel_loop3A_738 = arith.index_cast %parallel_loop3A_670 : i32 to index
        %parallel_loop3A_739 = arith.constant 80 : index
        %parallel_loop3A_740 = tpu.vector_load %arg7[%parallel_loop3A_738, %parallel_loop3A_739] {strides = array<i32>} : memref<128x128xf32, #tpu.memory_space<vmem>>, vector<1x16xf32>,
        %parallel_loop3A_741 = vector.shape_cast %parallel_loop3A_740 : vector<1x16xf32> to vector<16xf32>
        %parallel_loop3A_742 = vector.shape_cast %parallel_loop3A_737 : vector<16xf32> to vector<1x16xf32>
        tpu.vector_store %arg7[%parallel_loop3A_738, %parallel_loop3A_739], %parallel_loop3A_742 {strides = array<i32>} : memref<128x128xf32, #tpu.memory_space<vmem>>, vector<1x16xf32>,
        %parallel_loop3A_743 = arith.index_cast %parallel_loop3A_670 : i32 to index
        %parallel_loop3A_744 = arith.constant 96 : index
        %parallel_loop3A_745 = tpu.vector_load %arg7[%parallel_loop3A_743, %parallel_loop3A_744] {strides = array<i32>} : memref<128x128xf32, #tpu.memory_space<vmem>>, vector<1x16xf32>,
        %parallel_loop3A_746 = vector.shape_cast %parallel_loop3A_745 : vector<1x16xf32> to vector<16xf32>
        %parallel_loop3A_747 = arith.constant 11.3137083 : f32
        %parallel_loop3A_748 = vector.broadcast %parallel_loop3A_747 : f32 to vector<16xf32>
        %parallel_loop3A_749 = arith.mulf %parallel_loop3A_746, %parallel_loop3A_748 : vector<16xf32>
        %parallel_loop3A_750 = arith.index_cast %parallel_loop3A_670 : i32 to index
        %parallel_loop3A_751 = arith.constant 96 : index
        %parallel_loop3A_752 = tpu.vector_load %arg7[%parallel_loop3A_750, %parallel_loop3A_751] {strides = array<i32>} : memref<128x128xf32, #tpu.memory_space<vmem>>, vector<1x16xf32>,
        %parallel_loop3A_753 = vector.shape_cast %parallel_loop3A_752 : vector<1x16xf32> to vector<16xf32>
        %parallel_loop3A_754 = vector.shape_cast %parallel_loop3A_749 : vector<16xf32> to vector<1x16xf32>
        tpu.vector_store %arg7[%parallel_loop3A_750, %parallel_loop3A_751], %parallel_loop3A_754 {strides = array<i32>} : memref<128x128xf32, #tpu.memory_space<vmem>>, vector<1x16xf32>,
        %parallel_loop3A_755 = arith.index_cast %parallel_loop3A_670 : i32 to index
        %parallel_loop3A_756 = arith.constant 112 : index
        %parallel_loop3A_757 = tpu.vector_load %arg7[%parallel_loop3A_755, %parallel_loop3A_756] {strides = array<i32>} : memref<128x128xf32, #tpu.memory_space<vmem>>, vector<1x16xf32>,
        %parallel_loop3A_758 = vector.shape_cast %parallel_loop3A_757 : vector<1x16xf32> to vector<16xf32>
        %parallel_loop3A_759 = arith.constant 11.3137083 : f32
        %parallel_loop3A_760 = vector.broadcast %parallel_loop3A_759 : f32 to vector<16xf32>
        %parallel_loop3A_761 = arith.mulf %parallel_loop3A_758, %parallel_loop3A_760 : vector<16xf32>
        %parallel_loop3A_762 = arith.index_cast %parallel_loop3A_670 : i32 to index
        %parallel_loop3A_763 = arith.constant 112 : index
        %parallel_loop3A_764 = tpu.vector_load %arg7[%parallel_loop3A_762, %parallel_loop3A_763] {strides = array<i32>} : memref<128x128xf32, #tpu.memory_space<vmem>>, vector<1x16xf32>,
        %parallel_loop3A_765 = vector.shape_cast %parallel_loop3A_764 : vector<1x16xf32> to vector<16xf32>
        %parallel_loop3A_766 = vector.shape_cast %parallel_loop3A_761 : vector<16xf32> to vector<1x16xf32>
        tpu.vector_store %arg7[%parallel_loop3A_762, %parallel_loop3A_763], %parallel_loop3A_766 {strides = array<i32>} : memref<128x128xf32, #tpu.memory_space<vmem>>, vector<1x16xf32>,
      } {sc.loop_unroll_factor = 4 : i64, sc.parallel_access}
      %mul3A_482 = arith.constant 128 : i32
      %mul3A_483 = arith.muli %add3A_469, %mul3A_482 : i32
      %add3A_484 = arith.addi %mul3A_2, %mul3A_483 : i32
      %dma_start3A_485 = arith.constant 1 : i32
      %dma_start3A_486 = arith.constant 0 : i32
      %dma_start3A_487 = tpu.memref_slice %arg4[%add3A_484, %dma_start3A_486] : memref<204800x128xf32, #tpu.memory_space<hbm>> -> memref<128x128xf32, #tpu.memory_space<hbm>>
      %dma_start3A_488 = tpu.memref_slice %arg12[%dma_start3A_485] : memref<5x!tpu.dma_semaphore, #tpu.memory_space<semaphore_mem>> -> memref<1x!tpu.dma_semaphore, #tpu.memory_space<semaphore_mem>>
      %dma_start3A_489 = tpu.memref_squeeze %dma_start3A_488 : memref<1x!tpu.dma_semaphore, #tpu.memory_space<semaphore_mem>> -> memref<!tpu.dma_semaphore, #tpu.memory_space<semaphore_mem>>
      %dma_start3A_490 = arith.constant 0 : i32
      %dma_start3A_491 = tpu.memref_slice %arg4[%add3A_484, %dma_start3A_490] : memref<204800x128xf32, #tpu.memory_space<hbm>> -> memref<128x128xf32, #tpu.memory_space<hbm>>
      tpu.enqueue_dma source(%arg7 : memref<128x128xf32, #tpu.memory_space<vmem>>) target(%dma_start3A_491 : memref<128x128xf32, #tpu.memory_space<hbm>>) target_semaphore(%dma_start3A_489 : memref<!tpu.dma_semaphore, #tpu.memory_space<semaphore_mem>>)
      %sub3A_492 = arith.constant 1 : i32
      %sub3A_493 = arith.subi %add3A_469, %sub3A_492 : i32
      %mul3A_494 = arith.constant 128 : i32
      %mul3A_495 = arith.muli %sub3A_493, %mul3A_494 : i32
      %add3A_496 = arith.addi %mul3A_2, %mul3A_495 : i32
      %dma_wait3A_497 = arith.constant 0 : i32
      %dma_wait3A_498 = arith.constant 0 : i32
      %dma_wait3A_499 = tpu.memref_slice %arg4[%add3A_496, %dma_wait3A_498] : memref<204800x128xf32, #tpu.memory_space<hbm>> -> memref<128x128xf32, #tpu.memory_space<hbm>>
      %dma_wait3A_500 = tpu.memref_slice %arg12[%dma_wait3A_497] : memref<5x!tpu.dma_semaphore, #tpu.memory_space<semaphore_mem>> -> memref<1x!tpu.dma_semaphore, #tpu.memory_space<semaphore_mem>>
      %dma_wait3A_501 = tpu.memref_squeeze %dma_wait3A_500 : memref<1x!tpu.dma_semaphore, #tpu.memory_space<semaphore_mem>> -> memref<!tpu.dma_semaphore, #tpu.memory_space<semaphore_mem>>
      %dma_wait3A_502 = arith.constant 0 : i32
      %dma_wait3A_503 = tpu.memref_slice %arg4[%add3A_496, %dma_wait3A_502] : memref<204800x128xf32, #tpu.memory_space<hbm>> -> memref<128x128xf32, #tpu.memory_space<hbm>>
      tpu.wait_dma2 semaphore(%dma_wait3A_501 : memref<!tpu.dma_semaphore, #tpu.memory_space<semaphore_mem>>) src(%arg6 : memref<128x128xf32, #tpu.memory_space<vmem>>) dst(%dma_wait3A_503 : memref<128x128xf32, #tpu.memory_space<hbm>>)
      %add3A_504 = arith.constant 5 : i32
      %add3A_505 = arith.addi %add3A_469, %add3A_504 : i32
      %sub3A_506 = arith.constant 1 : i32
      %sub3A_507 = arith.subi %add3A_505, %sub3A_506 : i32
      %dma_start3A_508 = arith.constant 0 : i32
      %dma_start3A_509 = arith.constant 0 : i32
      %dma_start3A_510 = tpu.memref_slice %arg5[%sub3A_507, %dma_start3A_509] : memref<50x128xi32, #tpu.memory_space<vmem>> -> memref<1x128xi32, #tpu.memory_space<vmem>>
      %dma_start3A_511 = tpu.memref_squeeze %dma_start3A_510 : memref<1x128xi32, #tpu.memory_space<vmem>> -> memref<128xi32, #tpu.memory_space<vmem>>
      %dma_start3A_512 = arith.constant 0 : i32
      %dma_start3A_513 = arith.constant 0 : i32
      %dma_start3A_514 = tpu.memref_slice %arg2[%dma_start3A_512, %dma_start3A_513] : memref<100000x128xf32, #tpu.memory_space<hbm>> -> memref<100000x128xf32, #tpu.memory_space<hbm>>
      %dma_start3A_515 = tpu.memref_slice %arg11[%dma_start3A_508] : memref<5x!tpu.dma_semaphore, #tpu.memory_space<semaphore_mem>> -> memref<1x!tpu.dma_semaphore, #tpu.memory_space<semaphore_mem>>
      %dma_start3A_516 = tpu.memref_squeeze %dma_start3A_515 : memref<1x!tpu.dma_semaphore, #tpu.memory_space<semaphore_mem>> -> memref<!tpu.dma_semaphore, #tpu.memory_space<semaphore_mem>>
      tpu.enqueue_indirect_dma source(%dma_start3A_514 : memref<100000x128xf32, #tpu.memory_space<hbm>>) target(%arg6 : memref<128x128xf32, #tpu.memory_space<vmem>>) offsets(%dma_start3A_511 : memref<128xi32, #tpu.memory_space<vmem>>) semaphore(%dma_start3A_516 : memref<!tpu.dma_semaphore, #tpu.memory_space<semaphore_mem>>)
      %mul3A_517 = arith.constant 5 : i32
      %mul3A_518 = arith.muli %mul3A_517, %scan3A_415 : i32
      %add3A_519 = arith.constant 2 : i32
      %add3A_520 = arith.addi %mul3A_518, %add3A_519 : i32
      %dma_wait3A_521 = arith.constant 2 : i32
      %dma_wait3A_522 = arith.constant 0 : i32
      %dma_wait3A_523 = tpu.memref_slice %arg5[%add3A_520, %dma_wait3A_522] : memref<50x128xi32, #tpu.memory_space<vmem>> -> memref<1x128xi32, #tpu.memory_space<vmem>>
      %dma_wait3A_524 = tpu.memref_squeeze %dma_wait3A_523 : memref<1x128xi32, #tpu.memory_space<vmem>> -> memref<128xi32, #tpu.memory_space<vmem>>
      %dma_wait3A_525 = arith.constant 0 : i32
      %dma_wait3A_526 = arith.constant 0 : i32
      %dma_wait3A_527 = tpu.memref_slice %arg2[%dma_wait3A_525, %dma_wait3A_526] : memref<100000x128xf32, #tpu.memory_space<hbm>> -> memref<100000x128xf32, #tpu.memory_space<hbm>>
      %dma_wait3A_528 = tpu.memref_slice %arg11[%dma_wait3A_521] : memref<5x!tpu.dma_semaphore, #tpu.memory_space<semaphore_mem>> -> memref<1x!tpu.dma_semaphore, #tpu.memory_space<semaphore_mem>>
      %dma_wait3A_529 = tpu.memref_squeeze %dma_wait3A_528 : memref<1x!tpu.dma_semaphore, #tpu.memory_space<semaphore_mem>> -> memref<!tpu.dma_semaphore, #tpu.memory_space<semaphore_mem>>
      tpu.wait_indirect_dma semaphore(%dma_wait3A_529 : memref<!tpu.dma_semaphore, #tpu.memory_space<semaphore_mem>>) src(%dma_wait3A_527 : memref<100000x128xf32, #tpu.memory_space<hbm>>) dst(%arg8 : memref<128x128xf32, #tpu.memory_space<vmem>>)
      %parallel_loop3A_530 = arith.constant 0 : i32
      %parallel_loop3A_531 = arith.constant 128 : i32
      %parallel_loop3A_532 = arith.constant 1 : i32
      scf.for %parallel_loop3A_670 = %parallel_loop3A_530 to %parallel_loop3A_531 step %parallel_loop3A_532  : i32 {
        %parallel_loop3A_671 = arith.index_cast %parallel_loop3A_670 : i32 to index
        %parallel_loop3A_672 = arith.constant 0 : index
        %parallel_loop3A_673 = tpu.vector_load %arg8[%parallel_loop3A_671, %parallel_loop3A_672] {strides = array<i32>} : memref<128x128xf32, #tpu.memory_space<vmem>>, vector<1x16xf32>,
        %parallel_loop3A_674 = vector.shape_cast %parallel_loop3A_673 : vector<1x16xf32> to vector<16xf32>
        %parallel_loop3A_675 = arith.constant 11.3137083 : f32
        %parallel_loop3A_676 = vector.broadcast %parallel_loop3A_675 : f32 to vector<16xf32>
        %parallel_loop3A_677 = arith.mulf %parallel_loop3A_674, %parallel_loop3A_676 : vector<16xf32>
        %parallel_loop3A_678 = arith.index_cast %parallel_loop3A_670 : i32 to index
        %parallel_loop3A_679 = arith.constant 0 : index
        %parallel_loop3A_680 = tpu.vector_load %arg8[%parallel_loop3A_678, %parallel_loop3A_679] {strides = array<i32>} : memref<128x128xf32, #tpu.memory_space<vmem>>, vector<1x16xf32>,
        %parallel_loop3A_681 = vector.shape_cast %parallel_loop3A_680 : vector<1x16xf32> to vector<16xf32>
        %parallel_loop3A_682 = vector.shape_cast %parallel_loop3A_677 : vector<16xf32> to vector<1x16xf32>
        tpu.vector_store %arg8[%parallel_loop3A_678, %parallel_loop3A_679], %parallel_loop3A_682 {strides = array<i32>} : memref<128x128xf32, #tpu.memory_space<vmem>>, vector<1x16xf32>,
        %parallel_loop3A_683 = arith.index_cast %parallel_loop3A_670 : i32 to index
        %parallel_loop3A_684 = arith.constant 16 : index
        %parallel_loop3A_685 = tpu.vector_load %arg8[%parallel_loop3A_683, %parallel_loop3A_684] {strides = array<i32>} : memref<128x128xf32, #tpu.memory_space<vmem>>, vector<1x16xf32>,
        %parallel_loop3A_686 = vector.shape_cast %parallel_loop3A_685 : vector<1x16xf32> to vector<16xf32>
        %parallel_loop3A_687 = arith.constant 11.3137083 : f32
        %parallel_loop3A_688 = vector.broadcast %parallel_loop3A_687 : f32 to vector<16xf32>
        %parallel_loop3A_689 = arith.mulf %parallel_loop3A_686, %parallel_loop3A_688 : vector<16xf32>
        %parallel_loop3A_690 = arith.index_cast %parallel_loop3A_670 : i32 to index
        %parallel_loop3A_691 = arith.constant 16 : index
        %parallel_loop3A_692 = tpu.vector_load %arg8[%parallel_loop3A_690, %parallel_loop3A_691] {strides = array<i32>} : memref<128x128xf32, #tpu.memory_space<vmem>>, vector<1x16xf32>,
        %parallel_loop3A_693 = vector.shape_cast %parallel_loop3A_692 : vector<1x16xf32> to vector<16xf32>
        %parallel_loop3A_694 = vector.shape_cast %parallel_loop3A_689 : vector<16xf32> to vector<1x16xf32>
        tpu.vector_store %arg8[%parallel_loop3A_690, %parallel_loop3A_691], %parallel_loop3A_694 {strides = array<i32>} : memref<128x128xf32, #tpu.memory_space<vmem>>, vector<1x16xf32>,
        %parallel_loop3A_695 = arith.index_cast %parallel_loop3A_670 : i32 to index
        %parallel_loop3A_696 = arith.constant 32 : index
        %parallel_loop3A_697 = tpu.vector_load %arg8[%parallel_loop3A_695, %parallel_loop3A_696] {strides = array<i32>} : memref<128x128xf32, #tpu.memory_space<vmem>>, vector<1x16xf32>,
        %parallel_loop3A_698 = vector.shape_cast %parallel_loop3A_697 : vector<1x16xf32> to vector<16xf32>
        %parallel_loop3A_699 = arith.constant 11.3137083 : f32
        %parallel_loop3A_700 = vector.broadcast %parallel_loop3A_699 : f32 to vector<16xf32>
        %parallel_loop3A_701 = arith.mulf %parallel_loop3A_698, %parallel_loop3A_700 : vector<16xf32>
        %parallel_loop3A_702 = arith.index_cast %parallel_loop3A_670 : i32 to index
        %parallel_loop3A_703 = arith.constant 32 : index
        %parallel_loop3A_704 = tpu.vector_load %arg8[%parallel_loop3A_702, %parallel_loop3A_703] {strides = array<i32>} : memref<128x128xf32, #tpu.memory_space<vmem>>, vector<1x16xf32>,
        %parallel_loop3A_705 = vector.shape_cast %parallel_loop3A_704 : vector<1x16xf32> to vector<16xf32>
        %parallel_loop3A_706 = vector.shape_cast %parallel_loop3A_701 : vector<16xf32> to vector<1x16xf32>
        tpu.vector_store %arg8[%parallel_loop3A_702, %parallel_loop3A_703], %parallel_loop3A_706 {strides = array<i32>} : memref<128x128xf32, #tpu.memory_space<vmem>>, vector<1x16xf32>,
        %parallel_loop3A_707 = arith.index_cast %parallel_loop3A_670 : i32 to index
        %parallel_loop3A_708 = arith.constant 48 : index
        %parallel_loop3A_709 = tpu.vector_load %arg8[%parallel_loop3A_707, %parallel_loop3A_708] {strides = array<i32>} : memref<128x128xf32, #tpu.memory_space<vmem>>, vector<1x16xf32>,
        %parallel_loop3A_710 = vector.shape_cast %parallel_loop3A_709 : vector<1x16xf32> to vector<16xf32>
        %parallel_loop3A_711 = arith.constant 11.3137083 : f32
        %parallel_loop3A_712 = vector.broadcast %parallel_loop3A_711 : f32 to vector<16xf32>
        %parallel_loop3A_713 = arith.mulf %parallel_loop3A_710, %parallel_loop3A_712 : vector<16xf32>
        %parallel_loop3A_714 = arith.index_cast %parallel_loop3A_670 : i32 to index
        %parallel_loop3A_715 = arith.constant 48 : index
        %parallel_loop3A_716 = tpu.vector_load %arg8[%parallel_loop3A_714, %parallel_loop3A_715] {strides = array<i32>} : memref<128x128xf32, #tpu.memory_space<vmem>>, vector<1x16xf32>,
        %parallel_loop3A_717 = vector.shape_cast %parallel_loop3A_716 : vector<1x16xf32> to vector<16xf32>
        %parallel_loop3A_718 = vector.shape_cast %parallel_loop3A_713 : vector<16xf32> to vector<1x16xf32>
        tpu.vector_store %arg8[%parallel_loop3A_714, %parallel_loop3A_715], %parallel_loop3A_718 {strides = array<i32>} : memref<128x128xf32, #tpu.memory_space<vmem>>, vector<1x16xf32>,
        %parallel_loop3A_719 = arith.index_cast %parallel_loop3A_670 : i32 to index
        %parallel_loop3A_720 = arith.constant 64 : index
        %parallel_loop3A_721 = tpu.vector_load %arg8[%parallel_loop3A_719, %parallel_loop3A_720] {strides = array<i32>} : memref<128x128xf32, #tpu.memory_space<vmem>>, vector<1x16xf32>,
        %parallel_loop3A_722 = vector.shape_cast %parallel_loop3A_721 : vector<1x16xf32> to vector<16xf32>
        %parallel_loop3A_723 = arith.constant 11.3137083 : f32
        %parallel_loop3A_724 = vector.broadcast %parallel_loop3A_723 : f32 to vector<16xf32>
        %parallel_loop3A_725 = arith.mulf %parallel_loop3A_722, %parallel_loop3A_724 : vector<16xf32>
        %parallel_loop3A_726 = arith.index_cast %parallel_loop3A_670 : i32 to index
        %parallel_loop3A_727 = arith.constant 64 : index
        %parallel_loop3A_728 = tpu.vector_load %arg8[%parallel_loop3A_726, %parallel_loop3A_727] {strides = array<i32>} : memref<128x128xf32, #tpu.memory_space<vmem>>, vector<1x16xf32>,
        %parallel_loop3A_729 = vector.shape_cast %parallel_loop3A_728 : vector<1x16xf32> to vector<16xf32>
        %parallel_loop3A_730 = vector.shape_cast %parallel_loop3A_725 : vector<16xf32> to vector<1x16xf32>
        tpu.vector_store %arg8[%parallel_loop3A_726, %parallel_loop3A_727], %parallel_loop3A_730 {strides = array<i32>} : memref<128x128xf32, #tpu.memory_space<vmem>>, vector<1x16xf32>,
        %parallel_loop3A_731 = arith.index_cast %parallel_loop3A_670 : i32 to index
        %parallel_loop3A_732 = arith.constant 80 : index
        %parallel_loop3A_733 = tpu.vector_load %arg8[%parallel_loop3A_731, %parallel_loop3A_732] {strides = array<i32>} : memref<128x128xf32, #tpu.memory_space<vmem>>, vector<1x16xf32>,
        %parallel_loop3A_734 = vector.shape_cast %parallel_loop3A_733 : vector<1x16xf32> to vector<16xf32>
        %parallel_loop3A_735 = arith.constant 11.3137083 : f32
        %parallel_loop3A_736 = vector.broadcast %parallel_loop3A_735 : f32 to vector<16xf32>
        %parallel_loop3A_737 = arith.mulf %parallel_loop3A_734, %parallel_loop3A_736 : vector<16xf32>
        %parallel_loop3A_738 = arith.index_cast %parallel_loop3A_670 : i32 to index
        %parallel_loop3A_739 = arith.constant 80 : index
        %parallel_loop3A_740 = tpu.vector_load %arg8[%parallel_loop3A_738, %parallel_loop3A_739] {strides = array<i32>} : memref<128x128xf32, #tpu.memory_space<vmem>>, vector<1x16xf32>,
        %parallel_loop3A_741 = vector.shape_cast %parallel_loop3A_740 : vector<1x16xf32> to vector<16xf32>
        %parallel_loop3A_742 = vector.shape_cast %parallel_loop3A_737 : vector<16xf32> to vector<1x16xf32>
        tpu.vector_store %arg8[%parallel_loop3A_738, %parallel_loop3A_739], %parallel_loop3A_742 {strides = array<i32>} : memref<128x128xf32, #tpu.memory_space<vmem>>, vector<1x16xf32>,
        %parallel_loop3A_743 = arith.index_cast %parallel_loop3A_670 : i32 to index
        %parallel_loop3A_744 = arith.constant 96 : index
        %parallel_loop3A_745 = tpu.vector_load %arg8[%parallel_loop3A_743, %parallel_loop3A_744] {strides = array<i32>} : memref<128x128xf32, #tpu.memory_space<vmem>>, vector<1x16xf32>,
        %parallel_loop3A_746 = vector.shape_cast %parallel_loop3A_745 : vector<1x16xf32> to vector<16xf32>
        %parallel_loop3A_747 = arith.constant 11.3137083 : f32
        %parallel_loop3A_748 = vector.broadcast %parallel_loop3A_747 : f32 to vector<16xf32>
        %parallel_loop3A_749 = arith.mulf %parallel_loop3A_746, %parallel_loop3A_748 : vector<16xf32>
        %parallel_loop3A_750 = arith.index_cast %parallel_loop3A_670 : i32 to index
        %parallel_loop3A_751 = arith.constant 96 : index
        %parallel_loop3A_752 = tpu.vector_load %arg8[%parallel_loop3A_750, %parallel_loop3A_751] {strides = array<i32>} : memref<128x128xf32, #tpu.memory_space<vmem>>, vector<1x16xf32>,
        %parallel_loop3A_753 = vector.shape_cast %parallel_loop3A_752 : vector<1x16xf32> to vector<16xf32>
        %parallel_loop3A_754 = vector.shape_cast %parallel_loop3A_749 : vector<16xf32> to vector<1x16xf32>
        tpu.vector_store %arg8[%parallel_loop3A_750, %parallel_loop3A_751], %parallel_loop3A_754 {strides = array<i32>} : memref<128x128xf32, #tpu.memory_space<vmem>>, vector<1x16xf32>,
        %parallel_loop3A_755 = arith.index_cast %parallel_loop3A_670 : i32 to index
        %parallel_loop3A_756 = arith.constant 112 : index
        %parallel_loop3A_757 = tpu.vector_load %arg8[%parallel_loop3A_755, %parallel_loop3A_756] {strides = array<i32>} : memref<128x128xf32, #tpu.memory_space<vmem>>, vector<1x16xf32>,
        %parallel_loop3A_758 = vector.shape_cast %parallel_loop3A_757 : vector<1x16xf32> to vector<16xf32>
        %parallel_loop3A_759 = arith.constant 11.3137083 : f32
        %parallel_loop3A_760 = vector.broadcast %parallel_loop3A_759 : f32 to vector<16xf32>
        %parallel_loop3A_761 = arith.mulf %parallel_loop3A_758, %parallel_loop3A_760 : vector<16xf32>
        %parallel_loop3A_762 = arith.index_cast %parallel_loop3A_670 : i32 to index
        %parallel_loop3A_763 = arith.constant 112 : index
        %parallel_loop3A_764 = tpu.vector_load %arg8[%parallel_loop3A_762, %parallel_loop3A_763] {strides = array<i32>} : memref<128x128xf32, #tpu.memory_space<vmem>>, vector<1x16xf32>,
        %parallel_loop3A_765 = vector.shape_cast %parallel_loop3A_764 : vector<1x16xf32> to vector<16xf32>
        %parallel_loop3A_766 = vector.shape_cast %parallel_loop3A_761 : vector<16xf32> to vector<1x16xf32>
        tpu.vector_store %arg8[%parallel_loop3A_762, %parallel_loop3A_763], %parallel_loop3A_766 {strides = array<i32>} : memref<128x128xf32, #tpu.memory_space<vmem>>, vector<1x16xf32>,
      } {sc.loop_unroll_factor = 4 : i64, sc.parallel_access}
      %mul3A_533 = arith.constant 128 : i32
      %mul3A_534 = arith.muli %add3A_520, %mul3A_533 : i32
      %add3A_535 = arith.addi %mul3A_2, %mul3A_534 : i32
      %dma_start3A_536 = arith.constant 2 : i32
      %dma_start3A_537 = arith.constant 0 : i32
      %dma_start3A_538 = tpu.memref_slice %arg4[%add3A_535, %dma_start3A_537] : memref<204800x128xf32, #tpu.memory_space<hbm>> -> memref<128x128xf32, #tpu.memory_space<hbm>>
      %dma_start3A_539 = tpu.memref_slice %arg12[%dma_start3A_536] : memref<5x!tpu.dma_semaphore, #tpu.memory_space<semaphore_mem>> -> memref<1x!tpu.dma_semaphore, #tpu.memory_space<semaphore_mem>>
      %dma_start3A_540 = tpu.memref_squeeze %dma_start3A_539 : memref<1x!tpu.dma_semaphore, #tpu.memory_space<semaphore_mem>> -> memref<!tpu.dma_semaphore, #tpu.memory_space<semaphore_mem>>
      %dma_start3A_541 = arith.constant 0 : i32
      %dma_start3A_542 = tpu.memref_slice %arg4[%add3A_535, %dma_start3A_541] : memref<204800x128xf32, #tpu.memory_space<hbm>> -> memref<128x128xf32, #tpu.memory_space<hbm>>
      tpu.enqueue_dma source(%arg8 : memref<128x128xf32, #tpu.memory_space<vmem>>) target(%dma_start3A_542 : memref<128x128xf32, #tpu.memory_space<hbm>>) target_semaphore(%dma_start3A_540 : memref<!tpu.dma_semaphore, #tpu.memory_space<semaphore_mem>>)
      %sub3A_543 = arith.constant 1 : i32
      %sub3A_544 = arith.subi %add3A_520, %sub3A_543 : i32
      %mul3A_545 = arith.constant 128 : i32
      %mul3A_546 = arith.muli %sub3A_544, %mul3A_545 : i32
      %add3A_547 = arith.addi %mul3A_2, %mul3A_546 : i32
      %dma_wait3A_548 = arith.constant 1 : i32
      %dma_wait3A_549 = arith.constant 0 : i32
      %dma_wait3A_550 = tpu.memref_slice %arg4[%add3A_547, %dma_wait3A_549] : memref<204800x128xf32, #tpu.memory_space<hbm>> -> memref<128x128xf32, #tpu.memory_space<hbm>>
      %dma_wait3A_551 = tpu.memref_slice %arg12[%dma_wait3A_548] : memref<5x!tpu.dma_semaphore, #tpu.memory_space<semaphore_mem>> -> memref<1x!tpu.dma_semaphore, #tpu.memory_space<semaphore_mem>>
      %dma_wait3A_552 = tpu.memref_squeeze %dma_wait3A_551 : memref<1x!tpu.dma_semaphore, #tpu.memory_space<semaphore_mem>> -> memref<!tpu.dma_semaphore, #tpu.memory_space<semaphore_mem>>
      %dma_wait3A_553 = arith.constant 0 : i32
      %dma_wait3A_554 = tpu.memref_slice %arg4[%add3A_547, %dma_wait3A_553] : memref<204800x128xf32, #tpu.memory_space<hbm>> -> memref<128x128xf32, #tpu.memory_space<hbm>>
      tpu.wait_dma2 semaphore(%dma_wait3A_552 : memref<!tpu.dma_semaphore, #tpu.memory_space<semaphore_mem>>) src(%arg7 : memref<128x128xf32, #tpu.memory_space<vmem>>) dst(%dma_wait3A_554 : memref<128x128xf32, #tpu.memory_space<hbm>>)
      %add3A_555 = arith.constant 5 : i32
      %add3A_556 = arith.addi %add3A_520, %add3A_555 : i32
      %sub3A_557 = arith.constant 1 : i32
      %sub3A_558 = arith.subi %add3A_556, %sub3A_557 : i32
      %dma_start3A_559 = arith.constant 1 : i32
      %dma_start3A_560 = arith.constant 0 : i32
      %dma_start3A_561 = tpu.memref_slice %arg5[%sub3A_558, %dma_start3A_560] : memref<50x128xi32, #tpu.memory_space<vmem>> -> memref<1x128xi32, #tpu.memory_space<vmem>>
      %dma_start3A_562 = tpu.memref_squeeze %dma_start3A_561 : memref<1x128xi32, #tpu.memory_space<vmem>> -> memref<128xi32, #tpu.memory_space<vmem>>
      %dma_start3A_563 = arith.constant 0 : i32
      %dma_start3A_564 = arith.constant 0 : i32
      %dma_start3A_565 = tpu.memref_slice %arg2[%dma_start3A_563, %dma_start3A_564] : memref<100000x128xf32, #tpu.memory_space<hbm>> -> memref<100000x128xf32, #tpu.memory_space<hbm>>
      %dma_start3A_566 = tpu.memref_slice %arg11[%dma_start3A_559] : memref<5x!tpu.dma_semaphore, #tpu.memory_space<semaphore_mem>> -> memref<1x!tpu.dma_semaphore, #tpu.memory_space<semaphore_mem>>
      %dma_start3A_567 = tpu.memref_squeeze %dma_start3A_566 : memref<1x!tpu.dma_semaphore, #tpu.memory_space<semaphore_mem>> -> memref<!tpu.dma_semaphore, #tpu.memory_space<semaphore_mem>>
      tpu.enqueue_indirect_dma source(%dma_start3A_565 : memref<100000x128xf32, #tpu.memory_space<hbm>>) target(%arg7 : memref<128x128xf32, #tpu.memory_space<vmem>>) offsets(%dma_start3A_562 : memref<128xi32, #tpu.memory_space<vmem>>) semaphore(%dma_start3A_567 : memref<!tpu.dma_semaphore, #tpu.memory_space<semaphore_mem>>)
      %mul3A_568 = arith.constant 5 : i32
      %mul3A_569 = arith.muli %mul3A_568, %scan3A_415 : i32
      %add3A_570 = arith.constant 3 : i32
      %add3A_571 = arith.addi %mul3A_569, %add3A_570 : i32
      %dma_wait3A_572 = arith.constant 3 : i32
      %dma_wait3A_573 = arith.constant 0 : i32
      %dma_wait3A_574 = tpu.memref_slice %arg5[%add3A_571, %dma_wait3A_573] : memref<50x128xi32, #tpu.memory_space<vmem>> -> memref<1x128xi32, #tpu.memory_space<vmem>>
      %dma_wait3A_575 = tpu.memref_squeeze %dma_wait3A_574 : memref<1x128xi32, #tpu.memory_space<vmem>> -> memref<128xi32, #tpu.memory_space<vmem>>
      %dma_wait3A_576 = arith.constant 0 : i32
      %dma_wait3A_577 = arith.constant 0 : i32
      %dma_wait3A_578 = tpu.memref_slice %arg2[%dma_wait3A_576, %dma_wait3A_577] : memref<100000x128xf32, #tpu.memory_space<hbm>> -> memref<100000x128xf32, #tpu.memory_space<hbm>>
      %dma_wait3A_579 = tpu.memref_slice %arg11[%dma_wait3A_572] : memref<5x!tpu.dma_semaphore, #tpu.memory_space<semaphore_mem>> -> memref<1x!tpu.dma_semaphore, #tpu.memory_space<semaphore_mem>>
      %dma_wait3A_580 = tpu.memref_squeeze %dma_wait3A_579 : memref<1x!tpu.dma_semaphore, #tpu.memory_space<semaphore_mem>> -> memref<!tpu.dma_semaphore, #tpu.memory_space<semaphore_mem>>
      tpu.wait_indirect_dma semaphore(%dma_wait3A_580 : memref<!tpu.dma_semaphore, #tpu.memory_space<semaphore_mem>>) src(%dma_wait3A_578 : memref<100000x128xf32, #tpu.memory_space<hbm>>) dst(%arg9 : memref<128x128xf32, #tpu.memory_space<vmem>>)
      %parallel_loop3A_581 = arith.constant 0 : i32
      %parallel_loop3A_582 = arith.constant 128 : i32
      %parallel_loop3A_583 = arith.constant 1 : i32
      scf.for %parallel_loop3A_670 = %parallel_loop3A_581 to %parallel_loop3A_582 step %parallel_loop3A_583  : i32 {
        %parallel_loop3A_671 = arith.index_cast %parallel_loop3A_670 : i32 to index
        %parallel_loop3A_672 = arith.constant 0 : index
        %parallel_loop3A_673 = tpu.vector_load %arg9[%parallel_loop3A_671, %parallel_loop3A_672] {strides = array<i32>} : memref<128x128xf32, #tpu.memory_space<vmem>>, vector<1x16xf32>,
        %parallel_loop3A_674 = vector.shape_cast %parallel_loop3A_673 : vector<1x16xf32> to vector<16xf32>
        %parallel_loop3A_675 = arith.constant 11.3137083 : f32
        %parallel_loop3A_676 = vector.broadcast %parallel_loop3A_675 : f32 to vector<16xf32>
        %parallel_loop3A_677 = arith.mulf %parallel_loop3A_674, %parallel_loop3A_676 : vector<16xf32>
        %parallel_loop3A_678 = arith.index_cast %parallel_loop3A_670 : i32 to index
        %parallel_loop3A_679 = arith.constant 0 : index
        %parallel_loop3A_680 = tpu.vector_load %arg9[%parallel_loop3A_678, %parallel_loop3A_679] {strides = array<i32>} : memref<128x128xf32, #tpu.memory_space<vmem>>, vector<1x16xf32>,
        %parallel_loop3A_681 = vector.shape_cast %parallel_loop3A_680 : vector<1x16xf32> to vector<16xf32>
        %parallel_loop3A_682 = vector.shape_cast %parallel_loop3A_677 : vector<16xf32> to vector<1x16xf32>
        tpu.vector_store %arg9[%parallel_loop3A_678, %parallel_loop3A_679], %parallel_loop3A_682 {strides = array<i32>} : memref<128x128xf32, #tpu.memory_space<vmem>>, vector<1x16xf32>,
        %parallel_loop3A_683 = arith.index_cast %parallel_loop3A_670 : i32 to index
        %parallel_loop3A_684 = arith.constant 16 : index
        %parallel_loop3A_685 = tpu.vector_load %arg9[%parallel_loop3A_683, %parallel_loop3A_684] {strides = array<i32>} : memref<128x128xf32, #tpu.memory_space<vmem>>, vector<1x16xf32>,
        %parallel_loop3A_686 = vector.shape_cast %parallel_loop3A_685 : vector<1x16xf32> to vector<16xf32>
        %parallel_loop3A_687 = arith.constant 11.3137083 : f32
        %parallel_loop3A_688 = vector.broadcast %parallel_loop3A_687 : f32 to vector<16xf32>
        %parallel_loop3A_689 = arith.mulf %parallel_loop3A_686, %parallel_loop3A_688 : vector<16xf32>
        %parallel_loop3A_690 = arith.index_cast %parallel_loop3A_670 : i32 to index
        %parallel_loop3A_691 = arith.constant 16 : index
        %parallel_loop3A_692 = tpu.vector_load %arg9[%parallel_loop3A_690, %parallel_loop3A_691] {strides = array<i32>} : memref<128x128xf32, #tpu.memory_space<vmem>>, vector<1x16xf32>,
        %parallel_loop3A_693 = vector.shape_cast %parallel_loop3A_692 : vector<1x16xf32> to vector<16xf32>
        %parallel_loop3A_694 = vector.shape_cast %parallel_loop3A_689 : vector<16xf32> to vector<1x16xf32>
        tpu.vector_store %arg9[%parallel_loop3A_690, %parallel_loop3A_691], %parallel_loop3A_694 {strides = array<i32>} : memref<128x128xf32, #tpu.memory_space<vmem>>, vector<1x16xf32>,
        %parallel_loop3A_695 = arith.index_cast %parallel_loop3A_670 : i32 to index
        %parallel_loop3A_696 = arith.constant 32 : index
        %parallel_loop3A_697 = tpu.vector_load %arg9[%parallel_loop3A_695, %parallel_loop3A_696] {strides = array<i32>} : memref<128x128xf32, #tpu.memory_space<vmem>>, vector<1x16xf32>,
        %parallel_loop3A_698 = vector.shape_cast %parallel_loop3A_697 : vector<1x16xf32> to vector<16xf32>
        %parallel_loop3A_699 = arith.constant 11.3137083 : f32
        %parallel_loop3A_700 = vector.broadcast %parallel_loop3A_699 : f32 to vector<16xf32>
        %parallel_loop3A_701 = arith.mulf %parallel_loop3A_698, %parallel_loop3A_700 : vector<16xf32>
        %parallel_loop3A_702 = arith.index_cast %parallel_loop3A_670 : i32 to index
        %parallel_loop3A_703 = arith.constant 32 : index
        %parallel_loop3A_704 = tpu.vector_load %arg9[%parallel_loop3A_702, %parallel_loop3A_703] {strides = array<i32>} : memref<128x128xf32, #tpu.memory_space<vmem>>, vector<1x16xf32>,
        %parallel_loop3A_705 = vector.shape_cast %parallel_loop3A_704 : vector<1x16xf32> to vector<16xf32>
        %parallel_loop3A_706 = vector.shape_cast %parallel_loop3A_701 : vector<16xf32> to vector<1x16xf32>
        tpu.vector_store %arg9[%parallel_loop3A_702, %parallel_loop3A_703], %parallel_loop3A_706 {strides = array<i32>} : memref<128x128xf32, #tpu.memory_space<vmem>>, vector<1x16xf32>,
        %parallel_loop3A_707 = arith.index_cast %parallel_loop3A_670 : i32 to index
        %parallel_loop3A_708 = arith.constant 48 : index
        %parallel_loop3A_709 = tpu.vector_load %arg9[%parallel_loop3A_707, %parallel_loop3A_708] {strides = array<i32>} : memref<128x128xf32, #tpu.memory_space<vmem>>, vector<1x16xf32>,
        %parallel_loop3A_710 = vector.shape_cast %parallel_loop3A_709 : vector<1x16xf32> to vector<16xf32>
        %parallel_loop3A_711 = arith.constant 11.3137083 : f32
        %parallel_loop3A_712 = vector.broadcast %parallel_loop3A_711 : f32 to vector<16xf32>
        %parallel_loop3A_713 = arith.mulf %parallel_loop3A_710, %parallel_loop3A_712 : vector<16xf32>
        %parallel_loop3A_714 = arith.index_cast %parallel_loop3A_670 : i32 to index
        %parallel_loop3A_715 = arith.constant 48 : index
        %parallel_loop3A_716 = tpu.vector_load %arg9[%parallel_loop3A_714, %parallel_loop3A_715] {strides = array<i32>} : memref<128x128xf32, #tpu.memory_space<vmem>>, vector<1x16xf32>,
        %parallel_loop3A_717 = vector.shape_cast %parallel_loop3A_716 : vector<1x16xf32> to vector<16xf32>
        %parallel_loop3A_718 = vector.shape_cast %parallel_loop3A_713 : vector<16xf32> to vector<1x16xf32>
        tpu.vector_store %arg9[%parallel_loop3A_714, %parallel_loop3A_715], %parallel_loop3A_718 {strides = array<i32>} : memref<128x128xf32, #tpu.memory_space<vmem>>, vector<1x16xf32>,
        %parallel_loop3A_719 = arith.index_cast %parallel_loop3A_670 : i32 to index
        %parallel_loop3A_720 = arith.constant 64 : index
        %parallel_loop3A_721 = tpu.vector_load %arg9[%parallel_loop3A_719, %parallel_loop3A_720] {strides = array<i32>} : memref<128x128xf32, #tpu.memory_space<vmem>>, vector<1x16xf32>,
        %parallel_loop3A_722 = vector.shape_cast %parallel_loop3A_721 : vector<1x16xf32> to vector<16xf32>
        %parallel_loop3A_723 = arith.constant 11.3137083 : f32
        %parallel_loop3A_724 = vector.broadcast %parallel_loop3A_723 : f32 to vector<16xf32>
        %parallel_loop3A_725 = arith.mulf %parallel_loop3A_722, %parallel_loop3A_724 : vector<16xf32>
        %parallel_loop3A_726 = arith.index_cast %parallel_loop3A_670 : i32 to index
        %parallel_loop3A_727 = arith.constant 64 : index
        %parallel_loop3A_728 = tpu.vector_load %arg9[%parallel_loop3A_726, %parallel_loop3A_727] {strides = array<i32>} : memref<128x128xf32, #tpu.memory_space<vmem>>, vector<1x16xf32>,
        %parallel_loop3A_729 = vector.shape_cast %parallel_loop3A_728 : vector<1x16xf32> to vector<16xf32>
        %parallel_loop3A_730 = vector.shape_cast %parallel_loop3A_725 : vector<16xf32> to vector<1x16xf32>
        tpu.vector_store %arg9[%parallel_loop3A_726, %parallel_loop3A_727], %parallel_loop3A_730 {strides = array<i32>} : memref<128x128xf32, #tpu.memory_space<vmem>>, vector<1x16xf32>,
        %parallel_loop3A_731 = arith.index_cast %parallel_loop3A_670 : i32 to index
        %parallel_loop3A_732 = arith.constant 80 : index
        %parallel_loop3A_733 = tpu.vector_load %arg9[%parallel_loop3A_731, %parallel_loop3A_732] {strides = array<i32>} : memref<128x128xf32, #tpu.memory_space<vmem>>, vector<1x16xf32>,
        %parallel_loop3A_734 = vector.shape_cast %parallel_loop3A_733 : vector<1x16xf32> to vector<16xf32>
        %parallel_loop3A_735 = arith.constant 11.3137083 : f32
        %parallel_loop3A_736 = vector.broadcast %parallel_loop3A_735 : f32 to vector<16xf32>
        %parallel_loop3A_737 = arith.mulf %parallel_loop3A_734, %parallel_loop3A_736 : vector<16xf32>
        %parallel_loop3A_738 = arith.index_cast %parallel_loop3A_670 : i32 to index
        %parallel_loop3A_739 = arith.constant 80 : index
        %parallel_loop3A_740 = tpu.vector_load %arg9[%parallel_loop3A_738, %parallel_loop3A_739] {strides = array<i32>} : memref<128x128xf32, #tpu.memory_space<vmem>>, vector<1x16xf32>,
        %parallel_loop3A_741 = vector.shape_cast %parallel_loop3A_740 : vector<1x16xf32> to vector<16xf32>
        %parallel_loop3A_742 = vector.shape_cast %parallel_loop3A_737 : vector<16xf32> to vector<1x16xf32>
        tpu.vector_store %arg9[%parallel_loop3A_738, %parallel_loop3A_739], %parallel_loop3A_742 {strides = array<i32>} : memref<128x128xf32, #tpu.memory_space<vmem>>, vector<1x16xf32>,
        %parallel_loop3A_743 = arith.index_cast %parallel_loop3A_670 : i32 to index
        %parallel_loop3A_744 = arith.constant 96 : index
        %parallel_loop3A_745 = tpu.vector_load %arg9[%parallel_loop3A_743, %parallel_loop3A_744] {strides = array<i32>} : memref<128x128xf32, #tpu.memory_space<vmem>>, vector<1x16xf32>,
        %parallel_loop3A_746 = vector.shape_cast %parallel_loop3A_745 : vector<1x16xf32> to vector<16xf32>
        %parallel_loop3A_747 = arith.constant 11.3137083 : f32
        %parallel_loop3A_748 = vector.broadcast %parallel_loop3A_747 : f32 to vector<16xf32>
        %parallel_loop3A_749 = arith.mulf %parallel_loop3A_746, %parallel_loop3A_748 : vector<16xf32>
        %parallel_loop3A_750 = arith.index_cast %parallel_loop3A_670 : i32 to index
        %parallel_loop3A_751 = arith.constant 96 : index
        %parallel_loop3A_752 = tpu.vector_load %arg9[%parallel_loop3A_750, %parallel_loop3A_751] {strides = array<i32>} : memref<128x128xf32, #tpu.memory_space<vmem>>, vector<1x16xf32>,
        %parallel_loop3A_753 = vector.shape_cast %parallel_loop3A_752 : vector<1x16xf32> to vector<16xf32>
        %parallel_loop3A_754 = vector.shape_cast %parallel_loop3A_749 : vector<16xf32> to vector<1x16xf32>
        tpu.vector_store %arg9[%parallel_loop3A_750, %parallel_loop3A_751], %parallel_loop3A_754 {strides = array<i32>} : memref<128x128xf32, #tpu.memory_space<vmem>>, vector<1x16xf32>,
        %parallel_loop3A_755 = arith.index_cast %parallel_loop3A_670 : i32 to index
        %parallel_loop3A_756 = arith.constant 112 : index
        %parallel_loop3A_757 = tpu.vector_load %arg9[%parallel_loop3A_755, %parallel_loop3A_756] {strides = array<i32>} : memref<128x128xf32, #tpu.memory_space<vmem>>, vector<1x16xf32>,
        %parallel_loop3A_758 = vector.shape_cast %parallel_loop3A_757 : vector<1x16xf32> to vector<16xf32>
        %parallel_loop3A_759 = arith.constant 11.3137083 : f32
        %parallel_loop3A_760 = vector.broadcast %parallel_loop3A_759 : f32 to vector<16xf32>
        %parallel_loop3A_761 = arith.mulf %parallel_loop3A_758, %parallel_loop3A_760 : vector<16xf32>
        %parallel_loop3A_762 = arith.index_cast %parallel_loop3A_670 : i32 to index
        %parallel_loop3A_763 = arith.constant 112 : index
        %parallel_loop3A_764 = tpu.vector_load %arg9[%parallel_loop3A_762, %parallel_loop3A_763] {strides = array<i32>} : memref<128x128xf32, #tpu.memory_space<vmem>>, vector<1x16xf32>,
        %parallel_loop3A_765 = vector.shape_cast %parallel_loop3A_764 : vector<1x16xf32> to vector<16xf32>
        %parallel_loop3A_766 = vector.shape_cast %parallel_loop3A_761 : vector<16xf32> to vector<1x16xf32>
        tpu.vector_store %arg9[%parallel_loop3A_762, %parallel_loop3A_763], %parallel_loop3A_766 {strides = array<i32>} : memref<128x128xf32, #tpu.memory_space<vmem>>, vector<1x16xf32>,
      } {sc.loop_unroll_factor = 4 : i64, sc.parallel_access}
      %mul3A_584 = arith.constant 128 : i32
      %mul3A_585 = arith.muli %add3A_571, %mul3A_584 : i32
      %add3A_586 = arith.addi %mul3A_2, %mul3A_585 : i32
      %dma_start3A_587 = arith.constant 3 : i32
      %dma_start3A_588 = arith.constant 0 : i32
      %dma_start3A_589 = tpu.memref_slice %arg4[%add3A_586, %dma_start3A_588] : memref<204800x128xf32, #tpu.memory_space<hbm>> -> memref<128x128xf32, #tpu.memory_space<hbm>>
      %dma_start3A_590 = tpu.memref_slice %arg12[%dma_start3A_587] : memref<5x!tpu.dma_semaphore, #tpu.memory_space<semaphore_mem>> -> memref<1x!tpu.dma_semaphore, #tpu.memory_space<semaphore_mem>>
      %dma_start3A_591 = tpu.memref_squeeze %dma_start3A_590 : memref<1x!tpu.dma_semaphore, #tpu.memory_space<semaphore_mem>> -> memref<!tpu.dma_semaphore, #tpu.memory_space<semaphore_mem>>
      %dma_start3A_592 = arith.constant 0 : i32
      %dma_start3A_593 = tpu.memref_slice %arg4[%add3A_586, %dma_start3A_592] : memref<204800x128xf32, #tpu.memory_space<hbm>> -> memref<128x128xf32, #tpu.memory_space<hbm>>
      tpu.enqueue_dma source(%arg9 : memref<128x128xf32, #tpu.memory_space<vmem>>) target(%dma_start3A_593 : memref<128x128xf32, #tpu.memory_space<hbm>>) target_semaphore(%dma_start3A_591 : memref<!tpu.dma_semaphore, #tpu.memory_space<semaphore_mem>>)
      %sub3A_594 = arith.constant 1 : i32
      %sub3A_595 = arith.subi %add3A_571, %sub3A_594 : i32
      %mul3A_596 = arith.constant 128 : i32
      %mul3A_597 = arith.muli %sub3A_595, %mul3A_596 : i32
      %add3A_598 = arith.addi %mul3A_2, %mul3A_597 : i32
      %dma_wait3A_599 = arith.constant 2 : i32
      %dma_wait3A_600 = arith.constant 0 : i32
      %dma_wait3A_601 = tpu.memref_slice %arg4[%add3A_598, %dma_wait3A_600] : memref<204800x128xf32, #tpu.memory_space<hbm>> -> memref<128x128xf32, #tpu.memory_space<hbm>>
      %dma_wait3A_602 = tpu.memref_slice %arg12[%dma_wait3A_599] : memref<5x!tpu.dma_semaphore, #tpu.memory_space<semaphore_mem>> -> memref<1x!tpu.dma_semaphore, #tpu.memory_space<semaphore_mem>>
      %dma_wait3A_603 = tpu.memref_squeeze %dma_wait3A_602 : memref<1x!tpu.dma_semaphore, #tpu.memory_space<semaphore_mem>> -> memref<!tpu.dma_semaphore, #tpu.memory_space<semaphore_mem>>
      %dma_wait3A_604 = arith.constant 0 : i32
      %dma_wait3A_605 = tpu.memref_slice %arg4[%add3A_598, %dma_wait3A_604] : memref<204800x128xf32, #tpu.memory_space<hbm>> -> memref<128x128xf32, #tpu.memory_space<hbm>>
      tpu.wait_dma2 semaphore(%dma_wait3A_603 : memref<!tpu.dma_semaphore, #tpu.memory_space<semaphore_mem>>) src(%arg8 : memref<128x128xf32, #tpu.memory_space<vmem>>) dst(%dma_wait3A_605 : memref<128x128xf32, #tpu.memory_space<hbm>>)
      %add3A_606 = arith.constant 5 : i32
      %add3A_607 = arith.addi %add3A_571, %add3A_606 : i32
      %sub3A_608 = arith.constant 1 : i32
      %sub3A_609 = arith.subi %add3A_607, %sub3A_608 : i32
      %dma_start3A_610 = arith.constant 2 : i32
      %dma_start3A_611 = arith.constant 0 : i32
      %dma_start3A_612 = tpu.memref_slice %arg5[%sub3A_609, %dma_start3A_611] : memref<50x128xi32, #tpu.memory_space<vmem>> -> memref<1x128xi32, #tpu.memory_space<vmem>>
      %dma_start3A_613 = tpu.memref_squeeze %dma_start3A_612 : memref<1x128xi32, #tpu.memory_space<vmem>> -> memref<128xi32, #tpu.memory_space<vmem>>
      %dma_start3A_614 = arith.constant 0 : i32
      %dma_start3A_615 = arith.constant 0 : i32
      %dma_start3A_616 = tpu.memref_slice %arg2[%dma_start3A_614, %dma_start3A_615] : memref<100000x128xf32, #tpu.memory_space<hbm>> -> memref<100000x128xf32, #tpu.memory_space<hbm>>
      %dma_start3A_617 = tpu.memref_slice %arg11[%dma_start3A_610] : memref<5x!tpu.dma_semaphore, #tpu.memory_space<semaphore_mem>> -> memref<1x!tpu.dma_semaphore, #tpu.memory_space<semaphore_mem>>
      %dma_start3A_618 = tpu.memref_squeeze %dma_start3A_617 : memref<1x!tpu.dma_semaphore, #tpu.memory_space<semaphore_mem>> -> memref<!tpu.dma_semaphore, #tpu.memory_space<semaphore_mem>>
      tpu.enqueue_indirect_dma source(%dma_start3A_616 : memref<100000x128xf32, #tpu.memory_space<hbm>>) target(%arg8 : memref<128x128xf32, #tpu.memory_space<vmem>>) offsets(%dma_start3A_613 : memref<128xi32, #tpu.memory_space<vmem>>) semaphore(%dma_start3A_618 : memref<!tpu.dma_semaphore, #tpu.memory_space<semaphore_mem>>)
      %mul3A_619 = arith.constant 5 : i32
      %mul3A_620 = arith.muli %mul3A_619, %scan3A_415 : i32
      %add3A_621 = arith.constant 4 : i32
      %add3A_622 = arith.addi %mul3A_620, %add3A_621 : i32
      %dma_wait3A_623 = arith.constant 4 : i32
      %dma_wait3A_624 = arith.constant 0 : i32
      %dma_wait3A_625 = tpu.memref_slice %arg5[%add3A_622, %dma_wait3A_624] : memref<50x128xi32, #tpu.memory_space<vmem>> -> memref<1x128xi32, #tpu.memory_space<vmem>>
      %dma_wait3A_626 = tpu.memref_squeeze %dma_wait3A_625 : memref<1x128xi32, #tpu.memory_space<vmem>> -> memref<128xi32, #tpu.memory_space<vmem>>
      %dma_wait3A_627 = arith.constant 0 : i32
      %dma_wait3A_628 = arith.constant 0 : i32
      %dma_wait3A_629 = tpu.memref_slice %arg2[%dma_wait3A_627, %dma_wait3A_628] : memref<100000x128xf32, #tpu.memory_space<hbm>> -> memref<100000x128xf32, #tpu.memory_space<hbm>>
      %dma_wait3A_630 = tpu.memref_slice %arg11[%dma_wait3A_623] : memref<5x!tpu.dma_semaphore, #tpu.memory_space<semaphore_mem>> -> memref<1x!tpu.dma_semaphore, #tpu.memory_space<semaphore_mem>>
      %dma_wait3A_631 = tpu.memref_squeeze %dma_wait3A_630 : memref<1x!tpu.dma_semaphore, #tpu.memory_space<semaphore_mem>> -> memref<!tpu.dma_semaphore, #tpu.memory_space<semaphore_mem>>
      tpu.wait_indirect_dma semaphore(%dma_wait3A_631 : memref<!tpu.dma_semaphore, #tpu.memory_space<semaphore_mem>>) src(%dma_wait3A_629 : memref<100000x128xf32, #tpu.memory_space<hbm>>) dst(%arg10 : memref<128x128xf32, #tpu.memory_space<vmem>>)
      %parallel_loop3A_632 = arith.constant 0 : i32
      %parallel_loop3A_633 = arith.constant 128 : i32
      %parallel_loop3A_634 = arith.constant 1 : i32
      scf.for %parallel_loop3A_670 = %parallel_loop3A_632 to %parallel_loop3A_633 step %parallel_loop3A_634  : i32 {
        %parallel_loop3A_671 = arith.index_cast %parallel_loop3A_670 : i32 to index
        %parallel_loop3A_672 = arith.constant 0 : index
        %parallel_loop3A_673 = tpu.vector_load %arg10[%parallel_loop3A_671, %parallel_loop3A_672] {strides = array<i32>} : memref<128x128xf32, #tpu.memory_space<vmem>>, vector<1x16xf32>,
        %parallel_loop3A_674 = vector.shape_cast %parallel_loop3A_673 : vector<1x16xf32> to vector<16xf32>
        %parallel_loop3A_675 = arith.constant 11.3137083 : f32
        %parallel_loop3A_676 = vector.broadcast %parallel_loop3A_675 : f32 to vector<16xf32>
        %parallel_loop3A_677 = arith.mulf %parallel_loop3A_674, %parallel_loop3A_676 : vector<16xf32>
        %parallel_loop3A_678 = arith.index_cast %parallel_loop3A_670 : i32 to index
        %parallel_loop3A_679 = arith.constant 0 : index
        %parallel_loop3A_680 = tpu.vector_load %arg10[%parallel_loop3A_678, %parallel_loop3A_679] {strides = array<i32>} : memref<128x128xf32, #tpu.memory_space<vmem>>, vector<1x16xf32>,
        %parallel_loop3A_681 = vector.shape_cast %parallel_loop3A_680 : vector<1x16xf32> to vector<16xf32>
        %parallel_loop3A_682 = vector.shape_cast %parallel_loop3A_677 : vector<16xf32> to vector<1x16xf32>
        tpu.vector_store %arg10[%parallel_loop3A_678, %parallel_loop3A_679], %parallel_loop3A_682 {strides = array<i32>} : memref<128x128xf32, #tpu.memory_space<vmem>>, vector<1x16xf32>,
        %parallel_loop3A_683 = arith.index_cast %parallel_loop3A_670 : i32 to index
        %parallel_loop3A_684 = arith.constant 16 : index
        %parallel_loop3A_685 = tpu.vector_load %arg10[%parallel_loop3A_683, %parallel_loop3A_684] {strides = array<i32>} : memref<128x128xf32, #tpu.memory_space<vmem>>, vector<1x16xf32>,
        %parallel_loop3A_686 = vector.shape_cast %parallel_loop3A_685 : vector<1x16xf32> to vector<16xf32>
        %parallel_loop3A_687 = arith.constant 11.3137083 : f32
        %parallel_loop3A_688 = vector.broadcast %parallel_loop3A_687 : f32 to vector<16xf32>
        %parallel_loop3A_689 = arith.mulf %parallel_loop3A_686, %parallel_loop3A_688 : vector<16xf32>
        %parallel_loop3A_690 = arith.index_cast %parallel_loop3A_670 : i32 to index
        %parallel_loop3A_691 = arith.constant 16 : index
        %parallel_loop3A_692 = tpu.vector_load %arg10[%parallel_loop3A_690, %parallel_loop3A_691] {strides = array<i32>} : memref<128x128xf32, #tpu.memory_space<vmem>>, vector<1x16xf32>,
        %parallel_loop3A_693 = vector.shape_cast %parallel_loop3A_692 : vector<1x16xf32> to vector<16xf32>
        %parallel_loop3A_694 = vector.shape_cast %parallel_loop3A_689 : vector<16xf32> to vector<1x16xf32>
        tpu.vector_store %arg10[%parallel_loop3A_690, %parallel_loop3A_691], %parallel_loop3A_694 {strides = array<i32>} : memref<128x128xf32, #tpu.memory_space<vmem>>, vector<1x16xf32>,
        %parallel_loop3A_695 = arith.index_cast %parallel_loop3A_670 : i32 to index
        %parallel_loop3A_696 = arith.constant 32 : index
        %parallel_loop3A_697 = tpu.vector_load %arg10[%parallel_loop3A_695, %parallel_loop3A_696] {strides = array<i32>} : memref<128x128xf32, #tpu.memory_space<vmem>>, vector<1x16xf32>,
        %parallel_loop3A_698 = vector.shape_cast %parallel_loop3A_697 : vector<1x16xf32> to vector<16xf32>
        %parallel_loop3A_699 = arith.constant 11.3137083 : f32
        %parallel_loop3A_700 = vector.broadcast %parallel_loop3A_699 : f32 to vector<16xf32>
        %parallel_loop3A_701 = arith.mulf %parallel_loop3A_698, %parallel_loop3A_700 : vector<16xf32>
        %parallel_loop3A_702 = arith.index_cast %parallel_loop3A_670 : i32 to index
        %parallel_loop3A_703 = arith.constant 32 : index
        %parallel_loop3A_704 = tpu.vector_load %arg10[%parallel_loop3A_702, %parallel_loop3A_703] {strides = array<i32>} : memref<128x128xf32, #tpu.memory_space<vmem>>, vector<1x16xf32>,
        %parallel_loop3A_705 = vector.shape_cast %parallel_loop3A_704 : vector<1x16xf32> to vector<16xf32>
        %parallel_loop3A_706 = vector.shape_cast %parallel_loop3A_701 : vector<16xf32> to vector<1x16xf32>
        tpu.vector_store %arg10[%parallel_loop3A_702, %parallel_loop3A_703], %parallel_loop3A_706 {strides = array<i32>} : memref<128x128xf32, #tpu.memory_space<vmem>>, vector<1x16xf32>,
        %parallel_loop3A_707 = arith.index_cast %parallel_loop3A_670 : i32 to index
        %parallel_loop3A_708 = arith.constant 48 : index
        %parallel_loop3A_709 = tpu.vector_load %arg10[%parallel_loop3A_707, %parallel_loop3A_708] {strides = array<i32>} : memref<128x128xf32, #tpu.memory_space<vmem>>, vector<1x16xf32>,
        %parallel_loop3A_710 = vector.shape_cast %parallel_loop3A_709 : vector<1x16xf32> to vector<16xf32>
        %parallel_loop3A_711 = arith.constant 11.3137083 : f32
        %parallel_loop3A_712 = vector.broadcast %parallel_loop3A_711 : f32 to vector<16xf32>
        %parallel_loop3A_713 = arith.mulf %parallel_loop3A_710, %parallel_loop3A_712 : vector<16xf32>
        %parallel_loop3A_714 = arith.index_cast %parallel_loop3A_670 : i32 to index
        %parallel_loop3A_715 = arith.constant 48 : index
        %parallel_loop3A_716 = tpu.vector_load %arg10[%parallel_loop3A_714, %parallel_loop3A_715] {strides = array<i32>} : memref<128x128xf32, #tpu.memory_space<vmem>>, vector<1x16xf32>,
        %parallel_loop3A_717 = vector.shape_cast %parallel_loop3A_716 : vector<1x16xf32> to vector<16xf32>
        %parallel_loop3A_718 = vector.shape_cast %parallel_loop3A_713 : vector<16xf32> to vector<1x16xf32>
        tpu.vector_store %arg10[%parallel_loop3A_714, %parallel_loop3A_715], %parallel_loop3A_718 {strides = array<i32>} : memref<128x128xf32, #tpu.memory_space<vmem>>, vector<1x16xf32>,
        %parallel_loop3A_719 = arith.index_cast %parallel_loop3A_670 : i32 to index
        %parallel_loop3A_720 = arith.constant 64 : index
        %parallel_loop3A_721 = tpu.vector_load %arg10[%parallel_loop3A_719, %parallel_loop3A_720] {strides = array<i32>} : memref<128x128xf32, #tpu.memory_space<vmem>>, vector<1x16xf32>,
        %parallel_loop3A_722 = vector.shape_cast %parallel_loop3A_721 : vector<1x16xf32> to vector<16xf32>
        %parallel_loop3A_723 = arith.constant 11.3137083 : f32
        %parallel_loop3A_724 = vector.broadcast %parallel_loop3A_723 : f32 to vector<16xf32>
        %parallel_loop3A_725 = arith.mulf %parallel_loop3A_722, %parallel_loop3A_724 : vector<16xf32>
        %parallel_loop3A_726 = arith.index_cast %parallel_loop3A_670 : i32 to index
        %parallel_loop3A_727 = arith.constant 64 : index
        %parallel_loop3A_728 = tpu.vector_load %arg10[%parallel_loop3A_726, %parallel_loop3A_727] {strides = array<i32>} : memref<128x128xf32, #tpu.memory_space<vmem>>, vector<1x16xf32>,
        %parallel_loop3A_729 = vector.shape_cast %parallel_loop3A_728 : vector<1x16xf32> to vector<16xf32>
        %parallel_loop3A_730 = vector.shape_cast %parallel_loop3A_725 : vector<16xf32> to vector<1x16xf32>
        tpu.vector_store %arg10[%parallel_loop3A_726, %parallel_loop3A_727], %parallel_loop3A_730 {strides = array<i32>} : memref<128x128xf32, #tpu.memory_space<vmem>>, vector<1x16xf32>,
        %parallel_loop3A_731 = arith.index_cast %parallel_loop3A_670 : i32 to index
        %parallel_loop3A_732 = arith.constant 80 : index
        %parallel_loop3A_733 = tpu.vector_load %arg10[%parallel_loop3A_731, %parallel_loop3A_732] {strides = array<i32>} : memref<128x128xf32, #tpu.memory_space<vmem>>, vector<1x16xf32>,
        %parallel_loop3A_734 = vector.shape_cast %parallel_loop3A_733 : vector<1x16xf32> to vector<16xf32>
        %parallel_loop3A_735 = arith.constant 11.3137083 : f32
        %parallel_loop3A_736 = vector.broadcast %parallel_loop3A_735 : f32 to vector<16xf32>
        %parallel_loop3A_737 = arith.mulf %parallel_loop3A_734, %parallel_loop3A_736 : vector<16xf32>
        %parallel_loop3A_738 = arith.index_cast %parallel_loop3A_670 : i32 to index
        %parallel_loop3A_739 = arith.constant 80 : index
        %parallel_loop3A_740 = tpu.vector_load %arg10[%parallel_loop3A_738, %parallel_loop3A_739] {strides = array<i32>} : memref<128x128xf32, #tpu.memory_space<vmem>>, vector<1x16xf32>,
        %parallel_loop3A_741 = vector.shape_cast %parallel_loop3A_740 : vector<1x16xf32> to vector<16xf32>
        %parallel_loop3A_742 = vector.shape_cast %parallel_loop3A_737 : vector<16xf32> to vector<1x16xf32>
        tpu.vector_store %arg10[%parallel_loop3A_738, %parallel_loop3A_739], %parallel_loop3A_742 {strides = array<i32>} : memref<128x128xf32, #tpu.memory_space<vmem>>, vector<1x16xf32>,
        %parallel_loop3A_743 = arith.index_cast %parallel_loop3A_670 : i32 to index
        %parallel_loop3A_744 = arith.constant 96 : index
        %parallel_loop3A_745 = tpu.vector_load %arg10[%parallel_loop3A_743, %parallel_loop3A_744] {strides = array<i32>} : memref<128x128xf32, #tpu.memory_space<vmem>>, vector<1x16xf32>,
        %parallel_loop3A_746 = vector.shape_cast %parallel_loop3A_745 : vector<1x16xf32> to vector<16xf32>
        %parallel_loop3A_747 = arith.constant 11.3137083 : f32
        %parallel_loop3A_748 = vector.broadcast %parallel_loop3A_747 : f32 to vector<16xf32>
        %parallel_loop3A_749 = arith.mulf %parallel_loop3A_746, %parallel_loop3A_748 : vector<16xf32>
        %parallel_loop3A_750 = arith.index_cast %parallel_loop3A_670 : i32 to index
        %parallel_loop3A_751 = arith.constant 96 : index
        %parallel_loop3A_752 = tpu.vector_load %arg10[%parallel_loop3A_750, %parallel_loop3A_751] {strides = array<i32>} : memref<128x128xf32, #tpu.memory_space<vmem>>, vector<1x16xf32>,
        %parallel_loop3A_753 = vector.shape_cast %parallel_loop3A_752 : vector<1x16xf32> to vector<16xf32>
        %parallel_loop3A_754 = vector.shape_cast %parallel_loop3A_749 : vector<16xf32> to vector<1x16xf32>
        tpu.vector_store %arg10[%parallel_loop3A_750, %parallel_loop3A_751], %parallel_loop3A_754 {strides = array<i32>} : memref<128x128xf32, #tpu.memory_space<vmem>>, vector<1x16xf32>,
        %parallel_loop3A_755 = arith.index_cast %parallel_loop3A_670 : i32 to index
        %parallel_loop3A_756 = arith.constant 112 : index
        %parallel_loop3A_757 = tpu.vector_load %arg10[%parallel_loop3A_755, %parallel_loop3A_756] {strides = array<i32>} : memref<128x128xf32, #tpu.memory_space<vmem>>, vector<1x16xf32>,
        %parallel_loop3A_758 = vector.shape_cast %parallel_loop3A_757 : vector<1x16xf32> to vector<16xf32>
        %parallel_loop3A_759 = arith.constant 11.3137083 : f32
        %parallel_loop3A_760 = vector.broadcast %parallel_loop3A_759 : f32 to vector<16xf32>
        %parallel_loop3A_761 = arith.mulf %parallel_loop3A_758, %parallel_loop3A_760 : vector<16xf32>
        %parallel_loop3A_762 = arith.index_cast %parallel_loop3A_670 : i32 to index
        %parallel_loop3A_763 = arith.constant 112 : index
        %parallel_loop3A_764 = tpu.vector_load %arg10[%parallel_loop3A_762, %parallel_loop3A_763] {strides = array<i32>} : memref<128x128xf32, #tpu.memory_space<vmem>>, vector<1x16xf32>,
        %parallel_loop3A_765 = vector.shape_cast %parallel_loop3A_764 : vector<1x16xf32> to vector<16xf32>
        %parallel_loop3A_766 = vector.shape_cast %parallel_loop3A_761 : vector<16xf32> to vector<1x16xf32>
        tpu.vector_store %arg10[%parallel_loop3A_762, %parallel_loop3A_763], %parallel_loop3A_766 {strides = array<i32>} : memref<128x128xf32, #tpu.memory_space<vmem>>, vector<1x16xf32>,
      } {sc.loop_unroll_factor = 4 : i64, sc.parallel_access}
      %mul3A_635 = arith.constant 128 : i32
      %mul3A_636 = arith.muli %add3A_622, %mul3A_635 : i32
      %add3A_637 = arith.addi %mul3A_2, %mul3A_636 : i32
      %dma_start3A_638 = arith.constant 4 : i32
      %dma_start3A_639 = arith.constant 0 : i32
      %dma_start3A_640 = tpu.memref_slice %arg4[%add3A_637, %dma_start3A_639] : memref<204800x128xf32, #tpu.memory_space<hbm>> -> memref<128x128xf32, #tpu.memory_space<hbm>>
      %dma_start3A_641 = tpu.memref_slice %arg12[%dma_start3A_638] : memref<5x!tpu.dma_semaphore, #tpu.memory_space<semaphore_mem>> -> memref<1x!tpu.dma_semaphore, #tpu.memory_space<semaphore_mem>>
      %dma_start3A_642 = tpu.memref_squeeze %dma_start3A_641 : memref<1x!tpu.dma_semaphore, #tpu.memory_space<semaphore_mem>> -> memref<!tpu.dma_semaphore, #tpu.memory_space<semaphore_mem>>
      %dma_start3A_643 = arith.constant 0 : i32
      %dma_start3A_644 = tpu.memref_slice %arg4[%add3A_637, %dma_start3A_643] : memref<204800x128xf32, #tpu.memory_space<hbm>> -> memref<128x128xf32, #tpu.memory_space<hbm>>
      tpu.enqueue_dma source(%arg10 : memref<128x128xf32, #tpu.memory_space<vmem>>) target(%dma_start3A_644 : memref<128x128xf32, #tpu.memory_space<hbm>>) target_semaphore(%dma_start3A_642 : memref<!tpu.dma_semaphore, #tpu.memory_space<semaphore_mem>>)
      %sub3A_645 = arith.constant 1 : i32
      %sub3A_646 = arith.subi %add3A_622, %sub3A_645 : i32
      %mul3A_647 = arith.constant 128 : i32
      %mul3A_648 = arith.muli %sub3A_646, %mul3A_647 : i32
      %add3A_649 = arith.addi %mul3A_2, %mul3A_648 : i32
      %dma_wait3A_650 = arith.constant 3 : i32
      %dma_wait3A_651 = arith.constant 0 : i32
      %dma_wait3A_652 = tpu.memref_slice %arg4[%add3A_649, %dma_wait3A_651] : memref<204800x128xf32, #tpu.memory_space<hbm>> -> memref<128x128xf32, #tpu.memory_space<hbm>>
      %dma_wait3A_653 = tpu.memref_slice %arg12[%dma_wait3A_650] : memref<5x!tpu.dma_semaphore, #tpu.memory_space<semaphore_mem>> -> memref<1x!tpu.dma_semaphore, #tpu.memory_space<semaphore_mem>>
      %dma_wait3A_654 = tpu.memref_squeeze %dma_wait3A_653 : memref<1x!tpu.dma_semaphore, #tpu.memory_space<semaphore_mem>> -> memref<!tpu.dma_semaphore, #tpu.memory_space<semaphore_mem>>
      %dma_wait3A_655 = arith.constant 0 : i32
      %dma_wait3A_656 = tpu.memref_slice %arg4[%add3A_649, %dma_wait3A_655] : memref<204800x128xf32, #tpu.memory_space<hbm>> -> memref<128x128xf32, #tpu.memory_space<hbm>>
      tpu.wait_dma2 semaphore(%dma_wait3A_654 : memref<!tpu.dma_semaphore, #tpu.memory_space<semaphore_mem>>) src(%arg9 : memref<128x128xf32, #tpu.memory_space<vmem>>) dst(%dma_wait3A_656 : memref<128x128xf32, #tpu.memory_space<hbm>>)
      %add3A_657 = arith.constant 5 : i32
      %add3A_658 = arith.addi %add3A_622, %add3A_657 : i32
      %sub3A_659 = arith.constant 1 : i32
      %sub3A_660 = arith.subi %add3A_658, %sub3A_659 : i32
      %dma_start3A_661 = arith.constant 3 : i32
      %dma_start3A_662 = arith.constant 0 : i32
      %dma_start3A_663 = tpu.memref_slice %arg5[%sub3A_660, %dma_start3A_662] : memref<50x128xi32, #tpu.memory_space<vmem>> -> memref<1x128xi32, #tpu.memory_space<vmem>>
      %dma_start3A_664 = tpu.memref_squeeze %dma_start3A_663 : memref<1x128xi32, #tpu.memory_space<vmem>> -> memref<128xi32, #tpu.memory_space<vmem>>
      %dma_start3A_665 = arith.constant 0 : i32
      %dma_start3A_666 = arith.constant 0 : i32
      %dma_start3A_667 = tpu.memref_slice %arg2[%dma_start3A_665, %dma_start3A_666] : memref<100000x128xf32, #tpu.memory_space<hbm>> -> memref<100000x128xf32, #tpu.memory_space<hbm>>
      %dma_start3A_668 = tpu.memref_slice %arg11[%dma_start3A_661] : memref<5x!tpu.dma_semaphore, #tpu.memory_space<semaphore_mem>> -> memref<1x!tpu.dma_semaphore, #tpu.memory_space<semaphore_mem>>
      %dma_start3A_669 = tpu.memref_squeeze %dma_start3A_668 : memref<1x!tpu.dma_semaphore, #tpu.memory_space<semaphore_mem>> -> memref<!tpu.dma_semaphore, #tpu.memory_space<semaphore_mem>>
      tpu.enqueue_indirect_dma source(%dma_start3A_667 : memref<100000x128xf32, #tpu.memory_space<hbm>>) target(%arg9 : memref<128x128xf32, #tpu.memory_space<vmem>>) offsets(%dma_start3A_664 : memref<128xi32, #tpu.memory_space<vmem>>) semaphore(%dma_start3A_669 : memref<!tpu.dma_semaphore, #tpu.memory_space<semaphore_mem>>)
    }
    %scan3A_240 = arith.constant 8 : i32
    %dma_wait3A_241 = arith.constant 45 : i32
    %dma_wait3A_242 = arith.constant 0 : i32
    %dma_wait3A_243 = arith.constant 0 : i32
    %dma_wait3A_244 = tpu.memref_slice %arg5[%dma_wait3A_241, %dma_wait3A_243] : memref<50x128xi32, #tpu.memory_space<vmem>> -> memref<1x128xi32, #tpu.memory_space<vmem>>
    %dma_wait3A_245 = tpu.memref_squeeze %dma_wait3A_244 : memref<1x128xi32, #tpu.memory_space<vmem>> -> memref<128xi32, #tpu.memory_space<vmem>>
    %dma_wait3A_246 = arith.constant 0 : i32
    %dma_wait3A_247 = arith.constant 0 : i32
    %dma_wait3A_248 = tpu.memref_slice %arg2[%dma_wait3A_246, %dma_wait3A_247] : memref<100000x128xf32, #tpu.memory_space<hbm>> -> memref<100000x128xf32, #tpu.memory_space<hbm>>
    %dma_wait3A_249 = tpu.memref_slice %arg11[%dma_wait3A_242] : memref<5x!tpu.dma_semaphore, #tpu.memory_space<semaphore_mem>> -> memref<1x!tpu.dma_semaphore, #tpu.memory_space<semaphore_mem>>
    %dma_wait3A_250 = tpu.memref_squeeze %dma_wait3A_249 : memref<1x!tpu.dma_semaphore, #tpu.memory_space<semaphore_mem>> -> memref<!tpu.dma_semaphore, #tpu.memory_space<semaphore_mem>>
    tpu.wait_indirect_dma semaphore(%dma_wait3A_250 : memref<!tpu.dma_semaphore, #tpu.memory_space<semaphore_mem>>) src(%dma_wait3A_248 : memref<100000x128xf32, #tpu.memory_space<hbm>>) dst(%arg6 : memref<128x128xf32, #tpu.memory_space<vmem>>)
    %parallel_loop3A_251 = arith.constant 0 : i32
    %parallel_loop3A_252 = arith.constant 128 : i32
    %parallel_loop3A_253 = arith.constant 1 : i32
    scf.for %parallel_loop3A_415 = %parallel_loop3A_251 to %parallel_loop3A_252 step %parallel_loop3A_253  : i32 {
      %parallel_loop3A_416 = arith.index_cast %parallel_loop3A_415 : i32 to index
      %parallel_loop3A_417 = arith.constant 0 : index
      %parallel_loop3A_418 = tpu.vector_load %arg6[%parallel_loop3A_416, %parallel_loop3A_417] {strides = array<i32>} : memref<128x128xf32, #tpu.memory_space<vmem>>, vector<1x16xf32>,
      %parallel_loop3A_419 = vector.shape_cast %parallel_loop3A_418 : vector<1x16xf32> to vector<16xf32>
      %parallel_loop3A_420 = arith.constant 11.3137083 : f32
      %parallel_loop3A_421 = vector.broadcast %parallel_loop3A_420 : f32 to vector<16xf32>
      %parallel_loop3A_422 = arith.mulf %parallel_loop3A_419, %parallel_loop3A_421 : vector<16xf32>
      %parallel_loop3A_423 = arith.index_cast %parallel_loop3A_415 : i32 to index
      %parallel_loop3A_424 = arith.constant 0 : index
      %parallel_loop3A_425 = tpu.vector_load %arg6[%parallel_loop3A_423, %parallel_loop3A_424] {strides = array<i32>} : memref<128x128xf32, #tpu.memory_space<vmem>>, vector<1x16xf32>,
      %parallel_loop3A_426 = vector.shape_cast %parallel_loop3A_425 : vector<1x16xf32> to vector<16xf32>
      %parallel_loop3A_427 = vector.shape_cast %parallel_loop3A_422 : vector<16xf32> to vector<1x16xf32>
      tpu.vector_store %arg6[%parallel_loop3A_423, %parallel_loop3A_424], %parallel_loop3A_427 {strides = array<i32>} : memref<128x128xf32, #tpu.memory_space<vmem>>, vector<1x16xf32>,
      %parallel_loop3A_428 = arith.index_cast %parallel_loop3A_415 : i32 to index
      %parallel_loop3A_429 = arith.constant 16 : index
      %parallel_loop3A_430 = tpu.vector_load %arg6[%parallel_loop3A_428, %parallel_loop3A_429] {strides = array<i32>} : memref<128x128xf32, #tpu.memory_space<vmem>>, vector<1x16xf32>,
      %parallel_loop3A_431 = vector.shape_cast %parallel_loop3A_430 : vector<1x16xf32> to vector<16xf32>
      %parallel_loop3A_432 = arith.constant 11.3137083 : f32
      %parallel_loop3A_433 = vector.broadcast %parallel_loop3A_432 : f32 to vector<16xf32>
      %parallel_loop3A_434 = arith.mulf %parallel_loop3A_431, %parallel_loop3A_433 : vector<16xf32>
      %parallel_loop3A_435 = arith.index_cast %parallel_loop3A_415 : i32 to index
      %parallel_loop3A_436 = arith.constant 16 : index
      %parallel_loop3A_437 = tpu.vector_load %arg6[%parallel_loop3A_435, %parallel_loop3A_436] {strides = array<i32>} : memref<128x128xf32, #tpu.memory_space<vmem>>, vector<1x16xf32>,
      %parallel_loop3A_438 = vector.shape_cast %parallel_loop3A_437 : vector<1x16xf32> to vector<16xf32>
      %parallel_loop3A_439 = vector.shape_cast %parallel_loop3A_434 : vector<16xf32> to vector<1x16xf32>
      tpu.vector_store %arg6[%parallel_loop3A_435, %parallel_loop3A_436], %parallel_loop3A_439 {strides = array<i32>} : memref<128x128xf32, #tpu.memory_space<vmem>>, vector<1x16xf32>,
      %parallel_loop3A_440 = arith.index_cast %parallel_loop3A_415 : i32 to index
      %parallel_loop3A_441 = arith.constant 32 : index
      %parallel_loop3A_442 = tpu.vector_load %arg6[%parallel_loop3A_440, %parallel_loop3A_441] {strides = array<i32>} : memref<128x128xf32, #tpu.memory_space<vmem>>, vector<1x16xf32>,
      %parallel_loop3A_443 = vector.shape_cast %parallel_loop3A_442 : vector<1x16xf32> to vector<16xf32>
      %parallel_loop3A_444 = arith.constant 11.3137083 : f32
      %parallel_loop3A_445 = vector.broadcast %parallel_loop3A_444 : f32 to vector<16xf32>
      %parallel_loop3A_446 = arith.mulf %parallel_loop3A_443, %parallel_loop3A_445 : vector<16xf32>
      %parallel_loop3A_447 = arith.index_cast %parallel_loop3A_415 : i32 to index
      %parallel_loop3A_448 = arith.constant 32 : index
      %parallel_loop3A_449 = tpu.vector_load %arg6[%parallel_loop3A_447, %parallel_loop3A_448] {strides = array<i32>} : memref<128x128xf32, #tpu.memory_space<vmem>>, vector<1x16xf32>,
      %parallel_loop3A_450 = vector.shape_cast %parallel_loop3A_449 : vector<1x16xf32> to vector<16xf32>
      %parallel_loop3A_451 = vector.shape_cast %parallel_loop3A_446 : vector<16xf32> to vector<1x16xf32>
      tpu.vector_store %arg6[%parallel_loop3A_447, %parallel_loop3A_448], %parallel_loop3A_451 {strides = array<i32>} : memref<128x128xf32, #tpu.memory_space<vmem>>, vector<1x16xf32>,
      %parallel_loop3A_452 = arith.index_cast %parallel_loop3A_415 : i32 to index
      %parallel_loop3A_453 = arith.constant 48 : index
      %parallel_loop3A_454 = tpu.vector_load %arg6[%parallel_loop3A_452, %parallel_loop3A_453] {strides = array<i32>} : memref<128x128xf32, #tpu.memory_space<vmem>>, vector<1x16xf32>,
      %parallel_loop3A_455 = vector.shape_cast %parallel_loop3A_454 : vector<1x16xf32> to vector<16xf32>
      %parallel_loop3A_456 = arith.constant 11.3137083 : f32
      %parallel_loop3A_457 = vector.broadcast %parallel_loop3A_456 : f32 to vector<16xf32>
      %parallel_loop3A_458 = arith.mulf %parallel_loop3A_455, %parallel_loop3A_457 : vector<16xf32>
      %parallel_loop3A_459 = arith.index_cast %parallel_loop3A_415 : i32 to index
      %parallel_loop3A_460 = arith.constant 48 : index
      %parallel_loop3A_461 = tpu.vector_load %arg6[%parallel_loop3A_459, %parallel_loop3A_460] {strides = array<i32>} : memref<128x128xf32, #tpu.memory_space<vmem>>, vector<1x16xf32>,
      %parallel_loop3A_462 = vector.shape_cast %parallel_loop3A_461 : vector<1x16xf32> to vector<16xf32>
      %parallel_loop3A_463 = vector.shape_cast %parallel_loop3A_458 : vector<16xf32> to vector<1x16xf32>
      tpu.vector_store %arg6[%parallel_loop3A_459, %parallel_loop3A_460], %parallel_loop3A_463 {strides = array<i32>} : memref<128x128xf32, #tpu.memory_space<vmem>>, vector<1x16xf32>,
      %parallel_loop3A_464 = arith.index_cast %parallel_loop3A_415 : i32 to index
      %parallel_loop3A_465 = arith.constant 64 : index
      %parallel_loop3A_466 = tpu.vector_load %arg6[%parallel_loop3A_464, %parallel_loop3A_465] {strides = array<i32>} : memref<128x128xf32, #tpu.memory_space<vmem>>, vector<1x16xf32>,
      %parallel_loop3A_467 = vector.shape_cast %parallel_loop3A_466 : vector<1x16xf32> to vector<16xf32>
      %parallel_loop3A_468 = arith.constant 11.3137083 : f32
      %parallel_loop3A_469 = vector.broadcast %parallel_loop3A_468 : f32 to vector<16xf32>
      %parallel_loop3A_470 = arith.mulf %parallel_loop3A_467, %parallel_loop3A_469 : vector<16xf32>
      %parallel_loop3A_471 = arith.index_cast %parallel_loop3A_415 : i32 to index
      %parallel_loop3A_472 = arith.constant 64 : index
      %parallel_loop3A_473 = tpu.vector_load %arg6[%parallel_loop3A_471, %parallel_loop3A_472] {strides = array<i32>} : memref<128x128xf32, #tpu.memory_space<vmem>>, vector<1x16xf32>,
      %parallel_loop3A_474 = vector.shape_cast %parallel_loop3A_473 : vector<1x16xf32> to vector<16xf32>
      %parallel_loop3A_475 = vector.shape_cast %parallel_loop3A_470 : vector<16xf32> to vector<1x16xf32>
      tpu.vector_store %arg6[%parallel_loop3A_471, %parallel_loop3A_472], %parallel_loop3A_475 {strides = array<i32>} : memref<128x128xf32, #tpu.memory_space<vmem>>, vector<1x16xf32>,
      %parallel_loop3A_476 = arith.index_cast %parallel_loop3A_415 : i32 to index
      %parallel_loop3A_477 = arith.constant 80 : index
      %parallel_loop3A_478 = tpu.vector_load %arg6[%parallel_loop3A_476, %parallel_loop3A_477] {strides = array<i32>} : memref<128x128xf32, #tpu.memory_space<vmem>>, vector<1x16xf32>,
      %parallel_loop3A_479 = vector.shape_cast %parallel_loop3A_478 : vector<1x16xf32> to vector<16xf32>
      %parallel_loop3A_480 = arith.constant 11.3137083 : f32
      %parallel_loop3A_481 = vector.broadcast %parallel_loop3A_480 : f32 to vector<16xf32>
      %parallel_loop3A_482 = arith.mulf %parallel_loop3A_479, %parallel_loop3A_481 : vector<16xf32>
      %parallel_loop3A_483 = arith.index_cast %parallel_loop3A_415 : i32 to index
      %parallel_loop3A_484 = arith.constant 80 : index
      %parallel_loop3A_485 = tpu.vector_load %arg6[%parallel_loop3A_483, %parallel_loop3A_484] {strides = array<i32>} : memref<128x128xf32, #tpu.memory_space<vmem>>, vector<1x16xf32>,
      %parallel_loop3A_486 = vector.shape_cast %parallel_loop3A_485 : vector<1x16xf32> to vector<16xf32>
      %parallel_loop3A_487 = vector.shape_cast %parallel_loop3A_482 : vector<16xf32> to vector<1x16xf32>
      tpu.vector_store %arg6[%parallel_loop3A_483, %parallel_loop3A_484], %parallel_loop3A_487 {strides = array<i32>} : memref<128x128xf32, #tpu.memory_space<vmem>>, vector<1x16xf32>,
      %parallel_loop3A_488 = arith.index_cast %parallel_loop3A_415 : i32 to index
      %parallel_loop3A_489 = arith.constant 96 : index
      %parallel_loop3A_490 = tpu.vector_load %arg6[%parallel_loop3A_488, %parallel_loop3A_489] {strides = array<i32>} : memref<128x128xf32, #tpu.memory_space<vmem>>, vector<1x16xf32>,
      %parallel_loop3A_491 = vector.shape_cast %parallel_loop3A_490 : vector<1x16xf32> to vector<16xf32>
      %parallel_loop3A_492 = arith.constant 11.3137083 : f32
      %parallel_loop3A_493 = vector.broadcast %parallel_loop3A_492 : f32 to vector<16xf32>
      %parallel_loop3A_494 = arith.mulf %parallel_loop3A_491, %parallel_loop3A_493 : vector<16xf32>
      %parallel_loop3A_495 = arith.index_cast %parallel_loop3A_415 : i32 to index
      %parallel_loop3A_496 = arith.constant 96 : index
      %parallel_loop3A_497 = tpu.vector_load %arg6[%parallel_loop3A_495, %parallel_loop3A_496] {strides = array<i32>} : memref<128x128xf32, #tpu.memory_space<vmem>>, vector<1x16xf32>,
      %parallel_loop3A_498 = vector.shape_cast %parallel_loop3A_497 : vector<1x16xf32> to vector<16xf32>
      %parallel_loop3A_499 = vector.shape_cast %parallel_loop3A_494 : vector<16xf32> to vector<1x16xf32>
      tpu.vector_store %arg6[%parallel_loop3A_495, %parallel_loop3A_496], %parallel_loop3A_499 {strides = array<i32>} : memref<128x128xf32, #tpu.memory_space<vmem>>, vector<1x16xf32>,
      %parallel_loop3A_500 = arith.index_cast %parallel_loop3A_415 : i32 to index
      %parallel_loop3A_501 = arith.constant 112 : index
      %parallel_loop3A_502 = tpu.vector_load %arg6[%parallel_loop3A_500, %parallel_loop3A_501] {strides = array<i32>} : memref<128x128xf32, #tpu.memory_space<vmem>>, vector<1x16xf32>,
      %parallel_loop3A_503 = vector.shape_cast %parallel_loop3A_502 : vector<1x16xf32> to vector<16xf32>
      %parallel_loop3A_504 = arith.constant 11.3137083 : f32
      %parallel_loop3A_505 = vector.broadcast %parallel_loop3A_504 : f32 to vector<16xf32>
      %parallel_loop3A_506 = arith.mulf %parallel_loop3A_503, %parallel_loop3A_505 : vector<16xf32>
      %parallel_loop3A_507 = arith.index_cast %parallel_loop3A_415 : i32 to index
      %parallel_loop3A_508 = arith.constant 112 : index
      %parallel_loop3A_509 = tpu.vector_load %arg6[%parallel_loop3A_507, %parallel_loop3A_508] {strides = array<i32>} : memref<128x128xf32, #tpu.memory_space<vmem>>, vector<1x16xf32>,
      %parallel_loop3A_510 = vector.shape_cast %parallel_loop3A_509 : vector<1x16xf32> to vector<16xf32>
      %parallel_loop3A_511 = vector.shape_cast %parallel_loop3A_506 : vector<16xf32> to vector<1x16xf32>
      tpu.vector_store %arg6[%parallel_loop3A_507, %parallel_loop3A_508], %parallel_loop3A_511 {strides = array<i32>} : memref<128x128xf32, #tpu.memory_space<vmem>>, vector<1x16xf32>,
    } {sc.loop_unroll_factor = 4 : i64, sc.parallel_access}
    %add3A_254 = arith.constant 5760 : i32
    %add3A_255 = arith.addi %mul3A_2, %add3A_254 : i32
    %dma_start3A_256 = arith.constant 0 : i32
    %dma_start3A_257 = arith.constant 0 : i32
    %dma_start3A_258 = tpu.memref_slice %arg4[%add3A_255, %dma_start3A_257] : memref<204800x128xf32, #tpu.memory_space<hbm>> -> memref<128x128xf32, #tpu.memory_space<hbm>>
    %dma_start3A_259 = tpu.memref_slice %arg12[%dma_start3A_256] : memref<5x!tpu.dma_semaphore, #tpu.memory_space<semaphore_mem>> -> memref<1x!tpu.dma_semaphore, #tpu.memory_space<semaphore_mem>>
    %dma_start3A_260 = tpu.memref_squeeze %dma_start3A_259 : memref<1x!tpu.dma_semaphore, #tpu.memory_space<semaphore_mem>> -> memref<!tpu.dma_semaphore, #tpu.memory_space<semaphore_mem>>
    %dma_start3A_261 = arith.constant 0 : i32
    %dma_start3A_262 = tpu.memref_slice %arg4[%add3A_255, %dma_start3A_261] : memref<204800x128xf32, #tpu.memory_space<hbm>> -> memref<128x128xf32, #tpu.memory_space<hbm>>
    tpu.enqueue_dma source(%arg6 : memref<128x128xf32, #tpu.memory_space<vmem>>) target(%dma_start3A_262 : memref<128x128xf32, #tpu.memory_space<hbm>>) target_semaphore(%dma_start3A_260 : memref<!tpu.dma_semaphore, #tpu.memory_space<semaphore_mem>>)
    %add3A_263 = arith.constant 5632 : i32
    %add3A_264 = arith.addi %mul3A_2, %add3A_263 : i32
    %dma_wait3A_265 = arith.constant 4 : i32
    %dma_wait3A_266 = arith.constant 0 : i32
    %dma_wait3A_267 = tpu.memref_slice %arg4[%add3A_264, %dma_wait3A_266] : memref<204800x128xf32, #tpu.memory_space<hbm>> -> memref<128x128xf32, #tpu.memory_space<hbm>>
    %dma_wait3A_268 = tpu.memref_slice %arg12[%dma_wait3A_265] : memref<5x!tpu.dma_semaphore, #tpu.memory_space<semaphore_mem>> -> memref<1x!tpu.dma_semaphore, #tpu.memory_space<semaphore_mem>>
    %dma_wait3A_269 = tpu.memref_squeeze %dma_wait3A_268 : memref<1x!tpu.dma_semaphore, #tpu.memory_space<semaphore_mem>> -> memref<!tpu.dma_semaphore, #tpu.memory_space<semaphore_mem>>
    %dma_wait3A_270 = arith.constant 0 : i32
    %dma_wait3A_271 = tpu.memref_slice %arg4[%add3A_264, %dma_wait3A_270] : memref<204800x128xf32, #tpu.memory_space<hbm>> -> memref<128x128xf32, #tpu.memory_space<hbm>>
    tpu.wait_dma2 semaphore(%dma_wait3A_269 : memref<!tpu.dma_semaphore, #tpu.memory_space<semaphore_mem>>) src(%arg10 : memref<128x128xf32, #tpu.memory_space<vmem>>) dst(%dma_wait3A_271 : memref<128x128xf32, #tpu.memory_space<hbm>>)
    %dma_start3A_272 = arith.constant 49 : i32
    %dma_start3A_273 = arith.constant 4 : i32
    %dma_start3A_274 = arith.constant 0 : i32
    %dma_start3A_275 = tpu.memref_slice %arg5[%dma_start3A_272, %dma_start3A_274] : memref<50x128xi32, #tpu.memory_space<vmem>> -> memref<1x128xi32, #tpu.memory_space<vmem>>
    %dma_start3A_276 = tpu.memref_squeeze %dma_start3A_275 : memref<1x128xi32, #tpu.memory_space<vmem>> -> memref<128xi32, #tpu.memory_space<vmem>>
    %dma_start3A_277 = arith.constant 0 : i32
    %dma_start3A_278 = arith.constant 0 : i32
    %dma_start3A_279 = tpu.memref_slice %arg2[%dma_start3A_277, %dma_start3A_278] : memref<100000x128xf32, #tpu.memory_space<hbm>> -> memref<100000x128xf32, #tpu.memory_space<hbm>>
    %dma_start3A_280 = tpu.memref_slice %arg11[%dma_start3A_273] : memref<5x!tpu.dma_semaphore, #tpu.memory_space<semaphore_mem>> -> memref<1x!tpu.dma_semaphore, #tpu.memory_space<semaphore_mem>>
    %dma_start3A_281 = tpu.memref_squeeze %dma_start3A_280 : memref<1x!tpu.dma_semaphore, #tpu.memory_space<semaphore_mem>> -> memref<!tpu.dma_semaphore, #tpu.memory_space<semaphore_mem>>
    tpu.enqueue_indirect_dma source(%dma_start3A_279 : memref<100000x128xf32, #tpu.memory_space<hbm>>) target(%arg10 : memref<128x128xf32, #tpu.memory_space<vmem>>) offsets(%dma_start3A_276 : memref<128xi32, #tpu.memory_space<vmem>>) semaphore(%dma_start3A_281 : memref<!tpu.dma_semaphore, #tpu.memory_space<semaphore_mem>>)
    %dma_wait3A_282 = arith.constant 46 : i32
    %dma_wait3A_283 = arith.constant 1 : i32
    %dma_wait3A_284 = arith.constant 0 : i32
    %dma_wait3A_285 = tpu.memref_slice %arg5[%dma_wait3A_282, %dma_wait3A_284] : memref<50x128xi32, #tpu.memory_space<vmem>> -> memref<1x128xi32, #tpu.memory_space<vmem>>
    %dma_wait3A_286 = tpu.memref_squeeze %dma_wait3A_285 : memref<1x128xi32, #tpu.memory_space<vmem>> -> memref<128xi32, #tpu.memory_space<vmem>>
    %dma_wait3A_287 = arith.constant 0 : i32
    %dma_wait3A_288 = arith.constant 0 : i32
    %dma_wait3A_289 = tpu.memref_slice %arg2[%dma_wait3A_287, %dma_wait3A_288] : memref<100000x128xf32, #tpu.memory_space<hbm>> -> memref<100000x128xf32, #tpu.memory_space<hbm>>
    %dma_wait3A_290 = tpu.memref_slice %arg11[%dma_wait3A_283] : memref<5x!tpu.dma_semaphore, #tpu.memory_space<semaphore_mem>> -> memref<1x!tpu.dma_semaphore, #tpu.memory_space<semaphore_mem>>
    %dma_wait3A_291 = tpu.memref_squeeze %dma_wait3A_290 : memref<1x!tpu.dma_semaphore, #tpu.memory_space<semaphore_mem>> -> memref<!tpu.dma_semaphore, #tpu.memory_space<semaphore_mem>>
    tpu.wait_indirect_dma semaphore(%dma_wait3A_291 : memref<!tpu.dma_semaphore, #tpu.memory_space<semaphore_mem>>) src(%dma_wait3A_289 : memref<100000x128xf32, #tpu.memory_space<hbm>>) dst(%arg7 : memref<128x128xf32, #tpu.memory_space<vmem>>)
    %parallel_loop3A_292 = arith.constant 0 : i32
    %parallel_loop3A_293 = arith.constant 128 : i32
    %parallel_loop3A_294 = arith.constant 1 : i32
    scf.for %parallel_loop3A_415 = %parallel_loop3A_292 to %parallel_loop3A_293 step %parallel_loop3A_294  : i32 {
      %parallel_loop3A_416 = arith.index_cast %parallel_loop3A_415 : i32 to index
      %parallel_loop3A_417 = arith.constant 0 : index
      %parallel_loop3A_418 = tpu.vector_load %arg7[%parallel_loop3A_416, %parallel_loop3A_417] {strides = array<i32>} : memref<128x128xf32, #tpu.memory_space<vmem>>, vector<1x16xf32>,
      %parallel_loop3A_419 = vector.shape_cast %parallel_loop3A_418 : vector<1x16xf32> to vector<16xf32>
      %parallel_loop3A_420 = arith.constant 11.3137083 : f32
      %parallel_loop3A_421 = vector.broadcast %parallel_loop3A_420 : f32 to vector<16xf32>
      %parallel_loop3A_422 = arith.mulf %parallel_loop3A_419, %parallel_loop3A_421 : vector<16xf32>
      %parallel_loop3A_423 = arith.index_cast %parallel_loop3A_415 : i32 to index
      %parallel_loop3A_424 = arith.constant 0 : index
      %parallel_loop3A_425 = tpu.vector_load %arg7[%parallel_loop3A_423, %parallel_loop3A_424] {strides = array<i32>} : memref<128x128xf32, #tpu.memory_space<vmem>>, vector<1x16xf32>,
      %parallel_loop3A_426 = vector.shape_cast %parallel_loop3A_425 : vector<1x16xf32> to vector<16xf32>
      %parallel_loop3A_427 = vector.shape_cast %parallel_loop3A_422 : vector<16xf32> to vector<1x16xf32>
      tpu.vector_store %arg7[%parallel_loop3A_423, %parallel_loop3A_424], %parallel_loop3A_427 {strides = array<i32>} : memref<128x128xf32, #tpu.memory_space<vmem>>, vector<1x16xf32>,
      %parallel_loop3A_428 = arith.index_cast %parallel_loop3A_415 : i32 to index
      %parallel_loop3A_429 = arith.constant 16 : index
      %parallel_loop3A_430 = tpu.vector_load %arg7[%parallel_loop3A_428, %parallel_loop3A_429] {strides = array<i32>} : memref<128x128xf32, #tpu.memory_space<vmem>>, vector<1x16xf32>,
      %parallel_loop3A_431 = vector.shape_cast %parallel_loop3A_430 : vector<1x16xf32> to vector<16xf32>
      %parallel_loop3A_432 = arith.constant 11.3137083 : f32
      %parallel_loop3A_433 = vector.broadcast %parallel_loop3A_432 : f32 to vector<16xf32>
      %parallel_loop3A_434 = arith.mulf %parallel_loop3A_431, %parallel_loop3A_433 : vector<16xf32>
      %parallel_loop3A_435 = arith.index_cast %parallel_loop3A_415 : i32 to index
      %parallel_loop3A_436 = arith.constant 16 : index
      %parallel_loop3A_437 = tpu.vector_load %arg7[%parallel_loop3A_435, %parallel_loop3A_436] {strides = array<i32>} : memref<128x128xf32, #tpu.memory_space<vmem>>, vector<1x16xf32>,
      %parallel_loop3A_438 = vector.shape_cast %parallel_loop3A_437 : vector<1x16xf32> to vector<16xf32>
      %parallel_loop3A_439 = vector.shape_cast %parallel_loop3A_434 : vector<16xf32> to vector<1x16xf32>
      tpu.vector_store %arg7[%parallel_loop3A_435, %parallel_loop3A_436], %parallel_loop3A_439 {strides = array<i32>} : memref<128x128xf32, #tpu.memory_space<vmem>>, vector<1x16xf32>,
      %parallel_loop3A_440 = arith.index_cast %parallel_loop3A_415 : i32 to index
      %parallel_loop3A_441 = arith.constant 32 : index
      %parallel_loop3A_442 = tpu.vector_load %arg7[%parallel_loop3A_440, %parallel_loop3A_441] {strides = array<i32>} : memref<128x128xf32, #tpu.memory_space<vmem>>, vector<1x16xf32>,
      %parallel_loop3A_443 = vector.shape_cast %parallel_loop3A_442 : vector<1x16xf32> to vector<16xf32>
      %parallel_loop3A_444 = arith.constant 11.3137083 : f32
      %parallel_loop3A_445 = vector.broadcast %parallel_loop3A_444 : f32 to vector<16xf32>
      %parallel_loop3A_446 = arith.mulf %parallel_loop3A_443, %parallel_loop3A_445 : vector<16xf32>
      %parallel_loop3A_447 = arith.index_cast %parallel_loop3A_415 : i32 to index
      %parallel_loop3A_448 = arith.constant 32 : index
      %parallel_loop3A_449 = tpu.vector_load %arg7[%parallel_loop3A_447, %parallel_loop3A_448] {strides = array<i32>} : memref<128x128xf32, #tpu.memory_space<vmem>>, vector<1x16xf32>,
      %parallel_loop3A_450 = vector.shape_cast %parallel_loop3A_449 : vector<1x16xf32> to vector<16xf32>
      %parallel_loop3A_451 = vector.shape_cast %parallel_loop3A_446 : vector<16xf32> to vector<1x16xf32>
      tpu.vector_store %arg7[%parallel_loop3A_447, %parallel_loop3A_448], %parallel_loop3A_451 {strides = array<i32>} : memref<128x128xf32, #tpu.memory_space<vmem>>, vector<1x16xf32>,
      %parallel_loop3A_452 = arith.index_cast %parallel_loop3A_415 : i32 to index
      %parallel_loop3A_453 = arith.constant 48 : index
      %parallel_loop3A_454 = tpu.vector_load %arg7[%parallel_loop3A_452, %parallel_loop3A_453] {strides = array<i32>} : memref<128x128xf32, #tpu.memory_space<vmem>>, vector<1x16xf32>,
      %parallel_loop3A_455 = vector.shape_cast %parallel_loop3A_454 : vector<1x16xf32> to vector<16xf32>
      %parallel_loop3A_456 = arith.constant 11.3137083 : f32
      %parallel_loop3A_457 = vector.broadcast %parallel_loop3A_456 : f32 to vector<16xf32>
      %parallel_loop3A_458 = arith.mulf %parallel_loop3A_455, %parallel_loop3A_457 : vector<16xf32>
      %parallel_loop3A_459 = arith.index_cast %parallel_loop3A_415 : i32 to index
      %parallel_loop3A_460 = arith.constant 48 : index
      %parallel_loop3A_461 = tpu.vector_load %arg7[%parallel_loop3A_459, %parallel_loop3A_460] {strides = array<i32>} : memref<128x128xf32, #tpu.memory_space<vmem>>, vector<1x16xf32>,
      %parallel_loop3A_462 = vector.shape_cast %parallel_loop3A_461 : vector<1x16xf32> to vector<16xf32>
      %parallel_loop3A_463 = vector.shape_cast %parallel_loop3A_458 : vector<16xf32> to vector<1x16xf32>
      tpu.vector_store %arg7[%parallel_loop3A_459, %parallel_loop3A_460], %parallel_loop3A_463 {strides = array<i32>} : memref<128x128xf32, #tpu.memory_space<vmem>>, vector<1x16xf32>,
      %parallel_loop3A_464 = arith.index_cast %parallel_loop3A_415 : i32 to index
      %parallel_loop3A_465 = arith.constant 64 : index
      %parallel_loop3A_466 = tpu.vector_load %arg7[%parallel_loop3A_464, %parallel_loop3A_465] {strides = array<i32>} : memref<128x128xf32, #tpu.memory_space<vmem>>, vector<1x16xf32>,
      %parallel_loop3A_467 = vector.shape_cast %parallel_loop3A_466 : vector<1x16xf32> to vector<16xf32>
      %parallel_loop3A_468 = arith.constant 11.3137083 : f32
      %parallel_loop3A_469 = vector.broadcast %parallel_loop3A_468 : f32 to vector<16xf32>
      %parallel_loop3A_470 = arith.mulf %parallel_loop3A_467, %parallel_loop3A_469 : vector<16xf32>
      %parallel_loop3A_471 = arith.index_cast %parallel_loop3A_415 : i32 to index
      %parallel_loop3A_472 = arith.constant 64 : index
      %parallel_loop3A_473 = tpu.vector_load %arg7[%parallel_loop3A_471, %parallel_loop3A_472] {strides = array<i32>} : memref<128x128xf32, #tpu.memory_space<vmem>>, vector<1x16xf32>,
      %parallel_loop3A_474 = vector.shape_cast %parallel_loop3A_473 : vector<1x16xf32> to vector<16xf32>
      %parallel_loop3A_475 = vector.shape_cast %parallel_loop3A_470 : vector<16xf32> to vector<1x16xf32>
      tpu.vector_store %arg7[%parallel_loop3A_471, %parallel_loop3A_472], %parallel_loop3A_475 {strides = array<i32>} : memref<128x128xf32, #tpu.memory_space<vmem>>, vector<1x16xf32>,
      %parallel_loop3A_476 = arith.index_cast %parallel_loop3A_415 : i32 to index
      %parallel_loop3A_477 = arith.constant 80 : index
      %parallel_loop3A_478 = tpu.vector_load %arg7[%parallel_loop3A_476, %parallel_loop3A_477] {strides = array<i32>} : memref<128x128xf32, #tpu.memory_space<vmem>>, vector<1x16xf32>,
      %parallel_loop3A_479 = vector.shape_cast %parallel_loop3A_478 : vector<1x16xf32> to vector<16xf32>
      %parallel_loop3A_480 = arith.constant 11.3137083 : f32
      %parallel_loop3A_481 = vector.broadcast %parallel_loop3A_480 : f32 to vector<16xf32>
      %parallel_loop3A_482 = arith.mulf %parallel_loop3A_479, %parallel_loop3A_481 : vector<16xf32>
      %parallel_loop3A_483 = arith.index_cast %parallel_loop3A_415 : i32 to index
      %parallel_loop3A_484 = arith.constant 80 : index
      %parallel_loop3A_485 = tpu.vector_load %arg7[%parallel_loop3A_483, %parallel_loop3A_484] {strides = array<i32>} : memref<128x128xf32, #tpu.memory_space<vmem>>, vector<1x16xf32>,
      %parallel_loop3A_486 = vector.shape_cast %parallel_loop3A_485 : vector<1x16xf32> to vector<16xf32>
      %parallel_loop3A_487 = vector.shape_cast %parallel_loop3A_482 : vector<16xf32> to vector<1x16xf32>
      tpu.vector_store %arg7[%parallel_loop3A_483, %parallel_loop3A_484], %parallel_loop3A_487 {strides = array<i32>} : memref<128x128xf32, #tpu.memory_space<vmem>>, vector<1x16xf32>,
      %parallel_loop3A_488 = arith.index_cast %parallel_loop3A_415 : i32 to index
      %parallel_loop3A_489 = arith.constant 96 : index
      %parallel_loop3A_490 = tpu.vector_load %arg7[%parallel_loop3A_488, %parallel_loop3A_489] {strides = array<i32>} : memref<128x128xf32, #tpu.memory_space<vmem>>, vector<1x16xf32>,
      %parallel_loop3A_491 = vector.shape_cast %parallel_loop3A_490 : vector<1x16xf32> to vector<16xf32>
      %parallel_loop3A_492 = arith.constant 11.3137083 : f32
      %parallel_loop3A_493 = vector.broadcast %parallel_loop3A_492 : f32 to vector<16xf32>
      %parallel_loop3A_494 = arith.mulf %parallel_loop3A_491, %parallel_loop3A_493 : vector<16xf32>
      %parallel_loop3A_495 = arith.index_cast %parallel_loop3A_415 : i32 to index
      %parallel_loop3A_496 = arith.constant 96 : index
      %parallel_loop3A_497 = tpu.vector_load %arg7[%parallel_loop3A_495, %parallel_loop3A_496] {strides = array<i32>} : memref<128x128xf32, #tpu.memory_space<vmem>>, vector<1x16xf32>,
      %parallel_loop3A_498 = vector.shape_cast %parallel_loop3A_497 : vector<1x16xf32> to vector<16xf32>
      %parallel_loop3A_499 = vector.shape_cast %parallel_loop3A_494 : vector<16xf32> to vector<1x16xf32>
      tpu.vector_store %arg7[%parallel_loop3A_495, %parallel_loop3A_496], %parallel_loop3A_499 {strides = array<i32>} : memref<128x128xf32, #tpu.memory_space<vmem>>, vector<1x16xf32>,
      %parallel_loop3A_500 = arith.index_cast %parallel_loop3A_415 : i32 to index
      %parallel_loop3A_501 = arith.constant 112 : index
      %parallel_loop3A_502 = tpu.vector_load %arg7[%parallel_loop3A_500, %parallel_loop3A_501] {strides = array<i32>} : memref<128x128xf32, #tpu.memory_space<vmem>>, vector<1x16xf32>,
      %parallel_loop3A_503 = vector.shape_cast %parallel_loop3A_502 : vector<1x16xf32> to vector<16xf32>
      %parallel_loop3A_504 = arith.constant 11.3137083 : f32
      %parallel_loop3A_505 = vector.broadcast %parallel_loop3A_504 : f32 to vector<16xf32>
      %parallel_loop3A_506 = arith.mulf %parallel_loop3A_503, %parallel_loop3A_505 : vector<16xf32>
      %parallel_loop3A_507 = arith.index_cast %parallel_loop3A_415 : i32 to index
      %parallel_loop3A_508 = arith.constant 112 : index
      %parallel_loop3A_509 = tpu.vector_load %arg7[%parallel_loop3A_507, %parallel_loop3A_508] {strides = array<i32>} : memref<128x128xf32, #tpu.memory_space<vmem>>, vector<1x16xf32>,
      %parallel_loop3A_510 = vector.shape_cast %parallel_loop3A_509 : vector<1x16xf32> to vector<16xf32>
      %parallel_loop3A_511 = vector.shape_cast %parallel_loop3A_506 : vector<16xf32> to vector<1x16xf32>
      tpu.vector_store %arg7[%parallel_loop3A_507, %parallel_loop3A_508], %parallel_loop3A_511 {strides = array<i32>} : memref<128x128xf32, #tpu.memory_space<vmem>>, vector<1x16xf32>,
    } {sc.loop_unroll_factor = 4 : i64, sc.parallel_access}
    %add3A_295 = arith.constant 5888 : i32
    %add3A_296 = arith.addi %mul3A_2, %add3A_295 : i32
    %dma_start3A_297 = arith.constant 1 : i32
    %dma_start3A_298 = arith.constant 0 : i32
    %dma_start3A_299 = tpu.memref_slice %arg4[%add3A_296, %dma_start3A_298] : memref<204800x128xf32, #tpu.memory_space<hbm>> -> memref<128x128xf32, #tpu.memory_space<hbm>>
    %dma_start3A_300 = tpu.memref_slice %arg12[%dma_start3A_297] : memref<5x!tpu.dma_semaphore, #tpu.memory_space<semaphore_mem>> -> memref<1x!tpu.dma_semaphore, #tpu.memory_space<semaphore_mem>>
    %dma_start3A_301 = tpu.memref_squeeze %dma_start3A_300 : memref<1x!tpu.dma_semaphore, #tpu.memory_space<semaphore_mem>> -> memref<!tpu.dma_semaphore, #tpu.memory_space<semaphore_mem>>
    %dma_start3A_302 = arith.constant 0 : i32
    %dma_start3A_303 = tpu.memref_slice %arg4[%add3A_296, %dma_start3A_302] : memref<204800x128xf32, #tpu.memory_space<hbm>> -> memref<128x128xf32, #tpu.memory_space<hbm>>
    tpu.enqueue_dma source(%arg7 : memref<128x128xf32, #tpu.memory_space<vmem>>) target(%dma_start3A_303 : memref<128x128xf32, #tpu.memory_space<hbm>>) target_semaphore(%dma_start3A_301 : memref<!tpu.dma_semaphore, #tpu.memory_space<semaphore_mem>>)
    %dma_wait3A_304 = arith.constant 47 : i32
    %dma_wait3A_305 = arith.constant 2 : i32
    %dma_wait3A_306 = arith.constant 0 : i32
    %dma_wait3A_307 = tpu.memref_slice %arg5[%dma_wait3A_304, %dma_wait3A_306] : memref<50x128xi32, #tpu.memory_space<vmem>> -> memref<1x128xi32, #tpu.memory_space<vmem>>
    %dma_wait3A_308 = tpu.memref_squeeze %dma_wait3A_307 : memref<1x128xi32, #tpu.memory_space<vmem>> -> memref<128xi32, #tpu.memory_space<vmem>>
    %dma_wait3A_309 = arith.constant 0 : i32
    %dma_wait3A_310 = arith.constant 0 : i32
    %dma_wait3A_311 = tpu.memref_slice %arg2[%dma_wait3A_309, %dma_wait3A_310] : memref<100000x128xf32, #tpu.memory_space<hbm>> -> memref<100000x128xf32, #tpu.memory_space<hbm>>
    %dma_wait3A_312 = tpu.memref_slice %arg11[%dma_wait3A_305] : memref<5x!tpu.dma_semaphore, #tpu.memory_space<semaphore_mem>> -> memref<1x!tpu.dma_semaphore, #tpu.memory_space<semaphore_mem>>
    %dma_wait3A_313 = tpu.memref_squeeze %dma_wait3A_312 : memref<1x!tpu.dma_semaphore, #tpu.memory_space<semaphore_mem>> -> memref<!tpu.dma_semaphore, #tpu.memory_space<semaphore_mem>>
    tpu.wait_indirect_dma semaphore(%dma_wait3A_313 : memref<!tpu.dma_semaphore, #tpu.memory_space<semaphore_mem>>) src(%dma_wait3A_311 : memref<100000x128xf32, #tpu.memory_space<hbm>>) dst(%arg8 : memref<128x128xf32, #tpu.memory_space<vmem>>)
    %parallel_loop3A_314 = arith.constant 0 : i32
    %parallel_loop3A_315 = arith.constant 128 : i32
    %parallel_loop3A_316 = arith.constant 1 : i32
    scf.for %parallel_loop3A_415 = %parallel_loop3A_314 to %parallel_loop3A_315 step %parallel_loop3A_316  : i32 {
      %parallel_loop3A_416 = arith.index_cast %parallel_loop3A_415 : i32 to index
      %parallel_loop3A_417 = arith.constant 0 : index
      %parallel_loop3A_418 = tpu.vector_load %arg8[%parallel_loop3A_416, %parallel_loop3A_417] {strides = array<i32>} : memref<128x128xf32, #tpu.memory_space<vmem>>, vector<1x16xf32>,
      %parallel_loop3A_419 = vector.shape_cast %parallel_loop3A_418 : vector<1x16xf32> to vector<16xf32>
      %parallel_loop3A_420 = arith.constant 11.3137083 : f32
      %parallel_loop3A_421 = vector.broadcast %parallel_loop3A_420 : f32 to vector<16xf32>
      %parallel_loop3A_422 = arith.mulf %parallel_loop3A_419, %parallel_loop3A_421 : vector<16xf32>
      %parallel_loop3A_423 = arith.index_cast %parallel_loop3A_415 : i32 to index
      %parallel_loop3A_424 = arith.constant 0 : index
      %parallel_loop3A_425 = tpu.vector_load %arg8[%parallel_loop3A_423, %parallel_loop3A_424] {strides = array<i32>} : memref<128x128xf32, #tpu.memory_space<vmem>>, vector<1x16xf32>,
      %parallel_loop3A_426 = vector.shape_cast %parallel_loop3A_425 : vector<1x16xf32> to vector<16xf32>
      %parallel_loop3A_427 = vector.shape_cast %parallel_loop3A_422 : vector<16xf32> to vector<1x16xf32>
      tpu.vector_store %arg8[%parallel_loop3A_423, %parallel_loop3A_424], %parallel_loop3A_427 {strides = array<i32>} : memref<128x128xf32, #tpu.memory_space<vmem>>, vector<1x16xf32>,
      %parallel_loop3A_428 = arith.index_cast %parallel_loop3A_415 : i32 to index
      %parallel_loop3A_429 = arith.constant 16 : index
      %parallel_loop3A_430 = tpu.vector_load %arg8[%parallel_loop3A_428, %parallel_loop3A_429] {strides = array<i32>} : memref<128x128xf32, #tpu.memory_space<vmem>>, vector<1x16xf32>,
      %parallel_loop3A_431 = vector.shape_cast %parallel_loop3A_430 : vector<1x16xf32> to vector<16xf32>
      %parallel_loop3A_432 = arith.constant 11.3137083 : f32
      %parallel_loop3A_433 = vector.broadcast %parallel_loop3A_432 : f32 to vector<16xf32>
      %parallel_loop3A_434 = arith.mulf %parallel_loop3A_431, %parallel_loop3A_433 : vector<16xf32>
      %parallel_loop3A_435 = arith.index_cast %parallel_loop3A_415 : i32 to index
      %parallel_loop3A_436 = arith.constant 16 : index
      %parallel_loop3A_437 = tpu.vector_load %arg8[%parallel_loop3A_435, %parallel_loop3A_436] {strides = array<i32>} : memref<128x128xf32, #tpu.memory_space<vmem>>, vector<1x16xf32>,
      %parallel_loop3A_438 = vector.shape_cast %parallel_loop3A_437 : vector<1x16xf32> to vector<16xf32>
      %parallel_loop3A_439 = vector.shape_cast %parallel_loop3A_434 : vector<16xf32> to vector<1x16xf32>
      tpu.vector_store %arg8[%parallel_loop3A_435, %parallel_loop3A_436], %parallel_loop3A_439 {strides = array<i32>} : memref<128x128xf32, #tpu.memory_space<vmem>>, vector<1x16xf32>,
      %parallel_loop3A_440 = arith.index_cast %parallel_loop3A_415 : i32 to index
      %parallel_loop3A_441 = arith.constant 32 : index
      %parallel_loop3A_442 = tpu.vector_load %arg8[%parallel_loop3A_440, %parallel_loop3A_441] {strides = array<i32>} : memref<128x128xf32, #tpu.memory_space<vmem>>, vector<1x16xf32>,
      %parallel_loop3A_443 = vector.shape_cast %parallel_loop3A_442 : vector<1x16xf32> to vector<16xf32>
      %parallel_loop3A_444 = arith.constant 11.3137083 : f32
      %parallel_loop3A_445 = vector.broadcast %parallel_loop3A_444 : f32 to vector<16xf32>
      %parallel_loop3A_446 = arith.mulf %parallel_loop3A_443, %parallel_loop3A_445 : vector<16xf32>
      %parallel_loop3A_447 = arith.index_cast %parallel_loop3A_415 : i32 to index
      %parallel_loop3A_448 = arith.constant 32 : index
      %parallel_loop3A_449 = tpu.vector_load %arg8[%parallel_loop3A_447, %parallel_loop3A_448] {strides = array<i32>} : memref<128x128xf32, #tpu.memory_space<vmem>>, vector<1x16xf32>,
      %parallel_loop3A_450 = vector.shape_cast %parallel_loop3A_449 : vector<1x16xf32> to vector<16xf32>
      %parallel_loop3A_451 = vector.shape_cast %parallel_loop3A_446 : vector<16xf32> to vector<1x16xf32>
      tpu.vector_store %arg8[%parallel_loop3A_447, %parallel_loop3A_448], %parallel_loop3A_451 {strides = array<i32>} : memref<128x128xf32, #tpu.memory_space<vmem>>, vector<1x16xf32>,
      %parallel_loop3A_452 = arith.index_cast %parallel_loop3A_415 : i32 to index
      %parallel_loop3A_453 = arith.constant 48 : index
      %parallel_loop3A_454 = tpu.vector_load %arg8[%parallel_loop3A_452, %parallel_loop3A_453] {strides = array<i32>} : memref<128x128xf32, #tpu.memory_space<vmem>>, vector<1x16xf32>,
      %parallel_loop3A_455 = vector.shape_cast %parallel_loop3A_454 : vector<1x16xf32> to vector<16xf32>
      %parallel_loop3A_456 = arith.constant 11.3137083 : f32
      %parallel_loop3A_457 = vector.broadcast %parallel_loop3A_456 : f32 to vector<16xf32>
      %parallel_loop3A_458 = arith.mulf %parallel_loop3A_455, %parallel_loop3A_457 : vector<16xf32>
      %parallel_loop3A_459 = arith.index_cast %parallel_loop3A_415 : i32 to index
      %parallel_loop3A_460 = arith.constant 48 : index
      %parallel_loop3A_461 = tpu.vector_load %arg8[%parallel_loop3A_459, %parallel_loop3A_460] {strides = array<i32>} : memref<128x128xf32, #tpu.memory_space<vmem>>, vector<1x16xf32>,
      %parallel_loop3A_462 = vector.shape_cast %parallel_loop3A_461 : vector<1x16xf32> to vector<16xf32>
      %parallel_loop3A_463 = vector.shape_cast %parallel_loop3A_458 : vector<16xf32> to vector<1x16xf32>
      tpu.vector_store %arg8[%parallel_loop3A_459, %parallel_loop3A_460], %parallel_loop3A_463 {strides = array<i32>} : memref<128x128xf32, #tpu.memory_space<vmem>>, vector<1x16xf32>,
      %parallel_loop3A_464 = arith.index_cast %parallel_loop3A_415 : i32 to index
      %parallel_loop3A_465 = arith.constant 64 : index
      %parallel_loop3A_466 = tpu.vector_load %arg8[%parallel_loop3A_464, %parallel_loop3A_465] {strides = array<i32>} : memref<128x128xf32, #tpu.memory_space<vmem>>, vector<1x16xf32>,
      %parallel_loop3A_467 = vector.shape_cast %parallel_loop3A_466 : vector<1x16xf32> to vector<16xf32>
      %parallel_loop3A_468 = arith.constant 11.3137083 : f32
      %parallel_loop3A_469 = vector.broadcast %parallel_loop3A_468 : f32 to vector<16xf32>
      %parallel_loop3A_470 = arith.mulf %parallel_loop3A_467, %parallel_loop3A_469 : vector<16xf32>
      %parallel_loop3A_471 = arith.index_cast %parallel_loop3A_415 : i32 to index
      %parallel_loop3A_472 = arith.constant 64 : index
      %parallel_loop3A_473 = tpu.vector_load %arg8[%parallel_loop3A_471, %parallel_loop3A_472] {strides = array<i32>} : memref<128x128xf32, #tpu.memory_space<vmem>>, vector<1x16xf32>,
      %parallel_loop3A_474 = vector.shape_cast %parallel_loop3A_473 : vector<1x16xf32> to vector<16xf32>
      %parallel_loop3A_475 = vector.shape_cast %parallel_loop3A_470 : vector<16xf32> to vector<1x16xf32>
      tpu.vector_store %arg8[%parallel_loop3A_471, %parallel_loop3A_472], %parallel_loop3A_475 {strides = array<i32>} : memref<128x128xf32, #tpu.memory_space<vmem>>, vector<1x16xf32>,
      %parallel_loop3A_476 = arith.index_cast %parallel_loop3A_415 : i32 to index
      %parallel_loop3A_477 = arith.constant 80 : index
      %parallel_loop3A_478 = tpu.vector_load %arg8[%parallel_loop3A_476, %parallel_loop3A_477] {strides = array<i32>} : memref<128x128xf32, #tpu.memory_space<vmem>>, vector<1x16xf32>,
      %parallel_loop3A_479 = vector.shape_cast %parallel_loop3A_478 : vector<1x16xf32> to vector<16xf32>
      %parallel_loop3A_480 = arith.constant 11.3137083 : f32
      %parallel_loop3A_481 = vector.broadcast %parallel_loop3A_480 : f32 to vector<16xf32>
      %parallel_loop3A_482 = arith.mulf %parallel_loop3A_479, %parallel_loop3A_481 : vector<16xf32>
      %parallel_loop3A_483 = arith.index_cast %parallel_loop3A_415 : i32 to index
      %parallel_loop3A_484 = arith.constant 80 : index
      %parallel_loop3A_485 = tpu.vector_load %arg8[%parallel_loop3A_483, %parallel_loop3A_484] {strides = array<i32>} : memref<128x128xf32, #tpu.memory_space<vmem>>, vector<1x16xf32>,
      %parallel_loop3A_486 = vector.shape_cast %parallel_loop3A_485 : vector<1x16xf32> to vector<16xf32>
      %parallel_loop3A_487 = vector.shape_cast %parallel_loop3A_482 : vector<16xf32> to vector<1x16xf32>
      tpu.vector_store %arg8[%parallel_loop3A_483, %parallel_loop3A_484], %parallel_loop3A_487 {strides = array<i32>} : memref<128x128xf32, #tpu.memory_space<vmem>>, vector<1x16xf32>,
      %parallel_loop3A_488 = arith.index_cast %parallel_loop3A_415 : i32 to index
      %parallel_loop3A_489 = arith.constant 96 : index
      %parallel_loop3A_490 = tpu.vector_load %arg8[%parallel_loop3A_488, %parallel_loop3A_489] {strides = array<i32>} : memref<128x128xf32, #tpu.memory_space<vmem>>, vector<1x16xf32>,
      %parallel_loop3A_491 = vector.shape_cast %parallel_loop3A_490 : vector<1x16xf32> to vector<16xf32>
      %parallel_loop3A_492 = arith.constant 11.3137083 : f32
      %parallel_loop3A_493 = vector.broadcast %parallel_loop3A_492 : f32 to vector<16xf32>
      %parallel_loop3A_494 = arith.mulf %parallel_loop3A_491, %parallel_loop3A_493 : vector<16xf32>
      %parallel_loop3A_495 = arith.index_cast %parallel_loop3A_415 : i32 to index
      %parallel_loop3A_496 = arith.constant 96 : index
      %parallel_loop3A_497 = tpu.vector_load %arg8[%parallel_loop3A_495, %parallel_loop3A_496] {strides = array<i32>} : memref<128x128xf32, #tpu.memory_space<vmem>>, vector<1x16xf32>,
      %parallel_loop3A_498 = vector.shape_cast %parallel_loop3A_497 : vector<1x16xf32> to vector<16xf32>
      %parallel_loop3A_499 = vector.shape_cast %parallel_loop3A_494 : vector<16xf32> to vector<1x16xf32>
      tpu.vector_store %arg8[%parallel_loop3A_495, %parallel_loop3A_496], %parallel_loop3A_499 {strides = array<i32>} : memref<128x128xf32, #tpu.memory_space<vmem>>, vector<1x16xf32>,
      %parallel_loop3A_500 = arith.index_cast %parallel_loop3A_415 : i32 to index
      %parallel_loop3A_501 = arith.constant 112 : index
      %parallel_loop3A_502 = tpu.vector_load %arg8[%parallel_loop3A_500, %parallel_loop3A_501] {strides = array<i32>} : memref<128x128xf32, #tpu.memory_space<vmem>>, vector<1x16xf32>,
      %parallel_loop3A_503 = vector.shape_cast %parallel_loop3A_502 : vector<1x16xf32> to vector<16xf32>
      %parallel_loop3A_504 = arith.constant 11.3137083 : f32
      %parallel_loop3A_505 = vector.broadcast %parallel_loop3A_504 : f32 to vector<16xf32>
      %parallel_loop3A_506 = arith.mulf %parallel_loop3A_503, %parallel_loop3A_505 : vector<16xf32>
      %parallel_loop3A_507 = arith.index_cast %parallel_loop3A_415 : i32 to index
      %parallel_loop3A_508 = arith.constant 112 : index
      %parallel_loop3A_509 = tpu.vector_load %arg8[%parallel_loop3A_507, %parallel_loop3A_508] {strides = array<i32>} : memref<128x128xf32, #tpu.memory_space<vmem>>, vector<1x16xf32>,
      %parallel_loop3A_510 = vector.shape_cast %parallel_loop3A_509 : vector<1x16xf32> to vector<16xf32>
      %parallel_loop3A_511 = vector.shape_cast %parallel_loop3A_506 : vector<16xf32> to vector<1x16xf32>
      tpu.vector_store %arg8[%parallel_loop3A_507, %parallel_loop3A_508], %parallel_loop3A_511 {strides = array<i32>} : memref<128x128xf32, #tpu.memory_space<vmem>>, vector<1x16xf32>,
    } {sc.loop_unroll_factor = 4 : i64, sc.parallel_access}
    %add3A_317 = arith.constant 6016 : i32
    %add3A_318 = arith.addi %mul3A_2, %add3A_317 : i32
    %dma_start3A_319 = arith.constant 2 : i32
    %dma_start3A_320 = arith.constant 0 : i32
    %dma_start3A_321 = tpu.memref_slice %arg4[%add3A_318, %dma_start3A_320] : memref<204800x128xf32, #tpu.memory_space<hbm>> -> memref<128x128xf32, #tpu.memory_space<hbm>>
    %dma_start3A_322 = tpu.memref_slice %arg12[%dma_start3A_319] : memref<5x!tpu.dma_semaphore, #tpu.memory_space<semaphore_mem>> -> memref<1x!tpu.dma_semaphore, #tpu.memory_space<semaphore_mem>>
    %dma_start3A_323 = tpu.memref_squeeze %dma_start3A_322 : memref<1x!tpu.dma_semaphore, #tpu.memory_space<semaphore_mem>> -> memref<!tpu.dma_semaphore, #tpu.memory_space<semaphore_mem>>
    %dma_start3A_324 = arith.constant 0 : i32
    %dma_start3A_325 = tpu.memref_slice %arg4[%add3A_318, %dma_start3A_324] : memref<204800x128xf32, #tpu.memory_space<hbm>> -> memref<128x128xf32, #tpu.memory_space<hbm>>
    tpu.enqueue_dma source(%arg8 : memref<128x128xf32, #tpu.memory_space<vmem>>) target(%dma_start3A_325 : memref<128x128xf32, #tpu.memory_space<hbm>>) target_semaphore(%dma_start3A_323 : memref<!tpu.dma_semaphore, #tpu.memory_space<semaphore_mem>>)
    %dma_wait3A_326 = arith.constant 48 : i32
    %dma_wait3A_327 = arith.constant 3 : i32
    %dma_wait3A_328 = arith.constant 0 : i32
    %dma_wait3A_329 = tpu.memref_slice %arg5[%dma_wait3A_326, %dma_wait3A_328] : memref<50x128xi32, #tpu.memory_space<vmem>> -> memref<1x128xi32, #tpu.memory_space<vmem>>
    %dma_wait3A_330 = tpu.memref_squeeze %dma_wait3A_329 : memref<1x128xi32, #tpu.memory_space<vmem>> -> memref<128xi32, #tpu.memory_space<vmem>>
    %dma_wait3A_331 = arith.constant 0 : i32
    %dma_wait3A_332 = arith.constant 0 : i32
    %dma_wait3A_333 = tpu.memref_slice %arg2[%dma_wait3A_331, %dma_wait3A_332] : memref<100000x128xf32, #tpu.memory_space<hbm>> -> memref<100000x128xf32, #tpu.memory_space<hbm>>
    %dma_wait3A_334 = tpu.memref_slice %arg11[%dma_wait3A_327] : memref<5x!tpu.dma_semaphore, #tpu.memory_space<semaphore_mem>> -> memref<1x!tpu.dma_semaphore, #tpu.memory_space<semaphore_mem>>
    %dma_wait3A_335 = tpu.memref_squeeze %dma_wait3A_334 : memref<1x!tpu.dma_semaphore, #tpu.memory_space<semaphore_mem>> -> memref<!tpu.dma_semaphore, #tpu.memory_space<semaphore_mem>>
    tpu.wait_indirect_dma semaphore(%dma_wait3A_335 : memref<!tpu.dma_semaphore, #tpu.memory_space<semaphore_mem>>) src(%dma_wait3A_333 : memref<100000x128xf32, #tpu.memory_space<hbm>>) dst(%arg9 : memref<128x128xf32, #tpu.memory_space<vmem>>)
    %parallel_loop3A_336 = arith.constant 0 : i32
    %parallel_loop3A_337 = arith.constant 128 : i32
    %parallel_loop3A_338 = arith.constant 1 : i32
    scf.for %parallel_loop3A_415 = %parallel_loop3A_336 to %parallel_loop3A_337 step %parallel_loop3A_338  : i32 {
      %parallel_loop3A_416 = arith.index_cast %parallel_loop3A_415 : i32 to index
      %parallel_loop3A_417 = arith.constant 0 : index
      %parallel_loop3A_418 = tpu.vector_load %arg9[%parallel_loop3A_416, %parallel_loop3A_417] {strides = array<i32>} : memref<128x128xf32, #tpu.memory_space<vmem>>, vector<1x16xf32>,
      %parallel_loop3A_419 = vector.shape_cast %parallel_loop3A_418 : vector<1x16xf32> to vector<16xf32>
      %parallel_loop3A_420 = arith.constant 11.3137083 : f32
      %parallel_loop3A_421 = vector.broadcast %parallel_loop3A_420 : f32 to vector<16xf32>
      %parallel_loop3A_422 = arith.mulf %parallel_loop3A_419, %parallel_loop3A_421 : vector<16xf32>
      %parallel_loop3A_423 = arith.index_cast %parallel_loop3A_415 : i32 to index
      %parallel_loop3A_424 = arith.constant 0 : index
      %parallel_loop3A_425 = tpu.vector_load %arg9[%parallel_loop3A_423, %parallel_loop3A_424] {strides = array<i32>} : memref<128x128xf32, #tpu.memory_space<vmem>>, vector<1x16xf32>,
      %parallel_loop3A_426 = vector.shape_cast %parallel_loop3A_425 : vector<1x16xf32> to vector<16xf32>
      %parallel_loop3A_427 = vector.shape_cast %parallel_loop3A_422 : vector<16xf32> to vector<1x16xf32>
      tpu.vector_store %arg9[%parallel_loop3A_423, %parallel_loop3A_424], %parallel_loop3A_427 {strides = array<i32>} : memref<128x128xf32, #tpu.memory_space<vmem>>, vector<1x16xf32>,
      %parallel_loop3A_428 = arith.index_cast %parallel_loop3A_415 : i32 to index
      %parallel_loop3A_429 = arith.constant 16 : index
      %parallel_loop3A_430 = tpu.vector_load %arg9[%parallel_loop3A_428, %parallel_loop3A_429] {strides = array<i32>} : memref<128x128xf32, #tpu.memory_space<vmem>>, vector<1x16xf32>,
      %parallel_loop3A_431 = vector.shape_cast %parallel_loop3A_430 : vector<1x16xf32> to vector<16xf32>
      %parallel_loop3A_432 = arith.constant 11.3137083 : f32
      %parallel_loop3A_433 = vector.broadcast %parallel_loop3A_432 : f32 to vector<16xf32>
      %parallel_loop3A_434 = arith.mulf %parallel_loop3A_431, %parallel_loop3A_433 : vector<16xf32>
      %parallel_loop3A_435 = arith.index_cast %parallel_loop3A_415 : i32 to index
      %parallel_loop3A_436 = arith.constant 16 : index
      %parallel_loop3A_437 = tpu.vector_load %arg9[%parallel_loop3A_435, %parallel_loop3A_436] {strides = array<i32>} : memref<128x128xf32, #tpu.memory_space<vmem>>, vector<1x16xf32>,
      %parallel_loop3A_438 = vector.shape_cast %parallel_loop3A_437 : vector<1x16xf32> to vector<16xf32>
      %parallel_loop3A_439 = vector.shape_cast %parallel_loop3A_434 : vector<16xf32> to vector<1x16xf32>
      tpu.vector_store %arg9[%parallel_loop3A_435, %parallel_loop3A_436], %parallel_loop3A_439 {strides = array<i32>} : memref<128x128xf32, #tpu.memory_space<vmem>>, vector<1x16xf32>,
      %parallel_loop3A_440 = arith.index_cast %parallel_loop3A_415 : i32 to index
      %parallel_loop3A_441 = arith.constant 32 : index
      %parallel_loop3A_442 = tpu.vector_load %arg9[%parallel_loop3A_440, %parallel_loop3A_441] {strides = array<i32>} : memref<128x128xf32, #tpu.memory_space<vmem>>, vector<1x16xf32>,
      %parallel_loop3A_443 = vector.shape_cast %parallel_loop3A_442 : vector<1x16xf32> to vector<16xf32>
      %parallel_loop3A_444 = arith.constant 11.3137083 : f32
      %parallel_loop3A_445 = vector.broadcast %parallel_loop3A_444 : f32 to vector<16xf32>
      %parallel_loop3A_446 = arith.mulf %parallel_loop3A_443, %parallel_loop3A_445 : vector<16xf32>
      %parallel_loop3A_447 = arith.index_cast %parallel_loop3A_415 : i32 to index
      %parallel_loop3A_448 = arith.constant 32 : index
      %parallel_loop3A_449 = tpu.vector_load %arg9[%parallel_loop3A_447, %parallel_loop3A_448] {strides = array<i32>} : memref<128x128xf32, #tpu.memory_space<vmem>>, vector<1x16xf32>,
      %parallel_loop3A_450 = vector.shape_cast %parallel_loop3A_449 : vector<1x16xf32> to vector<16xf32>
      %parallel_loop3A_451 = vector.shape_cast %parallel_loop3A_446 : vector<16xf32> to vector<1x16xf32>
      tpu.vector_store %arg9[%parallel_loop3A_447, %parallel_loop3A_448], %parallel_loop3A_451 {strides = array<i32>} : memref<128x128xf32, #tpu.memory_space<vmem>>, vector<1x16xf32>,
      %parallel_loop3A_452 = arith.index_cast %parallel_loop3A_415 : i32 to index
      %parallel_loop3A_453 = arith.constant 48 : index
      %parallel_loop3A_454 = tpu.vector_load %arg9[%parallel_loop3A_452, %parallel_loop3A_453] {strides = array<i32>} : memref<128x128xf32, #tpu.memory_space<vmem>>, vector<1x16xf32>,
      %parallel_loop3A_455 = vector.shape_cast %parallel_loop3A_454 : vector<1x16xf32> to vector<16xf32>
      %parallel_loop3A_456 = arith.constant 11.3137083 : f32
      %parallel_loop3A_457 = vector.broadcast %parallel_loop3A_456 : f32 to vector<16xf32>
      %parallel_loop3A_458 = arith.mulf %parallel_loop3A_455, %parallel_loop3A_457 : vector<16xf32>
      %parallel_loop3A_459 = arith.index_cast %parallel_loop3A_415 : i32 to index
      %parallel_loop3A_460 = arith.constant 48 : index
      %parallel_loop3A_461 = tpu.vector_load %arg9[%parallel_loop3A_459, %parallel_loop3A_460] {strides = array<i32>} : memref<128x128xf32, #tpu.memory_space<vmem>>, vector<1x16xf32>,
      %parallel_loop3A_462 = vector.shape_cast %parallel_loop3A_461 : vector<1x16xf32> to vector<16xf32>
      %parallel_loop3A_463 = vector.shape_cast %parallel_loop3A_458 : vector<16xf32> to vector<1x16xf32>
      tpu.vector_store %arg9[%parallel_loop3A_459, %parallel_loop3A_460], %parallel_loop3A_463 {strides = array<i32>} : memref<128x128xf32, #tpu.memory_space<vmem>>, vector<1x16xf32>,
      %parallel_loop3A_464 = arith.index_cast %parallel_loop3A_415 : i32 to index
      %parallel_loop3A_465 = arith.constant 64 : index
      %parallel_loop3A_466 = tpu.vector_load %arg9[%parallel_loop3A_464, %parallel_loop3A_465] {strides = array<i32>} : memref<128x128xf32, #tpu.memory_space<vmem>>, vector<1x16xf32>,
      %parallel_loop3A_467 = vector.shape_cast %parallel_loop3A_466 : vector<1x16xf32> to vector<16xf32>
      %parallel_loop3A_468 = arith.constant 11.3137083 : f32
      %parallel_loop3A_469 = vector.broadcast %parallel_loop3A_468 : f32 to vector<16xf32>
      %parallel_loop3A_470 = arith.mulf %parallel_loop3A_467, %parallel_loop3A_469 : vector<16xf32>
      %parallel_loop3A_471 = arith.index_cast %parallel_loop3A_415 : i32 to index
      %parallel_loop3A_472 = arith.constant 64 : index
      %parallel_loop3A_473 = tpu.vector_load %arg9[%parallel_loop3A_471, %parallel_loop3A_472] {strides = array<i32>} : memref<128x128xf32, #tpu.memory_space<vmem>>, vector<1x16xf32>,
      %parallel_loop3A_474 = vector.shape_cast %parallel_loop3A_473 : vector<1x16xf32> to vector<16xf32>
      %parallel_loop3A_475 = vector.shape_cast %parallel_loop3A_470 : vector<16xf32> to vector<1x16xf32>
      tpu.vector_store %arg9[%parallel_loop3A_471, %parallel_loop3A_472], %parallel_loop3A_475 {strides = array<i32>} : memref<128x128xf32, #tpu.memory_space<vmem>>, vector<1x16xf32>,
      %parallel_loop3A_476 = arith.index_cast %parallel_loop3A_415 : i32 to index
      %parallel_loop3A_477 = arith.constant 80 : index
      %parallel_loop3A_478 = tpu.vector_load %arg9[%parallel_loop3A_476, %parallel_loop3A_477] {strides = array<i32>} : memref<128x128xf32, #tpu.memory_space<vmem>>, vector<1x16xf32>,
      %parallel_loop3A_479 = vector.shape_cast %parallel_loop3A_478 : vector<1x16xf32> to vector<16xf32>
      %parallel_loop3A_480 = arith.constant 11.3137083 : f32
      %parallel_loop3A_481 = vector.broadcast %parallel_loop3A_480 : f32 to vector<16xf32>
      %parallel_loop3A_482 = arith.mulf %parallel_loop3A_479, %parallel_loop3A_481 : vector<16xf32>
      %parallel_loop3A_483 = arith.index_cast %parallel_loop3A_415 : i32 to index
      %parallel_loop3A_484 = arith.constant 80 : index
      %parallel_loop3A_485 = tpu.vector_load %arg9[%parallel_loop3A_483, %parallel_loop3A_484] {strides = array<i32>} : memref<128x128xf32, #tpu.memory_space<vmem>>, vector<1x16xf32>,
      %parallel_loop3A_486 = vector.shape_cast %parallel_loop3A_485 : vector<1x16xf32> to vector<16xf32>
      %parallel_loop3A_487 = vector.shape_cast %parallel_loop3A_482 : vector<16xf32> to vector<1x16xf32>
      tpu.vector_store %arg9[%parallel_loop3A_483, %parallel_loop3A_484], %parallel_loop3A_487 {strides = array<i32>} : memref<128x128xf32, #tpu.memory_space<vmem>>, vector<1x16xf32>,
      %parallel_loop3A_488 = arith.index_cast %parallel_loop3A_415 : i32 to index
      %parallel_loop3A_489 = arith.constant 96 : index
      %parallel_loop3A_490 = tpu.vector_load %arg9[%parallel_loop3A_488, %parallel_loop3A_489] {strides = array<i32>} : memref<128x128xf32, #tpu.memory_space<vmem>>, vector<1x16xf32>,
      %parallel_loop3A_491 = vector.shape_cast %parallel_loop3A_490 : vector<1x16xf32> to vector<16xf32>
      %parallel_loop3A_492 = arith.constant 11.3137083 : f32
      %parallel_loop3A_493 = vector.broadcast %parallel_loop3A_492 : f32 to vector<16xf32>
      %parallel_loop3A_494 = arith.mulf %parallel_loop3A_491, %parallel_loop3A_493 : vector<16xf32>
      %parallel_loop3A_495 = arith.index_cast %parallel_loop3A_415 : i32 to index
      %parallel_loop3A_496 = arith.constant 96 : index
      %parallel_loop3A_497 = tpu.vector_load %arg9[%parallel_loop3A_495, %parallel_loop3A_496] {strides = array<i32>} : memref<128x128xf32, #tpu.memory_space<vmem>>, vector<1x16xf32>,
      %parallel_loop3A_498 = vector.shape_cast %parallel_loop3A_497 : vector<1x16xf32> to vector<16xf32>
      %parallel_loop3A_499 = vector.shape_cast %parallel_loop3A_494 : vector<16xf32> to vector<1x16xf32>
      tpu.vector_store %arg9[%parallel_loop3A_495, %parallel_loop3A_496], %parallel_loop3A_499 {strides = array<i32>} : memref<128x128xf32, #tpu.memory_space<vmem>>, vector<1x16xf32>,
      %parallel_loop3A_500 = arith.index_cast %parallel_loop3A_415 : i32 to index
      %parallel_loop3A_501 = arith.constant 112 : index
      %parallel_loop3A_502 = tpu.vector_load %arg9[%parallel_loop3A_500, %parallel_loop3A_501] {strides = array<i32>} : memref<128x128xf32, #tpu.memory_space<vmem>>, vector<1x16xf32>,
      %parallel_loop3A_503 = vector.shape_cast %parallel_loop3A_502 : vector<1x16xf32> to vector<16xf32>
      %parallel_loop3A_504 = arith.constant 11.3137083 : f32
      %parallel_loop3A_505 = vector.broadcast %parallel_loop3A_504 : f32 to vector<16xf32>
      %parallel_loop3A_506 = arith.mulf %parallel_loop3A_503, %parallel_loop3A_505 : vector<16xf32>
      %parallel_loop3A_507 = arith.index_cast %parallel_loop3A_415 : i32 to index
      %parallel_loop3A_508 = arith.constant 112 : index
      %parallel_loop3A_509 = tpu.vector_load %arg9[%parallel_loop3A_507, %parallel_loop3A_508] {strides = array<i32>} : memref<128x128xf32, #tpu.memory_space<vmem>>, vector<1x16xf32>,
      %parallel_loop3A_510 = vector.shape_cast %parallel_loop3A_509 : vector<1x16xf32> to vector<16xf32>
      %parallel_loop3A_511 = vector.shape_cast %parallel_loop3A_506 : vector<16xf32> to vector<1x16xf32>
      tpu.vector_store %arg9[%parallel_loop3A_507, %parallel_loop3A_508], %parallel_loop3A_511 {strides = array<i32>} : memref<128x128xf32, #tpu.memory_space<vmem>>, vector<1x16xf32>,
    } {sc.loop_unroll_factor = 4 : i64, sc.parallel_access}
    %add3A_339 = arith.constant 6144 : i32
    %add3A_340 = arith.addi %mul3A_2, %add3A_339 : i32
    %dma_start3A_341 = arith.constant 3 : i32
    %dma_start3A_342 = arith.constant 0 : i32
    %dma_start3A_343 = tpu.memref_slice %arg4[%add3A_340, %dma_start3A_342] : memref<204800x128xf32, #tpu.memory_space<hbm>> -> memref<128x128xf32, #tpu.memory_space<hbm>>
    %dma_start3A_344 = tpu.memref_slice %arg12[%dma_start3A_341] : memref<5x!tpu.dma_semaphore, #tpu.memory_space<semaphore_mem>> -> memref<1x!tpu.dma_semaphore, #tpu.memory_space<semaphore_mem>>
    %dma_start3A_345 = tpu.memref_squeeze %dma_start3A_344 : memref<1x!tpu.dma_semaphore, #tpu.memory_space<semaphore_mem>> -> memref<!tpu.dma_semaphore, #tpu.memory_space<semaphore_mem>>
    %dma_start3A_346 = arith.constant 0 : i32
    %dma_start3A_347 = tpu.memref_slice %arg4[%add3A_340, %dma_start3A_346] : memref<204800x128xf32, #tpu.memory_space<hbm>> -> memref<128x128xf32, #tpu.memory_space<hbm>>
    tpu.enqueue_dma source(%arg9 : memref<128x128xf32, #tpu.memory_space<vmem>>) target(%dma_start3A_347 : memref<128x128xf32, #tpu.memory_space<hbm>>) target_semaphore(%dma_start3A_345 : memref<!tpu.dma_semaphore, #tpu.memory_space<semaphore_mem>>)
    %dma_wait3A_348 = arith.constant 49 : i32
    %dma_wait3A_349 = arith.constant 4 : i32
    %dma_wait3A_350 = arith.constant 0 : i32
    %dma_wait3A_351 = tpu.memref_slice %arg5[%dma_wait3A_348, %dma_wait3A_350] : memref<50x128xi32, #tpu.memory_space<vmem>> -> memref<1x128xi32, #tpu.memory_space<vmem>>
    %dma_wait3A_352 = tpu.memref_squeeze %dma_wait3A_351 : memref<1x128xi32, #tpu.memory_space<vmem>> -> memref<128xi32, #tpu.memory_space<vmem>>
    %dma_wait3A_353 = arith.constant 0 : i32
    %dma_wait3A_354 = arith.constant 0 : i32
    %dma_wait3A_355 = tpu.memref_slice %arg2[%dma_wait3A_353, %dma_wait3A_354] : memref<100000x128xf32, #tpu.memory_space<hbm>> -> memref<100000x128xf32, #tpu.memory_space<hbm>>
    %dma_wait3A_356 = tpu.memref_slice %arg11[%dma_wait3A_349] : memref<5x!tpu.dma_semaphore, #tpu.memory_space<semaphore_mem>> -> memref<1x!tpu.dma_semaphore, #tpu.memory_space<semaphore_mem>>
    %dma_wait3A_357 = tpu.memref_squeeze %dma_wait3A_356 : memref<1x!tpu.dma_semaphore, #tpu.memory_space<semaphore_mem>> -> memref<!tpu.dma_semaphore, #tpu.memory_space<semaphore_mem>>
    tpu.wait_indirect_dma semaphore(%dma_wait3A_357 : memref<!tpu.dma_semaphore, #tpu.memory_space<semaphore_mem>>) src(%dma_wait3A_355 : memref<100000x128xf32, #tpu.memory_space<hbm>>) dst(%arg10 : memref<128x128xf32, #tpu.memory_space<vmem>>)
    %parallel_loop3A_358 = arith.constant 0 : i32
    %parallel_loop3A_359 = arith.constant 128 : i32
    %parallel_loop3A_360 = arith.constant 1 : i32
    scf.for %parallel_loop3A_415 = %parallel_loop3A_358 to %parallel_loop3A_359 step %parallel_loop3A_360  : i32 {
      %parallel_loop3A_416 = arith.index_cast %parallel_loop3A_415 : i32 to index
      %parallel_loop3A_417 = arith.constant 0 : index
      %parallel_loop3A_418 = tpu.vector_load %arg10[%parallel_loop3A_416, %parallel_loop3A_417] {strides = array<i32>} : memref<128x128xf32, #tpu.memory_space<vmem>>, vector<1x16xf32>,
      %parallel_loop3A_419 = vector.shape_cast %parallel_loop3A_418 : vector<1x16xf32> to vector<16xf32>
      %parallel_loop3A_420 = arith.constant 11.3137083 : f32
      %parallel_loop3A_421 = vector.broadcast %parallel_loop3A_420 : f32 to vector<16xf32>
      %parallel_loop3A_422 = arith.mulf %parallel_loop3A_419, %parallel_loop3A_421 : vector<16xf32>
      %parallel_loop3A_423 = arith.index_cast %parallel_loop3A_415 : i32 to index
      %parallel_loop3A_424 = arith.constant 0 : index
      %parallel_loop3A_425 = tpu.vector_load %arg10[%parallel_loop3A_423, %parallel_loop3A_424] {strides = array<i32>} : memref<128x128xf32, #tpu.memory_space<vmem>>, vector<1x16xf32>,
      %parallel_loop3A_426 = vector.shape_cast %parallel_loop3A_425 : vector<1x16xf32> to vector<16xf32>
      %parallel_loop3A_427 = vector.shape_cast %parallel_loop3A_422 : vector<16xf32> to vector<1x16xf32>
      tpu.vector_store %arg10[%parallel_loop3A_423, %parallel_loop3A_424], %parallel_loop3A_427 {strides = array<i32>} : memref<128x128xf32, #tpu.memory_space<vmem>>, vector<1x16xf32>,
      %parallel_loop3A_428 = arith.index_cast %parallel_loop3A_415 : i32 to index
      %parallel_loop3A_429 = arith.constant 16 : index
      %parallel_loop3A_430 = tpu.vector_load %arg10[%parallel_loop3A_428, %parallel_loop3A_429] {strides = array<i32>} : memref<128x128xf32, #tpu.memory_space<vmem>>, vector<1x16xf32>,
      %parallel_loop3A_431 = vector.shape_cast %parallel_loop3A_430 : vector<1x16xf32> to vector<16xf32>
      %parallel_loop3A_432 = arith.constant 11.3137083 : f32
      %parallel_loop3A_433 = vector.broadcast %parallel_loop3A_432 : f32 to vector<16xf32>
      %parallel_loop3A_434 = arith.mulf %parallel_loop3A_431, %parallel_loop3A_433 : vector<16xf32>
      %parallel_loop3A_435 = arith.index_cast %parallel_loop3A_415 : i32 to index
      %parallel_loop3A_436 = arith.constant 16 : index
      %parallel_loop3A_437 = tpu.vector_load %arg10[%parallel_loop3A_435, %parallel_loop3A_436] {strides = array<i32>} : memref<128x128xf32, #tpu.memory_space<vmem>>, vector<1x16xf32>,
      %parallel_loop3A_438 = vector.shape_cast %parallel_loop3A_437 : vector<1x16xf32> to vector<16xf32>
      %parallel_loop3A_439 = vector.shape_cast %parallel_loop3A_434 : vector<16xf32> to vector<1x16xf32>
      tpu.vector_store %arg10[%parallel_loop3A_435, %parallel_loop3A_436], %parallel_loop3A_439 {strides = array<i32>} : memref<128x128xf32, #tpu.memory_space<vmem>>, vector<1x16xf32>,
      %parallel_loop3A_440 = arith.index_cast %parallel_loop3A_415 : i32 to index
      %parallel_loop3A_441 = arith.constant 32 : index
      %parallel_loop3A_442 = tpu.vector_load %arg10[%parallel_loop3A_440, %parallel_loop3A_441] {strides = array<i32>} : memref<128x128xf32, #tpu.memory_space<vmem>>, vector<1x16xf32>,
      %parallel_loop3A_443 = vector.shape_cast %parallel_loop3A_442 : vector<1x16xf32> to vector<16xf32>
      %parallel_loop3A_444 = arith.constant 11.3137083 : f32
      %parallel_loop3A_445 = vector.broadcast %parallel_loop3A_444 : f32 to vector<16xf32>
      %parallel_loop3A_446 = arith.mulf %parallel_loop3A_443, %parallel_loop3A_445 : vector<16xf32>
      %parallel_loop3A_447 = arith.index_cast %parallel_loop3A_415 : i32 to index
      %parallel_loop3A_448 = arith.constant 32 : index
      %parallel_loop3A_449 = tpu.vector_load %arg10[%parallel_loop3A_447, %parallel_loop3A_448] {strides = array<i32>} : memref<128x128xf32, #tpu.memory_space<vmem>>, vector<1x16xf32>,
      %parallel_loop3A_450 = vector.shape_cast %parallel_loop3A_449 : vector<1x16xf32> to vector<16xf32>
      %parallel_loop3A_451 = vector.shape_cast %parallel_loop3A_446 : vector<16xf32> to vector<1x16xf32>
      tpu.vector_store %arg10[%parallel_loop3A_447, %parallel_loop3A_448], %parallel_loop3A_451 {strides = array<i32>} : memref<128x128xf32, #tpu.memory_space<vmem>>, vector<1x16xf32>,
      %parallel_loop3A_452 = arith.index_cast %parallel_loop3A_415 : i32 to index
      %parallel_loop3A_453 = arith.constant 48 : index
      %parallel_loop3A_454 = tpu.vector_load %arg10[%parallel_loop3A_452, %parallel_loop3A_453] {strides = array<i32>} : memref<128x128xf32, #tpu.memory_space<vmem>>, vector<1x16xf32>,
      %parallel_loop3A_455 = vector.shape_cast %parallel_loop3A_454 : vector<1x16xf32> to vector<16xf32>
      %parallel_loop3A_456 = arith.constant 11.3137083 : f32
      %parallel_loop3A_457 = vector.broadcast %parallel_loop3A_456 : f32 to vector<16xf32>
      %parallel_loop3A_458 = arith.mulf %parallel_loop3A_455, %parallel_loop3A_457 : vector<16xf32>
      %parallel_loop3A_459 = arith.index_cast %parallel_loop3A_415 : i32 to index
      %parallel_loop3A_460 = arith.constant 48 : index
      %parallel_loop3A_461 = tpu.vector_load %arg10[%parallel_loop3A_459, %parallel_loop3A_460] {strides = array<i32>} : memref<128x128xf32, #tpu.memory_space<vmem>>, vector<1x16xf32>,
      %parallel_loop3A_462 = vector.shape_cast %parallel_loop3A_461 : vector<1x16xf32> to vector<16xf32>
      %parallel_loop3A_463 = vector.shape_cast %parallel_loop3A_458 : vector<16xf32> to vector<1x16xf32>
      tpu.vector_store %arg10[%parallel_loop3A_459, %parallel_loop3A_460], %parallel_loop3A_463 {strides = array<i32>} : memref<128x128xf32, #tpu.memory_space<vmem>>, vector<1x16xf32>,
      %parallel_loop3A_464 = arith.index_cast %parallel_loop3A_415 : i32 to index
      %parallel_loop3A_465 = arith.constant 64 : index
      %parallel_loop3A_466 = tpu.vector_load %arg10[%parallel_loop3A_464, %parallel_loop3A_465] {strides = array<i32>} : memref<128x128xf32, #tpu.memory_space<vmem>>, vector<1x16xf32>,
      %parallel_loop3A_467 = vector.shape_cast %parallel_loop3A_466 : vector<1x16xf32> to vector<16xf32>
      %parallel_loop3A_468 = arith.constant 11.3137083 : f32
      %parallel_loop3A_469 = vector.broadcast %parallel_loop3A_468 : f32 to vector<16xf32>
      %parallel_loop3A_470 = arith.mulf %parallel_loop3A_467, %parallel_loop3A_469 : vector<16xf32>
      %parallel_loop3A_471 = arith.index_cast %parallel_loop3A_415 : i32 to index
      %parallel_loop3A_472 = arith.constant 64 : index
      %parallel_loop3A_473 = tpu.vector_load %arg10[%parallel_loop3A_471, %parallel_loop3A_472] {strides = array<i32>} : memref<128x128xf32, #tpu.memory_space<vmem>>, vector<1x16xf32>,
      %parallel_loop3A_474 = vector.shape_cast %parallel_loop3A_473 : vector<1x16xf32> to vector<16xf32>
      %parallel_loop3A_475 = vector.shape_cast %parallel_loop3A_470 : vector<16xf32> to vector<1x16xf32>
      tpu.vector_store %arg10[%parallel_loop3A_471, %parallel_loop3A_472], %parallel_loop3A_475 {strides = array<i32>} : memref<128x128xf32, #tpu.memory_space<vmem>>, vector<1x16xf32>,
      %parallel_loop3A_476 = arith.index_cast %parallel_loop3A_415 : i32 to index
      %parallel_loop3A_477 = arith.constant 80 : index
      %parallel_loop3A_478 = tpu.vector_load %arg10[%parallel_loop3A_476, %parallel_loop3A_477] {strides = array<i32>} : memref<128x128xf32, #tpu.memory_space<vmem>>, vector<1x16xf32>,
      %parallel_loop3A_479 = vector.shape_cast %parallel_loop3A_478 : vector<1x16xf32> to vector<16xf32>
      %parallel_loop3A_480 = arith.constant 11.3137083 : f32
      %parallel_loop3A_481 = vector.broadcast %parallel_loop3A_480 : f32 to vector<16xf32>
      %parallel_loop3A_482 = arith.mulf %parallel_loop3A_479, %parallel_loop3A_481 : vector<16xf32>
      %parallel_loop3A_483 = arith.index_cast %parallel_loop3A_415 : i32 to index
      %parallel_loop3A_484 = arith.constant 80 : index
      %parallel_loop3A_485 = tpu.vector_load %arg10[%parallel_loop3A_483, %parallel_loop3A_484] {strides = array<i32>} : memref<128x128xf32, #tpu.memory_space<vmem>>, vector<1x16xf32>,
      %parallel_loop3A_486 = vector.shape_cast %parallel_loop3A_485 : vector<1x16xf32> to vector<16xf32>
      %parallel_loop3A_487 = vector.shape_cast %parallel_loop3A_482 : vector<16xf32> to vector<1x16xf32>
      tpu.vector_store %arg10[%parallel_loop3A_483, %parallel_loop3A_484], %parallel_loop3A_487 {strides = array<i32>} : memref<128x128xf32, #tpu.memory_space<vmem>>, vector<1x16xf32>,
      %parallel_loop3A_488 = arith.index_cast %parallel_loop3A_415 : i32 to index
      %parallel_loop3A_489 = arith.constant 96 : index
      %parallel_loop3A_490 = tpu.vector_load %arg10[%parallel_loop3A_488, %parallel_loop3A_489] {strides = array<i32>} : memref<128x128xf32, #tpu.memory_space<vmem>>, vector<1x16xf32>,
      %parallel_loop3A_491 = vector.shape_cast %parallel_loop3A_490 : vector<1x16xf32> to vector<16xf32>
      %parallel_loop3A_492 = arith.constant 11.3137083 : f32
      %parallel_loop3A_493 = vector.broadcast %parallel_loop3A_492 : f32 to vector<16xf32>
      %parallel_loop3A_494 = arith.mulf %parallel_loop3A_491, %parallel_loop3A_493 : vector<16xf32>
      %parallel_loop3A_495 = arith.index_cast %parallel_loop3A_415 : i32 to index
      %parallel_loop3A_496 = arith.constant 96 : index
      %parallel_loop3A_497 = tpu.vector_load %arg10[%parallel_loop3A_495, %parallel_loop3A_496] {strides = array<i32>} : memref<128x128xf32, #tpu.memory_space<vmem>>, vector<1x16xf32>,
      %parallel_loop3A_498 = vector.shape_cast %parallel_loop3A_497 : vector<1x16xf32> to vector<16xf32>
      %parallel_loop3A_499 = vector.shape_cast %parallel_loop3A_494 : vector<16xf32> to vector<1x16xf32>
      tpu.vector_store %arg10[%parallel_loop3A_495, %parallel_loop3A_496], %parallel_loop3A_499 {strides = array<i32>} : memref<128x128xf32, #tpu.memory_space<vmem>>, vector<1x16xf32>,
      %parallel_loop3A_500 = arith.index_cast %parallel_loop3A_415 : i32 to index
      %parallel_loop3A_501 = arith.constant 112 : index
      %parallel_loop3A_502 = tpu.vector_load %arg10[%parallel_loop3A_500, %parallel_loop3A_501] {strides = array<i32>} : memref<128x128xf32, #tpu.memory_space<vmem>>, vector<1x16xf32>,
      %parallel_loop3A_503 = vector.shape_cast %parallel_loop3A_502 : vector<1x16xf32> to vector<16xf32>
      %parallel_loop3A_504 = arith.constant 11.3137083 : f32
      %parallel_loop3A_505 = vector.broadcast %parallel_loop3A_504 : f32 to vector<16xf32>
      %parallel_loop3A_506 = arith.mulf %parallel_loop3A_503, %parallel_loop3A_505 : vector<16xf32>
      %parallel_loop3A_507 = arith.index_cast %parallel_loop3A_415 : i32 to index
      %parallel_loop3A_508 = arith.constant 112 : index
      %parallel_loop3A_509 = tpu.vector_load %arg10[%parallel_loop3A_507, %parallel_loop3A_508] {strides = array<i32>} : memref<128x128xf32, #tpu.memory_space<vmem>>, vector<1x16xf32>,
      %parallel_loop3A_510 = vector.shape_cast %parallel_loop3A_509 : vector<1x16xf32> to vector<16xf32>
      %parallel_loop3A_511 = vector.shape_cast %parallel_loop3A_506 : vector<16xf32> to vector<1x16xf32>
      tpu.vector_store %arg10[%parallel_loop3A_507, %parallel_loop3A_508], %parallel_loop3A_511 {strides = array<i32>} : memref<128x128xf32, #tpu.memory_space<vmem>>, vector<1x16xf32>,
    } {sc.loop_unroll_factor = 4 : i64, sc.parallel_access}
    %add3A_361 = arith.constant 6272 : i32
    %add3A_362 = arith.addi %mul3A_2, %add3A_361 : i32
    %dma_start3A_363 = arith.constant 4 : i32
    %dma_start3A_364 = arith.constant 0 : i32
    %dma_start3A_365 = tpu.memref_slice %arg4[%add3A_362, %dma_start3A_364] : memref<204800x128xf32, #tpu.memory_space<hbm>> -> memref<128x128xf32, #tpu.memory_space<hbm>>
    %dma_start3A_366 = tpu.memref_slice %arg12[%dma_start3A_363] : memref<5x!tpu.dma_semaphore, #tpu.memory_space<semaphore_mem>> -> memref<1x!tpu.dma_semaphore, #tpu.memory_space<semaphore_mem>>
    %dma_start3A_367 = tpu.memref_squeeze %dma_start3A_366 : memref<1x!tpu.dma_semaphore, #tpu.memory_space<semaphore_mem>> -> memref<!tpu.dma_semaphore, #tpu.memory_space<semaphore_mem>>
    %dma_start3A_368 = arith.constant 0 : i32
    %dma_start3A_369 = tpu.memref_slice %arg4[%add3A_362, %dma_start3A_368] : memref<204800x128xf32, #tpu.memory_space<hbm>> -> memref<128x128xf32, #tpu.memory_space<hbm>>
    tpu.enqueue_dma source(%arg10 : memref<128x128xf32, #tpu.memory_space<vmem>>) target(%dma_start3A_369 : memref<128x128xf32, #tpu.memory_space<hbm>>) target_semaphore(%dma_start3A_367 : memref<!tpu.dma_semaphore, #tpu.memory_space<semaphore_mem>>)
    %add3A_370 = arith.constant 5760 : i32
    %add3A_371 = arith.addi %mul3A_2, %add3A_370 : i32
    %dma_wait3A_372 = arith.constant 0 : i32
    %dma_wait3A_373 = arith.constant 0 : i32
    %dma_wait3A_374 = tpu.memref_slice %arg4[%add3A_371, %dma_wait3A_373] : memref<204800x128xf32, #tpu.memory_space<hbm>> -> memref<128x128xf32, #tpu.memory_space<hbm>>
    %dma_wait3A_375 = tpu.memref_slice %arg12[%dma_wait3A_372] : memref<5x!tpu.dma_semaphore, #tpu.memory_space<semaphore_mem>> -> memref<1x!tpu.dma_semaphore, #tpu.memory_space<semaphore_mem>>
    %dma_wait3A_376 = tpu.memref_squeeze %dma_wait3A_375 : memref<1x!tpu.dma_semaphore, #tpu.memory_space<semaphore_mem>> -> memref<!tpu.dma_semaphore, #tpu.memory_space<semaphore_mem>>
    %dma_wait3A_377 = arith.constant 0 : i32
    %dma_wait3A_378 = tpu.memref_slice %arg4[%add3A_371, %dma_wait3A_377] : memref<204800x128xf32, #tpu.memory_space<hbm>> -> memref<128x128xf32, #tpu.memory_space<hbm>>
    tpu.wait_dma2 semaphore(%dma_wait3A_376 : memref<!tpu.dma_semaphore, #tpu.memory_space<semaphore_mem>>) src(%arg6 : memref<128x128xf32, #tpu.memory_space<vmem>>) dst(%dma_wait3A_378 : memref<128x128xf32, #tpu.memory_space<hbm>>)
    %add3A_379 = arith.constant 5888 : i32
    %add3A_380 = arith.addi %mul3A_2, %add3A_379 : i32
    %dma_wait3A_381 = arith.constant 1 : i32
    %dma_wait3A_382 = arith.constant 0 : i32
    %dma_wait3A_383 = tpu.memref_slice %arg4[%add3A_380, %dma_wait3A_382] : memref<204800x128xf32, #tpu.memory_space<hbm>> -> memref<128x128xf32, #tpu.memory_space<hbm>>
    %dma_wait3A_384 = tpu.memref_slice %arg12[%dma_wait3A_381] : memref<5x!tpu.dma_semaphore, #tpu.memory_space<semaphore_mem>> -> memref<1x!tpu.dma_semaphore, #tpu.memory_space<semaphore_mem>>
    %dma_wait3A_385 = tpu.memref_squeeze %dma_wait3A_384 : memref<1x!tpu.dma_semaphore, #tpu.memory_space<semaphore_mem>> -> memref<!tpu.dma_semaphore, #tpu.memory_space<semaphore_mem>>
    %dma_wait3A_386 = arith.constant 0 : i32
    %dma_wait3A_387 = tpu.memref_slice %arg4[%add3A_380, %dma_wait3A_386] : memref<204800x128xf32, #tpu.memory_space<hbm>> -> memref<128x128xf32, #tpu.memory_space<hbm>>
    tpu.wait_dma2 semaphore(%dma_wait3A_385 : memref<!tpu.dma_semaphore, #tpu.memory_space<semaphore_mem>>) src(%arg7 : memref<128x128xf32, #tpu.memory_space<vmem>>) dst(%dma_wait3A_387 : memref<128x128xf32, #tpu.memory_space<hbm>>)
    %add3A_388 = arith.constant 6016 : i32
    %add3A_389 = arith.addi %mul3A_2, %add3A_388 : i32
    %dma_wait3A_390 = arith.constant 2 : i32
    %dma_wait3A_391 = arith.constant 0 : i32
    %dma_wait3A_392 = tpu.memref_slice %arg4[%add3A_389, %dma_wait3A_391] : memref<204800x128xf32, #tpu.memory_space<hbm>> -> memref<128x128xf32, #tpu.memory_space<hbm>>
    %dma_wait3A_393 = tpu.memref_slice %arg12[%dma_wait3A_390] : memref<5x!tpu.dma_semaphore, #tpu.memory_space<semaphore_mem>> -> memref<1x!tpu.dma_semaphore, #tpu.memory_space<semaphore_mem>>
    %dma_wait3A_394 = tpu.memref_squeeze %dma_wait3A_393 : memref<1x!tpu.dma_semaphore, #tpu.memory_space<semaphore_mem>> -> memref<!tpu.dma_semaphore, #tpu.memory_space<semaphore_mem>>
    %dma_wait3A_395 = arith.constant 0 : i32
    %dma_wait3A_396 = tpu.memref_slice %arg4[%add3A_389, %dma_wait3A_395] : memref<204800x128xf32, #tpu.memory_space<hbm>> -> memref<128x128xf32, #tpu.memory_space<hbm>>
    tpu.wait_dma2 semaphore(%dma_wait3A_394 : memref<!tpu.dma_semaphore, #tpu.memory_space<semaphore_mem>>) src(%arg8 : memref<128x128xf32, #tpu.memory_space<vmem>>) dst(%dma_wait3A_396 : memref<128x128xf32, #tpu.memory_space<hbm>>)
    %add3A_397 = arith.constant 6144 : i32
    %add3A_398 = arith.addi %mul3A_2, %add3A_397 : i32
    %dma_wait3A_399 = arith.constant 3 : i32
    %dma_wait3A_400 = arith.constant 0 : i32
    %dma_wait3A_401 = tpu.memref_slice %arg4[%add3A_398, %dma_wait3A_400] : memref<204800x128xf32, #tpu.memory_space<hbm>> -> memref<128x128xf32, #tpu.memory_space<hbm>>
    %dma_wait3A_402 = tpu.memref_slice %arg12[%dma_wait3A_399] : memref<5x!tpu.dma_semaphore, #tpu.memory_space<semaphore_mem>> -> memref<1x!tpu.dma_semaphore, #tpu.memory_space<semaphore_mem>>
    %dma_wait3A_403 = tpu.memref_squeeze %dma_wait3A_402 : memref<1x!tpu.dma_semaphore, #tpu.memory_space<semaphore_mem>> -> memref<!tpu.dma_semaphore, #tpu.memory_space<semaphore_mem>>
    %dma_wait3A_404 = arith.constant 0 : i32
    %dma_wait3A_405 = tpu.memref_slice %arg4[%add3A_398, %dma_wait3A_404] : memref<204800x128xf32, #tpu.memory_space<hbm>> -> memref<128x128xf32, #tpu.memory_space<hbm>>
    tpu.wait_dma2 semaphore(%dma_wait3A_403 : memref<!tpu.dma_semaphore, #tpu.memory_space<semaphore_mem>>) src(%arg9 : memref<128x128xf32, #tpu.memory_space<vmem>>) dst(%dma_wait3A_405 : memref<128x128xf32, #tpu.memory_space<hbm>>)
    %add3A_406 = arith.constant 6272 : i32
    %add3A_407 = arith.addi %mul3A_2, %add3A_406 : i32
    %dma_wait3A_408 = arith.constant 4 : i32
    %dma_wait3A_409 = arith.constant 0 : i32
    %dma_wait3A_410 = tpu.memref_slice %arg4[%add3A_407, %dma_wait3A_409] : memref<204800x128xf32, #tpu.memory_space<hbm>> -> memref<128x128xf32, #tpu.memory_space<hbm>>
    %dma_wait3A_411 = tpu.memref_slice %arg12[%dma_wait3A_408] : memref<5x!tpu.dma_semaphore, #tpu.memory_space<semaphore_mem>> -> memref<1x!tpu.dma_semaphore, #tpu.memory_space<semaphore_mem>>
    %dma_wait3A_412 = tpu.memref_squeeze %dma_wait3A_411 : memref<1x!tpu.dma_semaphore, #tpu.memory_space<semaphore_mem>> -> memref<!tpu.dma_semaphore, #tpu.memory_space<semaphore_mem>>
    %dma_wait3A_413 = arith.constant 0 : i32
    %dma_wait3A_414 = tpu.memref_slice %arg4[%add3A_407, %dma_wait3A_413] : memref<204800x128xf32, #tpu.memory_space<hbm>> -> memref<128x128xf32, #tpu.memory_space<hbm>>
    tpu.wait_dma2 semaphore(%dma_wait3A_412 : memref<!tpu.dma_semaphore, #tpu.memory_space<semaphore_mem>>) src(%arg10 : memref<128x128xf32, #tpu.memory_space<vmem>>) dst(%dma_wait3A_414 : memref<128x128xf32, #tpu.memory_space<hbm>>)
    return
  }
}

</mosaic_0001>

<sc_bundles>
// kernel: kernel.3.cloned.1.call-start
scs
__scs_entry_jumppad:
0x0: {  	(pc) =	sbr.rel $0x88, $3  }
0x1: {  	(tag) =	ssettag $0x0;
	lr =	simm.s32 $0x1  }
0x2: {  	[smem:$0x3F9F] =	sst lr;
	_ =	strace $0xD0000000  }
0x3: {  	_ = 	snop  }
0x4: {  	_ = 	snop  }
0x5: {  	_ = 	snop  }
0x6: {  	_ = 	snop  }
0x7: {  	_ = 	snop  }
__scs_overlays_trampoline_lowered:
0x8: {  	[smem:$0x3FAE] =	sst s0  }
0x9: {  	[smem:$0x3FAF] =	sst s1  }
0xa: {  	[smem:$0x3FB0] =	sst s2  }
0xb: {  	[smem:$0x3FB1] =	sst s3  }
0xc: {  	[smem:$0x3FB2] =	sst s4  }
0xd: {  	[smem:$0x3FB3] =	sst s5  }
0xe: {  	[smem:$0x3FB4] =	sst s6  }
0xf: {  	[smem:$0x3FB5] =	sst s7  }
0x10: {  	[smem:$0x3FB6] =	sst s8  }
0x11: {  	[smem:$0x3FB7] =	sst s9;
	s0 =	simm.s32 @!p0 $0x0  }
0x12: {  	s1 =	sld [smem:$0x3F9D];
	s0 =	simm.s32 @p0 $0x1  }
0x13: {  	[smem:$0x3FB8] =	sst s0;
	s0 =	simm.s32 @!p1 $0x0  }
0x14: {  	s2 =	sld [smem:$0x3F9C];
	s0 =	simm.s32 @p1 $0x1  }
0x15: {  	[smem:$0x3FB9] =	sst s0;
	s0 =	simm.s32 @!p2 $0x0  }
0x16: {  	s3 =	sld [smem:$0x3FDB];
	s0 =	simm.s32 @p2 $0x1  }
0x17: {  	s4 =	simm.s32 $0x1BF5;
	[smem:$0x3FBB] =	sst s0  }
0x18: {  	s0 =	sld [smem:$0x3F9E];
	_ =	swait.ge [sflag:s4], $0x0  }
0x19: {  	s7 =	sld [smem:$0x3F9F]  }
0x1a: {  	s8 =	sadd.s32 $0xFFFFE003, lr  }
0x1b: {  	s9 =	sadd.s32 $0xFFFFFEF7, lr;
	s5 =	simm.s32 $0xFFFFFFFF;
	p2 =	slt.u32 s8, $0xFFFFF086  }
0x1c: {  	p1 =	slt.u32 s9, $0xF7A;
	s5 =	simm.s32 @!p2 $0x0  }
0x1d: {  	s5 =	simm.s32 @p1 $0x1;
	p0 =	seq.s32 s7, s2  }
0x1e: {  	s7 =	smul.u32 @!p0 $0xF7A, s2;
	p2 =	seq.s32 @!p0 s5, $0x0  }
0x1f: {  	s9 =	smul.u32 $0xF7A, s1;
	s8 =	simm.s32 @!p0 $0x1BF5;
	p2 =	por !p2, p0  }
0x20: {  	[sflag:s8] =	ssyncset.s32 @!p0 $0xFFFFF086;
	s6 =	sadd.s32 @!p0 s3, s7;
	s7 =	simm.s32 @!p0 $0x108  }
0x21: {  	s3 =	sadd.s32 s3, s9;
	s6 =	sadd.s32 @!p0 $0x88, s6;
	s7 =	simm.s32 @p2 $0x1082  }
0x22: {  	[simem:s7], [sflag:s8] =	dma.local @!p0 [hbm:s6], $0xF7A  }
0x23: {  	s9 =	sor.u32 $0xD0000000, s2;
	s6 =	simm.s32 $0x108;
	_ =	swait.ge @!p0 [sflag:s8], $0x0  }
0x24: {  	s3 =	sadd.s32 $0x88, s3;
	s6 =	simm.s32 @!p1 $0x1082;
	[sflag:s4] =	ssyncset.s32 $0xFFFFF086  }
0x25: {  	[simem:s6], [sflag:s4] =	dma.local [hbm:s3], $0xF7A  }
0x26: {  	[smem:$0x3F9F] =	sst s1;
	(tag) =	ssettag s2;
	_ =	strace s9  }
0x27: {  	s1 =	sld [smem:$0x3FAF]  }
0x28: {  	s2 =	sld [smem:$0x3FB0]  }
0x29: {  	s4 =	sld [smem:$0x3FB2]  }
0x2a: {  	p0 =	seq.s32 s5, $0x0;
	s5 =	sld [smem:$0x3FB3]  }
0x2b: {  	s6 =	sld [smem:$0x3FB4]  }
0x2c: {  	s7 =	sld [smem:$0x3FB5]  }
0x2d: {  	s3 =	simm.s32 $0x108;
	s8 =	sld [smem:$0x3FB6]  }
0x2e: {  	s3 =	simm.s32 @!p0 $0x1082;
	s9 =	sld [smem:$0x3FB7]  }
0x2f: {  	lr =	sadd.s32 s0, s3;
	s0 =	sld [smem:$0x3FAE]  }
0x30: {  	s3 =	sld [smem:$0x3FB1]  }
0x31: {  	[smem:$0x3FBA] =	sst s10  }
0x32: {  	s10 =	sld [smem:$0x3FB8];
	_ =	sdelay $0x3  }
0x33: {  	p0 =	seq.s32 s10, $0x1;
	s10 =	sld [smem:$0x3FBA];
	_ =	sdelay $0x3  }
0x34: {  	[smem:$0x3FBA] =	sst s10  }
0x35: {  	s10 =	sld [smem:$0x3FB9];
	_ =	sdelay $0x3  }
0x36: {  	p1 =	seq.s32 s10, $0x1;
	s10 =	sld [smem:$0x3FBA];
	_ =	sdelay $0x3  }
0x37: {  	[smem:$0x3FBA] =	sst s10  }
0x38: {  	s10 =	sld [smem:$0x3FBB]  }
0x39: {  	_ = 	snop;
	(pc) =	sbr.ind lr, $3  }
0x3a: {  	_ = 	snop  }
0x3b: {  	_ = 	snop  }
0x3c: {  	p2 =	seq.s32 s10, $0x1;
	s10 =	sld [smem:$0x3FBA]  }
0x3d: {  	_ =	shalt  }
0x3e: {  	_ =	shalt  }
0x3f: {  	_ =	shalt  }
0x40: {  	_ =	shalt  }
0x41: {  	_ =	shalt  }
0x42: {  	_ =	shalt  }
0x43: {  	_ =	shalt  }
0x44: {  	_ =	shalt  }
0x45: {  	_ =	shalt  }
0x46: {  	_ =	shalt  }
0x47: {  	_ =	shalt  }
0x48: {  	_ =	shalt  }
0x49: {  	_ =	shalt  }
0x4a: {  	_ =	shalt  }
0x4b: {  	_ =	shalt  }
0x4c: {  	_ =	shalt  }
0x4d: {  	_ =	shalt  }
0x4e: {  	_ =	shalt  }
0x4f: {  	_ =	shalt  }
0x50: {  	_ =	shalt  }
0x51: {  	_ =	shalt  }
0x52: {  	_ =	shalt  }
0x53: {  	_ =	shalt  }
0x54: {  	_ =	shalt  }
0x55: {  	_ =	shalt  }
0x56: {  	_ =	shalt  }
0x57: {  	_ =	shalt  }
0x58: {  	_ =	shalt  }
0x59: {  	_ =	shalt  }
0x5a: {  	_ =	shalt  }
0x5b: {  	_ =	shalt  }
0x5c: {  	_ =	shalt  }
0x5d: {  	_ =	shalt  }
0x5e: {  	_ =	shalt  }
0x5f: {  	_ =	shalt  }
0x60: {  	_ =	shalt  }
0x61: {  	_ =	shalt  }
0x62: {  	_ =	shalt  }
0x63: {  	_ =	shalt  }
0x64: {  	_ =	shalt  }
0x65: {  	_ =	shalt  }
0x66: {  	_ =	shalt  }
0x67: {  	_ =	shalt  }
0x68: {  	_ =	shalt  }
0x69: {  	_ =	shalt  }
0x6a: {  	_ =	shalt  }
0x6b: {  	_ =	shalt  }
0x6c: {  	_ =	shalt  }
0x6d: {  	_ =	shalt  }
0x6e: {  	_ =	shalt  }
0x6f: {  	_ =	shalt  }
0x70: {  	_ =	shalt  }
0x71: {  	_ =	shalt  }
0x72: {  	_ =	shalt  }
0x73: {  	_ =	shalt  }
0x74: {  	_ =	shalt  }
0x75: {  	_ =	shalt  }
0x76: {  	_ =	shalt  }
0x77: {  	_ =	shalt  }
0x78: {  	_ =	shalt  }
0x79: {  	_ =	shalt  }
0x7a: {  	_ =	shalt  }
0x7b: {  	_ =	shalt  }
0x7c: {  	_ =	shalt  }
0x7d: {  	_ =	shalt  }
0x7e: {  	_ =	shalt  }
0x7f: {  	_ =	shalt  }
0x80: {  	_ =	shalt  }
0x81: {  	_ =	shalt  }
0x82: {  	_ =	shalt  }
0x83: {  	_ =	shalt  }
0x84: {  	_ =	shalt  }
0x85: {  	_ =	shalt  }
0x86: {  	_ =	shalt  }
0x87: {  	_ =	shalt  }
.Lfunc_end0:
.L_simem_size_0:
called_computation_lowered:
.L_overlay_start_0:
0x88: {  	s2 =	sld [smem:$0x3FD9]  }
0x89: {  	s3 =	sld [smem:$0x3FFE];
	_ =	sdelay $0x1  }
0x8a: {  	s1 =	srdreg.scid  }
0x8b: {  	s0 =	sand.u32 $0x1, s1  }
0x8c: {  	s17 =	sshll.u32 s0, $0xA;
	s2 =	sadd.s32 s3, s2  }
0x8d: {  	s2 =	sadd.s32 s2, s17  }
0x8e: {  	[smem:$0x3FC6] =	sst s2  }
0x8f: {  	_ = 	snop  }
0x90: {  	s2 =	sld [smem:$0x3FC8]  }
0x91: {  	s18 =	sld [smem:$0x3FD0];
	(tm) =	ssettm $0x1  }
0x92: {  	s4 =	sld [smem:$0x3FFB];
	_ =	sdelay $0x3  }
0x93: {  	_ =	strace s4  }
0x94: {  	s4 =	sld [smem:$0x3FFC];
	_ =	sdelay $0x3  }
0x95: {  	_ =	strace s4  }
0x96: {  	s4 =	sld [smem:$0x3FFD];
	_ =	sdelay $0x3  }
0x97: {  	_ =	strace s4  }
0x98: {  	_ =	strace $0x8FFFFFFF  }
0x99: {  	s19 =	sld [smem:$0x3FDB];
	_ =	sdelay $0x1  }
0x9a: {  	s5 =	simm.s32 $_scs_section_size  }
0x9b: {  	s6 =	simm.s32 $_size__tile_overlayer_lowered;
	s7 =	simm.s32 $_tile_overlayer_lowered  }
0x9c: {  	s22 =	simm.s32 $0x1BFF;
	s21 =	sshll.u32 s7, $0x1;
	s4 =	sadd.s32 s5, s19  }
0x9d: {  	s8 =	simm.s32 $0x0;
	s20 =	sshll.u32 s6, $0x1;
	s6 =	sadd.s32 s21, s4  }
0x9e: {  	[timem:s8], [sflag:s22] =	dma.local [hbm:s6], s20  }
0x9f: {  	_ =	swait.ge [sflag:s22], s20  }
0xa0: {  	s5 =	ssub.s32 $0x0, s20;
	[sflag:s22] =	ssyncset.done $0x0  }
0xa1: {  	[sflag:s22] =	ssyncadd.s32 s5;
	_ =	sdelay $0x1  }
0xa2: {  	s23 =	simm.s32 $0x1B8B  }
0xa3: {  	_ =	swait.ge [sflag:s23], $0x1  }
0xa4: {  	[sflag:s23] =	ssyncset.done $0x0  }
0xa5: {  	s25 =	simm.s32 $0x1B8E;
	s24 =	sld [smem:$0x3FFE];
	[sflag:s23] =	ssyncadd.s32 $0xFFFFFFFF  }
0xa6: {  	s26 =	simm.s32 $execute0_lowered;
	[smem:$0x3FD2] =	sst s25  }
0xa7: {  	s6 =	sshll.u32 s26, $0x1;
	_ =	strace $0x80000046;
	[dreg:$0x1] =	wrdreg $0xFFFFFFFF  }
0xa8: {  	s28 =	simm.s32 $_size_execute0_lowered;
	s4 =	sadd.s32 s4, s6;
	[dreg:$0x0] =	wrdreg $0x0  }
0xa9: {  	s6 =	sshll.u32 s28, $0x1;
	[dreg:$0x2] =	wrdreg s4  }
0xaa: {  	[dreg:$0x3] =	wrdreg s6  }
0xab: {  	[dreg:$0x4] =	wrdreg $0xC0  }
0xac: {  	_ =	task [dreg:s8], $0x5FFFF  }
0xad: {  	[dreg:$0x1] =	wrdreg $0xFFFFFFFF  }
0xae: {  	[dreg:$0x0] =	wrdreg $0x60  }
0xaf: {  	[dreg:$0x2] =	wrdreg s2  }
0xb0: {  	[dreg:$0x3] =	wrdreg s24  }
0xb1: {  	[dreg:$0x4] =	wrdreg s18  }
0xb2: {  	[dreg:$0x5] =	wrdreg $0x9  }
0xb3: {  	_ =	task.clear_ibuf [dreg:s8], $0x6FFFF;
	_ =	strace $0x90000046  }
0xb4: {  	s29 =	simm.s32 $0x9;
	_ =	strace $0x80000048  }
0xb5: {  	_ =	swait.ge [sflag:s29], $0x1  }
0xb6: {  	[sflag:s29] =	ssyncadd.s32 $0xFFFFFFFF  }
0xb7: {  	_ =	strace $0x90000048  }
0xb8: {  	_ =	sfence  }
0xb9: {  	s30 =	sld [smem:$0x0];
	_ =	sdelay $0x2  }
0xba: {  	s31 =	sshll.u32 s1, $0xD;
	s1 =	sshrl.u32 s1, $0x2  }
0xbb: {  	s3 =	sand.u32 $0x4000, s31;
	s1 =	sadd.s32 s1, s30  }
0xbc: {  	s0 =	sor.u32 s3, s0;
	s1 =	sshll.u32 s1, $0x11  }
0xbd: {  	s0 =	sor.u32 s1, s0  }
0xbe: {  	s0 =	sadd.s32 $0x8F2B, s0  }
0xbf: {  	[sflag:s0] =	ssyncadd.remote.s32 $0x1  }
0xc0: {  	_ =	sfence.sel $0xFFFF  }
0xc1: {  	[dreg:$0x0] =	wrdreg $0xFFFFFFFF;
	(pc) =	sbr.abs _section_cstart, $3  }
0xc2: {  	[dreg:$0x1] =	wrdreg $0xFFFFFFFF  }
0xc3: {  	_ =	task.clear_ibuf [dreg:s8], $0x2FFFF;
	_ =	strace $0x9FFFFFFF  }
0xc4: {  	(tm) =	ssettm $0x7FFFFFFF  }
0xc5: {  	_ =	shalt  }
tec
execute0_lowered:
.L_overlay_start_1:
0x0: {  	(tag) =	ssettag $0x1  }
0x1: {  	s1 =	rddreg [dreg:$0x0]  }
0x2: {  	s0 =	rddreg [dreg:$0x1];
	s2 =	srdreg.scid  }
0x3: {  	s4 =	stileid.u32;
	s3 =	rddreg [dreg:$0x2]  }
0x4: {  	s29 =	simm.s32 $0xDC00;
	s30 =	simm.s32 $0x1;
	s31 =	simm.s32 $0x3  }
0x5: {  	s28 =	simm.s32 $0x7;
	s2 =	sand.u32 $0x1, s2;
	s5 =	sshll.u32 s4, $0x1  }
0x6: {  	s9 =	simm.s32 $0x5;
	s10 =	simm.s32 $0x9;
	s5 =	sor.u32 s2, s5  }
0x7: {  	s11 =	simm.s32 $0xA;
	s4 =	simm.s32 $0x0;
	s6 =	smul.u32 $0x380, s5  }
0x8: {  	[smem:$0x7FF] =	sst s4;
	s2 =	ssub.s32 $0x2, s2;
	s8 =	smul.u32 $0x19000, s5  }
0x9: {  	_ =	strace $0x80000047;
	s7 =	smul.u32 $0xC8000, s5;
	s14 =	sshrl.u32 s2, $0x1  }
0xa: {  	s5 =	smul.u32 $0x1900, s5;
	s2 =	ssub.s32 s2, s14;
	s16 =	sadd.s32 s3, s8  }
0xb: {  	s0 =	sadd.s32 s6, s0;
	s26 =	smax.u32 s2, $0x1;
	[dreg:$0x5] =	wrdreg s16  }
0xc: {  	s15 =	sshrl.u32 s7, $0x3;
	s0 =	sadd.s32 $0x400, s0;
	[dreg:$0xf] =	wrdreg s26  }
0xd: {  	s17 =	sadd.s32 s3, s15;
	s18 =	sadd.s32 $0x800, s16;
	[dreg:$0x4] =	wrdreg s0  }
0xe: {  	s12 =	sor.u32 $0x80, s5;
	[dreg:$0x6] =	wrdreg s18;
	s19 =	sadd.s32 $0x1000, s17  }
0xf: {  	s13 =	sadd.s32 $0x100, s5;
	s20 =	sadd.s32 $0x1800, s17;
	[dreg:$0x7] =	wrdreg s19  }
0x10: {  	s14 =	sadd.s32 $0x180, s5;
	s21 =	sadd.s32 $0x2000, s17;
	[dreg:$0x8] =	wrdreg s20  }
0x11: {  	s2 =	simm.s32 $0x11C00;
	s22 =	sadd.s32 $0x16800, s17;
	[dreg:$0x9] =	wrdreg s21  }
0x12: {  	s6 =	simm.s32 $0x4;
	s23 =	sadd.s32 $0x17000, s17;
	[dreg:$0xa] =	wrdreg s22  }
0x13: {  	s8 =	simm.s32 $0x8;
	s24 =	sadd.s32 $0x17800, s17;
	[dreg:$0xb] =	wrdreg s23  }
0x14: {  	s26 =	simm.s32 $0x9C00;
	s25 =	sadd.s32 $0x18000, s17;
	[dreg:$0xc] =	wrdreg s24  }
0x15: {  	s15 =	simm.s32 $0x0;
	s0 =	sadd.s32 $0x18800, s17;
	[dreg:$0xd] =	wrdreg s25  }
0x16: {  	[dreg:$0xe] =	wrdreg s0;
	s22 =	simm.s32 $0x80;
	s23 =	simm.s32 $0x1C00  }
0x17: {  	s24 =	simm.s32 $0x5C00;
	s0 =	simm.s32 $0x2;
	s25 =	simm.s32 $0x6  }
.LBB2_1:
0x18: {  	s7 =	rddreg [dreg:$0x4];
	s19 =	simm.s32 $0xB  }
0x19: {  	[tilespmem:s4], [sflag:$0xB] =	stream.linear.gather [hbm4b:s7+s4], $0x1900, $0x38;
	[tilespmem:$0x15C00] =	vst v63  }
0x1a: {  	_ =	swait.ge [sflag:s19], $0x1900  }
0x1b: {  	[sflag:s19] =	ssyncset.done $0x0  }
0x1c: {  	[sflag:s19] =	ssyncadd.s32 $0xFFFFE700  }
0x1d: {  	[tilespmem:s23], [sflag:$0x1] =	stream.indirect.gather [hbm4b:s1+s22], $0x80, s4, s22, $0xb8;
	[tilespmem:$0x15C00] =	vst v63  }
0x1e: {  	_ = 	snop  }
0x1f: {  	[tilespmem:s24], [sflag:$0x2] =	stream.indirect.gather [hbm4b:s1+s22], $0x80, s22, s22, $0xb8;
	[tilespmem:$0x15C00] =	vst v63  }
0x20: {  	s20 =	simm.s32 $0x100  }
0x21: {  	[tilespmem:s26], [sflag:$0x3] =	stream.indirect.gather [hbm4b:s1+s22], $0x80, s20, s22, $0xb8;
	[tilespmem:$0x15C00] =	vst v63  }
0x22: {  	s21 =	simm.s32 $0x180  }
0x23: {  	[tilespmem:s29], [sflag:$0x4] =	stream.indirect.gather [hbm4b:s1+s22], $0x80, s21, s22, $0xb8;
	[tilespmem:$0x15C00] =	vst v63  }
0x24: {  	_ =	swait.ge [sflag:s30], $0x4000  }
0x25: {  	[sflag:s30] =	ssyncset.done $0x0  }
0x26: {  	s16 =	simm.s32 $0x1D00;
	[sflag:s30] =	ssyncadd.s32 $0xFFFFC000  }
0x27: {  	v0 =	vld [tilespmem:s16+$0xF0]  }
0x28: {  	v1 =	vld [tilespmem:s16+$0xFFFFFF10]  }
0x29: {  	v2 =	vld [tilespmem:s16+$0xFFFFFF20]  }
0x2a: {  	v3 =	vld [tilespmem:s16+$0xFFFFFF30]  }
0x2b: {  	v6 =	vld [tilespmem:s16+$0xFFFFFF60]  }
0x2c: {  	v4 =	vld [tilespmem:s16+$0xFFFFFF40]  }
0x2d: {  	v5 =	vld [tilespmem:s16+$0xFFFFFF50];
	v0 =	vmul.f32 $1.131370830e+01, v0  }
0x2e: {  	v8 =	vld [tilespmem:s16+$0xFFFFFF80];
	v1 =	vmul.f32 $1.131370830e+01, v1  }
0x2f: {  	v7 =	vld [tilespmem:s16+$0xFFFFFF70];
	v2 =	vmul.f32 $1.131370830e+01, v2;
	[tilespmem:s16+$0xF0] =	vst v0  }
0x30: {  	v6 =	vmul.f32 $1.131370830e+01, v6;
	v0 =	vld [tilespmem:s16+$0xFFFFFF90];
	[tilespmem:s16+$0xFFFFFF10] =	vst v1  }
0x31: {  	v1 =	vmul.f32 $1.131370830e+01, v3;
	v3 =	vld [tilespmem:s16+$0xFFFFFFA0];
	[tilespmem:s16+$0xFFFFFF20] =	vst v2;
	v2 =	vmul.f32 $1.131370830e+01, v4  }
0x32: {  	[tilespmem:s16+$0xFFFFFF60] =	vst v6;
	v6 =	vld [tilespmem:s16+$0xFFFFFFF0]  }
0x33: {  	v4 =	vld [tilespmem:s16+$0xFFFFFFB0];
	[tilespmem:s16+$0xFFFFFF40] =	vst v2;
	v2 =	vmul.f32 $1.131370830e+01, v8  }
0x34: {  	[tilespmem:s16+$0xFFFFFF30] =	vst v1;
	v1 =	vmul.f32 $1.131370830e+01, v5;
	v5 =	vld [tilespmem:s16+$0xFFFFFFC0]  }
0x35: {  	v8 =	vld [tilespmem:s16+$0xFFFFFFD0];
	[tilespmem:s16+$0xFFFFFF80] =	vst v2;
	v2 =	vmul.f32 $1.131370830e+01, v7  }
0x36: {  	[tilespmem:s16+$0xFFFFFF50] =	vst v1;
	v1 =	vld [tilespmem:s16+$0xFFFFFFE0];
	v0 =	vmul.f32 $1.131370830e+01, v0  }
0x37: {  	v7 =	vld [tilespmem:s16+$0x30];
	v6 =	vmul.f32 $1.131370830e+01, v6;
	[tilespmem:s16+$0xFFFFFF70] =	vst v2  }
0x38: {  	v2 =	vmul.f32 $1.131370830e+01, v3;
	v3 =	vld [tilespmem:s16+$0x0];
	[tilespmem:s16+$0xFFFFFF90] =	vst v0  }
0x39: {  	v0 =	vmul.f32 $1.131370830e+01, v4;
	v4 =	vld [tilespmem:s16+$0x10];
	[tilespmem:s16+$0xFFFFFFF0] =	vst v6  }
0x3a: {  	[tilespmem:s16+$0xFFFFFFA0] =	vst v2;
	v2 =	vmul.f32 $1.131370830e+01, v5;
	v5 =	vld [tilespmem:s16+$0x20]  }
0x3b: {  	v6 =	vld [tilespmem:s16+$0x80];
	[tilespmem:s16+$0xFFFFFFB0] =	vst v0;
	v0 =	vmul.f32 $1.131370830e+01, v8  }
0x3c: {  	v1 =	vmul.f32 $1.131370830e+01, v1;
	[tilespmem:s16+$0xFFFFFFC0] =	vst v2;
	v2 =	vld [tilespmem:s16+$0x40]  }
0x3d: {  	[tilespmem:s16+$0xFFFFFFD0] =	vst v0;
	v0 =	vmul.f32 $1.131370830e+01, v3  }
0x3e: {  	v3 =	vld [tilespmem:s16+$0x50];
	[tilespmem:s16+$0xFFFFFFE0] =	vst v1;
	v4 =	vmul.f32 $1.131370830e+01, v4  }
0x3f: {  	v1 =	vld [tilespmem:s16+$0x60];
	[tilespmem:s16+$0x0] =	vst v0;
	v0 =	vmul.f32 $1.131370830e+01, v5  }
0x40: {  	v6 =	vmul.f32 $1.131370830e+01, v6;
	v5 =	vld [tilespmem:s16+$0x70];
	[tilespmem:s16+$0x10] =	vst v4  }
0x41: {  	v4 =	vmul.f32 $1.131370830e+01, v7;
	v7 =	vld [tilespmem:s16+$0x90];
	[tilespmem:s16+$0x20] =	vst v0;
	v0 =	vmul.f32 $1.131370830e+01, v2  }
0x42: {  	v8 =	vld [tilespmem:s16+$0xA0];
	[tilespmem:s16+$0x80] =	vst v6  }
0x43: {  	v2 =	vmul.f32 $1.131370830e+01, v3;
	[tilespmem:s16+$0x40] =	vst v0;
	v0 =	vld [tilespmem:s16+$0xB0]  }
0x44: {  	[tilespmem:s16+$0x30] =	vst v4;
	v3 =	vmul.f32 $1.131370830e+01, v1;
	v1 =	vld [tilespmem:s16+$0xC0]  }
0x45: {  	[tilespmem:s16+$0x50] =	vst v2;
	v4 =	vmul.f32 $1.131370830e+01, v5;
	v2 =	vld [tilespmem:s16+$0xD0]  }
0x46: {  	[tilespmem:s16+$0x60] =	vst v3;
	v3 =	vld [tilespmem:s16+$0xE0];
	v5 =	vmul.f32 $1.131370830e+01, v7  }
0x47: {  	s17 =	simm.s32 $0x0;
	s7 =	simm.s32 $0x1F00;
	v6 =	vmul.f32 $1.131370830e+01, v8;
	[tilespmem:s16+$0x70] =	vst v4;
	v4 =	vld [tilespmem:s16+$0xFFFFFF00]  }
.LBB2_2:
0x48: {  	v7 =	vld [tilespmem:s7+$0xF0];
	s17 =	sadd.s32 $0x4, s17;
	[tilespmem:s16+$0x90] =	vst v5;
	v0 =	vmul.f32 $1.131370830e+01, v0  }
0x49: {  	v5 =	vld [tilespmem:s7+$0xFFFFFF10];
	p0 =	slt.u32 s17, $0x7C;
	[tilespmem:s16+$0xA0] =	vst v6;
	v1 =	vmul.f32 $1.131370830e+01, v1  }
0x4a: {  	v6 =	vld [tilespmem:s7+$0xFFFFFF20];
	[tilespmem:s16+$0xB0] =	vst v0;
	v0 =	vmul.f32 $1.131370830e+01, v2  }
0x4b: {  	v2 =	vld [tilespmem:s7+$0xFFFFFF30];
	[tilespmem:s16+$0xC0] =	vst v1;
	v1 =	vmul.f32 $1.131370830e+01, v3  }
0x4c: {  	v3 =	vld [tilespmem:s7+$0xFFFFFF40];
	v4 =	vmul.f32 $1.131370830e+01, v4;
	[tilespmem:s16+$0xD0] =	vst v0  }
0x4d: {  	v0 =	vld [tilespmem:s7+$0xFFFFFF50];
	v7 =	vmul.f32 $1.131370830e+01, v7;
	[tilespmem:s16+$0xE0] =	vst v1  }
0x4e: {  	v1 =	vmul.f32 $1.131370830e+01, v5;
	v5 =	vld [tilespmem:s7+$0xFFFFFF60];
	[tilespmem:s16+$0xFFFFFF00] =	vst v4;
	s16 =	smov.u32 s7  }
0x4f: {  	v4 =	vmul.f32 $1.131370830e+01, v6;
	v6 =	vld [tilespmem:s7+$0xFFFFFF70];
	[tilespmem:s7+$0xF0] =	vst v7  }
0x50: {  	[tilespmem:s7+$0xFFFFFF10] =	vst v1;
	v1 =	vmul.f32 $1.131370830e+01, v2;
	v2 =	vld [tilespmem:s7+$0xFFFFFF80]  }
0x51: {  	[tilespmem:s7+$0xFFFFFF20] =	vst v4;
	v3 =	vmul.f32 $1.131370830e+01, v3;
	v4 =	vld [tilespmem:s7+$0xFFFFFF90]  }
0x52: {  	[tilespmem:s7+$0xFFFFFF30] =	vst v1;
	v0 =	vmul.f32 $1.131370830e+01, v0;
	v1 =	vld [tilespmem:s7+$0xFFFFFFA0]  }
0x53: {  	[tilespmem:s7+$0xFFFFFF40] =	vst v3;
	v3 =	vmul.f32 $1.131370830e+01, v5;
	v5 =	vld [tilespmem:s7+$0xFFFFFFB0]  }
0x54: {  	[tilespmem:s7+$0xFFFFFF50] =	vst v0;
	v0 =	vmul.f32 $1.131370830e+01, v6;
	v6 =	vld [tilespmem:s7+$0xFFFFFFC0]  }
0x55: {  	[tilespmem:s7+$0xFFFFFF60] =	vst v3;
	v2 =	vmul.f32 $1.131370830e+01, v2;
	v3 =	vld [tilespmem:s7+$0xFFFFFFD0]  }
0x56: {  	[tilespmem:s7+$0xFFFFFF70] =	vst v0;
	v0 =	vmul.f32 $1.131370830e+01, v4;
	v4 =	vld [tilespmem:s7+$0xFFFFFFE0]  }
0x57: {  	[tilespmem:s7+$0xFFFFFF80] =	vst v2;
	v1 =	vmul.f32 $1.131370830e+01, v1;
	v2 =	vld [tilespmem:s7+$0xFFFFFFF0]  }
0x58: {  	[tilespmem:s7+$0xFFFFFF90] =	vst v0;
	v0 =	vmul.f32 $1.131370830e+01, v5;
	v5 =	vld [tilespmem:s7+$0x0]  }
0x59: {  	[tilespmem:s7+$0xFFFFFFA0] =	vst v1;
	v1 =	vmul.f32 $1.131370830e+01, v6;
	v6 =	vld [tilespmem:s7+$0x10]  }
0x5a: {  	[tilespmem:s7+$0xFFFFFFB0] =	vst v0;
	v0 =	vmul.f32 $1.131370830e+01, v3;
	v3 =	vld [tilespmem:s7+$0x20]  }
0x5b: {  	[tilespmem:s7+$0xFFFFFFC0] =	vst v1;
	v1 =	vmul.f32 $1.131370830e+01, v4;
	v4 =	vld [tilespmem:s7+$0x30]  }
0x5c: {  	[tilespmem:s7+$0xFFFFFFD0] =	vst v0;
	v0 =	vmul.f32 $1.131370830e+01, v2;
	v2 =	vld [tilespmem:s7+$0x40]  }
0x5d: {  	[tilespmem:s7+$0xFFFFFFE0] =	vst v1;
	v1 =	vmul.f32 $1.131370830e+01, v5;
	v5 =	vld [tilespmem:s7+$0x50]  }
0x5e: {  	[tilespmem:s7+$0xFFFFFFF0] =	vst v0;
	v0 =	vmul.f32 $1.131370830e+01, v6;
	v6 =	vld [tilespmem:s7+$0x60]  }
0x5f: {  	[tilespmem:s7+$0x0] =	vst v1;
	v1 =	vmul.f32 $1.131370830e+01, v3;
	v3 =	vld [tilespmem:s7+$0x70]  }
0x60: {  	[tilespmem:s7+$0x10] =	vst v0;
	v0 =	vmul.f32 $1.131370830e+01, v4;
	v4 =	vld [tilespmem:s7+$0x80]  }
0x61: {  	[tilespmem:s7+$0x20] =	vst v1;
	v1 =	vmul.f32 $1.131370830e+01, v2;
	v7 =	vld [tilespmem:s7+$0x90]  }
0x62: {  	[tilespmem:s7+$0x30] =	vst v0;
	v2 =	vmul.f32 $1.131370830e+01, v5;
	v8 =	vld [tilespmem:s7+$0xA0]  }
.Ltmp0:
0x63: {  	[tilespmem:s7+$0x40] =	vst v1;
	v5 =	vmul.f32 $1.131370830e+01, v6;
	v0 =	vld [tilespmem:s7+$0xB0];
	(pc) =	sbr.rel @p0 .LBB2_2-.Ltmp0, $4  }
0x64: {  	[tilespmem:s7+$0x50] =	vst v2;
	v3 =	vmul.f32 $1.131370830e+01, v3;
	v1 =	vld [tilespmem:s7+$0xC0]  }
0x65: {  	[tilespmem:s7+$0x60] =	vst v5;
	v6 =	vmul.f32 $1.131370830e+01, v4;
	v2 =	vld [tilespmem:s7+$0xD0]  }
0x66: {  	[tilespmem:s7+$0x70] =	vst v3;
	v5 =	vmul.f32 $1.131370830e+01, v7;
	v3 =	vld [tilespmem:s7+$0xE0]  }
0x67: {  	s7 =	sadd.s32 $0x200, s7;
	v4 =	vld [tilespmem:s16+$0xFFFFFF00];
	[tilespmem:s16+$0x80] =	vst v6;
	v6 =	vmul.f32 $1.131370830e+01, v8  }
0x68: {  	[tilespmem:s16+$0x90] =	vst v5;
	v0 =	vmul.f32 $1.131370830e+01, v0  }
0x69: {  	[tilespmem:s16+$0xA0] =	vst v6;
	v1 =	vmul.f32 $1.131370830e+01, v1  }
0x6a: {  	[tilespmem:s16+$0xB0] =	vst v0;
	v0 =	vmul.f32 $1.131370830e+01, v2  }
0x6b: {  	[tilespmem:s16+$0xC0] =	vst v1;
	v1 =	vmul.f32 $1.131370830e+01, v3  }
0x6c: {  	v2 =	vmul.f32 $1.131370830e+01, v4;
	[tilespmem:s16+$0xD0] =	vst v0  }
0x6d: {  	[tilespmem:s16+$0xE0] =	vst v1  }
0x6e: {  	[tilespmem:s16+$0xFFFFFF00] =	vst v2  }
0x6f: {  	s7 =	rddreg [dreg:$0x5]  }
0x70: {  	[hbm4b:s7+s4] =	stream.linear.scatter [tilespmem:s23], [sflag:$0x6], $0x4000, $0x38;
	[tilespmem:$0x15C00] =	vst v63  }
0x71: {  	s21 =	simm.s32 $0x200  }
0x72: {  	[tilespmem:s2], [sflag:$0x5] =	stream.indirect.gather [hbm4b:s1+s22], $0x80, s21, s22, $0xb8;
	[tilespmem:$0x15C00] =	vst v63  }
0x73: {  	_ =	swait.ge [sflag:s0], $0x4000  }
0x74: {  	[sflag:s0] =	ssyncset.done $0x0  }
0x75: {  	s16 =	simm.s32 $0x5D00;
	[sflag:s0] =	ssyncadd.s32 $0xFFFFC000  }
0x76: {  	v0 =	vld [tilespmem:s16+$0xF0]  }
0x77: {  	v1 =	vld [tilespmem:s16+$0xFFFFFF10]  }
0x78: {  	v2 =	vld [tilespmem:s16+$0xFFFFFF20]  }
0x79: {  	v3 =	vld [tilespmem:s16+$0xFFFFFF30]  }
0x7a: {  	v6 =	vld [tilespmem:s16+$0xFFFFFF60]  }
0x7b: {  	v4 =	vld [tilespmem:s16+$0xFFFFFF40]  }
0x7c: {  	v5 =	vld [tilespmem:s16+$0xFFFFFF50];
	v0 =	vmul.f32 $1.131370830e+01, v0  }
0x7d: {  	v8 =	vld [tilespmem:s16+$0xFFFFFF80];
	v1 =	vmul.f32 $1.131370830e+01, v1  }
0x7e: {  	v7 =	vld [tilespmem:s16+$0xFFFFFF70];
	v2 =	vmul.f32 $1.131370830e+01, v2;
	[tilespmem:s16+$0xF0] =	vst v0  }
0x7f: {  	v6 =	vmul.f32 $1.131370830e+01, v6;
	v0 =	vld [tilespmem:s16+$0xFFFFFF90];
	[tilespmem:s16+$0xFFFFFF10] =	vst v1  }
0x80: {  	v1 =	vmul.f32 $1.131370830e+01, v3;
	v3 =	vld [tilespmem:s16+$0xFFFFFFA0];
	[tilespmem:s16+$0xFFFFFF20] =	vst v2;
	v2 =	vmul.f32 $1.131370830e+01, v4  }
0x81: {  	[tilespmem:s16+$0xFFFFFF60] =	vst v6;
	v6 =	vld [tilespmem:s16+$0xFFFFFFF0]  }
0x82: {  	v4 =	vld [tilespmem:s16+$0xFFFFFFB0];
	[tilespmem:s16+$0xFFFFFF40] =	vst v2;
	v2 =	vmul.f32 $1.131370830e+01, v8  }
0x83: {  	[tilespmem:s16+$0xFFFFFF30] =	vst v1;
	v1 =	vmul.f32 $1.131370830e+01, v5;
	v5 =	vld [tilespmem:s16+$0xFFFFFFC0]  }
0x84: {  	v8 =	vld [tilespmem:s16+$0xFFFFFFD0];
	[tilespmem:s16+$0xFFFFFF80] =	vst v2;
	v2 =	vmul.f32 $1.131370830e+01, v7  }
0x85: {  	[tilespmem:s16+$0xFFFFFF50] =	vst v1;
	v1 =	vld [tilespmem:s16+$0xFFFFFFE0];
	v0 =	vmul.f32 $1.131370830e+01, v0  }
0x86: {  	v7 =	vld [tilespmem:s16+$0x30];
	v6 =	vmul.f32 $1.131370830e+01, v6;
	[tilespmem:s16+$0xFFFFFF70] =	vst v2  }
0x87: {  	v2 =	vmul.f32 $1.131370830e+01, v3;
	v3 =	vld [tilespmem:s16+$0x0];
	[tilespmem:s16+$0xFFFFFF90] =	vst v0  }
0x88: {  	v0 =	vmul.f32 $1.131370830e+01, v4;
	v4 =	vld [tilespmem:s16+$0x10];
	[tilespmem:s16+$0xFFFFFFF0] =	vst v6  }
0x89: {  	[tilespmem:s16+$0xFFFFFFA0] =	vst v2;
	v2 =	vmul.f32 $1.131370830e+01, v5;
	v5 =	vld [tilespmem:s16+$0x20]  }
0x8a: {  	v6 =	vld [tilespmem:s16+$0x80];
	[tilespmem:s16+$0xFFFFFFB0] =	vst v0;
	v0 =	vmul.f32 $1.131370830e+01, v8  }
0x8b: {  	v1 =	vmul.f32 $1.131370830e+01, v1;
	[tilespmem:s16+$0xFFFFFFC0] =	vst v2;
	v2 =	vld [tilespmem:s16+$0x40]  }
0x8c: {  	[tilespmem:s16+$0xFFFFFFD0] =	vst v0;
	v0 =	vmul.f32 $1.131370830e+01, v3  }
0x8d: {  	v3 =	vld [tilespmem:s16+$0x50];
	[tilespmem:s16+$0xFFFFFFE0] =	vst v1;
	v4 =	vmul.f32 $1.131370830e+01, v4  }
0x8e: {  	v1 =	vld [tilespmem:s16+$0x60];
	[tilespmem:s16+$0x0] =	vst v0;
	v0 =	vmul.f32 $1.131370830e+01, v5  }
0x8f: {  	v6 =	vmul.f32 $1.131370830e+01, v6;
	v5 =	vld [tilespmem:s16+$0x70];
	[tilespmem:s16+$0x10] =	vst v4  }
0x90: {  	v4 =	vmul.f32 $1.131370830e+01, v7;
	v7 =	vld [tilespmem:s16+$0x90];
	[tilespmem:s16+$0x20] =	vst v0;
	v0 =	vmul.f32 $1.131370830e+01, v2  }
0x91: {  	v8 =	vld [tilespmem:s16+$0xA0];
	[tilespmem:s16+$0x80] =	vst v6  }
0x92: {  	v2 =	vmul.f32 $1.131370830e+01, v3;
	[tilespmem:s16+$0x40] =	vst v0;
	v0 =	vld [tilespmem:s16+$0xB0]  }
0x93: {  	[tilespmem:s16+$0x30] =	vst v4;
	v3 =	vmul.f32 $1.131370830e+01, v1;
	v1 =	vld [tilespmem:s16+$0xC0]  }
0x94: {  	[tilespmem:s16+$0x50] =	vst v2;
	v4 =	vmul.f32 $1.131370830e+01, v5;
	v2 =	vld [tilespmem:s16+$0xD0]  }
0x95: {  	[tilespmem:s16+$0x60] =	vst v3;
	v3 =	vld [tilespmem:s16+$0xE0];
	v5 =	vmul.f32 $1.131370830e+01, v7  }
0x96: {  	s17 =	simm.s32 $0x0;
	s7 =	simm.s32 $0x5F00;
	v6 =	vmul.f32 $1.131370830e+01, v8;
	[tilespmem:s16+$0x70] =	vst v4;
	v4 =	vld [tilespmem:s16+$0xFFFFFF00]  }
.LBB2_4:
0x97: {  	v7 =	vld [tilespmem:s7+$0xF0];
	s17 =	sadd.s32 $0x4, s17;
	[tilespmem:s16+$0x90] =	vst v5;
	v0 =	vmul.f32 $1.131370830e+01, v0  }
0x98: {  	v5 =	vld [tilespmem:s7+$0xFFFFFF10];
	p0 =	slt.u32 s17, $0x7C;
	[tilespmem:s16+$0xA0] =	vst v6;
	v1 =	vmul.f32 $1.131370830e+01, v1  }
0x99: {  	v6 =	vld [tilespmem:s7+$0xFFFFFF20];
	[tilespmem:s16+$0xB0] =	vst v0;
	v0 =	vmul.f32 $1.131370830e+01, v2  }
0x9a: {  	v2 =	vld [tilespmem:s7+$0xFFFFFF30];
	[tilespmem:s16+$0xC0] =	vst v1;
	v1 =	vmul.f32 $1.131370830e+01, v3  }
0x9b: {  	v3 =	vld [tilespmem:s7+$0xFFFFFF40];
	v4 =	vmul.f32 $1.131370830e+01, v4;
	[tilespmem:s16+$0xD0] =	vst v0  }
0x9c: {  	v0 =	vld [tilespmem:s7+$0xFFFFFF50];
	v7 =	vmul.f32 $1.131370830e+01, v7;
	[tilespmem:s16+$0xE0] =	vst v1  }
0x9d: {  	v1 =	vmul.f32 $1.131370830e+01, v5;
	v5 =	vld [tilespmem:s7+$0xFFFFFF60];
	[tilespmem:s16+$0xFFFFFF00] =	vst v4;
	s16 =	smov.u32 s7  }
0x9e: {  	v4 =	vmul.f32 $1.131370830e+01, v6;
	v6 =	vld [tilespmem:s7+$0xFFFFFF70];
	[tilespmem:s7+$0xF0] =	vst v7  }
0x9f: {  	[tilespmem:s7+$0xFFFFFF10] =	vst v1;
	v1 =	vmul.f32 $1.131370830e+01, v2;
	v2 =	vld [tilespmem:s7+$0xFFFFFF80]  }
0xa0: {  	[tilespmem:s7+$0xFFFFFF20] =	vst v4;
	v3 =	vmul.f32 $1.131370830e+01, v3;
	v4 =	vld [tilespmem:s7+$0xFFFFFF90]  }
0xa1: {  	[tilespmem:s7+$0xFFFFFF30] =	vst v1;
	v0 =	vmul.f32 $1.131370830e+01, v0;
	v1 =	vld [tilespmem:s7+$0xFFFFFFA0]  }
0xa2: {  	[tilespmem:s7+$0xFFFFFF40] =	vst v3;
	v3 =	vmul.f32 $1.131370830e+01, v5;
	v5 =	vld [tilespmem:s7+$0xFFFFFFB0]  }
0xa3: {  	[tilespmem:s7+$0xFFFFFF50] =	vst v0;
	v0 =	vmul.f32 $1.131370830e+01, v6;
	v6 =	vld [tilespmem:s7+$0xFFFFFFC0]  }
0xa4: {  	[tilespmem:s7+$0xFFFFFF60] =	vst v3;
	v2 =	vmul.f32 $1.131370830e+01, v2;
	v3 =	vld [tilespmem:s7+$0xFFFFFFD0]  }
0xa5: {  	[tilespmem:s7+$0xFFFFFF70] =	vst v0;
	v0 =	vmul.f32 $1.131370830e+01, v4;
	v4 =	vld [tilespmem:s7+$0xFFFFFFE0]  }
0xa6: {  	[tilespmem:s7+$0xFFFFFF80] =	vst v2;
	v1 =	vmul.f32 $1.131370830e+01, v1;
	v2 =	vld [tilespmem:s7+$0xFFFFFFF0]  }
0xa7: {  	[tilespmem:s7+$0xFFFFFF90] =	vst v0;
	v0 =	vmul.f32 $1.131370830e+01, v5;
	v5 =	vld [tilespmem:s7+$0x0]  }
0xa8: {  	[tilespmem:s7+$0xFFFFFFA0] =	vst v1;
	v1 =	vmul.f32 $1.131370830e+01, v6;
	v6 =	vld [tilespmem:s7+$0x10]  }
0xa9: {  	[tilespmem:s7+$0xFFFFFFB0] =	vst v0;
	v0 =	vmul.f32 $1.131370830e+01, v3;
	v3 =	vld [tilespmem:s7+$0x20]  }
0xaa: {  	[tilespmem:s7+$0xFFFFFFC0] =	vst v1;
	v1 =	vmul.f32 $1.131370830e+01, v4;
	v4 =	vld [tilespmem:s7+$0x30]  }
0xab: {  	[tilespmem:s7+$0xFFFFFFD0] =	vst v0;
	v0 =	vmul.f32 $1.131370830e+01, v2;
	v2 =	vld [tilespmem:s7+$0x40]  }
0xac: {  	[tilespmem:s7+$0xFFFFFFE0] =	vst v1;
	v1 =	vmul.f32 $1.131370830e+01, v5;
	v5 =	vld [tilespmem:s7+$0x50]  }
0xad: {  	[tilespmem:s7+$0xFFFFFFF0] =	vst v0;
	v0 =	vmul.f32 $1.131370830e+01, v6;
	v6 =	vld [tilespmem:s7+$0x60]  }
0xae: {  	[tilespmem:s7+$0x0] =	vst v1;
	v1 =	vmul.f32 $1.131370830e+01, v3;
	v3 =	vld [tilespmem:s7+$0x70]  }
0xaf: {  	[tilespmem:s7+$0x10] =	vst v0;
	v0 =	vmul.f32 $1.131370830e+01, v4;
	v4 =	vld [tilespmem:s7+$0x80]  }
0xb0: {  	[tilespmem:s7+$0x20] =	vst v1;
	v1 =	vmul.f32 $1.131370830e+01, v2;
	v7 =	vld [tilespmem:s7+$0x90]  }
0xb1: {  	[tilespmem:s7+$0x30] =	vst v0;
	v2 =	vmul.f32 $1.131370830e+01, v5;
	v8 =	vld [tilespmem:s7+$0xA0]  }
.Ltmp1:
0xb2: {  	[tilespmem:s7+$0x40] =	vst v1;
	v5 =	vmul.f32 $1.131370830e+01, v6;
	v0 =	vld [tilespmem:s7+$0xB0];
	(pc) =	sbr.rel @p0 .LBB2_4-.Ltmp1, $4  }
0xb3: {  	[tilespmem:s7+$0x50] =	vst v2;
	v3 =	vmul.f32 $1.131370830e+01, v3;
	v1 =	vld [tilespmem:s7+$0xC0]  }
0xb4: {  	[tilespmem:s7+$0x60] =	vst v5;
	v6 =	vmul.f32 $1.131370830e+01, v4;
	v2 =	vld [tilespmem:s7+$0xD0]  }
0xb5: {  	[tilespmem:s7+$0x70] =	vst v3;
	v5 =	vmul.f32 $1.131370830e+01, v7;
	v3 =	vld [tilespmem:s7+$0xE0]  }
0xb6: {  	s7 =	sadd.s32 $0x200, s7;
	v4 =	vld [tilespmem:s16+$0xFFFFFF00];
	[tilespmem:s16+$0x80] =	vst v6;
	v6 =	vmul.f32 $1.131370830e+01, v8  }
0xb7: {  	[tilespmem:s16+$0x90] =	vst v5;
	v0 =	vmul.f32 $1.131370830e+01, v0  }
0xb8: {  	[tilespmem:s16+$0xA0] =	vst v6;
	v1 =	vmul.f32 $1.131370830e+01, v1  }
0xb9: {  	[tilespmem:s16+$0xB0] =	vst v0;
	v0 =	vmul.f32 $1.131370830e+01, v2  }
0xba: {  	[tilespmem:s16+$0xC0] =	vst v1;
	v1 =	vmul.f32 $1.131370830e+01, v3  }
0xbb: {  	v2 =	vmul.f32 $1.131370830e+01, v4;
	[tilespmem:s16+$0xD0] =	vst v0  }
0xbc: {  	[tilespmem:s16+$0xE0] =	vst v1  }
0xbd: {  	[tilespmem:s16+$0xFFFFFF00] =	vst v2  }
0xbe: {  	s7 =	rddreg [dreg:$0x6]  }
0xbf: {  	[hbm4b:s7+s4] =	stream.linear.scatter [tilespmem:s24], [sflag:$0x7], $0x4000, $0x38;
	[tilespmem:$0x15C00] =	vst v63  }
0xc0: {  	_ =	swait.ge [sflag:s25], $0x4000  }
0xc1: {  	[sflag:s25] =	ssyncset.done $0x0  }
0xc2: {  	s21 =	simm.s32 $0x280;
	[sflag:s25] =	ssyncadd.s32 $0xFFFFC000  }
0xc3: {  	[tilespmem:s23], [sflag:$0x1] =	stream.indirect.gather [hbm4b:s1+s22], $0x80, s21, s22, $0xb8;
	[tilespmem:$0x15C00] =	vst v63  }
0xc4: {  	_ =	swait.ge [sflag:s31], $0x4000  }
0xc5: {  	[sflag:s31] =	ssyncset.done $0x0  }
0xc6: {  	s16 =	simm.s32 $0x9D00;
	[sflag:s31] =	ssyncadd.s32 $0xFFFFC000  }
0xc7: {  	v0 =	vld [tilespmem:s16+$0xF0]  }
0xc8: {  	v1 =	vld [tilespmem:s16+$0xFFFFFF10]  }
0xc9: {  	v2 =	vld [tilespmem:s16+$0xFFFFFF20]  }
0xca: {  	v3 =	vld [tilespmem:s16+$0xFFFFFF30]  }
0xcb: {  	v6 =	vld [tilespmem:s16+$0xFFFFFF60]  }
0xcc: {  	v4 =	vld [tilespmem:s16+$0xFFFFFF40]  }
0xcd: {  	v5 =	vld [tilespmem:s16+$0xFFFFFF50];
	v0 =	vmul.f32 $1.131370830e+01, v0  }
0xce: {  	v8 =	vld [tilespmem:s16+$0xFFFFFF80];
	v1 =	vmul.f32 $1.131370830e+01, v1  }
0xcf: {  	v7 =	vld [tilespmem:s16+$0xFFFFFF70];
	v2 =	vmul.f32 $1.131370830e+01, v2;
	[tilespmem:s16+$0xF0] =	vst v0  }
0xd0: {  	v6 =	vmul.f32 $1.131370830e+01, v6;
	v0 =	vld [tilespmem:s16+$0xFFFFFF90];
	[tilespmem:s16+$0xFFFFFF10] =	vst v1  }
0xd1: {  	v1 =	vmul.f32 $1.131370830e+01, v3;
	v3 =	vld [tilespmem:s16+$0xFFFFFFA0];
	[tilespmem:s16+$0xFFFFFF20] =	vst v2;
	v2 =	vmul.f32 $1.131370830e+01, v4  }
0xd2: {  	[tilespmem:s16+$0xFFFFFF60] =	vst v6;
	v6 =	vld [tilespmem:s16+$0xFFFFFFF0]  }
0xd3: {  	v4 =	vld [tilespmem:s16+$0xFFFFFFB0];
	[tilespmem:s16+$0xFFFFFF40] =	vst v2;
	v2 =	vmul.f32 $1.131370830e+01, v8  }
0xd4: {  	[tilespmem:s16+$0xFFFFFF30] =	vst v1;
	v1 =	vmul.f32 $1.131370830e+01, v5;
	v5 =	vld [tilespmem:s16+$0xFFFFFFC0]  }
0xd5: {  	v8 =	vld [tilespmem:s16+$0xFFFFFFD0];
	[tilespmem:s16+$0xFFFFFF80] =	vst v2;
	v2 =	vmul.f32 $1.131370830e+01, v7  }
0xd6: {  	[tilespmem:s16+$0xFFFFFF50] =	vst v1;
	v1 =	vld [tilespmem:s16+$0xFFFFFFE0];
	v0 =	vmul.f32 $1.131370830e+01, v0  }
0xd7: {  	v7 =	vld [tilespmem:s16+$0x30];
	v6 =	vmul.f32 $1.131370830e+01, v6;
	[tilespmem:s16+$0xFFFFFF70] =	vst v2  }
0xd8: {  	v2 =	vmul.f32 $1.131370830e+01, v3;
	v3 =	vld [tilespmem:s16+$0x0];
	[tilespmem:s16+$0xFFFFFF90] =	vst v0  }
0xd9: {  	v0 =	vmul.f32 $1.131370830e+01, v4;
	v4 =	vld [tilespmem:s16+$0x10];
	[tilespmem:s16+$0xFFFFFFF0] =	vst v6  }
0xda: {  	[tilespmem:s16+$0xFFFFFFA0] =	vst v2;
	v2 =	vmul.f32 $1.131370830e+01, v5;
	v5 =	vld [tilespmem:s16+$0x20]  }
0xdb: {  	v6 =	vld [tilespmem:s16+$0x80];
	[tilespmem:s16+$0xFFFFFFB0] =	vst v0;
	v0 =	vmul.f32 $1.131370830e+01, v8  }
0xdc: {  	v1 =	vmul.f32 $1.131370830e+01, v1;
	[tilespmem:s16+$0xFFFFFFC0] =	vst v2;
	v2 =	vld [tilespmem:s16+$0x40]  }
0xdd: {  	[tilespmem:s16+$0xFFFFFFD0] =	vst v0;
	v0 =	vmul.f32 $1.131370830e+01, v3  }
0xde: {  	v3 =	vld [tilespmem:s16+$0x50];
	[tilespmem:s16+$0xFFFFFFE0] =	vst v1;
	v4 =	vmul.f32 $1.131370830e+01, v4  }
0xdf: {  	v1 =	vld [tilespmem:s16+$0x60];
	[tilespmem:s16+$0x0] =	vst v0;
	v0 =	vmul.f32 $1.131370830e+01, v5  }
0xe0: {  	v6 =	vmul.f32 $1.131370830e+01, v6;
	v5 =	vld [tilespmem:s16+$0x70];
	[tilespmem:s16+$0x10] =	vst v4  }
0xe1: {  	v4 =	vmul.f32 $1.131370830e+01, v7;
	v7 =	vld [tilespmem:s16+$0x90];
	[tilespmem:s16+$0x20] =	vst v0;
	v0 =	vmul.f32 $1.131370830e+01, v2  }
0xe2: {  	v8 =	vld [tilespmem:s16+$0xA0];
	[tilespmem:s16+$0x80] =	vst v6  }
0xe3: {  	v2 =	vmul.f32 $1.131370830e+01, v3;
	[tilespmem:s16+$0x40] =	vst v0;
	v0 =	vld [tilespmem:s16+$0xB0]  }
0xe4: {  	[tilespmem:s16+$0x30] =	vst v4;
	v3 =	vmul.f32 $1.131370830e+01, v1;
	v1 =	vld [tilespmem:s16+$0xC0]  }
0xe5: {  	[tilespmem:s16+$0x50] =	vst v2;
	v4 =	vmul.f32 $1.131370830e+01, v5;
	v2 =	vld [tilespmem:s16+$0xD0]  }
0xe6: {  	[tilespmem:s16+$0x60] =	vst v3;
	v3 =	vld [tilespmem:s16+$0xE0];
	v5 =	vmul.f32 $1.131370830e+01, v7  }
0xe7: {  	s17 =	simm.s32 $0x0;
	s7 =	simm.s32 $0x9F00;
	v6 =	vmul.f32 $1.131370830e+01, v8;
	[tilespmem:s16+$0x70] =	vst v4;
	v4 =	vld [tilespmem:s16+$0xFFFFFF00]  }
.LBB2_6:
0xe8: {  	v7 =	vld [tilespmem:s7+$0xF0];
	s17 =	sadd.s32 $0x4, s17;
	[tilespmem:s16+$0x90] =	vst v5;
	v0 =	vmul.f32 $1.131370830e+01, v0  }
0xe9: {  	v5 =	vld [tilespmem:s7+$0xFFFFFF10];
	p0 =	slt.u32 s17, $0x7C;
	[tilespmem:s16+$0xA0] =	vst v6;
	v1 =	vmul.f32 $1.131370830e+01, v1  }
0xea: {  	v6 =	vld [tilespmem:s7+$0xFFFFFF20];
	[tilespmem:s16+$0xB0] =	vst v0;
	v0 =	vmul.f32 $1.131370830e+01, v2  }
0xeb: {  	v2 =	vld [tilespmem:s7+$0xFFFFFF30];
	[tilespmem:s16+$0xC0] =	vst v1;
	v1 =	vmul.f32 $1.131370830e+01, v3  }
0xec: {  	v3 =	vld [tilespmem:s7+$0xFFFFFF40];
	v4 =	vmul.f32 $1.131370830e+01, v4;
	[tilespmem:s16+$0xD0] =	vst v0  }
0xed: {  	v0 =	vld [tilespmem:s7+$0xFFFFFF50];
	v7 =	vmul.f32 $1.131370830e+01, v7;
	[tilespmem:s16+$0xE0] =	vst v1  }
0xee: {  	v1 =	vmul.f32 $1.131370830e+01, v5;
	v5 =	vld [tilespmem:s7+$0xFFFFFF60];
	[tilespmem:s16+$0xFFFFFF00] =	vst v4;
	s16 =	smov.u32 s7  }
0xef: {  	v4 =	vmul.f32 $1.131370830e+01, v6;
	v6 =	vld [tilespmem:s7+$0xFFFFFF70];
	[tilespmem:s7+$0xF0] =	vst v7  }
0xf0: {  	[tilespmem:s7+$0xFFFFFF10] =	vst v1;
	v1 =	vmul.f32 $1.131370830e+01, v2;
	v2 =	vld [tilespmem:s7+$0xFFFFFF80]  }
0xf1: {  	[tilespmem:s7+$0xFFFFFF20] =	vst v4;
	v3 =	vmul.f32 $1.131370830e+01, v3;
	v4 =	vld [tilespmem:s7+$0xFFFFFF90]  }
0xf2: {  	[tilespmem:s7+$0xFFFFFF30] =	vst v1;
	v0 =	vmul.f32 $1.131370830e+01, v0;
	v1 =	vld [tilespmem:s7+$0xFFFFFFA0]  }
0xf3: {  	[tilespmem:s7+$0xFFFFFF40] =	vst v3;
	v3 =	vmul.f32 $1.131370830e+01, v5;
	v5 =	vld [tilespmem:s7+$0xFFFFFFB0]  }
0xf4: {  	[tilespmem:s7+$0xFFFFFF50] =	vst v0;
	v0 =	vmul.f32 $1.131370830e+01, v6;
	v6 =	vld [tilespmem:s7+$0xFFFFFFC0]  }
0xf5: {  	[tilespmem:s7+$0xFFFFFF60] =	vst v3;
	v2 =	vmul.f32 $1.131370830e+01, v2;
	v3 =	vld [tilespmem:s7+$0xFFFFFFD0]  }
0xf6: {  	[tilespmem:s7+$0xFFFFFF70] =	vst v0;
	v0 =	vmul.f32 $1.131370830e+01, v4;
	v4 =	vld [tilespmem:s7+$0xFFFFFFE0]  }
0xf7: {  	[tilespmem:s7+$0xFFFFFF80] =	vst v2;
	v1 =	vmul.f32 $1.131370830e+01, v1;
	v2 =	vld [tilespmem:s7+$0xFFFFFFF0]  }
0xf8: {  	[tilespmem:s7+$0xFFFFFF90] =	vst v0;
	v0 =	vmul.f32 $1.131370830e+01, v5;
	v5 =	vld [tilespmem:s7+$0x0]  }
0xf9: {  	[tilespmem:s7+$0xFFFFFFA0] =	vst v1;
	v1 =	vmul.f32 $1.131370830e+01, v6;
	v6 =	vld [tilespmem:s7+$0x10]  }
0xfa: {  	[tilespmem:s7+$0xFFFFFFB0] =	vst v0;
	v0 =	vmul.f32 $1.131370830e+01, v3;
	v3 =	vld [tilespmem:s7+$0x20]  }
0xfb: {  	[tilespmem:s7+$0xFFFFFFC0] =	vst v1;
	v1 =	vmul.f32 $1.131370830e+01, v4;
	v4 =	vld [tilespmem:s7+$0x30]  }
0xfc: {  	[tilespmem:s7+$0xFFFFFFD0] =	vst v0;
	v0 =	vmul.f32 $1.131370830e+01, v2;
	v2 =	vld [tilespmem:s7+$0x40]  }
0xfd: {  	[tilespmem:s7+$0xFFFFFFE0] =	vst v1;
	v1 =	vmul.f32 $1.131370830e+01, v5;
	v5 =	vld [tilespmem:s7+$0x50]  }
0xfe: {  	[tilespmem:s7+$0xFFFFFFF0] =	vst v0;
	v0 =	vmul.f32 $1.131370830e+01, v6;
	v6 =	vld [tilespmem:s7+$0x60]  }
0xff: {  	[tilespmem:s7+$0x0] =	vst v1;
	v1 =	vmul.f32 $1.131370830e+01, v3;
	v3 =	vld [tilespmem:s7+$0x70]  }
0x100: {  	[tilespmem:s7+$0x10] =	vst v0;
	v0 =	vmul.f32 $1.131370830e+01, v4;
	v4 =	vld [tilespmem:s7+$0x80]  }
0x101: {  	[tilespmem:s7+$0x20] =	vst v1;
	v1 =	vmul.f32 $1.131370830e+01, v2;
	v7 =	vld [tilespmem:s7+$0x90]  }
0x102: {  	[tilespmem:s7+$0x30] =	vst v0;
	v2 =	vmul.f32 $1.131370830e+01, v5;
	v8 =	vld [tilespmem:s7+$0xA0]  }
.Ltmp2:
0x103: {  	[tilespmem:s7+$0x40] =	vst v1;
	v5 =	vmul.f32 $1.131370830e+01, v6;
	v0 =	vld [tilespmem:s7+$0xB0];
	(pc) =	sbr.rel @p0 .LBB2_6-.Ltmp2, $4  }
0x104: {  	[tilespmem:s7+$0x50] =	vst v2;
	v3 =	vmul.f32 $1.131370830e+01, v3;
	v1 =	vld [tilespmem:s7+$0xC0]  }
0x105: {  	[tilespmem:s7+$0x60] =	vst v5;
	v6 =	vmul.f32 $1.131370830e+01, v4;
	v2 =	vld [tilespmem:s7+$0xD0]  }
0x106: {  	[tilespmem:s7+$0x70] =	vst v3;
	v5 =	vmul.f32 $1.131370830e+01, v7;
	v3 =	vld [tilespmem:s7+$0xE0]  }
0x107: {  	s7 =	sadd.s32 $0x200, s7;
	v4 =	vld [tilespmem:s16+$0xFFFFFF00];
	[tilespmem:s16+$0x80] =	vst v6;
	v6 =	vmul.f32 $1.131370830e+01, v8  }
0x108: {  	[tilespmem:s16+$0x90] =	vst v5;
	v0 =	vmul.f32 $1.131370830e+01, v0  }
0x109: {  	[tilespmem:s16+$0xA0] =	vst v6;
	v1 =	vmul.f32 $1.131370830e+01, v1  }
0x10a: {  	[tilespmem:s16+$0xB0] =	vst v0;
	v0 =	vmul.f32 $1.131370830e+01, v2  }
0x10b: {  	[tilespmem:s16+$0xC0] =	vst v1;
	v1 =	vmul.f32 $1.131370830e+01, v3  }
0x10c: {  	v2 =	vmul.f32 $1.131370830e+01, v4;
	[tilespmem:s16+$0xD0] =	vst v0  }
0x10d: {  	[tilespmem:s16+$0xE0] =	vst v1  }
0x10e: {  	[tilespmem:s16+$0xFFFFFF00] =	vst v2  }
0x10f: {  	s7 =	rddreg [dreg:$0x7]  }
0x110: {  	[hbm4b:s7+s4] =	stream.linear.scatter [tilespmem:s26], [sflag:$0x8], $0x4000, $0x38;
	[tilespmem:$0x15C00] =	vst v63  }
0x111: {  	_ =	swait.ge [sflag:s28], $0x4000  }
0x112: {  	[sflag:s28] =	ssyncset.done $0x0  }
0x113: {  	s21 =	simm.s32 $0x300;
	[sflag:s28] =	ssyncadd.s32 $0xFFFFC000  }
0x114: {  	[tilespmem:s24], [sflag:$0x2] =	stream.indirect.gather [hbm4b:s1+s22], $0x80, s21, s22, $0xb8;
	[tilespmem:$0x15C00] =	vst v63  }
0x115: {  	_ =	swait.ge [sflag:s6], $0x4000  }
0x116: {  	[sflag:s6] =	ssyncset.done $0x0  }
0x117: {  	s16 =	simm.s32 $0xDD00;
	[sflag:s6] =	ssyncadd.s32 $0xFFFFC000  }
0x118: {  	v0 =	vld [tilespmem:s16+$0xF0]  }
0x119: {  	v1 =	vld [tilespmem:s16+$0xFFFFFF10]  }
0x11a: {  	v2 =	vld [tilespmem:s16+$0xFFFFFF20]  }
0x11b: {  	v3 =	vld [tilespmem:s16+$0xFFFFFF30]  }
0x11c: {  	v6 =	vld [tilespmem:s16+$0xFFFFFF60]  }
0x11d: {  	v4 =	vld [tilespmem:s16+$0xFFFFFF40]  }
0x11e: {  	v5 =	vld [tilespmem:s16+$0xFFFFFF50];
	v0 =	vmul.f32 $1.131370830e+01, v0  }
0x11f: {  	v8 =	vld [tilespmem:s16+$0xFFFFFF80];
	v1 =	vmul.f32 $1.131370830e+01, v1  }
0x120: {  	v7 =	vld [tilespmem:s16+$0xFFFFFF70];
	v2 =	vmul.f32 $1.131370830e+01, v2;
	[tilespmem:s16+$0xF0] =	vst v0  }
0x121: {  	v6 =	vmul.f32 $1.131370830e+01, v6;
	v0 =	vld [tilespmem:s16+$0xFFFFFF90];
	[tilespmem:s16+$0xFFFFFF10] =	vst v1  }
0x122: {  	v1 =	vmul.f32 $1.131370830e+01, v3;
	v3 =	vld [tilespmem:s16+$0xFFFFFFA0];
	[tilespmem:s16+$0xFFFFFF20] =	vst v2;
	v2 =	vmul.f32 $1.131370830e+01, v4  }
0x123: {  	[tilespmem:s16+$0xFFFFFF60] =	vst v6;
	v6 =	vld [tilespmem:s16+$0xFFFFFFF0]  }
0x124: {  	v4 =	vld [tilespmem:s16+$0xFFFFFFB0];
	[tilespmem:s16+$0xFFFFFF40] =	vst v2;
	v2 =	vmul.f32 $1.131370830e+01, v8  }
0x125: {  	[tilespmem:s16+$0xFFFFFF30] =	vst v1;
	v1 =	vmul.f32 $1.131370830e+01, v5;
	v5 =	vld [tilespmem:s16+$0xFFFFFFC0]  }
0x126: {  	v8 =	vld [tilespmem:s16+$0xFFFFFFD0];
	[tilespmem:s16+$0xFFFFFF80] =	vst v2;
	v2 =	vmul.f32 $1.131370830e+01, v7  }
0x127: {  	[tilespmem:s16+$0xFFFFFF50] =	vst v1;
	v1 =	vld [tilespmem:s16+$0xFFFFFFE0];
	v0 =	vmul.f32 $1.131370830e+01, v0  }
0x128: {  	v7 =	vld [tilespmem:s16+$0x30];
	v6 =	vmul.f32 $1.131370830e+01, v6;
	[tilespmem:s16+$0xFFFFFF70] =	vst v2  }
0x129: {  	v2 =	vmul.f32 $1.131370830e+01, v3;
	v3 =	vld [tilespmem:s16+$0x0];
	[tilespmem:s16+$0xFFFFFF90] =	vst v0  }
0x12a: {  	v0 =	vmul.f32 $1.131370830e+01, v4;
	v4 =	vld [tilespmem:s16+$0x10];
	[tilespmem:s16+$0xFFFFFFF0] =	vst v6  }
0x12b: {  	[tilespmem:s16+$0xFFFFFFA0] =	vst v2;
	v2 =	vmul.f32 $1.131370830e+01, v5;
	v5 =	vld [tilespmem:s16+$0x20]  }
0x12c: {  	v6 =	vld [tilespmem:s16+$0x80];
	[tilespmem:s16+$0xFFFFFFB0] =	vst v0;
	v0 =	vmul.f32 $1.131370830e+01, v8  }
0x12d: {  	v1 =	vmul.f32 $1.131370830e+01, v1;
	[tilespmem:s16+$0xFFFFFFC0] =	vst v2;
	v2 =	vld [tilespmem:s16+$0x40]  }
0x12e: {  	[tilespmem:s16+$0xFFFFFFD0] =	vst v0;
	v0 =	vmul.f32 $1.131370830e+01, v3  }
0x12f: {  	v3 =	vld [tilespmem:s16+$0x50];
	[tilespmem:s16+$0xFFFFFFE0] =	vst v1;
	v4 =	vmul.f32 $1.131370830e+01, v4  }
0x130: {  	v1 =	vld [tilespmem:s16+$0x60];
	[tilespmem:s16+$0x0] =	vst v0;
	v0 =	vmul.f32 $1.131370830e+01, v5  }
0x131: {  	v6 =	vmul.f32 $1.131370830e+01, v6;
	v5 =	vld [tilespmem:s16+$0x70];
	[tilespmem:s16+$0x10] =	vst v4  }
0x132: {  	v4 =	vmul.f32 $1.131370830e+01, v7;
	v7 =	vld [tilespmem:s16+$0x90];
	[tilespmem:s16+$0x20] =	vst v0;
	v0 =	vmul.f32 $1.131370830e+01, v2  }
0x133: {  	v8 =	vld [tilespmem:s16+$0xA0];
	[tilespmem:s16+$0x80] =	vst v6  }
0x134: {  	v2 =	vmul.f32 $1.131370830e+01, v3;
	[tilespmem:s16+$0x40] =	vst v0;
	v0 =	vld [tilespmem:s16+$0xB0]  }
0x135: {  	[tilespmem:s16+$0x30] =	vst v4;
	v3 =	vmul.f32 $1.131370830e+01, v1;
	v1 =	vld [tilespmem:s16+$0xC0]  }
0x136: {  	[tilespmem:s16+$0x50] =	vst v2;
	v4 =	vmul.f32 $1.131370830e+01, v5;
	v2 =	vld [tilespmem:s16+$0xD0]  }
0x137: {  	[tilespmem:s16+$0x60] =	vst v3;
	v3 =	vld [tilespmem:s16+$0xE0];
	v5 =	vmul.f32 $1.131370830e+01, v7  }
0x138: {  	s17 =	simm.s32 $0x0;
	s7 =	simm.s32 $0xDF00;
	v6 =	vmul.f32 $1.131370830e+01, v8;
	[tilespmem:s16+$0x70] =	vst v4;
	v4 =	vld [tilespmem:s16+$0xFFFFFF00]  }
.LBB2_8:
0x139: {  	v7 =	vld [tilespmem:s7+$0xF0];
	s17 =	sadd.s32 $0x4, s17;
	[tilespmem:s16+$0x90] =	vst v5;
	v0 =	vmul.f32 $1.131370830e+01, v0  }
0x13a: {  	v5 =	vld [tilespmem:s7+$0xFFFFFF10];
	p0 =	slt.u32 s17, $0x7C;
	[tilespmem:s16+$0xA0] =	vst v6;
	v1 =	vmul.f32 $1.131370830e+01, v1  }
0x13b: {  	v6 =	vld [tilespmem:s7+$0xFFFFFF20];
	[tilespmem:s16+$0xB0] =	vst v0;
	v0 =	vmul.f32 $1.131370830e+01, v2  }
0x13c: {  	v2 =	vld [tilespmem:s7+$0xFFFFFF30];
	[tilespmem:s16+$0xC0] =	vst v1;
	v1 =	vmul.f32 $1.131370830e+01, v3  }
0x13d: {  	v3 =	vld [tilespmem:s7+$0xFFFFFF40];
	v4 =	vmul.f32 $1.131370830e+01, v4;
	[tilespmem:s16+$0xD0] =	vst v0  }
0x13e: {  	v0 =	vld [tilespmem:s7+$0xFFFFFF50];
	v7 =	vmul.f32 $1.131370830e+01, v7;
	[tilespmem:s16+$0xE0] =	vst v1  }
0x13f: {  	v1 =	vmul.f32 $1.131370830e+01, v5;
	v5 =	vld [tilespmem:s7+$0xFFFFFF60];
	[tilespmem:s16+$0xFFFFFF00] =	vst v4;
	s16 =	smov.u32 s7  }
0x140: {  	v4 =	vmul.f32 $1.131370830e+01, v6;
	v6 =	vld [tilespmem:s7+$0xFFFFFF70];
	[tilespmem:s7+$0xF0] =	vst v7  }
0x141: {  	[tilespmem:s7+$0xFFFFFF10] =	vst v1;
	v1 =	vmul.f32 $1.131370830e+01, v2;
	v2 =	vld [tilespmem:s7+$0xFFFFFF80]  }
0x142: {  	[tilespmem:s7+$0xFFFFFF20] =	vst v4;
	v3 =	vmul.f32 $1.131370830e+01, v3;
	v4 =	vld [tilespmem:s7+$0xFFFFFF90]  }
0x143: {  	[tilespmem:s7+$0xFFFFFF30] =	vst v1;
	v0 =	vmul.f32 $1.131370830e+01, v0;
	v1 =	vld [tilespmem:s7+$0xFFFFFFA0]  }
0x144: {  	[tilespmem:s7+$0xFFFFFF40] =	vst v3;
	v3 =	vmul.f32 $1.131370830e+01, v5;
	v5 =	vld [tilespmem:s7+$0xFFFFFFB0]  }
0x145: {  	[tilespmem:s7+$0xFFFFFF50] =	vst v0;
	v0 =	vmul.f32 $1.131370830e+01, v6;
	v6 =	vld [tilespmem:s7+$0xFFFFFFC0]  }
0x146: {  	[tilespmem:s7+$0xFFFFFF60] =	vst v3;
	v2 =	vmul.f32 $1.131370830e+01, v2;
	v3 =	vld [tilespmem:s7+$0xFFFFFFD0]  }
0x147: {  	[tilespmem:s7+$0xFFFFFF70] =	vst v0;
	v0 =	vmul.f32 $1.131370830e+01, v4;
	v4 =	vld [tilespmem:s7+$0xFFFFFFE0]  }
0x148: {  	[tilespmem:s7+$0xFFFFFF80] =	vst v2;
	v1 =	vmul.f32 $1.131370830e+01, v1;
	v2 =	vld [tilespmem:s7+$0xFFFFFFF0]  }
0x149: {  	[tilespmem:s7+$0xFFFFFF90] =	vst v0;
	v0 =	vmul.f32 $1.131370830e+01, v5;
	v5 =	vld [tilespmem:s7+$0x0]  }
0x14a: {  	[tilespmem:s7+$0xFFFFFFA0] =	vst v1;
	v1 =	vmul.f32 $1.131370830e+01, v6;
	v6 =	vld [tilespmem:s7+$0x10]  }
0x14b: {  	[tilespmem:s7+$0xFFFFFFB0] =	vst v0;
	v0 =	vmul.f32 $1.131370830e+01, v3;
	v3 =	vld [tilespmem:s7+$0x20]  }
0x14c: {  	[tilespmem:s7+$0xFFFFFFC0] =	vst v1;
	v1 =	vmul.f32 $1.131370830e+01, v4;
	v4 =	vld [tilespmem:s7+$0x30]  }
0x14d: {  	[tilespmem:s7+$0xFFFFFFD0] =	vst v0;
	v0 =	vmul.f32 $1.131370830e+01, v2;
	v2 =	vld [tilespmem:s7+$0x40]  }
0x14e: {  	[tilespmem:s7+$0xFFFFFFE0] =	vst v1;
	v1 =	vmul.f32 $1.131370830e+01, v5;
	v5 =	vld [tilespmem:s7+$0x50]  }
0x14f: {  	[tilespmem:s7+$0xFFFFFFF0] =	vst v0;
	v0 =	vmul.f32 $1.131370830e+01, v6;
	v6 =	vld [tilespmem:s7+$0x60]  }
0x150: {  	[tilespmem:s7+$0x0] =	vst v1;
	v1 =	vmul.f32 $1.131370830e+01, v3;
	v3 =	vld [tilespmem:s7+$0x70]  }
0x151: {  	[tilespmem:s7+$0x10] =	vst v0;
	v0 =	vmul.f32 $1.131370830e+01, v4;
	v4 =	vld [tilespmem:s7+$0x80]  }
0x152: {  	[tilespmem:s7+$0x20] =	vst v1;
	v1 =	vmul.f32 $1.131370830e+01, v2;
	v7 =	vld [tilespmem:s7+$0x90]  }
0x153: {  	[tilespmem:s7+$0x30] =	vst v0;
	v2 =	vmul.f32 $1.131370830e+01, v5;
	v8 =	vld [tilespmem:s7+$0xA0]  }
.Ltmp3:
0x154: {  	[tilespmem:s7+$0x40] =	vst v1;
	v5 =	vmul.f32 $1.131370830e+01, v6;
	v0 =	vld [tilespmem:s7+$0xB0];
	(pc) =	sbr.rel @p0 .LBB2_8-.Ltmp3, $4  }
0x155: {  	[tilespmem:s7+$0x50] =	vst v2;
	v3 =	vmul.f32 $1.131370830e+01, v3;
	v1 =	vld [tilespmem:s7+$0xC0]  }
0x156: {  	[tilespmem:s7+$0x60] =	vst v5;
	v6 =	vmul.f32 $1.131370830e+01, v4;
	v2 =	vld [tilespmem:s7+$0xD0]  }
0x157: {  	[tilespmem:s7+$0x70] =	vst v3;
	v5 =	vmul.f32 $1.131370830e+01, v7;
	v3 =	vld [tilespmem:s7+$0xE0]  }
0x158: {  	s7 =	sadd.s32 $0x200, s7;
	v4 =	vld [tilespmem:s16+$0xFFFFFF00];
	[tilespmem:s16+$0x80] =	vst v6;
	v6 =	vmul.f32 $1.131370830e+01, v8  }
0x159: {  	[tilespmem:s16+$0x90] =	vst v5;
	v0 =	vmul.f32 $1.131370830e+01, v0  }
0x15a: {  	[tilespmem:s16+$0xA0] =	vst v6;
	v1 =	vmul.f32 $1.131370830e+01, v1  }
0x15b: {  	[tilespmem:s16+$0xB0] =	vst v0;
	v0 =	vmul.f32 $1.131370830e+01, v2  }
0x15c: {  	[tilespmem:s16+$0xC0] =	vst v1;
	v1 =	vmul.f32 $1.131370830e+01, v3  }
0x15d: {  	v2 =	vmul.f32 $1.131370830e+01, v4;
	[tilespmem:s16+$0xD0] =	vst v0  }
0x15e: {  	[tilespmem:s16+$0xE0] =	vst v1  }
0x15f: {  	[tilespmem:s16+$0xFFFFFF00] =	vst v2  }
0x160: {  	s7 =	rddreg [dreg:$0x8]  }
0x161: {  	[hbm4b:s7+s4] =	stream.linear.scatter [tilespmem:s29], [sflag:$0x9], $0x4000, $0x38;
	[tilespmem:$0x15C00] =	vst v63  }
0x162: {  	_ =	swait.ge [sflag:s8], $0x4000  }
0x163: {  	[sflag:s8] =	ssyncset.done $0x0  }
0x164: {  	s21 =	simm.s32 $0x380;
	[sflag:s8] =	ssyncadd.s32 $0xFFFFC000  }
0x165: {  	[tilespmem:s26], [sflag:$0x3] =	stream.indirect.gather [hbm4b:s1+s22], $0x80, s21, s22, $0xb8;
	[tilespmem:$0x15C00] =	vst v63  }
0x166: {  	_ =	swait.ge [sflag:s9], $0x4000  }
0x167: {  	[sflag:s9] =	ssyncset.done $0x0  }
0x168: {  	s16 =	simm.s32 $0x11D00;
	[sflag:s9] =	ssyncadd.s32 $0xFFFFC000  }
0x169: {  	v0 =	vld [tilespmem:s16+$0xF0]  }
0x16a: {  	v1 =	vld [tilespmem:s16+$0xFFFFFF10]  }
0x16b: {  	v2 =	vld [tilespmem:s16+$0xFFFFFF20]  }
0x16c: {  	v3 =	vld [tilespmem:s16+$0xFFFFFF30]  }
0x16d: {  	v6 =	vld [tilespmem:s16+$0xFFFFFF60]  }
0x16e: {  	v4 =	vld [tilespmem:s16+$0xFFFFFF40]  }
0x16f: {  	v5 =	vld [tilespmem:s16+$0xFFFFFF50];
	v0 =	vmul.f32 $1.131370830e+01, v0  }
0x170: {  	v8 =	vld [tilespmem:s16+$0xFFFFFF80];
	v1 =	vmul.f32 $1.131370830e+01, v1  }
0x171: {  	v7 =	vld [tilespmem:s16+$0xFFFFFF70];
	v2 =	vmul.f32 $1.131370830e+01, v2;
	[tilespmem:s16+$0xF0] =	vst v0  }
0x172: {  	v6 =	vmul.f32 $1.131370830e+01, v6;
	v0 =	vld [tilespmem:s16+$0xFFFFFF90];
	[tilespmem:s16+$0xFFFFFF10] =	vst v1  }
0x173: {  	v1 =	vmul.f32 $1.131370830e+01, v3;
	v3 =	vld [tilespmem:s16+$0xFFFFFFA0];
	[tilespmem:s16+$0xFFFFFF20] =	vst v2;
	v2 =	vmul.f32 $1.131370830e+01, v4  }
0x174: {  	[tilespmem:s16+$0xFFFFFF60] =	vst v6;
	v6 =	vld [tilespmem:s16+$0xFFFFFFF0]  }
0x175: {  	v4 =	vld [tilespmem:s16+$0xFFFFFFB0];
	[tilespmem:s16+$0xFFFFFF40] =	vst v2;
	v2 =	vmul.f32 $1.131370830e+01, v8  }
0x176: {  	[tilespmem:s16+$0xFFFFFF30] =	vst v1;
	v1 =	vmul.f32 $1.131370830e+01, v5;
	v5 =	vld [tilespmem:s16+$0xFFFFFFC0]  }
0x177: {  	v8 =	vld [tilespmem:s16+$0xFFFFFFD0];
	[tilespmem:s16+$0xFFFFFF80] =	vst v2;
	v2 =	vmul.f32 $1.131370830e+01, v7  }
0x178: {  	[tilespmem:s16+$0xFFFFFF50] =	vst v1;
	v1 =	vld [tilespmem:s16+$0xFFFFFFE0];
	v0 =	vmul.f32 $1.131370830e+01, v0  }
0x179: {  	v7 =	vld [tilespmem:s16+$0x30];
	v6 =	vmul.f32 $1.131370830e+01, v6;
	[tilespmem:s16+$0xFFFFFF70] =	vst v2  }
0x17a: {  	v2 =	vmul.f32 $1.131370830e+01, v3;
	v3 =	vld [tilespmem:s16+$0x0];
	[tilespmem:s16+$0xFFFFFF90] =	vst v0  }
0x17b: {  	v0 =	vmul.f32 $1.131370830e+01, v4;
	v4 =	vld [tilespmem:s16+$0x10];
	[tilespmem:s16+$0xFFFFFFF0] =	vst v6  }
0x17c: {  	[tilespmem:s16+$0xFFFFFFA0] =	vst v2;
	v2 =	vmul.f32 $1.131370830e+01, v5;
	v5 =	vld [tilespmem:s16+$0x20]  }
0x17d: {  	v6 =	vld [tilespmem:s16+$0x80];
	[tilespmem:s16+$0xFFFFFFB0] =	vst v0;
	v0 =	vmul.f32 $1.131370830e+01, v8  }
0x17e: {  	v1 =	vmul.f32 $1.131370830e+01, v1;
	[tilespmem:s16+$0xFFFFFFC0] =	vst v2;
	v2 =	vld [tilespmem:s16+$0x40]  }
0x17f: {  	[tilespmem:s16+$0xFFFFFFD0] =	vst v0;
	v0 =	vmul.f32 $1.131370830e+01, v3  }
0x180: {  	v3 =	vld [tilespmem:s16+$0x50];
	[tilespmem:s16+$0xFFFFFFE0] =	vst v1;
	v4 =	vmul.f32 $1.131370830e+01, v4  }
0x181: {  	v1 =	vld [tilespmem:s16+$0x60];
	[tilespmem:s16+$0x0] =	vst v0;
	v0 =	vmul.f32 $1.131370830e+01, v5  }
0x182: {  	v6 =	vmul.f32 $1.131370830e+01, v6;
	v5 =	vld [tilespmem:s16+$0x70];
	[tilespmem:s16+$0x10] =	vst v4  }
0x183: {  	v4 =	vmul.f32 $1.131370830e+01, v7;
	v7 =	vld [tilespmem:s16+$0x90];
	[tilespmem:s16+$0x20] =	vst v0;
	v0 =	vmul.f32 $1.131370830e+01, v2  }
0x184: {  	v8 =	vld [tilespmem:s16+$0xA0];
	[tilespmem:s16+$0x80] =	vst v6  }
0x185: {  	v2 =	vmul.f32 $1.131370830e+01, v3;
	[tilespmem:s16+$0x40] =	vst v0;
	v0 =	vld [tilespmem:s16+$0xB0]  }
0x186: {  	[tilespmem:s16+$0x30] =	vst v4;
	v3 =	vmul.f32 $1.131370830e+01, v1;
	v1 =	vld [tilespmem:s16+$0xC0]  }
0x187: {  	[tilespmem:s16+$0x50] =	vst v2;
	v4 =	vmul.f32 $1.131370830e+01, v5;
	v2 =	vld [tilespmem:s16+$0xD0]  }
0x188: {  	[tilespmem:s16+$0x60] =	vst v3;
	v3 =	vld [tilespmem:s16+$0xE0];
	v5 =	vmul.f32 $1.131370830e+01, v7  }
0x189: {  	s17 =	simm.s32 $0x0;
	s7 =	simm.s32 $0x11F00;
	v6 =	vmul.f32 $1.131370830e+01, v8;
	[tilespmem:s16+$0x70] =	vst v4;
	v4 =	vld [tilespmem:s16+$0xFFFFFF00]  }
.LBB2_10:
0x18a: {  	v7 =	vld [tilespmem:s7+$0xF0];
	s17 =	sadd.s32 $0x4, s17;
	[tilespmem:s16+$0x90] =	vst v5;
	v0 =	vmul.f32 $1.131370830e+01, v0  }
0x18b: {  	v5 =	vld [tilespmem:s7+$0xFFFFFF10];
	p0 =	slt.u32 s17, $0x7C;
	[tilespmem:s16+$0xA0] =	vst v6;
	v1 =	vmul.f32 $1.131370830e+01, v1  }
0x18c: {  	v6 =	vld [tilespmem:s7+$0xFFFFFF20];
	[tilespmem:s16+$0xB0] =	vst v0;
	v0 =	vmul.f32 $1.131370830e+01, v2  }
0x18d: {  	v2 =	vld [tilespmem:s7+$0xFFFFFF30];
	[tilespmem:s16+$0xC0] =	vst v1;
	v1 =	vmul.f32 $1.131370830e+01, v3  }
0x18e: {  	v3 =	vld [tilespmem:s7+$0xFFFFFF40];
	v4 =	vmul.f32 $1.131370830e+01, v4;
	[tilespmem:s16+$0xD0] =	vst v0  }
0x18f: {  	v0 =	vld [tilespmem:s7+$0xFFFFFF50];
	v7 =	vmul.f32 $1.131370830e+01, v7;
	[tilespmem:s16+$0xE0] =	vst v1  }
0x190: {  	v1 =	vmul.f32 $1.131370830e+01, v5;
	v5 =	vld [tilespmem:s7+$0xFFFFFF60];
	[tilespmem:s16+$0xFFFFFF00] =	vst v4;
	s16 =	smov.u32 s7  }
0x191: {  	v4 =	vmul.f32 $1.131370830e+01, v6;
	v6 =	vld [tilespmem:s7+$0xFFFFFF70];
	[tilespmem:s7+$0xF0] =	vst v7  }
0x192: {  	[tilespmem:s7+$0xFFFFFF10] =	vst v1;
	v1 =	vmul.f32 $1.131370830e+01, v2;
	v2 =	vld [tilespmem:s7+$0xFFFFFF80]  }
0x193: {  	[tilespmem:s7+$0xFFFFFF20] =	vst v4;
	v3 =	vmul.f32 $1.131370830e+01, v3;
	v4 =	vld [tilespmem:s7+$0xFFFFFF90]  }
0x194: {  	[tilespmem:s7+$0xFFFFFF30] =	vst v1;
	v0 =	vmul.f32 $1.131370830e+01, v0;
	v1 =	vld [tilespmem:s7+$0xFFFFFFA0]  }
0x195: {  	[tilespmem:s7+$0xFFFFFF40] =	vst v3;
	v3 =	vmul.f32 $1.131370830e+01, v5;
	v5 =	vld [tilespmem:s7+$0xFFFFFFB0]  }
0x196: {  	[tilespmem:s7+$0xFFFFFF50] =	vst v0;
	v0 =	vmul.f32 $1.131370830e+01, v6;
	v6 =	vld [tilespmem:s7+$0xFFFFFFC0]  }
0x197: {  	[tilespmem:s7+$0xFFFFFF60] =	vst v3;
	v2 =	vmul.f32 $1.131370830e+01, v2;
	v3 =	vld [tilespmem:s7+$0xFFFFFFD0]  }
0x198: {  	[tilespmem:s7+$0xFFFFFF70] =	vst v0;
	v0 =	vmul.f32 $1.131370830e+01, v4;
	v4 =	vld [tilespmem:s7+$0xFFFFFFE0]  }
0x199: {  	[tilespmem:s7+$0xFFFFFF80] =	vst v2;
	v1 =	vmul.f32 $1.131370830e+01, v1;
	v2 =	vld [tilespmem:s7+$0xFFFFFFF0]  }
0x19a: {  	[tilespmem:s7+$0xFFFFFF90] =	vst v0;
	v0 =	vmul.f32 $1.131370830e+01, v5;
	v5 =	vld [tilespmem:s7+$0x0]  }
0x19b: {  	[tilespmem:s7+$0xFFFFFFA0] =	vst v1;
	v1 =	vmul.f32 $1.131370830e+01, v6;
	v6 =	vld [tilespmem:s7+$0x10]  }
0x19c: {  	[tilespmem:s7+$0xFFFFFFB0] =	vst v0;
	v0 =	vmul.f32 $1.131370830e+01, v3;
	v3 =	vld [tilespmem:s7+$0x20]  }
0x19d: {  	[tilespmem:s7+$0xFFFFFFC0] =	vst v1;
	v1 =	vmul.f32 $1.131370830e+01, v4;
	v4 =	vld [tilespmem:s7+$0x30]  }
0x19e: {  	[tilespmem:s7+$0xFFFFFFD0] =	vst v0;
	v0 =	vmul.f32 $1.131370830e+01, v2;
	v2 =	vld [tilespmem:s7+$0x40]  }
0x19f: {  	[tilespmem:s7+$0xFFFFFFE0] =	vst v1;
	v1 =	vmul.f32 $1.131370830e+01, v5;
	v5 =	vld [tilespmem:s7+$0x50]  }
0x1a0: {  	[tilespmem:s7+$0xFFFFFFF0] =	vst v0;
	v0 =	vmul.f32 $1.131370830e+01, v6;
	v6 =	vld [tilespmem:s7+$0x60]  }
0x1a1: {  	[tilespmem:s7+$0x0] =	vst v1;
	v1 =	vmul.f32 $1.131370830e+01, v3;
	v3 =	vld [tilespmem:s7+$0x70]  }
0x1a2: {  	[tilespmem:s7+$0x10] =	vst v0;
	v0 =	vmul.f32 $1.131370830e+01, v4;
	v4 =	vld [tilespmem:s7+$0x80]  }
0x1a3: {  	[tilespmem:s7+$0x20] =	vst v1;
	v1 =	vmul.f32 $1.131370830e+01, v2;
	v7 =	vld [tilespmem:s7+$0x90]  }
0x1a4: {  	[tilespmem:s7+$0x30] =	vst v0;
	v2 =	vmul.f32 $1.131370830e+01, v5;
	v8 =	vld [tilespmem:s7+$0xA0]  }
.Ltmp4:
0x1a5: {  	[tilespmem:s7+$0x40] =	vst v1;
	v5 =	vmul.f32 $1.131370830e+01, v6;
	v0 =	vld [tilespmem:s7+$0xB0];
	(pc) =	sbr.rel @p0 .LBB2_10-.Ltmp4, $4  }
0x1a6: {  	[tilespmem:s7+$0x50] =	vst v2;
	v3 =	vmul.f32 $1.131370830e+01, v3;
	v1 =	vld [tilespmem:s7+$0xC0]  }
0x1a7: {  	[tilespmem:s7+$0x60] =	vst v5;
	v6 =	vmul.f32 $1.131370830e+01, v4;
	v2 =	vld [tilespmem:s7+$0xD0]  }
0x1a8: {  	[tilespmem:s7+$0x70] =	vst v3;
	v5 =	vmul.f32 $1.131370830e+01, v7;
	v3 =	vld [tilespmem:s7+$0xE0]  }
0x1a9: {  	s7 =	sadd.s32 $0x200, s7;
	v4 =	vld [tilespmem:s16+$0xFFFFFF00];
	[tilespmem:s16+$0x80] =	vst v6;
	v6 =	vmul.f32 $1.131370830e+01, v8  }
0x1aa: {  	[tilespmem:s16+$0x90] =	vst v5;
	v0 =	vmul.f32 $1.131370830e+01, v0  }
0x1ab: {  	[tilespmem:s16+$0xA0] =	vst v6;
	v1 =	vmul.f32 $1.131370830e+01, v1  }
0x1ac: {  	[tilespmem:s16+$0xB0] =	vst v0;
	v61 =	vmul.f32 $1.131370830e+01, v2  }
0x1ad: {  	[tilespmem:s16+$0xC0] =	vst v1;
	v62 =	vmul.f32 $1.131370830e+01, v3  }
0x1ae: {  	v63 =	vmul.f32 $1.131370830e+01, v4;
	[tilespmem:s16+$0xD0] =	vst v61  }
0x1af: {  	[tilespmem:s16+$0xE0] =	vst v62  }
0x1b0: {  	[tilespmem:s16+$0xFFFFFF00] =	vst v63  }
0x1b1: {  	s7 =	rddreg [dreg:$0x9]  }
0x1b2: {  	[hbm4b:s7+s4] =	stream.linear.scatter [tilespmem:s2], [sflag:$0xA], $0x4000, $0x38;
	[tilespmem:$0x15C00] =	vst v63  }
0x1b3: {  	_ =	swait.ge [sflag:s10], $0x4000  }
0x1b4: {  	[sflag:s10] =	ssyncset.done $0x0  }
0x1b5: {  	s21 =	simm.s32 $0x400;
	s16 =	simm.s32 $0x1;
	[sflag:s10] =	ssyncadd.s32 $0xFFFFC000  }
0x1b6: {  	[tilespmem:s29], [sflag:$0x4] =	stream.indirect.gather [hbm4b:s1+s22], $0x80, s21, s22, $0xb8;
	[tilespmem:$0x15C00] =	vst v63  }
.LBB2_12:
0x1b7: {  	_ =	swait.ge [sflag:s30], $0x4000  }
0x1b8: {  	[sflag:s30] =	ssyncset.done $0x0  }
0x1b9: {  	s17 =	simm.s32 $0x1D00;
	[sflag:s30] =	ssyncadd.s32 $0xFFFFC000  }
0x1ba: {  	v0 =	vld [tilespmem:s17+$0xF0]  }
0x1bb: {  	v1 =	vld [tilespmem:s17+$0xFFFFFF10]  }
0x1bc: {  	v2 =	vld [tilespmem:s17+$0xFFFFFF20]  }
0x1bd: {  	v3 =	vld [tilespmem:s17+$0xFFFFFF30]  }
0x1be: {  	v6 =	vld [tilespmem:s17+$0xFFFFFF60]  }
0x1bf: {  	v4 =	vld [tilespmem:s17+$0xFFFFFF40]  }
0x1c0: {  	v5 =	vld [tilespmem:s17+$0xFFFFFF50];
	v0 =	vmul.f32 $1.131370830e+01, v0  }
0x1c1: {  	v8 =	vld [tilespmem:s17+$0xFFFFFF80];
	v1 =	vmul.f32 $1.131370830e+01, v1  }
0x1c2: {  	v7 =	vld [tilespmem:s17+$0xFFFFFF70];
	v2 =	vmul.f32 $1.131370830e+01, v2;
	[tilespmem:s17+$0xF0] =	vst v0  }
0x1c3: {  	v6 =	vmul.f32 $1.131370830e+01, v6;
	v0 =	vld [tilespmem:s17+$0xFFFFFF90];
	[tilespmem:s17+$0xFFFFFF10] =	vst v1  }
0x1c4: {  	v1 =	vmul.f32 $1.131370830e+01, v3;
	v3 =	vld [tilespmem:s17+$0xFFFFFFA0];
	[tilespmem:s17+$0xFFFFFF20] =	vst v2;
	v2 =	vmul.f32 $1.131370830e+01, v4  }
0x1c5: {  	[tilespmem:s17+$0xFFFFFF60] =	vst v6;
	v6 =	vld [tilespmem:s17+$0xFFFFFFF0]  }
0x1c6: {  	v4 =	vld [tilespmem:s17+$0xFFFFFFB0];
	[tilespmem:s17+$0xFFFFFF40] =	vst v2;
	v2 =	vmul.f32 $1.131370830e+01, v8  }
0x1c7: {  	[tilespmem:s17+$0xFFFFFF30] =	vst v1;
	v1 =	vmul.f32 $1.131370830e+01, v5;
	v5 =	vld [tilespmem:s17+$0xFFFFFFC0]  }
0x1c8: {  	v8 =	vld [tilespmem:s17+$0xFFFFFFD0];
	[tilespmem:s17+$0xFFFFFF80] =	vst v2;
	v2 =	vmul.f32 $1.131370830e+01, v7  }
0x1c9: {  	[tilespmem:s17+$0xFFFFFF50] =	vst v1;
	v1 =	vld [tilespmem:s17+$0xFFFFFFE0];
	v0 =	vmul.f32 $1.131370830e+01, v0  }
0x1ca: {  	v7 =	vld [tilespmem:s17+$0x30];
	v6 =	vmul.f32 $1.131370830e+01, v6;
	[tilespmem:s17+$0xFFFFFF70] =	vst v2  }
0x1cb: {  	v2 =	vmul.f32 $1.131370830e+01, v3;
	v3 =	vld [tilespmem:s17+$0x0];
	[tilespmem:s17+$0xFFFFFF90] =	vst v0  }
0x1cc: {  	v0 =	vmul.f32 $1.131370830e+01, v4;
	v4 =	vld [tilespmem:s17+$0x10];
	[tilespmem:s17+$0xFFFFFFF0] =	vst v6  }
0x1cd: {  	[tilespmem:s17+$0xFFFFFFA0] =	vst v2;
	v2 =	vmul.f32 $1.131370830e+01, v5;
	v5 =	vld [tilespmem:s17+$0x20]  }
0x1ce: {  	v6 =	vld [tilespmem:s17+$0x80];
	[tilespmem:s17+$0xFFFFFFB0] =	vst v0;
	v0 =	vmul.f32 $1.131370830e+01, v8  }
0x1cf: {  	v1 =	vmul.f32 $1.131370830e+01, v1;
	[tilespmem:s17+$0xFFFFFFC0] =	vst v2;
	v2 =	vld [tilespmem:s17+$0x40]  }
0x1d0: {  	[tilespmem:s17+$0xFFFFFFD0] =	vst v0;
	v0 =	vmul.f32 $1.131370830e+01, v3;
	v3 =	vld [tilespmem:s17+$0x50]  }
0x1d1: {  	[tilespmem:s17+$0xFFFFFFE0] =	vst v1;
	v1 =	vld [tilespmem:s17+$0x60];
	v4 =	vmul.f32 $1.131370830e+01, v4  }
0x1d2: {  	[tilespmem:s17+$0x0] =	vst v0;
	v0 =	vmul.f32 $1.131370830e+01, v5;
	v5 =	vld [tilespmem:s17+$0x70]  }
0x1d3: {  	v6 =	vmul.f32 $1.131370830e+01, v6;
	[tilespmem:s17+$0x10] =	vst v4  }
0x1d4: {  	v4 =	vmul.f32 $1.131370830e+01, v7;
	v7 =	vld [tilespmem:s17+$0x90];
	[tilespmem:s17+$0x20] =	vst v0;
	v0 =	vmul.f32 $1.131370830e+01, v2  }
0x1d5: {  	v8 =	vld [tilespmem:s17+$0xA0];
	[tilespmem:s17+$0x80] =	vst v6;
	v2 =	vmul.f32 $1.131370830e+01, v3  }
0x1d6: {  	v3 =	vmul.f32 $1.131370830e+01, v1;
	[tilespmem:s17+$0x40] =	vst v0;
	v0 =	vld [tilespmem:s17+$0xB0]  }
0x1d7: {  	v1 =	vld [tilespmem:s17+$0xC0];
	[tilespmem:s17+$0x50] =	vst v2;
	v2 =	vmul.f32 $1.131370830e+01, v5  }
0x1d8: {  	[tilespmem:s17+$0x60] =	vst v3;
	v3 =	vld [tilespmem:s17+$0xD0]  }
0x1d9: {  	v5 =	vmul.f32 $1.131370830e+01, v7;
	[tilespmem:s17+$0x70] =	vst v2;
	v2 =	vld [tilespmem:s17+$0xE0]  }
0x1da: {  	s18 =	simm.s32 $0x0;
	s7 =	simm.s32 $0x1F00;
	v6 =	vmul.f32 $1.131370830e+01, v8;
	[tilespmem:s17+$0x30] =	vst v4;
	v4 =	vld [tilespmem:s17+$0xFFFFFF00]  }
.LBB2_13:
0x1db: {  	v7 =	vld [tilespmem:s7+$0xF0];
	s18 =	sadd.s32 $0x4, s18;
	[tilespmem:s17+$0x90] =	vst v5;
	v0 =	vmul.f32 $1.131370830e+01, v0  }
0x1dc: {  	v5 =	vld [tilespmem:s7+$0xFFFFFF10];
	p0 =	slt.u32 s18, $0x7C;
	[tilespmem:s17+$0xA0] =	vst v6;
	v1 =	vmul.f32 $1.131370830e+01, v1  }
0x1dd: {  	v6 =	vld [tilespmem:s7+$0xFFFFFF20];
	[tilespmem:s17+$0xB0] =	vst v0;
	v0 =	vmul.f32 $1.131370830e+01, v3  }
0x1de: {  	v3 =	vld [tilespmem:s7+$0xFFFFFF30];
	[tilespmem:s17+$0xC0] =	vst v1;
	v1 =	vmul.f32 $1.131370830e+01, v2  }
0x1df: {  	v2 =	vld [tilespmem:s7+$0xFFFFFF40];
	v4 =	vmul.f32 $1.131370830e+01, v4;
	[tilespmem:s17+$0xD0] =	vst v0  }
0x1e0: {  	v0 =	vld [tilespmem:s7+$0xFFFFFF50];
	v7 =	vmul.f32 $1.131370830e+01, v7;
	[tilespmem:s17+$0xE0] =	vst v1  }
0x1e1: {  	v1 =	vmul.f32 $1.131370830e+01, v5;
	v5 =	vld [tilespmem:s7+$0xFFFFFF60];
	[tilespmem:s17+$0xFFFFFF00] =	vst v4;
	s17 =	smov.u32 s7  }
0x1e2: {  	v4 =	vmul.f32 $1.131370830e+01, v6;
	v6 =	vld [tilespmem:s7+$0xFFFFFF70];
	[tilespmem:s7+$0xF0] =	vst v7  }
0x1e3: {  	[tilespmem:s7+$0xFFFFFF10] =	vst v1;
	v1 =	vmul.f32 $1.131370830e+01, v3;
	v3 =	vld [tilespmem:s7+$0xFFFFFF80]  }
0x1e4: {  	[tilespmem:s7+$0xFFFFFF20] =	vst v4;
	v2 =	vmul.f32 $1.131370830e+01, v2;
	v4 =	vld [tilespmem:s7+$0xFFFFFF90]  }
0x1e5: {  	[tilespmem:s7+$0xFFFFFF30] =	vst v1;
	v0 =	vmul.f32 $1.131370830e+01, v0;
	v1 =	vld [tilespmem:s7+$0xFFFFFFA0]  }
0x1e6: {  	[tilespmem:s7+$0xFFFFFF40] =	vst v2;
	v2 =	vmul.f32 $1.131370830e+01, v5;
	v5 =	vld [tilespmem:s7+$0xFFFFFFB0]  }
0x1e7: {  	[tilespmem:s7+$0xFFFFFF50] =	vst v0;
	v0 =	vmul.f32 $1.131370830e+01, v6;
	v6 =	vld [tilespmem:s7+$0xFFFFFFC0]  }
0x1e8: {  	[tilespmem:s7+$0xFFFFFF60] =	vst v2;
	v2 =	vmul.f32 $1.131370830e+01, v3;
	v3 =	vld [tilespmem:s7+$0xFFFFFFD0]  }
0x1e9: {  	[tilespmem:s7+$0xFFFFFF70] =	vst v0;
	v0 =	vmul.f32 $1.131370830e+01, v4;
	v4 =	vld [tilespmem:s7+$0xFFFFFFE0]  }
0x1ea: {  	[tilespmem:s7+$0xFFFFFF80] =	vst v2;
	v1 =	vmul.f32 $1.131370830e+01, v1;
	v2 =	vld [tilespmem:s7+$0xFFFFFFF0]  }
0x1eb: {  	[tilespmem:s7+$0xFFFFFF90] =	vst v0;
	v0 =	vmul.f32 $1.131370830e+01, v5;
	v5 =	vld [tilespmem:s7+$0x0]  }
0x1ec: {  	[tilespmem:s7+$0xFFFFFFA0] =	vst v1;
	v1 =	vmul.f32 $1.131370830e+01, v6;
	v6 =	vld [tilespmem:s7+$0x10]  }
0x1ed: {  	[tilespmem:s7+$0xFFFFFFB0] =	vst v0;
	v0 =	vmul.f32 $1.131370830e+01, v3;
	v3 =	vld [tilespmem:s7+$0x20]  }
0x1ee: {  	[tilespmem:s7+$0xFFFFFFC0] =	vst v1;
	v1 =	vmul.f32 $1.131370830e+01, v4;
	v4 =	vld [tilespmem:s7+$0x30]  }
0x1ef: {  	[tilespmem:s7+$0xFFFFFFD0] =	vst v0;
	v0 =	vmul.f32 $1.131370830e+01, v2;
	v2 =	vld [tilespmem:s7+$0x40]  }
0x1f0: {  	[tilespmem:s7+$0xFFFFFFE0] =	vst v1;
	v1 =	vmul.f32 $1.131370830e+01, v5;
	v5 =	vld [tilespmem:s7+$0x50]  }
0x1f1: {  	[tilespmem:s7+$0xFFFFFFF0] =	vst v0;
	v0 =	vmul.f32 $1.131370830e+01, v6;
	v6 =	vld [tilespmem:s7+$0x60]  }
0x1f2: {  	[tilespmem:s7+$0x0] =	vst v1;
	v1 =	vmul.f32 $1.131370830e+01, v3;
	v3 =	vld [tilespmem:s7+$0x70]  }
0x1f3: {  	[tilespmem:s7+$0x10] =	vst v0;
	v0 =	vmul.f32 $1.131370830e+01, v4;
	v4 =	vld [tilespmem:s7+$0x80]  }
0x1f4: {  	[tilespmem:s7+$0x20] =	vst v1;
	v1 =	vmul.f32 $1.131370830e+01, v2;
	v2 =	vld [tilespmem:s7+$0x90]  }
0x1f5: {  	[tilespmem:s7+$0x30] =	vst v0;
	v5 =	vmul.f32 $1.131370830e+01, v5;
	v7 =	vld [tilespmem:s7+$0xA0]  }
.Ltmp5:
0x1f6: {  	[tilespmem:s7+$0x40] =	vst v1;
	v6 =	vmul.f32 $1.131370830e+01, v6;
	v0 =	vld [tilespmem:s7+$0xB0];
	(pc) =	sbr.rel @p0 .LBB2_13-.Ltmp5, $4  }
0x1f7: {  	[tilespmem:s7+$0x50] =	vst v5;
	v5 =	vmul.f32 $1.131370830e+01, v3;
	v1 =	vld [tilespmem:s7+$0xC0]  }
0x1f8: {  	[tilespmem:s7+$0x60] =	vst v6;
	v6 =	vmul.f32 $1.131370830e+01, v4;
	v3 =	vld [tilespmem:s7+$0xD0]  }
0x1f9: {  	[tilespmem:s7+$0x70] =	vst v5;
	v5 =	vmul.f32 $1.131370830e+01, v2;
	v2 =	vld [tilespmem:s7+$0xE0]  }
0x1fa: {  	s7 =	sadd.s32 $0x200, s7;
	v4 =	vld [tilespmem:s17+$0xFFFFFF00];
	[tilespmem:s17+$0x80] =	vst v6;
	v6 =	vmul.f32 $1.131370830e+01, v7  }
0x1fb: {  	[tilespmem:s17+$0x90] =	vst v5;
	v0 =	vmul.f32 $1.131370830e+01, v0  }
0x1fc: {  	[tilespmem:s17+$0xA0] =	vst v6;
	v1 =	vmul.f32 $1.131370830e+01, v1  }
0x1fd: {  	s18 =	smul.u32 $0x280, s16;
	[tilespmem:s17+$0xB0] =	vst v0;
	v0 =	vmul.f32 $1.131370830e+01, v3  }
0x1fe: {  	[tilespmem:s17+$0xC0] =	vst v1;
	v1 =	vmul.f32 $1.131370830e+01, v2  }
0x1ff: {  	s7 =	sadd.s32 s5, s18;
	v2 =	vmul.f32 $1.131370830e+01, v4;
	[tilespmem:s17+$0xD0] =	vst v0  }
0x200: {  	s7 =	sshll.u32 s7, $0x4;
	[tilespmem:s17+$0xE0] =	vst v1  }
0x201: {  	s7 =	sadd.s32 s3, s7;
	[tilespmem:s17+$0xFFFFFF00] =	vst v2  }
0x202: {  	[hbm4b:s7+s4] =	stream.linear.scatter [tilespmem:s23], [sflag:$0x6], $0x4000, $0x38;
	[tilespmem:$0x15C00] =	vst v63  }
0x203: {  	_ =	swait.ge [sflag:s11], $0x4000  }
0x204: {  	[sflag:s11] =	ssyncset.done $0x0  }
0x205: {  	s17 =	sadd.s32 $0x200, s18;
	[sflag:s11] =	ssyncadd.s32 $0xFFFFC000  }
0x206: {  	[tilespmem:s2], [sflag:$0x5] =	stream.indirect.gather [hbm4b:s1+s22], $0x80, s17, s22, $0xb8;
	[tilespmem:$0x15C00] =	vst v63  }
0x207: {  	_ =	swait.ge [sflag:s0], $0x4000  }
0x208: {  	[sflag:s0] =	ssyncset.done $0x0  }
0x209: {  	s19 =	simm.s32 $0x5D00;
	[sflag:s0] =	ssyncadd.s32 $0xFFFFC000  }
0x20a: {  	v0 =	vld [tilespmem:s19+$0xF0]  }
0x20b: {  	v1 =	vld [tilespmem:s19+$0xFFFFFF10]  }
0x20c: {  	v2 =	vld [tilespmem:s19+$0xFFFFFF20]  }
0x20d: {  	v3 =	vld [tilespmem:s19+$0xFFFFFF30]  }
0x20e: {  	v6 =	vld [tilespmem:s19+$0xFFFFFF60]  }
0x20f: {  	v4 =	vld [tilespmem:s19+$0xFFFFFF40]  }
0x210: {  	v5 =	vld [tilespmem:s19+$0xFFFFFF50];
	v0 =	vmul.f32 $1.131370830e+01, v0  }
0x211: {  	v8 =	vld [tilespmem:s19+$0xFFFFFF80];
	v1 =	vmul.f32 $1.131370830e+01, v1  }
0x212: {  	v7 =	vld [tilespmem:s19+$0xFFFFFF70];
	v2 =	vmul.f32 $1.131370830e+01, v2;
	[tilespmem:s19+$0xF0] =	vst v0  }
0x213: {  	v6 =	vmul.f32 $1.131370830e+01, v6;
	v0 =	vld [tilespmem:s19+$0xFFFFFF90];
	[tilespmem:s19+$0xFFFFFF10] =	vst v1  }
0x214: {  	v1 =	vmul.f32 $1.131370830e+01, v3;
	v3 =	vld [tilespmem:s19+$0xFFFFFFA0];
	[tilespmem:s19+$0xFFFFFF20] =	vst v2;
	v2 =	vmul.f32 $1.131370830e+01, v4  }
0x215: {  	[tilespmem:s19+$0xFFFFFF60] =	vst v6;
	v6 =	vld [tilespmem:s19+$0xFFFFFFF0]  }
0x216: {  	v4 =	vld [tilespmem:s19+$0xFFFFFFB0];
	[tilespmem:s19+$0xFFFFFF40] =	vst v2;
	v2 =	vmul.f32 $1.131370830e+01, v8  }
0x217: {  	[tilespmem:s19+$0xFFFFFF30] =	vst v1;
	v1 =	vmul.f32 $1.131370830e+01, v5;
	v5 =	vld [tilespmem:s19+$0xFFFFFFC0]  }
0x218: {  	v8 =	vld [tilespmem:s19+$0xFFFFFFD0];
	[tilespmem:s19+$0xFFFFFF80] =	vst v2;
	v2 =	vmul.f32 $1.131370830e+01, v7  }
0x219: {  	[tilespmem:s19+$0xFFFFFF50] =	vst v1;
	v1 =	vld [tilespmem:s19+$0xFFFFFFE0];
	v0 =	vmul.f32 $1.131370830e+01, v0  }
0x21a: {  	v7 =	vld [tilespmem:s19+$0x30];
	v6 =	vmul.f32 $1.131370830e+01, v6;
	[tilespmem:s19+$0xFFFFFF70] =	vst v2  }
0x21b: {  	v2 =	vmul.f32 $1.131370830e+01, v3;
	v3 =	vld [tilespmem:s19+$0x0];
	[tilespmem:s19+$0xFFFFFF90] =	vst v0  }
0x21c: {  	v0 =	vmul.f32 $1.131370830e+01, v4;
	v4 =	vld [tilespmem:s19+$0x10];
	[tilespmem:s19+$0xFFFFFFF0] =	vst v6  }
0x21d: {  	[tilespmem:s19+$0xFFFFFFA0] =	vst v2;
	v2 =	vmul.f32 $1.131370830e+01, v5;
	v5 =	vld [tilespmem:s19+$0x20]  }
0x21e: {  	v6 =	vld [tilespmem:s19+$0x80];
	[tilespmem:s19+$0xFFFFFFB0] =	vst v0;
	v0 =	vmul.f32 $1.131370830e+01, v8  }
0x21f: {  	v1 =	vmul.f32 $1.131370830e+01, v1;
	[tilespmem:s19+$0xFFFFFFC0] =	vst v2;
	v2 =	vld [tilespmem:s19+$0x40]  }
0x220: {  	[tilespmem:s19+$0xFFFFFFD0] =	vst v0;
	v0 =	vmul.f32 $1.131370830e+01, v3  }
0x221: {  	v3 =	vld [tilespmem:s19+$0x50];
	[tilespmem:s19+$0xFFFFFFE0] =	vst v1;
	v4 =	vmul.f32 $1.131370830e+01, v4  }
0x222: {  	v1 =	vld [tilespmem:s19+$0x60];
	[tilespmem:s19+$0x0] =	vst v0;
	v0 =	vmul.f32 $1.131370830e+01, v5  }
0x223: {  	v6 =	vmul.f32 $1.131370830e+01, v6;
	v5 =	vld [tilespmem:s19+$0x70];
	[tilespmem:s19+$0x10] =	vst v4  }
0x224: {  	v4 =	vmul.f32 $1.131370830e+01, v7;
	v7 =	vld [tilespmem:s19+$0x90];
	[tilespmem:s19+$0x20] =	vst v0;
	v0 =	vmul.f32 $1.131370830e+01, v2  }
0x225: {  	v8 =	vld [tilespmem:s19+$0xA0];
	[tilespmem:s19+$0x80] =	vst v6  }
0x226: {  	v2 =	vmul.f32 $1.131370830e+01, v3;
	[tilespmem:s19+$0x40] =	vst v0;
	v0 =	vld [tilespmem:s19+$0xB0]  }
0x227: {  	[tilespmem:s19+$0x30] =	vst v4;
	v3 =	vmul.f32 $1.131370830e+01, v1;
	v1 =	vld [tilespmem:s19+$0xC0]  }
0x228: {  	[tilespmem:s19+$0x50] =	vst v2;
	v4 =	vmul.f32 $1.131370830e+01, v5;
	v2 =	vld [tilespmem:s19+$0xD0]  }
0x229: {  	[tilespmem:s19+$0x60] =	vst v3;
	v3 =	vld [tilespmem:s19+$0xE0];
	v5 =	vmul.f32 $1.131370830e+01, v7  }
0x22a: {  	s20 =	simm.s32 $0x0;
	s7 =	simm.s32 $0x5F00;
	v6 =	vmul.f32 $1.131370830e+01, v8;
	[tilespmem:s19+$0x70] =	vst v4;
	v4 =	vld [tilespmem:s19+$0xFFFFFF00]  }
.LBB2_15:
0x22b: {  	v7 =	vld [tilespmem:s7+$0xF0];
	s20 =	sadd.s32 $0x4, s20;
	[tilespmem:s19+$0x90] =	vst v5;
	v0 =	vmul.f32 $1.131370830e+01, v0  }
0x22c: {  	v5 =	vld [tilespmem:s7+$0xFFFFFF10];
	p0 =	slt.u32 s20, $0x7C;
	[tilespmem:s19+$0xA0] =	vst v6;
	v1 =	vmul.f32 $1.131370830e+01, v1  }
0x22d: {  	v6 =	vld [tilespmem:s7+$0xFFFFFF20];
	[tilespmem:s19+$0xB0] =	vst v0;
	v0 =	vmul.f32 $1.131370830e+01, v2  }
0x22e: {  	v2 =	vld [tilespmem:s7+$0xFFFFFF30];
	[tilespmem:s19+$0xC0] =	vst v1;
	v1 =	vmul.f32 $1.131370830e+01, v3  }
0x22f: {  	v3 =	vld [tilespmem:s7+$0xFFFFFF40];
	v4 =	vmul.f32 $1.131370830e+01, v4;
	[tilespmem:s19+$0xD0] =	vst v0  }
0x230: {  	v0 =	vld [tilespmem:s7+$0xFFFFFF50];
	v7 =	vmul.f32 $1.131370830e+01, v7;
	[tilespmem:s19+$0xE0] =	vst v1  }
0x231: {  	v1 =	vmul.f32 $1.131370830e+01, v5;
	v5 =	vld [tilespmem:s7+$0xFFFFFF60];
	[tilespmem:s19+$0xFFFFFF00] =	vst v4;
	s19 =	smov.u32 s7  }
0x232: {  	v4 =	vmul.f32 $1.131370830e+01, v6;
	v6 =	vld [tilespmem:s7+$0xFFFFFF70];
	[tilespmem:s7+$0xF0] =	vst v7  }
0x233: {  	[tilespmem:s7+$0xFFFFFF10] =	vst v1;
	v1 =	vmul.f32 $1.131370830e+01, v2;
	v2 =	vld [tilespmem:s7+$0xFFFFFF80]  }
0x234: {  	[tilespmem:s7+$0xFFFFFF20] =	vst v4;
	v3 =	vmul.f32 $1.131370830e+01, v3;
	v4 =	vld [tilespmem:s7+$0xFFFFFF90]  }
0x235: {  	[tilespmem:s7+$0xFFFFFF30] =	vst v1;
	v0 =	vmul.f32 $1.131370830e+01, v0;
	v1 =	vld [tilespmem:s7+$0xFFFFFFA0]  }
0x236: {  	[tilespmem:s7+$0xFFFFFF40] =	vst v3;
	v3 =	vmul.f32 $1.131370830e+01, v5;
	v5 =	vld [tilespmem:s7+$0xFFFFFFB0]  }
0x237: {  	[tilespmem:s7+$0xFFFFFF50] =	vst v0;
	v0 =	vmul.f32 $1.131370830e+01, v6;
	v6 =	vld [tilespmem:s7+$0xFFFFFFC0]  }
0x238: {  	[tilespmem:s7+$0xFFFFFF60] =	vst v3;
	v2 =	vmul.f32 $1.131370830e+01, v2;
	v3 =	vld [tilespmem:s7+$0xFFFFFFD0]  }
0x239: {  	[tilespmem:s7+$0xFFFFFF70] =	vst v0;
	v0 =	vmul.f32 $1.131370830e+01, v4;
	v4 =	vld [tilespmem:s7+$0xFFFFFFE0]  }
0x23a: {  	[tilespmem:s7+$0xFFFFFF80] =	vst v2;
	v1 =	vmul.f32 $1.131370830e+01, v1;
	v2 =	vld [tilespmem:s7+$0xFFFFFFF0]  }
0x23b: {  	[tilespmem:s7+$0xFFFFFF90] =	vst v0;
	v0 =	vmul.f32 $1.131370830e+01, v5;
	v5 =	vld [tilespmem:s7+$0x0]  }
0x23c: {  	[tilespmem:s7+$0xFFFFFFA0] =	vst v1;
	v1 =	vmul.f32 $1.131370830e+01, v6;
	v6 =	vld [tilespmem:s7+$0x10]  }
0x23d: {  	[tilespmem:s7+$0xFFFFFFB0] =	vst v0;
	v0 =	vmul.f32 $1.131370830e+01, v3;
	v3 =	vld [tilespmem:s7+$0x20]  }
0x23e: {  	[tilespmem:s7+$0xFFFFFFC0] =	vst v1;
	v1 =	vmul.f32 $1.131370830e+01, v4;
	v4 =	vld [tilespmem:s7+$0x30]  }
0x23f: {  	[tilespmem:s7+$0xFFFFFFD0] =	vst v0;
	v0 =	vmul.f32 $1.131370830e+01, v2;
	v2 =	vld [tilespmem:s7+$0x40]  }
0x240: {  	[tilespmem:s7+$0xFFFFFFE0] =	vst v1;
	v1 =	vmul.f32 $1.131370830e+01, v5;
	v5 =	vld [tilespmem:s7+$0x50]  }
0x241: {  	[tilespmem:s7+$0xFFFFFFF0] =	vst v0;
	v0 =	vmul.f32 $1.131370830e+01, v6;
	v6 =	vld [tilespmem:s7+$0x60]  }
0x242: {  	[tilespmem:s7+$0x0] =	vst v1;
	v1 =	vmul.f32 $1.131370830e+01, v3;
	v3 =	vld [tilespmem:s7+$0x70]  }
0x243: {  	[tilespmem:s7+$0x10] =	vst v0;
	v0 =	vmul.f32 $1.131370830e+01, v4;
	v4 =	vld [tilespmem:s7+$0x80]  }
0x244: {  	[tilespmem:s7+$0x20] =	vst v1;
	v1 =	vmul.f32 $1.131370830e+01, v2;
	v7 =	vld [tilespmem:s7+$0x90]  }
0x245: {  	[tilespmem:s7+$0x30] =	vst v0;
	v2 =	vmul.f32 $1.131370830e+01, v5;
	v8 =	vld [tilespmem:s7+$0xA0]  }
.Ltmp6:
0x246: {  	[tilespmem:s7+$0x40] =	vst v1;
	v5 =	vmul.f32 $1.131370830e+01, v6;
	v0 =	vld [tilespmem:s7+$0xB0];
	(pc) =	sbr.rel @p0 .LBB2_15-.Ltmp6, $4  }
0x247: {  	[tilespmem:s7+$0x50] =	vst v2;
	v3 =	vmul.f32 $1.131370830e+01, v3;
	v1 =	vld [tilespmem:s7+$0xC0]  }
0x248: {  	[tilespmem:s7+$0x60] =	vst v5;
	v6 =	vmul.f32 $1.131370830e+01, v4;
	v2 =	vld [tilespmem:s7+$0xD0]  }
0x249: {  	[tilespmem:s7+$0x70] =	vst v3;
	v5 =	vmul.f32 $1.131370830e+01, v7;
	v3 =	vld [tilespmem:s7+$0xE0]  }
0x24a: {  	s7 =	sadd.s32 $0x200, s7;
	v4 =	vld [tilespmem:s19+$0xFFFFFF00];
	[tilespmem:s19+$0x80] =	vst v6;
	v6 =	vmul.f32 $1.131370830e+01, v8  }
0x24b: {  	[tilespmem:s19+$0x90] =	vst v5;
	v0 =	vmul.f32 $1.131370830e+01, v0  }
0x24c: {  	[tilespmem:s19+$0xA0] =	vst v6;
	v1 =	vmul.f32 $1.131370830e+01, v1  }
0x24d: {  	[tilespmem:s19+$0xB0] =	vst v0;
	v0 =	vmul.f32 $1.131370830e+01, v2  }
0x24e: {  	[tilespmem:s19+$0xC0] =	vst v1;
	v1 =	vmul.f32 $1.131370830e+01, v3  }
0x24f: {  	s7 =	sadd.s32 s18, s12;
	v2 =	vmul.f32 $1.131370830e+01, v4;
	[tilespmem:s19+$0xD0] =	vst v0  }
0x250: {  	s7 =	sshll.u32 s7, $0x4;
	[tilespmem:s19+$0xE0] =	vst v1  }
0x251: {  	s21 =	smul.u32 $0xA00, s16;
	s7 =	sadd.s32 s3, s7;
	[tilespmem:s19+$0xFFFFFF00] =	vst v2  }
0x252: {  	[hbm4b:s7+s4] =	stream.linear.scatter [tilespmem:s24], [sflag:$0x7], $0x4000, $0x38;
	[tilespmem:$0x15C00] =	vst v63  }
0x253: {  	_ =	swait.ge [sflag:s25], $0x4000  }
0x254: {  	s19 =	sshra.s32 s21, $0x2;
	[sflag:s25] =	ssyncset.done $0x0  }
0x255: {  	s7 =	sadd.s32 $0x280, s19;
	[sflag:s25] =	ssyncadd.s32 $0xFFFFC000  }
0x256: {  	[tilespmem:s23], [sflag:$0x1] =	stream.indirect.gather [hbm4b:s1+s22], $0x80, s7, s22, $0xb8;
	[tilespmem:$0x15C00] =	vst v63  }
0x257: {  	_ =	swait.ge [sflag:s31], $0x4000  }
0x258: {  	[sflag:s31] =	ssyncset.done $0x0  }
0x259: {  	s20 =	simm.s32 $0x9D00;
	[sflag:s31] =	ssyncadd.s32 $0xFFFFC000  }
0x25a: {  	v0 =	vld [tilespmem:s20+$0xF0]  }
0x25b: {  	v1 =	vld [tilespmem:s20+$0xFFFFFF10]  }
0x25c: {  	v2 =	vld [tilespmem:s20+$0xFFFFFF20]  }
0x25d: {  	v3 =	vld [tilespmem:s20+$0xFFFFFF30]  }
0x25e: {  	v6 =	vld [tilespmem:s20+$0xFFFFFF60]  }
0x25f: {  	v4 =	vld [tilespmem:s20+$0xFFFFFF40]  }
0x260: {  	v5 =	vld [tilespmem:s20+$0xFFFFFF50];
	v0 =	vmul.f32 $1.131370830e+01, v0  }
0x261: {  	v8 =	vld [tilespmem:s20+$0xFFFFFF80];
	v1 =	vmul.f32 $1.131370830e+01, v1  }
0x262: {  	v7 =	vld [tilespmem:s20+$0xFFFFFF70];
	v2 =	vmul.f32 $1.131370830e+01, v2;
	[tilespmem:s20+$0xF0] =	vst v0  }
0x263: {  	v6 =	vmul.f32 $1.131370830e+01, v6;
	v0 =	vld [tilespmem:s20+$0xFFFFFF90];
	[tilespmem:s20+$0xFFFFFF10] =	vst v1  }
0x264: {  	v1 =	vmul.f32 $1.131370830e+01, v3;
	v3 =	vld [tilespmem:s20+$0xFFFFFFA0];
	[tilespmem:s20+$0xFFFFFF20] =	vst v2;
	v2 =	vmul.f32 $1.131370830e+01, v4  }
0x265: {  	[tilespmem:s20+$0xFFFFFF60] =	vst v6;
	v6 =	vld [tilespmem:s20+$0xFFFFFFF0]  }
0x266: {  	v4 =	vld [tilespmem:s20+$0xFFFFFFB0];
	[tilespmem:s20+$0xFFFFFF40] =	vst v2;
	v2 =	vmul.f32 $1.131370830e+01, v8  }
0x267: {  	[tilespmem:s20+$0xFFFFFF30] =	vst v1;
	v1 =	vmul.f32 $1.131370830e+01, v5;
	v5 =	vld [tilespmem:s20+$0xFFFFFFC0]  }
0x268: {  	v8 =	vld [tilespmem:s20+$0xFFFFFFD0];
	[tilespmem:s20+$0xFFFFFF80] =	vst v2;
	v2 =	vmul.f32 $1.131370830e+01, v7  }
0x269: {  	[tilespmem:s20+$0xFFFFFF50] =	vst v1;
	v1 =	vld [tilespmem:s20+$0xFFFFFFE0];
	v0 =	vmul.f32 $1.131370830e+01, v0  }
0x26a: {  	v7 =	vld [tilespmem:s20+$0x30];
	v6 =	vmul.f32 $1.131370830e+01, v6;
	[tilespmem:s20+$0xFFFFFF70] =	vst v2  }
0x26b: {  	v2 =	vmul.f32 $1.131370830e+01, v3;
	v3 =	vld [tilespmem:s20+$0x0];
	[tilespmem:s20+$0xFFFFFF90] =	vst v0  }
0x26c: {  	v0 =	vmul.f32 $1.131370830e+01, v4;
	v4 =	vld [tilespmem:s20+$0x10];
	[tilespmem:s20+$0xFFFFFFF0] =	vst v6  }
0x26d: {  	[tilespmem:s20+$0xFFFFFFA0] =	vst v2;
	v2 =	vmul.f32 $1.131370830e+01, v5;
	v5 =	vld [tilespmem:s20+$0x20]  }
0x26e: {  	v6 =	vld [tilespmem:s20+$0x80];
	[tilespmem:s20+$0xFFFFFFB0] =	vst v0;
	v0 =	vmul.f32 $1.131370830e+01, v8  }
0x26f: {  	v1 =	vmul.f32 $1.131370830e+01, v1;
	[tilespmem:s20+$0xFFFFFFC0] =	vst v2;
	v2 =	vld [tilespmem:s20+$0x40]  }
0x270: {  	[tilespmem:s20+$0xFFFFFFD0] =	vst v0;
	v0 =	vmul.f32 $1.131370830e+01, v3  }
0x271: {  	v3 =	vld [tilespmem:s20+$0x50];
	[tilespmem:s20+$0xFFFFFFE0] =	vst v1;
	v4 =	vmul.f32 $1.131370830e+01, v4  }
0x272: {  	v1 =	vld [tilespmem:s20+$0x60];
	[tilespmem:s20+$0x0] =	vst v0;
	v0 =	vmul.f32 $1.131370830e+01, v5  }
0x273: {  	v6 =	vmul.f32 $1.131370830e+01, v6;
	v5 =	vld [tilespmem:s20+$0x70];
	[tilespmem:s20+$0x10] =	vst v4  }
0x274: {  	v4 =	vmul.f32 $1.131370830e+01, v7;
	v7 =	vld [tilespmem:s20+$0x90];
	[tilespmem:s20+$0x20] =	vst v0;
	v0 =	vmul.f32 $1.131370830e+01, v2  }
0x275: {  	v8 =	vld [tilespmem:s20+$0xA0];
	[tilespmem:s20+$0x80] =	vst v6  }
0x276: {  	v2 =	vmul.f32 $1.131370830e+01, v3;
	[tilespmem:s20+$0x40] =	vst v0;
	v0 =	vld [tilespmem:s20+$0xB0]  }
0x277: {  	[tilespmem:s20+$0x30] =	vst v4;
	v3 =	vmul.f32 $1.131370830e+01, v1;
	v1 =	vld [tilespmem:s20+$0xC0]  }
0x278: {  	[tilespmem:s20+$0x50] =	vst v2;
	v4 =	vmul.f32 $1.131370830e+01, v5;
	v2 =	vld [tilespmem:s20+$0xD0]  }
0x279: {  	[tilespmem:s20+$0x60] =	vst v3;
	v3 =	vld [tilespmem:s20+$0xE0];
	v5 =	vmul.f32 $1.131370830e+01, v7  }
0x27a: {  	s21 =	simm.s32 $0x9F00;
	s7 =	simm.s32 $0x0;
	v6 =	vmul.f32 $1.131370830e+01, v8;
	[tilespmem:s20+$0x70] =	vst v4;
	v4 =	vld [tilespmem:s20+$0xFFFFFF00]  }
.LBB2_17:
0x27b: {  	v7 =	vld [tilespmem:s21+$0xF0];
	s7 =	sadd.s32 $0x4, s7;
	[tilespmem:s20+$0x90] =	vst v5;
	v0 =	vmul.f32 $1.131370830e+01, v0  }
0x27c: {  	v5 =	vld [tilespmem:s21+$0xFFFFFF10];
	p0 =	slt.u32 s7, $0x7C;
	[tilespmem:s20+$0xA0] =	vst v6;
	v1 =	vmul.f32 $1.131370830e+01, v1  }
0x27d: {  	v6 =	vld [tilespmem:s21+$0xFFFFFF20];
	[tilespmem:s20+$0xB0] =	vst v0;
	v0 =	vmul.f32 $1.131370830e+01, v2  }
0x27e: {  	v2 =	vld [tilespmem:s21+$0xFFFFFF30];
	[tilespmem:s20+$0xC0] =	vst v1;
	v1 =	vmul.f32 $1.131370830e+01, v3  }
0x27f: {  	v3 =	vld [tilespmem:s21+$0xFFFFFF40];
	v4 =	vmul.f32 $1.131370830e+01, v4;
	[tilespmem:s20+$0xD0] =	vst v0  }
0x280: {  	v0 =	vld [tilespmem:s21+$0xFFFFFF50];
	v7 =	vmul.f32 $1.131370830e+01, v7;
	[tilespmem:s20+$0xE0] =	vst v1  }
0x281: {  	v1 =	vmul.f32 $1.131370830e+01, v5;
	v5 =	vld [tilespmem:s21+$0xFFFFFF60];
	[tilespmem:s20+$0xFFFFFF00] =	vst v4;
	s20 =	smov.u32 s21  }
0x282: {  	v4 =	vmul.f32 $1.131370830e+01, v6;
	v6 =	vld [tilespmem:s21+$0xFFFFFF70];
	[tilespmem:s21+$0xF0] =	vst v7  }
0x283: {  	[tilespmem:s21+$0xFFFFFF10] =	vst v1;
	v1 =	vmul.f32 $1.131370830e+01, v2;
	v2 =	vld [tilespmem:s21+$0xFFFFFF80]  }
0x284: {  	[tilespmem:s21+$0xFFFFFF20] =	vst v4;
	v3 =	vmul.f32 $1.131370830e+01, v3;
	v4 =	vld [tilespmem:s21+$0xFFFFFF90]  }
0x285: {  	[tilespmem:s21+$0xFFFFFF30] =	vst v1;
	v0 =	vmul.f32 $1.131370830e+01, v0;
	v1 =	vld [tilespmem:s21+$0xFFFFFFA0]  }
0x286: {  	[tilespmem:s21+$0xFFFFFF40] =	vst v3;
	v3 =	vmul.f32 $1.131370830e+01, v5;
	v5 =	vld [tilespmem:s21+$0xFFFFFFB0]  }
0x287: {  	[tilespmem:s21+$0xFFFFFF50] =	vst v0;
	v0 =	vmul.f32 $1.131370830e+01, v6;
	v6 =	vld [tilespmem:s21+$0xFFFFFFC0]  }
0x288: {  	[tilespmem:s21+$0xFFFFFF60] =	vst v3;
	v2 =	vmul.f32 $1.131370830e+01, v2;
	v3 =	vld [tilespmem:s21+$0xFFFFFFD0]  }
0x289: {  	[tilespmem:s21+$0xFFFFFF70] =	vst v0;
	v0 =	vmul.f32 $1.131370830e+01, v4;
	v4 =	vld [tilespmem:s21+$0xFFFFFFE0]  }
0x28a: {  	[tilespmem:s21+$0xFFFFFF80] =	vst v2;
	v1 =	vmul.f32 $1.131370830e+01, v1;
	v2 =	vld [tilespmem:s21+$0xFFFFFFF0]  }
0x28b: {  	[tilespmem:s21+$0xFFFFFF90] =	vst v0;
	v0 =	vmul.f32 $1.131370830e+01, v5;
	v5 =	vld [tilespmem:s21+$0x0]  }
0x28c: {  	[tilespmem:s21+$0xFFFFFFA0] =	vst v1;
	v1 =	vmul.f32 $1.131370830e+01, v6;
	v6 =	vld [tilespmem:s21+$0x10]  }
0x28d: {  	[tilespmem:s21+$0xFFFFFFB0] =	vst v0;
	v0 =	vmul.f32 $1.131370830e+01, v3;
	v3 =	vld [tilespmem:s21+$0x20]  }
0x28e: {  	[tilespmem:s21+$0xFFFFFFC0] =	vst v1;
	v1 =	vmul.f32 $1.131370830e+01, v4;
	v4 =	vld [tilespmem:s21+$0x30]  }
0x28f: {  	[tilespmem:s21+$0xFFFFFFD0] =	vst v0;
	v0 =	vmul.f32 $1.131370830e+01, v2;
	v2 =	vld [tilespmem:s21+$0x40]  }
0x290: {  	[tilespmem:s21+$0xFFFFFFE0] =	vst v1;
	v1 =	vmul.f32 $1.131370830e+01, v5;
	v5 =	vld [tilespmem:s21+$0x50]  }
0x291: {  	[tilespmem:s21+$0xFFFFFFF0] =	vst v0;
	v0 =	vmul.f32 $1.131370830e+01, v6;
	v6 =	vld [tilespmem:s21+$0x60]  }
0x292: {  	[tilespmem:s21+$0x0] =	vst v1;
	v1 =	vmul.f32 $1.131370830e+01, v3;
	v3 =	vld [tilespmem:s21+$0x70]  }
0x293: {  	[tilespmem:s21+$0x10] =	vst v0;
	v0 =	vmul.f32 $1.131370830e+01, v4;
	v4 =	vld [tilespmem:s21+$0x80]  }
0x294: {  	[tilespmem:s21+$0x20] =	vst v1;
	v1 =	vmul.f32 $1.131370830e+01, v2;
	v7 =	vld [tilespmem:s21+$0x90]  }
0x295: {  	[tilespmem:s21+$0x30] =	vst v0;
	v2 =	vmul.f32 $1.131370830e+01, v5;
	v8 =	vld [tilespmem:s21+$0xA0]  }
.Ltmp7:
0x296: {  	[tilespmem:s21+$0x40] =	vst v1;
	v5 =	vmul.f32 $1.131370830e+01, v6;
	v0 =	vld [tilespmem:s21+$0xB0];
	(pc) =	sbr.rel @p0 .LBB2_17-.Ltmp7, $4  }
0x297: {  	[tilespmem:s21+$0x50] =	vst v2;
	v3 =	vmul.f32 $1.131370830e+01, v3;
	v1 =	vld [tilespmem:s21+$0xC0]  }
0x298: {  	[tilespmem:s21+$0x60] =	vst v5;
	v6 =	vmul.f32 $1.131370830e+01, v4;
	v2 =	vld [tilespmem:s21+$0xD0]  }
0x299: {  	[tilespmem:s21+$0x70] =	vst v3;
	v5 =	vmul.f32 $1.131370830e+01, v7;
	v3 =	vld [tilespmem:s21+$0xE0]  }
0x29a: {  	s21 =	sadd.s32 $0x200, s21;
	v4 =	vld [tilespmem:s20+$0xFFFFFF00];
	[tilespmem:s20+$0x80] =	vst v6;
	v6 =	vmul.f32 $1.131370830e+01, v8  }
0x29b: {  	[tilespmem:s20+$0x90] =	vst v5;
	v0 =	vmul.f32 $1.131370830e+01, v0  }
0x29c: {  	[tilespmem:s20+$0xA0] =	vst v6;
	v1 =	vmul.f32 $1.131370830e+01, v1  }
0x29d: {  	[tilespmem:s20+$0xB0] =	vst v0;
	v0 =	vmul.f32 $1.131370830e+01, v2  }
0x29e: {  	[tilespmem:s20+$0xC0] =	vst v1;
	v1 =	vmul.f32 $1.131370830e+01, v3  }
0x29f: {  	s7 =	sadd.s32 s18, s13;
	v2 =	vmul.f32 $1.131370830e+01, v4;
	[tilespmem:s20+$0xD0] =	vst v0  }
0x2a0: {  	s7 =	sshll.u32 s7, $0x4;
	[tilespmem:s20+$0xE0] =	vst v1  }
0x2a1: {  	s7 =	sadd.s32 s3, s7;
	[tilespmem:s20+$0xFFFFFF00] =	vst v2  }
0x2a2: {  	[hbm4b:s7+s4] =	stream.linear.scatter [tilespmem:s26], [sflag:$0x8], $0x4000, $0x38;
	[tilespmem:$0x15C00] =	vst v63  }
0x2a3: {  	_ =	swait.ge [sflag:s28], $0x4000  }
0x2a4: {  	[sflag:s28] =	ssyncset.done $0x0  }
0x2a5: {  	s21 =	sadd.s32 $0x300, s19;
	[sflag:s28] =	ssyncadd.s32 $0xFFFFC000  }
0x2a6: {  	[tilespmem:s24], [sflag:$0x2] =	stream.indirect.gather [hbm4b:s1+s22], $0x80, s21, s22, $0xb8;
	[tilespmem:$0x15C00] =	vst v63  }
0x2a7: {  	_ =	swait.ge [sflag:s6], $0x4000  }
0x2a8: {  	[sflag:s6] =	ssyncset.done $0x0  }
0x2a9: {  	s20 =	simm.s32 $0xDD00;
	[sflag:s6] =	ssyncadd.s32 $0xFFFFC000  }
0x2aa: {  	v0 =	vld [tilespmem:s20+$0xF0]  }
0x2ab: {  	v1 =	vld [tilespmem:s20+$0xFFFFFF10]  }
0x2ac: {  	v2 =	vld [tilespmem:s20+$0xFFFFFF20]  }
0x2ad: {  	v3 =	vld [tilespmem:s20+$0xFFFFFF30]  }
0x2ae: {  	v6 =	vld [tilespmem:s20+$0xFFFFFF60]  }
0x2af: {  	v4 =	vld [tilespmem:s20+$0xFFFFFF40]  }
0x2b0: {  	v5 =	vld [tilespmem:s20+$0xFFFFFF50];
	v0 =	vmul.f32 $1.131370830e+01, v0  }
0x2b1: {  	v8 =	vld [tilespmem:s20+$0xFFFFFF80];
	v1 =	vmul.f32 $1.131370830e+01, v1  }
0x2b2: {  	v7 =	vld [tilespmem:s20+$0xFFFFFF70];
	v2 =	vmul.f32 $1.131370830e+01, v2;
	[tilespmem:s20+$0xF0] =	vst v0  }
0x2b3: {  	v6 =	vmul.f32 $1.131370830e+01, v6;
	v0 =	vld [tilespmem:s20+$0xFFFFFF90];
	[tilespmem:s20+$0xFFFFFF10] =	vst v1  }
0x2b4: {  	v1 =	vmul.f32 $1.131370830e+01, v3;
	v3 =	vld [tilespmem:s20+$0xFFFFFFA0];
	[tilespmem:s20+$0xFFFFFF20] =	vst v2;
	v2 =	vmul.f32 $1.131370830e+01, v4  }
0x2b5: {  	[tilespmem:s20+$0xFFFFFF60] =	vst v6;
	v6 =	vld [tilespmem:s20+$0xFFFFFFF0]  }
0x2b6: {  	v4 =	vld [tilespmem:s20+$0xFFFFFFB0];
	[tilespmem:s20+$0xFFFFFF40] =	vst v2;
	v2 =	vmul.f32 $1.131370830e+01, v8  }
0x2b7: {  	[tilespmem:s20+$0xFFFFFF30] =	vst v1;
	v1 =	vmul.f32 $1.131370830e+01, v5;
	v5 =	vld [tilespmem:s20+$0xFFFFFFC0]  }
0x2b8: {  	v8 =	vld [tilespmem:s20+$0xFFFFFFD0];
	[tilespmem:s20+$0xFFFFFF80] =	vst v2;
	v2 =	vmul.f32 $1.131370830e+01, v7  }
0x2b9: {  	[tilespmem:s20+$0xFFFFFF50] =	vst v1;
	v1 =	vld [tilespmem:s20+$0xFFFFFFE0];
	v0 =	vmul.f32 $1.131370830e+01, v0  }
0x2ba: {  	v7 =	vld [tilespmem:s20+$0x30];
	v6 =	vmul.f32 $1.131370830e+01, v6;
	[tilespmem:s20+$0xFFFFFF70] =	vst v2  }
0x2bb: {  	v2 =	vmul.f32 $1.131370830e+01, v3;
	v3 =	vld [tilespmem:s20+$0x0];
	[tilespmem:s20+$0xFFFFFF90] =	vst v0  }
0x2bc: {  	v0 =	vmul.f32 $1.131370830e+01, v4;
	v4 =	vld [tilespmem:s20+$0x10];
	[tilespmem:s20+$0xFFFFFFF0] =	vst v6  }
0x2bd: {  	[tilespmem:s20+$0xFFFFFFA0] =	vst v2;
	v2 =	vmul.f32 $1.131370830e+01, v5;
	v5 =	vld [tilespmem:s20+$0x20]  }
0x2be: {  	v6 =	vld [tilespmem:s20+$0x80];
	[tilespmem:s20+$0xFFFFFFB0] =	vst v0;
	v0 =	vmul.f32 $1.131370830e+01, v8  }
0x2bf: {  	v1 =	vmul.f32 $1.131370830e+01, v1;
	[tilespmem:s20+$0xFFFFFFC0] =	vst v2;
	v2 =	vld [tilespmem:s20+$0x40]  }
0x2c0: {  	[tilespmem:s20+$0xFFFFFFD0] =	vst v0;
	v0 =	vmul.f32 $1.131370830e+01, v3  }
0x2c1: {  	v3 =	vld [tilespmem:s20+$0x50];
	[tilespmem:s20+$0xFFFFFFE0] =	vst v1;
	v4 =	vmul.f32 $1.131370830e+01, v4  }
0x2c2: {  	v1 =	vld [tilespmem:s20+$0x60];
	[tilespmem:s20+$0x0] =	vst v0;
	v0 =	vmul.f32 $1.131370830e+01, v5  }
0x2c3: {  	v6 =	vmul.f32 $1.131370830e+01, v6;
	v5 =	vld [tilespmem:s20+$0x70];
	[tilespmem:s20+$0x10] =	vst v4  }
0x2c4: {  	v4 =	vmul.f32 $1.131370830e+01, v7;
	v7 =	vld [tilespmem:s20+$0x90];
	[tilespmem:s20+$0x20] =	vst v0;
	v0 =	vmul.f32 $1.131370830e+01, v2  }
0x2c5: {  	v8 =	vld [tilespmem:s20+$0xA0];
	[tilespmem:s20+$0x80] =	vst v6  }
0x2c6: {  	v2 =	vmul.f32 $1.131370830e+01, v3;
	[tilespmem:s20+$0x40] =	vst v0;
	v0 =	vld [tilespmem:s20+$0xB0]  }
0x2c7: {  	[tilespmem:s20+$0x30] =	vst v4;
	v3 =	vmul.f32 $1.131370830e+01, v1;
	v1 =	vld [tilespmem:s20+$0xC0]  }
0x2c8: {  	[tilespmem:s20+$0x50] =	vst v2;
	v4 =	vmul.f32 $1.131370830e+01, v5;
	v2 =	vld [tilespmem:s20+$0xD0]  }
0x2c9: {  	[tilespmem:s20+$0x60] =	vst v3;
	v3 =	vld [tilespmem:s20+$0xE0];
	v5 =	vmul.f32 $1.131370830e+01, v7  }
0x2ca: {  	s7 =	simm.s32 $0x0;
	s21 =	simm.s32 $0xDF00;
	v6 =	vmul.f32 $1.131370830e+01, v8;
	[tilespmem:s20+$0x70] =	vst v4;
	v4 =	vld [tilespmem:s20+$0xFFFFFF00]  }
.LBB2_19:
0x2cb: {  	v7 =	vld [tilespmem:s21+$0xF0];
	s7 =	sadd.s32 $0x4, s7;
	[tilespmem:s20+$0x90] =	vst v5;
	v0 =	vmul.f32 $1.131370830e+01, v0  }
0x2cc: {  	v5 =	vld [tilespmem:s21+$0xFFFFFF10];
	p0 =	slt.u32 s7, $0x7C;
	[tilespmem:s20+$0xA0] =	vst v6;
	v1 =	vmul.f32 $1.131370830e+01, v1  }
0x2cd: {  	v6 =	vld [tilespmem:s21+$0xFFFFFF20];
	[tilespmem:s20+$0xB0] =	vst v0;
	v0 =	vmul.f32 $1.131370830e+01, v2  }
0x2ce: {  	v2 =	vld [tilespmem:s21+$0xFFFFFF30];
	[tilespmem:s20+$0xC0] =	vst v1;
	v1 =	vmul.f32 $1.131370830e+01, v3  }
0x2cf: {  	v3 =	vld [tilespmem:s21+$0xFFFFFF40];
	v4 =	vmul.f32 $1.131370830e+01, v4;
	[tilespmem:s20+$0xD0] =	vst v0  }
0x2d0: {  	v0 =	vld [tilespmem:s21+$0xFFFFFF50];
	v7 =	vmul.f32 $1.131370830e+01, v7;
	[tilespmem:s20+$0xE0] =	vst v1  }
0x2d1: {  	v1 =	vmul.f32 $1.131370830e+01, v5;
	v5 =	vld [tilespmem:s21+$0xFFFFFF60];
	[tilespmem:s20+$0xFFFFFF00] =	vst v4;
	s20 =	smov.u32 s21  }
0x2d2: {  	v4 =	vmul.f32 $1.131370830e+01, v6;
	v6 =	vld [tilespmem:s21+$0xFFFFFF70];
	[tilespmem:s21+$0xF0] =	vst v7  }
0x2d3: {  	[tilespmem:s21+$0xFFFFFF10] =	vst v1;
	v1 =	vmul.f32 $1.131370830e+01, v2;
	v2 =	vld [tilespmem:s21+$0xFFFFFF80]  }
0x2d4: {  	[tilespmem:s21+$0xFFFFFF20] =	vst v4;
	v3 =	vmul.f32 $1.131370830e+01, v3;
	v4 =	vld [tilespmem:s21+$0xFFFFFF90]  }
0x2d5: {  	[tilespmem:s21+$0xFFFFFF30] =	vst v1;
	v0 =	vmul.f32 $1.131370830e+01, v0;
	v1 =	vld [tilespmem:s21+$0xFFFFFFA0]  }
0x2d6: {  	[tilespmem:s21+$0xFFFFFF40] =	vst v3;
	v3 =	vmul.f32 $1.131370830e+01, v5;
	v5 =	vld [tilespmem:s21+$0xFFFFFFB0]  }
0x2d7: {  	[tilespmem:s21+$0xFFFFFF50] =	vst v0;
	v0 =	vmul.f32 $1.131370830e+01, v6;
	v6 =	vld [tilespmem:s21+$0xFFFFFFC0]  }
0x2d8: {  	[tilespmem:s21+$0xFFFFFF60] =	vst v3;
	v2 =	vmul.f32 $1.131370830e+01, v2;
	v3 =	vld [tilespmem:s21+$0xFFFFFFD0]  }
0x2d9: {  	[tilespmem:s21+$0xFFFFFF70] =	vst v0;
	v0 =	vmul.f32 $1.131370830e+01, v4;
	v4 =	vld [tilespmem:s21+$0xFFFFFFE0]  }
0x2da: {  	[tilespmem:s21+$0xFFFFFF80] =	vst v2;
	v1 =	vmul.f32 $1.131370830e+01, v1;
	v2 =	vld [tilespmem:s21+$0xFFFFFFF0]  }
0x2db: {  	[tilespmem:s21+$0xFFFFFF90] =	vst v0;
	v0 =	vmul.f32 $1.131370830e+01, v5;
	v5 =	vld [tilespmem:s21+$0x0]  }
0x2dc: {  	[tilespmem:s21+$0xFFFFFFA0] =	vst v1;
	v1 =	vmul.f32 $1.131370830e+01, v6;
	v6 =	vld [tilespmem:s21+$0x10]  }
0x2dd: {  	[tilespmem:s21+$0xFFFFFFB0] =	vst v0;
	v0 =	vmul.f32 $1.131370830e+01, v3;
	v3 =	vld [tilespmem:s21+$0x20]  }
0x2de: {  	[tilespmem:s21+$0xFFFFFFC0] =	vst v1;
	v1 =	vmul.f32 $1.131370830e+01, v4;
	v4 =	vld [tilespmem:s21+$0x30]  }
0x2df: {  	[tilespmem:s21+$0xFFFFFFD0] =	vst v0;
	v0 =	vmul.f32 $1.131370830e+01, v2;
	v2 =	vld [tilespmem:s21+$0x40]  }
0x2e0: {  	[tilespmem:s21+$0xFFFFFFE0] =	vst v1;
	v1 =	vmul.f32 $1.131370830e+01, v5;
	v5 =	vld [tilespmem:s21+$0x50]  }
0x2e1: {  	[tilespmem:s21+$0xFFFFFFF0] =	vst v0;
	v0 =	vmul.f32 $1.131370830e+01, v6;
	v6 =	vld [tilespmem:s21+$0x60]  }
0x2e2: {  	[tilespmem:s21+$0x0] =	vst v1;
	v1 =	vmul.f32 $1.131370830e+01, v3;
	v3 =	vld [tilespmem:s21+$0x70]  }
0x2e3: {  	[tilespmem:s21+$0x10] =	vst v0;
	v0 =	vmul.f32 $1.131370830e+01, v4;
	v4 =	vld [tilespmem:s21+$0x80]  }
0x2e4: {  	[tilespmem:s21+$0x20] =	vst v1;
	v1 =	vmul.f32 $1.131370830e+01, v2;
	v7 =	vld [tilespmem:s21+$0x90]  }
0x2e5: {  	[tilespmem:s21+$0x30] =	vst v0;
	v2 =	vmul.f32 $1.131370830e+01, v5;
	v8 =	vld [tilespmem:s21+$0xA0]  }
.Ltmp8:
0x2e6: {  	[tilespmem:s21+$0x40] =	vst v1;
	v5 =	vmul.f32 $1.131370830e+01, v6;
	v0 =	vld [tilespmem:s21+$0xB0];
	(pc) =	sbr.rel @p0 .LBB2_19-.Ltmp8, $4  }
0x2e7: {  	[tilespmem:s21+$0x50] =	vst v2;
	v3 =	vmul.f32 $1.131370830e+01, v3;
	v1 =	vld [tilespmem:s21+$0xC0]  }
0x2e8: {  	[tilespmem:s21+$0x60] =	vst v5;
	v6 =	vmul.f32 $1.131370830e+01, v4;
	v2 =	vld [tilespmem:s21+$0xD0]  }
0x2e9: {  	[tilespmem:s21+$0x70] =	vst v3;
	v5 =	vmul.f32 $1.131370830e+01, v7;
	v3 =	vld [tilespmem:s21+$0xE0]  }
0x2ea: {  	s21 =	sadd.s32 $0x200, s21;
	v4 =	vld [tilespmem:s20+$0xFFFFFF00];
	[tilespmem:s20+$0x80] =	vst v6;
	v6 =	vmul.f32 $1.131370830e+01, v8  }
0x2eb: {  	[tilespmem:s20+$0x90] =	vst v5;
	v0 =	vmul.f32 $1.131370830e+01, v0  }
0x2ec: {  	[tilespmem:s20+$0xA0] =	vst v6;
	v1 =	vmul.f32 $1.131370830e+01, v1  }
0x2ed: {  	[tilespmem:s20+$0xB0] =	vst v0;
	v0 =	vmul.f32 $1.131370830e+01, v2  }
0x2ee: {  	[tilespmem:s20+$0xC0] =	vst v1;
	v1 =	vmul.f32 $1.131370830e+01, v3  }
0x2ef: {  	s7 =	sadd.s32 s18, s14;
	v2 =	vmul.f32 $1.131370830e+01, v4;
	[tilespmem:s20+$0xD0] =	vst v0  }
0x2f0: {  	s7 =	sshll.u32 s7, $0x4;
	[tilespmem:s20+$0xE0] =	vst v1  }
0x2f1: {  	s7 =	sadd.s32 s3, s7;
	[tilespmem:s20+$0xFFFFFF00] =	vst v2  }
0x2f2: {  	[hbm4b:s7+s4] =	stream.linear.scatter [tilespmem:s29], [sflag:$0x9], $0x4000, $0x38;
	[tilespmem:$0x15C00] =	vst v63  }
0x2f3: {  	_ =	swait.ge [sflag:s8], $0x4000  }
0x2f4: {  	[sflag:s8] =	ssyncset.done $0x0  }
0x2f5: {  	s21 =	sadd.s32 $0x380, s19;
	[sflag:s8] =	ssyncadd.s32 $0xFFFFC000  }
0x2f6: {  	[tilespmem:s26], [sflag:$0x3] =	stream.indirect.gather [hbm4b:s1+s22], $0x80, s21, s22, $0xb8;
	[tilespmem:$0x15C00] =	vst v63  }
0x2f7: {  	_ =	swait.ge [sflag:s9], $0x4000  }
0x2f8: {  	[sflag:s9] =	ssyncset.done $0x0  }
0x2f9: {  	s18 =	simm.s32 $0x11D00;
	[sflag:s9] =	ssyncadd.s32 $0xFFFFC000  }
0x2fa: {  	v0 =	vld [tilespmem:s18+$0xF0]  }
0x2fb: {  	v1 =	vld [tilespmem:s18+$0xFFFFFF10]  }
0x2fc: {  	v2 =	vld [tilespmem:s18+$0xFFFFFF20]  }
0x2fd: {  	v3 =	vld [tilespmem:s18+$0xFFFFFF30]  }
0x2fe: {  	v6 =	vld [tilespmem:s18+$0xFFFFFF60]  }
0x2ff: {  	v4 =	vld [tilespmem:s18+$0xFFFFFF40]  }
0x300: {  	v5 =	vld [tilespmem:s18+$0xFFFFFF50];
	v0 =	vmul.f32 $1.131370830e+01, v0  }
0x301: {  	v8 =	vld [tilespmem:s18+$0xFFFFFF80];
	v1 =	vmul.f32 $1.131370830e+01, v1  }
0x302: {  	v7 =	vld [tilespmem:s18+$0xFFFFFF70];
	v2 =	vmul.f32 $1.131370830e+01, v2;
	[tilespmem:s18+$0xF0] =	vst v0  }
0x303: {  	v6 =	vmul.f32 $1.131370830e+01, v6;
	v0 =	vld [tilespmem:s18+$0xFFFFFF90];
	[tilespmem:s18+$0xFFFFFF10] =	vst v1  }
0x304: {  	v1 =	vmul.f32 $1.131370830e+01, v3;
	v3 =	vld [tilespmem:s18+$0xFFFFFFA0];
	[tilespmem:s18+$0xFFFFFF20] =	vst v2;
	v2 =	vmul.f32 $1.131370830e+01, v4  }
0x305: {  	[tilespmem:s18+$0xFFFFFF60] =	vst v6;
	v6 =	vld [tilespmem:s18+$0xFFFFFFF0]  }
0x306: {  	v4 =	vld [tilespmem:s18+$0xFFFFFFB0];
	[tilespmem:s18+$0xFFFFFF40] =	vst v2;
	v2 =	vmul.f32 $1.131370830e+01, v8  }
0x307: {  	[tilespmem:s18+$0xFFFFFF30] =	vst v1;
	v1 =	vmul.f32 $1.131370830e+01, v5;
	v5 =	vld [tilespmem:s18+$0xFFFFFFC0]  }
0x308: {  	v8 =	vld [tilespmem:s18+$0xFFFFFFD0];
	[tilespmem:s18+$0xFFFFFF80] =	vst v2;
	v2 =	vmul.f32 $1.131370830e+01, v7  }
0x309: {  	[tilespmem:s18+$0xFFFFFF50] =	vst v1;
	v1 =	vld [tilespmem:s18+$0xFFFFFFE0];
	v0 =	vmul.f32 $1.131370830e+01, v0  }
0x30a: {  	v7 =	vld [tilespmem:s18+$0x30];
	v6 =	vmul.f32 $1.131370830e+01, v6;
	[tilespmem:s18+$0xFFFFFF70] =	vst v2  }
0x30b: {  	v2 =	vmul.f32 $1.131370830e+01, v3;
	v3 =	vld [tilespmem:s18+$0x0];
	[tilespmem:s18+$0xFFFFFF90] =	vst v0  }
0x30c: {  	v0 =	vmul.f32 $1.131370830e+01, v4;
	v4 =	vld [tilespmem:s18+$0x10];
	[tilespmem:s18+$0xFFFFFFF0] =	vst v6  }
0x30d: {  	[tilespmem:s18+$0xFFFFFFA0] =	vst v2;
	v2 =	vmul.f32 $1.131370830e+01, v5;
	v5 =	vld [tilespmem:s18+$0x20]  }
0x30e: {  	v6 =	vld [tilespmem:s18+$0x80];
	[tilespmem:s18+$0xFFFFFFB0] =	vst v0;
	v0 =	vmul.f32 $1.131370830e+01, v8  }
0x30f: {  	v1 =	vmul.f32 $1.131370830e+01, v1;
	[tilespmem:s18+$0xFFFFFFC0] =	vst v2;
	v2 =	vld [tilespmem:s18+$0x40]  }
0x310: {  	[tilespmem:s18+$0xFFFFFFD0] =	vst v0;
	v0 =	vmul.f32 $1.131370830e+01, v3  }
0x311: {  	v3 =	vld [tilespmem:s18+$0x50];
	[tilespmem:s18+$0xFFFFFFE0] =	vst v1;
	v4 =	vmul.f32 $1.131370830e+01, v4  }
0x312: {  	v1 =	vld [tilespmem:s18+$0x60];
	[tilespmem:s18+$0x0] =	vst v0;
	v0 =	vmul.f32 $1.131370830e+01, v5  }
0x313: {  	v6 =	vmul.f32 $1.131370830e+01, v6;
	v5 =	vld [tilespmem:s18+$0x70];
	[tilespmem:s18+$0x10] =	vst v4  }
0x314: {  	v4 =	vmul.f32 $1.131370830e+01, v7;
	v7 =	vld [tilespmem:s18+$0x90];
	[tilespmem:s18+$0x20] =	vst v0;
	v0 =	vmul.f32 $1.131370830e+01, v2  }
0x315: {  	v8 =	vld [tilespmem:s18+$0xA0];
	[tilespmem:s18+$0x80] =	vst v6  }
0x316: {  	v2 =	vmul.f32 $1.131370830e+01, v3;
	[tilespmem:s18+$0x40] =	vst v0;
	v0 =	vld [tilespmem:s18+$0xB0]  }
0x317: {  	[tilespmem:s18+$0x30] =	vst v4;
	v3 =	vmul.f32 $1.131370830e+01, v1;
	v1 =	vld [tilespmem:s18+$0xC0]  }
0x318: {  	[tilespmem:s18+$0x50] =	vst v2;
	v4 =	vmul.f32 $1.131370830e+01, v5;
	v2 =	vld [tilespmem:s18+$0xD0]  }
0x319: {  	[tilespmem:s18+$0x60] =	vst v3;
	v3 =	vld [tilespmem:s18+$0xE0];
	v5 =	vmul.f32 $1.131370830e+01, v7  }
0x31a: {  	s20 =	simm.s32 $0x11F00;
	s7 =	simm.s32 $0x0;
	v6 =	vmul.f32 $1.131370830e+01, v8;
	[tilespmem:s18+$0x70] =	vst v4;
	v4 =	vld [tilespmem:s18+$0xFFFFFF00]  }
.LBB2_21:
0x31b: {  	v7 =	vld [tilespmem:s20+$0xF0];
	s7 =	sadd.s32 $0x4, s7;
	[tilespmem:s18+$0x90] =	vst v5;
	v0 =	vmul.f32 $1.131370830e+01, v0  }
0x31c: {  	v5 =	vld [tilespmem:s20+$0xFFFFFF10];
	p0 =	slt.u32 s7, $0x7C;
	[tilespmem:s18+$0xA0] =	vst v6;
	v1 =	vmul.f32 $1.131370830e+01, v1  }
0x31d: {  	v6 =	vld [tilespmem:s20+$0xFFFFFF20];
	[tilespmem:s18+$0xB0] =	vst v0;
	v0 =	vmul.f32 $1.131370830e+01, v2  }
0x31e: {  	v2 =	vld [tilespmem:s20+$0xFFFFFF30];
	[tilespmem:s18+$0xC0] =	vst v1;
	v1 =	vmul.f32 $1.131370830e+01, v3  }
0x31f: {  	v3 =	vld [tilespmem:s20+$0xFFFFFF40];
	v4 =	vmul.f32 $1.131370830e+01, v4;
	[tilespmem:s18+$0xD0] =	vst v0  }
0x320: {  	v0 =	vld [tilespmem:s20+$0xFFFFFF50];
	v7 =	vmul.f32 $1.131370830e+01, v7;
	[tilespmem:s18+$0xE0] =	vst v1  }
0x321: {  	v1 =	vmul.f32 $1.131370830e+01, v5;
	v5 =	vld [tilespmem:s20+$0xFFFFFF60];
	[tilespmem:s18+$0xFFFFFF00] =	vst v4;
	s18 =	smov.u32 s20  }
0x322: {  	v4 =	vmul.f32 $1.131370830e+01, v6;
	v6 =	vld [tilespmem:s20+$0xFFFFFF70];
	[tilespmem:s20+$0xF0] =	vst v7  }
0x323: {  	[tilespmem:s20+$0xFFFFFF10] =	vst v1;
	v1 =	vmul.f32 $1.131370830e+01, v2;
	v2 =	vld [tilespmem:s20+$0xFFFFFF80]  }
0x324: {  	[tilespmem:s20+$0xFFFFFF20] =	vst v4;
	v3 =	vmul.f32 $1.131370830e+01, v3;
	v4 =	vld [tilespmem:s20+$0xFFFFFF90]  }
0x325: {  	[tilespmem:s20+$0xFFFFFF30] =	vst v1;
	v0 =	vmul.f32 $1.131370830e+01, v0;
	v1 =	vld [tilespmem:s20+$0xFFFFFFA0]  }
0x326: {  	[tilespmem:s20+$0xFFFFFF40] =	vst v3;
	v3 =	vmul.f32 $1.131370830e+01, v5;
	v5 =	vld [tilespmem:s20+$0xFFFFFFB0]  }
0x327: {  	[tilespmem:s20+$0xFFFFFF50] =	vst v0;
	v0 =	vmul.f32 $1.131370830e+01, v6;
	v6 =	vld [tilespmem:s20+$0xFFFFFFC0]  }
0x328: {  	[tilespmem:s20+$0xFFFFFF60] =	vst v3;
	v2 =	vmul.f32 $1.131370830e+01, v2;
	v3 =	vld [tilespmem:s20+$0xFFFFFFD0]  }
0x329: {  	[tilespmem:s20+$0xFFFFFF70] =	vst v0;
	v0 =	vmul.f32 $1.131370830e+01, v4;
	v4 =	vld [tilespmem:s20+$0xFFFFFFE0]  }
0x32a: {  	[tilespmem:s20+$0xFFFFFF80] =	vst v2;
	v1 =	vmul.f32 $1.131370830e+01, v1;
	v2 =	vld [tilespmem:s20+$0xFFFFFFF0]  }
0x32b: {  	[tilespmem:s20+$0xFFFFFF90] =	vst v0;
	v0 =	vmul.f32 $1.131370830e+01, v5;
	v5 =	vld [tilespmem:s20+$0x0]  }
0x32c: {  	[tilespmem:s20+$0xFFFFFFA0] =	vst v1;
	v1 =	vmul.f32 $1.131370830e+01, v6;
	v6 =	vld [tilespmem:s20+$0x10]  }
0x32d: {  	[tilespmem:s20+$0xFFFFFFB0] =	vst v0;
	v0 =	vmul.f32 $1.131370830e+01, v3;
	v3 =	vld [tilespmem:s20+$0x20]  }
0x32e: {  	[tilespmem:s20+$0xFFFFFFC0] =	vst v1;
	v1 =	vmul.f32 $1.131370830e+01, v4;
	v4 =	vld [tilespmem:s20+$0x30]  }
0x32f: {  	[tilespmem:s20+$0xFFFFFFD0] =	vst v0;
	v0 =	vmul.f32 $1.131370830e+01, v2;
	v2 =	vld [tilespmem:s20+$0x40]  }
0x330: {  	[tilespmem:s20+$0xFFFFFFE0] =	vst v1;
	v1 =	vmul.f32 $1.131370830e+01, v5;
	v5 =	vld [tilespmem:s20+$0x50]  }
0x331: {  	[tilespmem:s20+$0xFFFFFFF0] =	vst v0;
	v0 =	vmul.f32 $1.131370830e+01, v6;
	v6 =	vld [tilespmem:s20+$0x60]  }
0x332: {  	[tilespmem:s20+$0x0] =	vst v1;
	v1 =	vmul.f32 $1.131370830e+01, v3;
	v3 =	vld [tilespmem:s20+$0x70]  }
0x333: {  	[tilespmem:s20+$0x10] =	vst v0;
	v0 =	vmul.f32 $1.131370830e+01, v4;
	v4 =	vld [tilespmem:s20+$0x80]  }
0x334: {  	[tilespmem:s20+$0x20] =	vst v1;
	v1 =	vmul.f32 $1.131370830e+01, v2;
	v7 =	vld [tilespmem:s20+$0x90]  }
0x335: {  	[tilespmem:s20+$0x30] =	vst v0;
	v2 =	vmul.f32 $1.131370830e+01, v5;
	v8 =	vld [tilespmem:s20+$0xA0]  }
.Ltmp9:
0x336: {  	[tilespmem:s20+$0x40] =	vst v1;
	v5 =	vmul.f32 $1.131370830e+01, v6;
	v0 =	vld [tilespmem:s20+$0xB0];
	(pc) =	sbr.rel @p0 .LBB2_21-.Ltmp9, $4  }
0x337: {  	[tilespmem:s20+$0x50] =	vst v2;
	v3 =	vmul.f32 $1.131370830e+01, v3;
	v1 =	vld [tilespmem:s20+$0xC0]  }
0x338: {  	[tilespmem:s20+$0x60] =	vst v5;
	v6 =	vmul.f32 $1.131370830e+01, v4;
	v2 =	vld [tilespmem:s20+$0xD0]  }
0x339: {  	[tilespmem:s20+$0x70] =	vst v3;
	v5 =	vmul.f32 $1.131370830e+01, v7;
	v3 =	vld [tilespmem:s20+$0xE0]  }
0x33a: {  	s20 =	sadd.s32 $0x200, s20;
	v4 =	vld [tilespmem:s18+$0xFFFFFF00];
	[tilespmem:s18+$0x80] =	vst v6;
	v6 =	vmul.f32 $1.131370830e+01, v8  }
0x33b: {  	[tilespmem:s18+$0x90] =	vst v5;
	v0 =	vmul.f32 $1.131370830e+01, v0  }
0x33c: {  	[tilespmem:s18+$0xA0] =	vst v6;
	v1 =	vmul.f32 $1.131370830e+01, v1  }
0x33d: {  	[tilespmem:s18+$0xB0] =	vst v0;
	v61 =	vmul.f32 $1.131370830e+01, v2  }
0x33e: {  	[tilespmem:s18+$0xC0] =	vst v1;
	v62 =	vmul.f32 $1.131370830e+01, v3  }
0x33f: {  	s7 =	sadd.s32 s5, s17;
	v63 =	vmul.f32 $1.131370830e+01, v4;
	[tilespmem:s18+$0xD0] =	vst v61  }
0x340: {  	s16 =	sadd.s32 $0x1, s16;
	s7 =	sshll.u32 s7, $0x4;
	[tilespmem:s18+$0xE0] =	vst v62  }
0x341: {  	p0 =	sne.s32 s16, $0x9;
	s7 =	sadd.s32 s3, s7;
	[tilespmem:s18+$0xFFFFFF00] =	vst v63  }
0x342: {  	[hbm4b:s7+s4] =	stream.linear.scatter [tilespmem:s2], [sflag:$0xA], $0x4000, $0x38;
	[tilespmem:$0x15C00] =	vst v63  }
.Ltmp10:
0x343: {  	_ = 	snop;
	(pc) =	sbr.rel @p0 .LBB2_12-.Ltmp10, $4  }
0x344: {  	_ =	swait.ge [sflag:s10], $0x4000  }
0x345: {  	[sflag:s10] =	ssyncset.done $0x0  }
0x346: {  	s21 =	sadd.s32 $0x400, s19;
	[sflag:s10] =	ssyncadd.s32 $0xFFFFC000  }
0x347: {  	[tilespmem:s29], [sflag:$0x4] =	stream.indirect.gather [hbm4b:s1+s22], $0x80, s21, s22, $0xb8;
	[tilespmem:$0x15C00] =	vst v63  }
0x348: {  	_ =	swait.ge [sflag:s30], $0x4000  }
0x349: {  	[sflag:s30] =	ssyncset.done $0x0  }
0x34a: {  	s16 =	simm.s32 $0x1D00;
	[sflag:s30] =	ssyncadd.s32 $0xFFFFC000  }
0x34b: {  	v0 =	vld [tilespmem:s16+$0xF0]  }
0x34c: {  	v1 =	vld [tilespmem:s16+$0xFFFFFF10]  }
0x34d: {  	v2 =	vld [tilespmem:s16+$0xFFFFFF20]  }
0x34e: {  	v3 =	vld [tilespmem:s16+$0xFFFFFF30]  }
0x34f: {  	v6 =	vld [tilespmem:s16+$0xFFFFFF60]  }
0x350: {  	v4 =	vld [tilespmem:s16+$0xFFFFFF40]  }
0x351: {  	v5 =	vld [tilespmem:s16+$0xFFFFFF50];
	v0 =	vmul.f32 $1.131370830e+01, v0  }
0x352: {  	v8 =	vld [tilespmem:s16+$0xFFFFFF80];
	v1 =	vmul.f32 $1.131370830e+01, v1  }
0x353: {  	v7 =	vld [tilespmem:s16+$0xFFFFFF70];
	v2 =	vmul.f32 $1.131370830e+01, v2;
	[tilespmem:s16+$0xF0] =	vst v0  }
0x354: {  	v6 =	vmul.f32 $1.131370830e+01, v6;
	v0 =	vld [tilespmem:s16+$0xFFFFFF90];
	[tilespmem:s16+$0xFFFFFF10] =	vst v1  }
0x355: {  	v1 =	vmul.f32 $1.131370830e+01, v3;
	v3 =	vld [tilespmem:s16+$0xFFFFFFA0];
	[tilespmem:s16+$0xFFFFFF20] =	vst v2;
	v2 =	vmul.f32 $1.131370830e+01, v4  }
0x356: {  	[tilespmem:s16+$0xFFFFFF60] =	vst v6;
	v6 =	vld [tilespmem:s16+$0xFFFFFFF0]  }
0x357: {  	v4 =	vld [tilespmem:s16+$0xFFFFFFB0];
	[tilespmem:s16+$0xFFFFFF40] =	vst v2;
	v2 =	vmul.f32 $1.131370830e+01, v8  }
0x358: {  	[tilespmem:s16+$0xFFFFFF30] =	vst v1;
	v1 =	vmul.f32 $1.131370830e+01, v5;
	v5 =	vld [tilespmem:s16+$0xFFFFFFC0]  }
0x359: {  	v8 =	vld [tilespmem:s16+$0xFFFFFFD0];
	[tilespmem:s16+$0xFFFFFF80] =	vst v2;
	v2 =	vmul.f32 $1.131370830e+01, v7  }
0x35a: {  	[tilespmem:s16+$0xFFFFFF50] =	vst v1;
	v1 =	vld [tilespmem:s16+$0xFFFFFFE0];
	v0 =	vmul.f32 $1.131370830e+01, v0  }
0x35b: {  	v7 =	vld [tilespmem:s16+$0x30];
	v6 =	vmul.f32 $1.131370830e+01, v6;
	[tilespmem:s16+$0xFFFFFF70] =	vst v2  }
0x35c: {  	v2 =	vmul.f32 $1.131370830e+01, v3;
	v3 =	vld [tilespmem:s16+$0x0];
	[tilespmem:s16+$0xFFFFFF90] =	vst v0  }
0x35d: {  	v0 =	vmul.f32 $1.131370830e+01, v4;
	v4 =	vld [tilespmem:s16+$0x10];
	[tilespmem:s16+$0xFFFFFFF0] =	vst v6  }
0x35e: {  	[tilespmem:s16+$0xFFFFFFA0] =	vst v2;
	v2 =	vmul.f32 $1.131370830e+01, v5;
	v5 =	vld [tilespmem:s16+$0x20]  }
0x35f: {  	v6 =	vld [tilespmem:s16+$0x80];
	[tilespmem:s16+$0xFFFFFFB0] =	vst v0;
	v0 =	vmul.f32 $1.131370830e+01, v8  }
0x360: {  	v1 =	vmul.f32 $1.131370830e+01, v1;
	[tilespmem:s16+$0xFFFFFFC0] =	vst v2;
	v2 =	vld [tilespmem:s16+$0x40]  }
0x361: {  	[tilespmem:s16+$0xFFFFFFD0] =	vst v0;
	v0 =	vmul.f32 $1.131370830e+01, v3  }
0x362: {  	v3 =	vld [tilespmem:s16+$0x50];
	[tilespmem:s16+$0xFFFFFFE0] =	vst v1;
	v4 =	vmul.f32 $1.131370830e+01, v4  }
0x363: {  	v1 =	vld [tilespmem:s16+$0x60];
	[tilespmem:s16+$0x0] =	vst v0;
	v0 =	vmul.f32 $1.131370830e+01, v5  }
0x364: {  	v6 =	vmul.f32 $1.131370830e+01, v6;
	v5 =	vld [tilespmem:s16+$0x70];
	[tilespmem:s16+$0x10] =	vst v4  }
0x365: {  	v4 =	vmul.f32 $1.131370830e+01, v7;
	v7 =	vld [tilespmem:s16+$0x90];
	[tilespmem:s16+$0x20] =	vst v0;
	v0 =	vmul.f32 $1.131370830e+01, v2  }
0x366: {  	v8 =	vld [tilespmem:s16+$0xA0];
	[tilespmem:s16+$0x80] =	vst v6  }
0x367: {  	v2 =	vmul.f32 $1.131370830e+01, v3;
	[tilespmem:s16+$0x40] =	vst v0;
	v0 =	vld [tilespmem:s16+$0xB0]  }
0x368: {  	[tilespmem:s16+$0x30] =	vst v4;
	v3 =	vmul.f32 $1.131370830e+01, v1;
	v1 =	vld [tilespmem:s16+$0xC0]  }
0x369: {  	[tilespmem:s16+$0x50] =	vst v2;
	v4 =	vmul.f32 $1.131370830e+01, v5;
	v2 =	vld [tilespmem:s16+$0xD0]  }
0x36a: {  	[tilespmem:s16+$0x60] =	vst v3;
	v3 =	vld [tilespmem:s16+$0xE0];
	v5 =	vmul.f32 $1.131370830e+01, v7  }
0x36b: {  	s7 =	simm.s32 $0x0;
	s17 =	simm.s32 $0x1F00;
	v6 =	vmul.f32 $1.131370830e+01, v8;
	[tilespmem:s16+$0x70] =	vst v4;
	v4 =	vld [tilespmem:s16+$0xFFFFFF00]  }
.LBB2_24:
0x36c: {  	v7 =	vld [tilespmem:s17+$0xF0];
	s7 =	sadd.s32 $0x4, s7;
	[tilespmem:s16+$0x90] =	vst v5;
	v0 =	vmul.f32 $1.131370830e+01, v0  }
0x36d: {  	v5 =	vld [tilespmem:s17+$0xFFFFFF10];
	p0 =	slt.u32 s7, $0x7C;
	[tilespmem:s16+$0xA0] =	vst v6;
	v1 =	vmul.f32 $1.131370830e+01, v1  }
0x36e: {  	v6 =	vld [tilespmem:s17+$0xFFFFFF20];
	[tilespmem:s16+$0xB0] =	vst v0;
	v0 =	vmul.f32 $1.131370830e+01, v2  }
0x36f: {  	v2 =	vld [tilespmem:s17+$0xFFFFFF30];
	[tilespmem:s16+$0xC0] =	vst v1;
	v1 =	vmul.f32 $1.131370830e+01, v3  }
0x370: {  	v3 =	vld [tilespmem:s17+$0xFFFFFF40];
	v4 =	vmul.f32 $1.131370830e+01, v4;
	[tilespmem:s16+$0xD0] =	vst v0  }
0x371: {  	v0 =	vld [tilespmem:s17+$0xFFFFFF50];
	v7 =	vmul.f32 $1.131370830e+01, v7;
	[tilespmem:s16+$0xE0] =	vst v1  }
0x372: {  	v1 =	vmul.f32 $1.131370830e+01, v5;
	v5 =	vld [tilespmem:s17+$0xFFFFFF60];
	[tilespmem:s16+$0xFFFFFF00] =	vst v4;
	s16 =	smov.u32 s17  }
0x373: {  	v4 =	vmul.f32 $1.131370830e+01, v6;
	v6 =	vld [tilespmem:s17+$0xFFFFFF70];
	[tilespmem:s17+$0xF0] =	vst v7  }
0x374: {  	[tilespmem:s17+$0xFFFFFF10] =	vst v1;
	v1 =	vmul.f32 $1.131370830e+01, v2;
	v2 =	vld [tilespmem:s17+$0xFFFFFF80]  }
0x375: {  	[tilespmem:s17+$0xFFFFFF20] =	vst v4;
	v3 =	vmul.f32 $1.131370830e+01, v3;
	v4 =	vld [tilespmem:s17+$0xFFFFFF90]  }
0x376: {  	[tilespmem:s17+$0xFFFFFF30] =	vst v1;
	v0 =	vmul.f32 $1.131370830e+01, v0;
	v1 =	vld [tilespmem:s17+$0xFFFFFFA0]  }
0x377: {  	[tilespmem:s17+$0xFFFFFF40] =	vst v3;
	v3 =	vmul.f32 $1.131370830e+01, v5;
	v5 =	vld [tilespmem:s17+$0xFFFFFFB0]  }
0x378: {  	[tilespmem:s17+$0xFFFFFF50] =	vst v0;
	v0 =	vmul.f32 $1.131370830e+01, v6;
	v6 =	vld [tilespmem:s17+$0xFFFFFFC0]  }
0x379: {  	[tilespmem:s17+$0xFFFFFF60] =	vst v3;
	v2 =	vmul.f32 $1.131370830e+01, v2;
	v3 =	vld [tilespmem:s17+$0xFFFFFFD0]  }
0x37a: {  	[tilespmem:s17+$0xFFFFFF70] =	vst v0;
	v0 =	vmul.f32 $1.131370830e+01, v4;
	v4 =	vld [tilespmem:s17+$0xFFFFFFE0]  }
0x37b: {  	[tilespmem:s17+$0xFFFFFF80] =	vst v2;
	v1 =	vmul.f32 $1.131370830e+01, v1;
	v2 =	vld [tilespmem:s17+$0xFFFFFFF0]  }
0x37c: {  	[tilespmem:s17+$0xFFFFFF90] =	vst v0;
	v0 =	vmul.f32 $1.131370830e+01, v5;
	v5 =	vld [tilespmem:s17+$0x0]  }
0x37d: {  	[tilespmem:s17+$0xFFFFFFA0] =	vst v1;
	v1 =	vmul.f32 $1.131370830e+01, v6;
	v6 =	vld [tilespmem:s17+$0x10]  }
0x37e: {  	[tilespmem:s17+$0xFFFFFFB0] =	vst v0;
	v0 =	vmul.f32 $1.131370830e+01, v3;
	v3 =	vld [tilespmem:s17+$0x20]  }
0x37f: {  	[tilespmem:s17+$0xFFFFFFC0] =	vst v1;
	v1 =	vmul.f32 $1.131370830e+01, v4;
	v4 =	vld [tilespmem:s17+$0x30]  }
0x380: {  	[tilespmem:s17+$0xFFFFFFD0] =	vst v0;
	v0 =	vmul.f32 $1.131370830e+01, v2;
	v2 =	vld [tilespmem:s17+$0x40]  }
0x381: {  	[tilespmem:s17+$0xFFFFFFE0] =	vst v1;
	v1 =	vmul.f32 $1.131370830e+01, v5;
	v5 =	vld [tilespmem:s17+$0x50]  }
0x382: {  	[tilespmem:s17+$0xFFFFFFF0] =	vst v0;
	v0 =	vmul.f32 $1.131370830e+01, v6;
	v6 =	vld [tilespmem:s17+$0x60]  }
0x383: {  	[tilespmem:s17+$0x0] =	vst v1;
	v1 =	vmul.f32 $1.131370830e+01, v3;
	v3 =	vld [tilespmem:s17+$0x70]  }
0x384: {  	[tilespmem:s17+$0x10] =	vst v0;
	v0 =	vmul.f32 $1.131370830e+01, v4;
	v4 =	vld [tilespmem:s17+$0x80]  }
0x385: {  	[tilespmem:s17+$0x20] =	vst v1;
	v1 =	vmul.f32 $1.131370830e+01, v2;
	v7 =	vld [tilespmem:s17+$0x90]  }
0x386: {  	[tilespmem:s17+$0x30] =	vst v0;
	v2 =	vmul.f32 $1.131370830e+01, v5;
	v8 =	vld [tilespmem:s17+$0xA0]  }
.Ltmp11:
0x387: {  	[tilespmem:s17+$0x40] =	vst v1;
	v5 =	vmul.f32 $1.131370830e+01, v6;
	v0 =	vld [tilespmem:s17+$0xB0];
	(pc) =	sbr.rel @p0 .LBB2_24-.Ltmp11, $4  }
0x388: {  	[tilespmem:s17+$0x50] =	vst v2;
	v3 =	vmul.f32 $1.131370830e+01, v3;
	v1 =	vld [tilespmem:s17+$0xC0]  }
0x389: {  	[tilespmem:s17+$0x60] =	vst v5;
	v6 =	vmul.f32 $1.131370830e+01, v4;
	v2 =	vld [tilespmem:s17+$0xD0]  }
0x38a: {  	[tilespmem:s17+$0x70] =	vst v3;
	v5 =	vmul.f32 $1.131370830e+01, v7;
	v3 =	vld [tilespmem:s17+$0xE0]  }
0x38b: {  	s17 =	sadd.s32 $0x200, s17;
	v4 =	vld [tilespmem:s16+$0xFFFFFF00];
	[tilespmem:s16+$0x80] =	vst v6;
	v6 =	vmul.f32 $1.131370830e+01, v8  }
0x38c: {  	[tilespmem:s16+$0x90] =	vst v5;
	v0 =	vmul.f32 $1.131370830e+01, v0  }
0x38d: {  	[tilespmem:s16+$0xA0] =	vst v6;
	v1 =	vmul.f32 $1.131370830e+01, v1  }
0x38e: {  	[tilespmem:s16+$0xB0] =	vst v0;
	v0 =	vmul.f32 $1.131370830e+01, v2  }
0x38f: {  	[tilespmem:s16+$0xC0] =	vst v1;
	v1 =	vmul.f32 $1.131370830e+01, v3  }
0x390: {  	v2 =	vmul.f32 $1.131370830e+01, v4;
	[tilespmem:s16+$0xD0] =	vst v0  }
0x391: {  	[tilespmem:s16+$0xE0] =	vst v1  }
0x392: {  	[tilespmem:s16+$0xFFFFFF00] =	vst v2  }
0x393: {  	s7 =	rddreg [dreg:$0xa]  }
0x394: {  	[hbm4b:s7+s4] =	stream.linear.scatter [tilespmem:s23], [sflag:$0x6], $0x4000, $0x38;
	[tilespmem:$0x15C00] =	vst v63  }
0x395: {  	_ =	swait.ge [sflag:s11], $0x4000  }
0x396: {  	[sflag:s11] =	ssyncset.done $0x0  }
0x397: {  	s21 =	simm.s32 $0x1880;
	[sflag:s11] =	ssyncadd.s32 $0xFFFFC000  }
0x398: {  	[tilespmem:s2], [sflag:$0x5] =	stream.indirect.gather [hbm4b:s1+s22], $0x80, s21, s22, $0xb8;
	[tilespmem:$0x15C00] =	vst v63  }
0x399: {  	_ =	swait.ge [sflag:s0], $0x4000  }
0x39a: {  	[sflag:s0] =	ssyncset.done $0x0  }
0x39b: {  	s16 =	simm.s32 $0x5D00;
	[sflag:s0] =	ssyncadd.s32 $0xFFFFC000  }
0x39c: {  	v0 =	vld [tilespmem:s16+$0xF0]  }
0x39d: {  	v1 =	vld [tilespmem:s16+$0xFFFFFF10]  }
0x39e: {  	v2 =	vld [tilespmem:s16+$0xFFFFFF20]  }
0x39f: {  	v3 =	vld [tilespmem:s16+$0xFFFFFF30]  }
0x3a0: {  	v6 =	vld [tilespmem:s16+$0xFFFFFF60]  }
0x3a1: {  	v4 =	vld [tilespmem:s16+$0xFFFFFF40]  }
0x3a2: {  	v5 =	vld [tilespmem:s16+$0xFFFFFF50];
	v0 =	vmul.f32 $1.131370830e+01, v0  }
0x3a3: {  	v8 =	vld [tilespmem:s16+$0xFFFFFF80];
	v1 =	vmul.f32 $1.131370830e+01, v1  }
0x3a4: {  	v7 =	vld [tilespmem:s16+$0xFFFFFF70];
	v2 =	vmul.f32 $1.131370830e+01, v2;
	[tilespmem:s16+$0xF0] =	vst v0  }
0x3a5: {  	v6 =	vmul.f32 $1.131370830e+01, v6;
	v0 =	vld [tilespmem:s16+$0xFFFFFF90];
	[tilespmem:s16+$0xFFFFFF10] =	vst v1  }
0x3a6: {  	v1 =	vmul.f32 $1.131370830e+01, v3;
	v3 =	vld [tilespmem:s16+$0xFFFFFFA0];
	[tilespmem:s16+$0xFFFFFF20] =	vst v2;
	v2 =	vmul.f32 $1.131370830e+01, v4  }
0x3a7: {  	[tilespmem:s16+$0xFFFFFF60] =	vst v6;
	v6 =	vld [tilespmem:s16+$0xFFFFFFF0]  }
0x3a8: {  	v4 =	vld [tilespmem:s16+$0xFFFFFFB0];
	[tilespmem:s16+$0xFFFFFF40] =	vst v2;
	v2 =	vmul.f32 $1.131370830e+01, v8  }
0x3a9: {  	[tilespmem:s16+$0xFFFFFF30] =	vst v1;
	v1 =	vmul.f32 $1.131370830e+01, v5;
	v5 =	vld [tilespmem:s16+$0xFFFFFFC0]  }
0x3aa: {  	v8 =	vld [tilespmem:s16+$0xFFFFFFD0];
	[tilespmem:s16+$0xFFFFFF80] =	vst v2;
	v2 =	vmul.f32 $1.131370830e+01, v7  }
0x3ab: {  	[tilespmem:s16+$0xFFFFFF50] =	vst v1;
	v1 =	vld [tilespmem:s16+$0xFFFFFFE0];
	v0 =	vmul.f32 $1.131370830e+01, v0  }
0x3ac: {  	v7 =	vld [tilespmem:s16+$0x30];
	v6 =	vmul.f32 $1.131370830e+01, v6;
	[tilespmem:s16+$0xFFFFFF70] =	vst v2  }
0x3ad: {  	v2 =	vmul.f32 $1.131370830e+01, v3;
	v3 =	vld [tilespmem:s16+$0x0];
	[tilespmem:s16+$0xFFFFFF90] =	vst v0  }
0x3ae: {  	v0 =	vmul.f32 $1.131370830e+01, v4;
	v4 =	vld [tilespmem:s16+$0x10];
	[tilespmem:s16+$0xFFFFFFF0] =	vst v6  }
0x3af: {  	[tilespmem:s16+$0xFFFFFFA0] =	vst v2;
	v2 =	vmul.f32 $1.131370830e+01, v5;
	v5 =	vld [tilespmem:s16+$0x20]  }
0x3b0: {  	v6 =	vld [tilespmem:s16+$0x80];
	[tilespmem:s16+$0xFFFFFFB0] =	vst v0;
	v0 =	vmul.f32 $1.131370830e+01, v8  }
0x3b1: {  	v1 =	vmul.f32 $1.131370830e+01, v1;
	[tilespmem:s16+$0xFFFFFFC0] =	vst v2;
	v2 =	vld [tilespmem:s16+$0x40]  }
0x3b2: {  	[tilespmem:s16+$0xFFFFFFD0] =	vst v0;
	v0 =	vmul.f32 $1.131370830e+01, v3  }
0x3b3: {  	v3 =	vld [tilespmem:s16+$0x50];
	[tilespmem:s16+$0xFFFFFFE0] =	vst v1;
	v4 =	vmul.f32 $1.131370830e+01, v4  }
0x3b4: {  	v1 =	vld [tilespmem:s16+$0x60];
	[tilespmem:s16+$0x0] =	vst v0;
	v0 =	vmul.f32 $1.131370830e+01, v5  }
0x3b5: {  	v6 =	vmul.f32 $1.131370830e+01, v6;
	v5 =	vld [tilespmem:s16+$0x70];
	[tilespmem:s16+$0x10] =	vst v4  }
0x3b6: {  	v4 =	vmul.f32 $1.131370830e+01, v7;
	v7 =	vld [tilespmem:s16+$0x90];
	[tilespmem:s16+$0x20] =	vst v0;
	v0 =	vmul.f32 $1.131370830e+01, v2  }
0x3b7: {  	v8 =	vld [tilespmem:s16+$0xA0];
	[tilespmem:s16+$0x80] =	vst v6  }
0x3b8: {  	v2 =	vmul.f32 $1.131370830e+01, v3;
	[tilespmem:s16+$0x40] =	vst v0;
	v0 =	vld [tilespmem:s16+$0xB0]  }
0x3b9: {  	[tilespmem:s16+$0x30] =	vst v4;
	v3 =	vmul.f32 $1.131370830e+01, v1;
	v1 =	vld [tilespmem:s16+$0xC0]  }
0x3ba: {  	[tilespmem:s16+$0x50] =	vst v2;
	v4 =	vmul.f32 $1.131370830e+01, v5;
	v2 =	vld [tilespmem:s16+$0xD0]  }
0x3bb: {  	[tilespmem:s16+$0x60] =	vst v3;
	v3 =	vld [tilespmem:s16+$0xE0];
	v5 =	vmul.f32 $1.131370830e+01, v7  }
0x3bc: {  	s17 =	simm.s32 $0x5F00;
	s7 =	simm.s32 $0x0;
	v6 =	vmul.f32 $1.131370830e+01, v8;
	[tilespmem:s16+$0x70] =	vst v4;
	v4 =	vld [tilespmem:s16+$0xFFFFFF00]  }
.LBB2_26:
0x3bd: {  	v7 =	vld [tilespmem:s17+$0xF0];
	s7 =	sadd.s32 $0x4, s7;
	[tilespmem:s16+$0x90] =	vst v5;
	v0 =	vmul.f32 $1.131370830e+01, v0  }
0x3be: {  	v5 =	vld [tilespmem:s17+$0xFFFFFF10];
	p0 =	slt.u32 s7, $0x7C;
	[tilespmem:s16+$0xA0] =	vst v6;
	v1 =	vmul.f32 $1.131370830e+01, v1  }
0x3bf: {  	v6 =	vld [tilespmem:s17+$0xFFFFFF20];
	[tilespmem:s16+$0xB0] =	vst v0;
	v0 =	vmul.f32 $1.131370830e+01, v2  }
0x3c0: {  	v2 =	vld [tilespmem:s17+$0xFFFFFF30];
	[tilespmem:s16+$0xC0] =	vst v1;
	v1 =	vmul.f32 $1.131370830e+01, v3  }
0x3c1: {  	v3 =	vld [tilespmem:s17+$0xFFFFFF40];
	v4 =	vmul.f32 $1.131370830e+01, v4;
	[tilespmem:s16+$0xD0] =	vst v0  }
0x3c2: {  	v0 =	vld [tilespmem:s17+$0xFFFFFF50];
	v7 =	vmul.f32 $1.131370830e+01, v7;
	[tilespmem:s16+$0xE0] =	vst v1  }
0x3c3: {  	v1 =	vmul.f32 $1.131370830e+01, v5;
	v5 =	vld [tilespmem:s17+$0xFFFFFF60];
	[tilespmem:s16+$0xFFFFFF00] =	vst v4;
	s16 =	smov.u32 s17  }
0x3c4: {  	v4 =	vmul.f32 $1.131370830e+01, v6;
	v6 =	vld [tilespmem:s17+$0xFFFFFF70];
	[tilespmem:s17+$0xF0] =	vst v7  }
0x3c5: {  	[tilespmem:s17+$0xFFFFFF10] =	vst v1;
	v1 =	vmul.f32 $1.131370830e+01, v2;
	v2 =	vld [tilespmem:s17+$0xFFFFFF80]  }
0x3c6: {  	[tilespmem:s17+$0xFFFFFF20] =	vst v4;
	v3 =	vmul.f32 $1.131370830e+01, v3;
	v4 =	vld [tilespmem:s17+$0xFFFFFF90]  }
0x3c7: {  	[tilespmem:s17+$0xFFFFFF30] =	vst v1;
	v0 =	vmul.f32 $1.131370830e+01, v0;
	v1 =	vld [tilespmem:s17+$0xFFFFFFA0]  }
0x3c8: {  	[tilespmem:s17+$0xFFFFFF40] =	vst v3;
	v3 =	vmul.f32 $1.131370830e+01, v5;
	v5 =	vld [tilespmem:s17+$0xFFFFFFB0]  }
0x3c9: {  	[tilespmem:s17+$0xFFFFFF50] =	vst v0;
	v0 =	vmul.f32 $1.131370830e+01, v6;
	v6 =	vld [tilespmem:s17+$0xFFFFFFC0]  }
0x3ca: {  	[tilespmem:s17+$0xFFFFFF60] =	vst v3;
	v2 =	vmul.f32 $1.131370830e+01, v2;
	v3 =	vld [tilespmem:s17+$0xFFFFFFD0]  }
0x3cb: {  	[tilespmem:s17+$0xFFFFFF70] =	vst v0;
	v0 =	vmul.f32 $1.131370830e+01, v4;
	v4 =	vld [tilespmem:s17+$0xFFFFFFE0]  }
0x3cc: {  	[tilespmem:s17+$0xFFFFFF80] =	vst v2;
	v1 =	vmul.f32 $1.131370830e+01, v1;
	v2 =	vld [tilespmem:s17+$0xFFFFFFF0]  }
0x3cd: {  	[tilespmem:s17+$0xFFFFFF90] =	vst v0;
	v0 =	vmul.f32 $1.131370830e+01, v5;
	v5 =	vld [tilespmem:s17+$0x0]  }
0x3ce: {  	[tilespmem:s17+$0xFFFFFFA0] =	vst v1;
	v1 =	vmul.f32 $1.131370830e+01, v6;
	v6 =	vld [tilespmem:s17+$0x10]  }
0x3cf: {  	[tilespmem:s17+$0xFFFFFFB0] =	vst v0;
	v0 =	vmul.f32 $1.131370830e+01, v3;
	v3 =	vld [tilespmem:s17+$0x20]  }
0x3d0: {  	[tilespmem:s17+$0xFFFFFFC0] =	vst v1;
	v1 =	vmul.f32 $1.131370830e+01, v4;
	v4 =	vld [tilespmem:s17+$0x30]  }
0x3d1: {  	[tilespmem:s17+$0xFFFFFFD0] =	vst v0;
	v0 =	vmul.f32 $1.131370830e+01, v2;
	v2 =	vld [tilespmem:s17+$0x40]  }
0x3d2: {  	[tilespmem:s17+$0xFFFFFFE0] =	vst v1;
	v1 =	vmul.f32 $1.131370830e+01, v5;
	v5 =	vld [tilespmem:s17+$0x50]  }
0x3d3: {  	[tilespmem:s17+$0xFFFFFFF0] =	vst v0;
	v0 =	vmul.f32 $1.131370830e+01, v6;
	v6 =	vld [tilespmem:s17+$0x60]  }
0x3d4: {  	[tilespmem:s17+$0x0] =	vst v1;
	v1 =	vmul.f32 $1.131370830e+01, v3;
	v3 =	vld [tilespmem:s17+$0x70]  }
0x3d5: {  	[tilespmem:s17+$0x10] =	vst v0;
	v0 =	vmul.f32 $1.131370830e+01, v4;
	v4 =	vld [tilespmem:s17+$0x80]  }
0x3d6: {  	[tilespmem:s17+$0x20] =	vst v1;
	v1 =	vmul.f32 $1.131370830e+01, v2;
	v7 =	vld [tilespmem:s17+$0x90]  }
0x3d7: {  	[tilespmem:s17+$0x30] =	vst v0;
	v2 =	vmul.f32 $1.131370830e+01, v5;
	v8 =	vld [tilespmem:s17+$0xA0]  }
.Ltmp12:
0x3d8: {  	[tilespmem:s17+$0x40] =	vst v1;
	v5 =	vmul.f32 $1.131370830e+01, v6;
	v0 =	vld [tilespmem:s17+$0xB0];
	(pc) =	sbr.rel @p0 .LBB2_26-.Ltmp12, $4  }
0x3d9: {  	[tilespmem:s17+$0x50] =	vst v2;
	v3 =	vmul.f32 $1.131370830e+01, v3;
	v1 =	vld [tilespmem:s17+$0xC0]  }
0x3da: {  	[tilespmem:s17+$0x60] =	vst v5;
	v6 =	vmul.f32 $1.131370830e+01, v4;
	v2 =	vld [tilespmem:s17+$0xD0]  }
0x3db: {  	[tilespmem:s17+$0x70] =	vst v3;
	v5 =	vmul.f32 $1.131370830e+01, v7;
	v3 =	vld [tilespmem:s17+$0xE0]  }
0x3dc: {  	s17 =	sadd.s32 $0x200, s17;
	v4 =	vld [tilespmem:s16+$0xFFFFFF00];
	[tilespmem:s16+$0x80] =	vst v6;
	v6 =	vmul.f32 $1.131370830e+01, v8  }
0x3dd: {  	[tilespmem:s16+$0x90] =	vst v5;
	v0 =	vmul.f32 $1.131370830e+01, v0  }
0x3de: {  	[tilespmem:s16+$0xA0] =	vst v6;
	v1 =	vmul.f32 $1.131370830e+01, v1  }
0x3df: {  	[tilespmem:s16+$0xB0] =	vst v0;
	v0 =	vmul.f32 $1.131370830e+01, v2  }
0x3e0: {  	[tilespmem:s16+$0xC0] =	vst v1;
	v1 =	vmul.f32 $1.131370830e+01, v3  }
0x3e1: {  	v2 =	vmul.f32 $1.131370830e+01, v4;
	[tilespmem:s16+$0xD0] =	vst v0  }
0x3e2: {  	[tilespmem:s16+$0xE0] =	vst v1  }
0x3e3: {  	[tilespmem:s16+$0xFFFFFF00] =	vst v2  }
0x3e4: {  	s7 =	rddreg [dreg:$0xb]  }
0x3e5: {  	[hbm4b:s7+s4] =	stream.linear.scatter [tilespmem:s24], [sflag:$0x7], $0x4000, $0x38;
	[tilespmem:$0x15C00] =	vst v63  }
0x3e6: {  	_ =	swait.ge [sflag:s31], $0x4000  }
0x3e7: {  	[sflag:s31] =	ssyncset.done $0x0  }
0x3e8: {  	s16 =	simm.s32 $0x9D00;
	[sflag:s31] =	ssyncadd.s32 $0xFFFFC000  }
0x3e9: {  	v0 =	vld [tilespmem:s16+$0xF0]  }
0x3ea: {  	v1 =	vld [tilespmem:s16+$0xFFFFFF10]  }
0x3eb: {  	v2 =	vld [tilespmem:s16+$0xFFFFFF20]  }
0x3ec: {  	v3 =	vld [tilespmem:s16+$0xFFFFFF30]  }
0x3ed: {  	v6 =	vld [tilespmem:s16+$0xFFFFFF60]  }
0x3ee: {  	v4 =	vld [tilespmem:s16+$0xFFFFFF40]  }
0x3ef: {  	v5 =	vld [tilespmem:s16+$0xFFFFFF50];
	v0 =	vmul.f32 $1.131370830e+01, v0  }
0x3f0: {  	v8 =	vld [tilespmem:s16+$0xFFFFFF80];
	v1 =	vmul.f32 $1.131370830e+01, v1  }
0x3f1: {  	v7 =	vld [tilespmem:s16+$0xFFFFFF70];
	v2 =	vmul.f32 $1.131370830e+01, v2;
	[tilespmem:s16+$0xF0] =	vst v0  }
0x3f2: {  	v6 =	vmul.f32 $1.131370830e+01, v6;
	v0 =	vld [tilespmem:s16+$0xFFFFFF90];
	[tilespmem:s16+$0xFFFFFF10] =	vst v1  }
0x3f3: {  	v1 =	vmul.f32 $1.131370830e+01, v3;
	v3 =	vld [tilespmem:s16+$0xFFFFFFA0];
	[tilespmem:s16+$0xFFFFFF20] =	vst v2;
	v2 =	vmul.f32 $1.131370830e+01, v4  }
0x3f4: {  	[tilespmem:s16+$0xFFFFFF60] =	vst v6;
	v6 =	vld [tilespmem:s16+$0xFFFFFFF0]  }
0x3f5: {  	v4 =	vld [tilespmem:s16+$0xFFFFFFB0];
	[tilespmem:s16+$0xFFFFFF40] =	vst v2;
	v2 =	vmul.f32 $1.131370830e+01, v8  }
0x3f6: {  	[tilespmem:s16+$0xFFFFFF30] =	vst v1;
	v1 =	vmul.f32 $1.131370830e+01, v5;
	v5 =	vld [tilespmem:s16+$0xFFFFFFC0]  }
0x3f7: {  	v8 =	vld [tilespmem:s16+$0xFFFFFFD0];
	[tilespmem:s16+$0xFFFFFF80] =	vst v2;
	v2 =	vmul.f32 $1.131370830e+01, v7  }
0x3f8: {  	[tilespmem:s16+$0xFFFFFF50] =	vst v1;
	v1 =	vld [tilespmem:s16+$0xFFFFFFE0];
	v0 =	vmul.f32 $1.131370830e+01, v0  }
0x3f9: {  	v7 =	vld [tilespmem:s16+$0x30];
	v6 =	vmul.f32 $1.131370830e+01, v6;
	[tilespmem:s16+$0xFFFFFF70] =	vst v2  }
0x3fa: {  	v2 =	vmul.f32 $1.131370830e+01, v3;
	v3 =	vld [tilespmem:s16+$0x0];
	[tilespmem:s16+$0xFFFFFF90] =	vst v0  }
0x3fb: {  	v0 =	vmul.f32 $1.131370830e+01, v4;
	v4 =	vld [tilespmem:s16+$0x10];
	[tilespmem:s16+$0xFFFFFFF0] =	vst v6  }
0x3fc: {  	[tilespmem:s16+$0xFFFFFFA0] =	vst v2;
	v2 =	vmul.f32 $1.131370830e+01, v5;
	v5 =	vld [tilespmem:s16+$0x20]  }
0x3fd: {  	v6 =	vld [tilespmem:s16+$0x80];
	[tilespmem:s16+$0xFFFFFFB0] =	vst v0;
	v0 =	vmul.f32 $1.131370830e+01, v8  }
0x3fe: {  	v1 =	vmul.f32 $1.131370830e+01, v1;
	[tilespmem:s16+$0xFFFFFFC0] =	vst v2;
	v2 =	vld [tilespmem:s16+$0x40]  }
0x3ff: {  	[tilespmem:s16+$0xFFFFFFD0] =	vst v0;
	v0 =	vmul.f32 $1.131370830e+01, v3  }
0x400: {  	v3 =	vld [tilespmem:s16+$0x50];
	[tilespmem:s16+$0xFFFFFFE0] =	vst v1;
	v4 =	vmul.f32 $1.131370830e+01, v4  }
0x401: {  	v1 =	vld [tilespmem:s16+$0x60];
	[tilespmem:s16+$0x0] =	vst v0;
	v0 =	vmul.f32 $1.131370830e+01, v5  }
0x402: {  	v6 =	vmul.f32 $1.131370830e+01, v6;
	v5 =	vld [tilespmem:s16+$0x70];
	[tilespmem:s16+$0x10] =	vst v4  }
0x403: {  	v4 =	vmul.f32 $1.131370830e+01, v7;
	v7 =	vld [tilespmem:s16+$0x90];
	[tilespmem:s16+$0x20] =	vst v0;
	v0 =	vmul.f32 $1.131370830e+01, v2  }
0x404: {  	v8 =	vld [tilespmem:s16+$0xA0];
	[tilespmem:s16+$0x80] =	vst v6  }
0x405: {  	v2 =	vmul.f32 $1.131370830e+01, v3;
	[tilespmem:s16+$0x40] =	vst v0;
	v0 =	vld [tilespmem:s16+$0xB0]  }
0x406: {  	[tilespmem:s16+$0x30] =	vst v4;
	v3 =	vmul.f32 $1.131370830e+01, v1;
	v1 =	vld [tilespmem:s16+$0xC0]  }
0x407: {  	[tilespmem:s16+$0x50] =	vst v2;
	v4 =	vmul.f32 $1.131370830e+01, v5;
	v2 =	vld [tilespmem:s16+$0xD0]  }
0x408: {  	[tilespmem:s16+$0x60] =	vst v3;
	v3 =	vld [tilespmem:s16+$0xE0];
	v5 =	vmul.f32 $1.131370830e+01, v7  }
0x409: {  	s17 =	simm.s32 $0x9F00;
	s7 =	simm.s32 $0x0;
	v6 =	vmul.f32 $1.131370830e+01, v8;
	[tilespmem:s16+$0x70] =	vst v4;
	v4 =	vld [tilespmem:s16+$0xFFFFFF00]  }
.LBB2_28:
0x40a: {  	v7 =	vld [tilespmem:s17+$0xF0];
	s7 =	sadd.s32 $0x4, s7;
	[tilespmem:s16+$0x90] =	vst v5;
	v0 =	vmul.f32 $1.131370830e+01, v0  }
0x40b: {  	v5 =	vld [tilespmem:s17+$0xFFFFFF10];
	p0 =	slt.u32 s7, $0x7C;
	[tilespmem:s16+$0xA0] =	vst v6;
	v1 =	vmul.f32 $1.131370830e+01, v1  }
0x40c: {  	v6 =	vld [tilespmem:s17+$0xFFFFFF20];
	[tilespmem:s16+$0xB0] =	vst v0;
	v0 =	vmul.f32 $1.131370830e+01, v2  }
0x40d: {  	v2 =	vld [tilespmem:s17+$0xFFFFFF30];
	[tilespmem:s16+$0xC0] =	vst v1;
	v1 =	vmul.f32 $1.131370830e+01, v3  }
0x40e: {  	v3 =	vld [tilespmem:s17+$0xFFFFFF40];
	v4 =	vmul.f32 $1.131370830e+01, v4;
	[tilespmem:s16+$0xD0] =	vst v0  }
0x40f: {  	v0 =	vld [tilespmem:s17+$0xFFFFFF50];
	v7 =	vmul.f32 $1.131370830e+01, v7;
	[tilespmem:s16+$0xE0] =	vst v1  }
0x410: {  	v1 =	vmul.f32 $1.131370830e+01, v5;
	v5 =	vld [tilespmem:s17+$0xFFFFFF60];
	[tilespmem:s16+$0xFFFFFF00] =	vst v4;
	s16 =	smov.u32 s17  }
0x411: {  	v4 =	vmul.f32 $1.131370830e+01, v6;
	v6 =	vld [tilespmem:s17+$0xFFFFFF70];
	[tilespmem:s17+$0xF0] =	vst v7  }
0x412: {  	[tilespmem:s17+$0xFFFFFF10] =	vst v1;
	v1 =	vmul.f32 $1.131370830e+01, v2;
	v2 =	vld [tilespmem:s17+$0xFFFFFF80]  }
0x413: {  	[tilespmem:s17+$0xFFFFFF20] =	vst v4;
	v3 =	vmul.f32 $1.131370830e+01, v3;
	v4 =	vld [tilespmem:s17+$0xFFFFFF90]  }
0x414: {  	[tilespmem:s17+$0xFFFFFF30] =	vst v1;
	v0 =	vmul.f32 $1.131370830e+01, v0;
	v1 =	vld [tilespmem:s17+$0xFFFFFFA0]  }
0x415: {  	[tilespmem:s17+$0xFFFFFF40] =	vst v3;
	v3 =	vmul.f32 $1.131370830e+01, v5;
	v5 =	vld [tilespmem:s17+$0xFFFFFFB0]  }
0x416: {  	[tilespmem:s17+$0xFFFFFF50] =	vst v0;
	v0 =	vmul.f32 $1.131370830e+01, v6;
	v6 =	vld [tilespmem:s17+$0xFFFFFFC0]  }
0x417: {  	[tilespmem:s17+$0xFFFFFF60] =	vst v3;
	v2 =	vmul.f32 $1.131370830e+01, v2;
	v3 =	vld [tilespmem:s17+$0xFFFFFFD0]  }
0x418: {  	[tilespmem:s17+$0xFFFFFF70] =	vst v0;
	v0 =	vmul.f32 $1.131370830e+01, v4;
	v4 =	vld [tilespmem:s17+$0xFFFFFFE0]  }
0x419: {  	[tilespmem:s17+$0xFFFFFF80] =	vst v2;
	v1 =	vmul.f32 $1.131370830e+01, v1;
	v2 =	vld [tilespmem:s17+$0xFFFFFFF0]  }
0x41a: {  	[tilespmem:s17+$0xFFFFFF90] =	vst v0;
	v0 =	vmul.f32 $1.131370830e+01, v5;
	v5 =	vld [tilespmem:s17+$0x0]  }
0x41b: {  	[tilespmem:s17+$0xFFFFFFA0] =	vst v1;
	v1 =	vmul.f32 $1.131370830e+01, v6;
	v6 =	vld [tilespmem:s17+$0x10]  }
0x41c: {  	[tilespmem:s17+$0xFFFFFFB0] =	vst v0;
	v0 =	vmul.f32 $1.131370830e+01, v3;
	v3 =	vld [tilespmem:s17+$0x20]  }
0x41d: {  	[tilespmem:s17+$0xFFFFFFC0] =	vst v1;
	v1 =	vmul.f32 $1.131370830e+01, v4;
	v4 =	vld [tilespmem:s17+$0x30]  }
0x41e: {  	[tilespmem:s17+$0xFFFFFFD0] =	vst v0;
	v0 =	vmul.f32 $1.131370830e+01, v2;
	v2 =	vld [tilespmem:s17+$0x40]  }
0x41f: {  	[tilespmem:s17+$0xFFFFFFE0] =	vst v1;
	v1 =	vmul.f32 $1.131370830e+01, v5;
	v5 =	vld [tilespmem:s17+$0x50]  }
0x420: {  	[tilespmem:s17+$0xFFFFFFF0] =	vst v0;
	v0 =	vmul.f32 $1.131370830e+01, v6;
	v6 =	vld [tilespmem:s17+$0x60]  }
0x421: {  	[tilespmem:s17+$0x0] =	vst v1;
	v1 =	vmul.f32 $1.131370830e+01, v3;
	v3 =	vld [tilespmem:s17+$0x70]  }
0x422: {  	[tilespmem:s17+$0x10] =	vst v0;
	v0 =	vmul.f32 $1.131370830e+01, v4;
	v4 =	vld [tilespmem:s17+$0x80]  }
0x423: {  	[tilespmem:s17+$0x20] =	vst v1;
	v1 =	vmul.f32 $1.131370830e+01, v2;
	v7 =	vld [tilespmem:s17+$0x90]  }
0x424: {  	[tilespmem:s17+$0x30] =	vst v0;
	v2 =	vmul.f32 $1.131370830e+01, v5;
	v8 =	vld [tilespmem:s17+$0xA0]  }
.Ltmp13:
0x425: {  	[tilespmem:s17+$0x40] =	vst v1;
	v5 =	vmul.f32 $1.131370830e+01, v6;
	v0 =	vld [tilespmem:s17+$0xB0];
	(pc) =	sbr.rel @p0 .LBB2_28-.Ltmp13, $4  }
0x426: {  	[tilespmem:s17+$0x50] =	vst v2;
	v3 =	vmul.f32 $1.131370830e+01, v3;
	v1 =	vld [tilespmem:s17+$0xC0]  }
0x427: {  	[tilespmem:s17+$0x60] =	vst v5;
	v6 =	vmul.f32 $1.131370830e+01, v4;
	v2 =	vld [tilespmem:s17+$0xD0]  }
0x428: {  	[tilespmem:s17+$0x70] =	vst v3;
	v5 =	vmul.f32 $1.131370830e+01, v7;
	v3 =	vld [tilespmem:s17+$0xE0]  }
0x429: {  	s17 =	sadd.s32 $0x200, s17;
	v4 =	vld [tilespmem:s16+$0xFFFFFF00];
	[tilespmem:s16+$0x80] =	vst v6;
	v6 =	vmul.f32 $1.131370830e+01, v8  }
0x42a: {  	[tilespmem:s16+$0x90] =	vst v5;
	v0 =	vmul.f32 $1.131370830e+01, v0  }
0x42b: {  	[tilespmem:s16+$0xA0] =	vst v6;
	v1 =	vmul.f32 $1.131370830e+01, v1  }
0x42c: {  	[tilespmem:s16+$0xB0] =	vst v0;
	v0 =	vmul.f32 $1.131370830e+01, v2  }
0x42d: {  	[tilespmem:s16+$0xC0] =	vst v1;
	v1 =	vmul.f32 $1.131370830e+01, v3  }
0x42e: {  	v2 =	vmul.f32 $1.131370830e+01, v4;
	[tilespmem:s16+$0xD0] =	vst v0  }
0x42f: {  	[tilespmem:s16+$0xE0] =	vst v1  }
0x430: {  	[tilespmem:s16+$0xFFFFFF00] =	vst v2  }
0x431: {  	s7 =	rddreg [dreg:$0xc]  }
0x432: {  	[hbm4b:s7+s4] =	stream.linear.scatter [tilespmem:s26], [sflag:$0x8], $0x4000, $0x38;
	[tilespmem:$0x15C00] =	vst v63  }
0x433: {  	_ =	swait.ge [sflag:s6], $0x4000  }
0x434: {  	[sflag:s6] =	ssyncset.done $0x0  }
0x435: {  	s16 =	simm.s32 $0xDD00;
	[sflag:s6] =	ssyncadd.s32 $0xFFFFC000  }
0x436: {  	v0 =	vld [tilespmem:s16+$0xF0]  }
0x437: {  	v1 =	vld [tilespmem:s16+$0xFFFFFF10]  }
0x438: {  	v2 =	vld [tilespmem:s16+$0xFFFFFF20]  }
0x439: {  	v3 =	vld [tilespmem:s16+$0xFFFFFF30]  }
0x43a: {  	v6 =	vld [tilespmem:s16+$0xFFFFFF60]  }
0x43b: {  	v4 =	vld [tilespmem:s16+$0xFFFFFF40]  }
0x43c: {  	v5 =	vld [tilespmem:s16+$0xFFFFFF50];
	v0 =	vmul.f32 $1.131370830e+01, v0  }
0x43d: {  	v8 =	vld [tilespmem:s16+$0xFFFFFF80];
	v1 =	vmul.f32 $1.131370830e+01, v1  }
0x43e: {  	v7 =	vld [tilespmem:s16+$0xFFFFFF70];
	v2 =	vmul.f32 $1.131370830e+01, v2;
	[tilespmem:s16+$0xF0] =	vst v0  }
0x43f: {  	v6 =	vmul.f32 $1.131370830e+01, v6;
	v0 =	vld [tilespmem:s16+$0xFFFFFF90];
	[tilespmem:s16+$0xFFFFFF10] =	vst v1  }
0x440: {  	v1 =	vmul.f32 $1.131370830e+01, v3;
	v3 =	vld [tilespmem:s16+$0xFFFFFFA0];
	[tilespmem:s16+$0xFFFFFF20] =	vst v2;
	v2 =	vmul.f32 $1.131370830e+01, v4  }
0x441: {  	[tilespmem:s16+$0xFFFFFF60] =	vst v6;
	v6 =	vld [tilespmem:s16+$0xFFFFFFF0]  }
0x442: {  	v4 =	vld [tilespmem:s16+$0xFFFFFFB0];
	[tilespmem:s16+$0xFFFFFF40] =	vst v2;
	v2 =	vmul.f32 $1.131370830e+01, v8  }
0x443: {  	[tilespmem:s16+$0xFFFFFF30] =	vst v1;
	v1 =	vmul.f32 $1.131370830e+01, v5;
	v5 =	vld [tilespmem:s16+$0xFFFFFFC0]  }
0x444: {  	v8 =	vld [tilespmem:s16+$0xFFFFFFD0];
	[tilespmem:s16+$0xFFFFFF80] =	vst v2;
	v2 =	vmul.f32 $1.131370830e+01, v7  }
0x445: {  	[tilespmem:s16+$0xFFFFFF50] =	vst v1;
	v1 =	vld [tilespmem:s16+$0xFFFFFFE0];
	v0 =	vmul.f32 $1.131370830e+01, v0  }
0x446: {  	v7 =	vld [tilespmem:s16+$0x30];
	v6 =	vmul.f32 $1.131370830e+01, v6;
	[tilespmem:s16+$0xFFFFFF70] =	vst v2  }
0x447: {  	v2 =	vmul.f32 $1.131370830e+01, v3;
	v3 =	vld [tilespmem:s16+$0x0];
	[tilespmem:s16+$0xFFFFFF90] =	vst v0  }
0x448: {  	v0 =	vmul.f32 $1.131370830e+01, v4;
	v4 =	vld [tilespmem:s16+$0x10];
	[tilespmem:s16+$0xFFFFFFF0] =	vst v6  }
0x449: {  	[tilespmem:s16+$0xFFFFFFA0] =	vst v2;
	v2 =	vmul.f32 $1.131370830e+01, v5;
	v5 =	vld [tilespmem:s16+$0x20]  }
0x44a: {  	v6 =	vld [tilespmem:s16+$0x80];
	[tilespmem:s16+$0xFFFFFFB0] =	vst v0;
	v0 =	vmul.f32 $1.131370830e+01, v8  }
0x44b: {  	v1 =	vmul.f32 $1.131370830e+01, v1;
	[tilespmem:s16+$0xFFFFFFC0] =	vst v2;
	v2 =	vld [tilespmem:s16+$0x40]  }
0x44c: {  	[tilespmem:s16+$0xFFFFFFD0] =	vst v0;
	v0 =	vmul.f32 $1.131370830e+01, v3  }
0x44d: {  	v3 =	vld [tilespmem:s16+$0x50];
	[tilespmem:s16+$0xFFFFFFE0] =	vst v1;
	v4 =	vmul.f32 $1.131370830e+01, v4  }
0x44e: {  	v1 =	vld [tilespmem:s16+$0x60];
	[tilespmem:s16+$0x0] =	vst v0;
	v0 =	vmul.f32 $1.131370830e+01, v5  }
0x44f: {  	v6 =	vmul.f32 $1.131370830e+01, v6;
	v5 =	vld [tilespmem:s16+$0x70];
	[tilespmem:s16+$0x10] =	vst v4  }
0x450: {  	v4 =	vmul.f32 $1.131370830e+01, v7;
	v7 =	vld [tilespmem:s16+$0x90];
	[tilespmem:s16+$0x20] =	vst v0;
	v0 =	vmul.f32 $1.131370830e+01, v2  }
0x451: {  	v8 =	vld [tilespmem:s16+$0xA0];
	[tilespmem:s16+$0x80] =	vst v6  }
0x452: {  	v2 =	vmul.f32 $1.131370830e+01, v3;
	[tilespmem:s16+$0x40] =	vst v0;
	v0 =	vld [tilespmem:s16+$0xB0]  }
0x453: {  	[tilespmem:s16+$0x30] =	vst v4;
	v3 =	vmul.f32 $1.131370830e+01, v1;
	v1 =	vld [tilespmem:s16+$0xC0]  }
0x454: {  	[tilespmem:s16+$0x50] =	vst v2;
	v4 =	vmul.f32 $1.131370830e+01, v5;
	v2 =	vld [tilespmem:s16+$0xD0]  }
0x455: {  	[tilespmem:s16+$0x60] =	vst v3;
	v3 =	vld [tilespmem:s16+$0xE0];
	v5 =	vmul.f32 $1.131370830e+01, v7  }
0x456: {  	s17 =	simm.s32 $0xDF00;
	s7 =	simm.s32 $0x0;
	v6 =	vmul.f32 $1.131370830e+01, v8;
	[tilespmem:s16+$0x70] =	vst v4;
	v4 =	vld [tilespmem:s16+$0xFFFFFF00]  }
.LBB2_30:
0x457: {  	v7 =	vld [tilespmem:s17+$0xF0];
	s7 =	sadd.s32 $0x4, s7;
	[tilespmem:s16+$0x90] =	vst v5;
	v0 =	vmul.f32 $1.131370830e+01, v0  }
0x458: {  	v5 =	vld [tilespmem:s17+$0xFFFFFF10];
	p0 =	slt.u32 s7, $0x7C;
	[tilespmem:s16+$0xA0] =	vst v6;
	v1 =	vmul.f32 $1.131370830e+01, v1  }
0x459: {  	v6 =	vld [tilespmem:s17+$0xFFFFFF20];
	[tilespmem:s16+$0xB0] =	vst v0;
	v0 =	vmul.f32 $1.131370830e+01, v2  }
0x45a: {  	v2 =	vld [tilespmem:s17+$0xFFFFFF30];
	[tilespmem:s16+$0xC0] =	vst v1;
	v1 =	vmul.f32 $1.131370830e+01, v3  }
0x45b: {  	v3 =	vld [tilespmem:s17+$0xFFFFFF40];
	v4 =	vmul.f32 $1.131370830e+01, v4;
	[tilespmem:s16+$0xD0] =	vst v0  }
0x45c: {  	v0 =	vld [tilespmem:s17+$0xFFFFFF50];
	v7 =	vmul.f32 $1.131370830e+01, v7;
	[tilespmem:s16+$0xE0] =	vst v1  }
0x45d: {  	v1 =	vmul.f32 $1.131370830e+01, v5;
	v5 =	vld [tilespmem:s17+$0xFFFFFF60];
	[tilespmem:s16+$0xFFFFFF00] =	vst v4;
	s16 =	smov.u32 s17  }
0x45e: {  	v4 =	vmul.f32 $1.131370830e+01, v6;
	v6 =	vld [tilespmem:s17+$0xFFFFFF70];
	[tilespmem:s17+$0xF0] =	vst v7  }
0x45f: {  	[tilespmem:s17+$0xFFFFFF10] =	vst v1;
	v1 =	vmul.f32 $1.131370830e+01, v2;
	v2 =	vld [tilespmem:s17+$0xFFFFFF80]  }
0x460: {  	[tilespmem:s17+$0xFFFFFF20] =	vst v4;
	v3 =	vmul.f32 $1.131370830e+01, v3;
	v4 =	vld [tilespmem:s17+$0xFFFFFF90]  }
0x461: {  	[tilespmem:s17+$0xFFFFFF30] =	vst v1;
	v0 =	vmul.f32 $1.131370830e+01, v0;
	v1 =	vld [tilespmem:s17+$0xFFFFFFA0]  }
0x462: {  	[tilespmem:s17+$0xFFFFFF40] =	vst v3;
	v3 =	vmul.f32 $1.131370830e+01, v5;
	v5 =	vld [tilespmem:s17+$0xFFFFFFB0]  }
0x463: {  	[tilespmem:s17+$0xFFFFFF50] =	vst v0;
	v0 =	vmul.f32 $1.131370830e+01, v6;
	v6 =	vld [tilespmem:s17+$0xFFFFFFC0]  }
0x464: {  	[tilespmem:s17+$0xFFFFFF60] =	vst v3;
	v2 =	vmul.f32 $1.131370830e+01, v2;
	v3 =	vld [tilespmem:s17+$0xFFFFFFD0]  }
0x465: {  	[tilespmem:s17+$0xFFFFFF70] =	vst v0;
	v0 =	vmul.f32 $1.131370830e+01, v4;
	v4 =	vld [tilespmem:s17+$0xFFFFFFE0]  }
0x466: {  	[tilespmem:s17+$0xFFFFFF80] =	vst v2;
	v1 =	vmul.f32 $1.131370830e+01, v1;
	v2 =	vld [tilespmem:s17+$0xFFFFFFF0]  }
0x467: {  	[tilespmem:s17+$0xFFFFFF90] =	vst v0;
	v0 =	vmul.f32 $1.131370830e+01, v5;
	v5 =	vld [tilespmem:s17+$0x0]  }
0x468: {  	[tilespmem:s17+$0xFFFFFFA0] =	vst v1;
	v1 =	vmul.f32 $1.131370830e+01, v6;
	v6 =	vld [tilespmem:s17+$0x10]  }
0x469: {  	[tilespmem:s17+$0xFFFFFFB0] =	vst v0;
	v0 =	vmul.f32 $1.131370830e+01, v3;
	v3 =	vld [tilespmem:s17+$0x20]  }
0x46a: {  	[tilespmem:s17+$0xFFFFFFC0] =	vst v1;
	v1 =	vmul.f32 $1.131370830e+01, v4;
	v4 =	vld [tilespmem:s17+$0x30]  }
0x46b: {  	[tilespmem:s17+$0xFFFFFFD0] =	vst v0;
	v0 =	vmul.f32 $1.131370830e+01, v2;
	v2 =	vld [tilespmem:s17+$0x40]  }
0x46c: {  	[tilespmem:s17+$0xFFFFFFE0] =	vst v1;
	v1 =	vmul.f32 $1.131370830e+01, v5;
	v5 =	vld [tilespmem:s17+$0x50]  }
0x46d: {  	[tilespmem:s17+$0xFFFFFFF0] =	vst v0;
	v0 =	vmul.f32 $1.131370830e+01, v6;
	v6 =	vld [tilespmem:s17+$0x60]  }
0x46e: {  	[tilespmem:s17+$0x0] =	vst v1;
	v1 =	vmul.f32 $1.131370830e+01, v3;
	v3 =	vld [tilespmem:s17+$0x70]  }
0x46f: {  	[tilespmem:s17+$0x10] =	vst v0;
	v0 =	vmul.f32 $1.131370830e+01, v4;
	v4 =	vld [tilespmem:s17+$0x80]  }
0x470: {  	[tilespmem:s17+$0x20] =	vst v1;
	v1 =	vmul.f32 $1.131370830e+01, v2;
	v7 =	vld [tilespmem:s17+$0x90]  }
0x471: {  	[tilespmem:s17+$0x30] =	vst v0;
	v2 =	vmul.f32 $1.131370830e+01, v5;
	v8 =	vld [tilespmem:s17+$0xA0]  }
.Ltmp14:
0x472: {  	[tilespmem:s17+$0x40] =	vst v1;
	v5 =	vmul.f32 $1.131370830e+01, v6;
	v0 =	vld [tilespmem:s17+$0xB0];
	(pc) =	sbr.rel @p0 .LBB2_30-.Ltmp14, $4  }
0x473: {  	[tilespmem:s17+$0x50] =	vst v2;
	v3 =	vmul.f32 $1.131370830e+01, v3;
	v1 =	vld [tilespmem:s17+$0xC0]  }
0x474: {  	[tilespmem:s17+$0x60] =	vst v5;
	v6 =	vmul.f32 $1.131370830e+01, v4;
	v2 =	vld [tilespmem:s17+$0xD0]  }
0x475: {  	[tilespmem:s17+$0x70] =	vst v3;
	v5 =	vmul.f32 $1.131370830e+01, v7;
	v3 =	vld [tilespmem:s17+$0xE0]  }
0x476: {  	s17 =	sadd.s32 $0x200, s17;
	v4 =	vld [tilespmem:s16+$0xFFFFFF00];
	[tilespmem:s16+$0x80] =	vst v6;
	v6 =	vmul.f32 $1.131370830e+01, v8  }
0x477: {  	[tilespmem:s16+$0x90] =	vst v5;
	v0 =	vmul.f32 $1.131370830e+01, v0  }
0x478: {  	[tilespmem:s16+$0xA0] =	vst v6;
	v1 =	vmul.f32 $1.131370830e+01, v1  }
0x479: {  	[tilespmem:s16+$0xB0] =	vst v0;
	v0 =	vmul.f32 $1.131370830e+01, v2  }
0x47a: {  	[tilespmem:s16+$0xC0] =	vst v1;
	v1 =	vmul.f32 $1.131370830e+01, v3  }
0x47b: {  	v2 =	vmul.f32 $1.131370830e+01, v4;
	[tilespmem:s16+$0xD0] =	vst v0  }
0x47c: {  	[tilespmem:s16+$0xE0] =	vst v1  }
0x47d: {  	[tilespmem:s16+$0xFFFFFF00] =	vst v2  }
0x47e: {  	s7 =	rddreg [dreg:$0xd]  }
0x47f: {  	[hbm4b:s7+s4] =	stream.linear.scatter [tilespmem:s29], [sflag:$0x9], $0x4000, $0x38;
	[tilespmem:$0x15C00] =	vst v63  }
0x480: {  	_ =	swait.ge [sflag:s9], $0x4000  }
0x481: {  	[sflag:s9] =	ssyncset.done $0x0  }
0x482: {  	s16 =	simm.s32 $0x11D00;
	[sflag:s9] =	ssyncadd.s32 $0xFFFFC000  }
0x483: {  	v0 =	vld [tilespmem:s16+$0xF0]  }
0x484: {  	v1 =	vld [tilespmem:s16+$0xFFFFFF10]  }
0x485: {  	v2 =	vld [tilespmem:s16+$0xFFFFFF20]  }
0x486: {  	v3 =	vld [tilespmem:s16+$0xFFFFFF30]  }
0x487: {  	v6 =	vld [tilespmem:s16+$0xFFFFFF60]  }
0x488: {  	v4 =	vld [tilespmem:s16+$0xFFFFFF40]  }
0x489: {  	v5 =	vld [tilespmem:s16+$0xFFFFFF50];
	v0 =	vmul.f32 $1.131370830e+01, v0  }
0x48a: {  	v8 =	vld [tilespmem:s16+$0xFFFFFF80];
	v1 =	vmul.f32 $1.131370830e+01, v1  }
0x48b: {  	v7 =	vld [tilespmem:s16+$0xFFFFFF70];
	v2 =	vmul.f32 $1.131370830e+01, v2;
	[tilespmem:s16+$0xF0] =	vst v0  }
0x48c: {  	v6 =	vmul.f32 $1.131370830e+01, v6;
	v0 =	vld [tilespmem:s16+$0xFFFFFF90];
	[tilespmem:s16+$0xFFFFFF10] =	vst v1  }
0x48d: {  	v1 =	vmul.f32 $1.131370830e+01, v3;
	v3 =	vld [tilespmem:s16+$0xFFFFFFA0];
	[tilespmem:s16+$0xFFFFFF20] =	vst v2;
	v2 =	vmul.f32 $1.131370830e+01, v4  }
0x48e: {  	[tilespmem:s16+$0xFFFFFF60] =	vst v6;
	v6 =	vld [tilespmem:s16+$0xFFFFFFF0]  }
0x48f: {  	v4 =	vld [tilespmem:s16+$0xFFFFFFB0];
	[tilespmem:s16+$0xFFFFFF40] =	vst v2;
	v2 =	vmul.f32 $1.131370830e+01, v8  }
0x490: {  	[tilespmem:s16+$0xFFFFFF30] =	vst v1;
	v1 =	vmul.f32 $1.131370830e+01, v5;
	v5 =	vld [tilespmem:s16+$0xFFFFFFC0]  }
0x491: {  	v8 =	vld [tilespmem:s16+$0xFFFFFFD0];
	[tilespmem:s16+$0xFFFFFF80] =	vst v2;
	v2 =	vmul.f32 $1.131370830e+01, v7  }
0x492: {  	[tilespmem:s16+$0xFFFFFF50] =	vst v1;
	v1 =	vld [tilespmem:s16+$0xFFFFFFE0];
	v0 =	vmul.f32 $1.131370830e+01, v0  }
0x493: {  	v7 =	vld [tilespmem:s16+$0x30];
	v6 =	vmul.f32 $1.131370830e+01, v6;
	[tilespmem:s16+$0xFFFFFF70] =	vst v2  }
0x494: {  	v2 =	vmul.f32 $1.131370830e+01, v3;
	v3 =	vld [tilespmem:s16+$0x0];
	[tilespmem:s16+$0xFFFFFF90] =	vst v0  }
0x495: {  	v0 =	vmul.f32 $1.131370830e+01, v4;
	v4 =	vld [tilespmem:s16+$0x10];
	[tilespmem:s16+$0xFFFFFFF0] =	vst v6  }
0x496: {  	[tilespmem:s16+$0xFFFFFFA0] =	vst v2;
	v2 =	vmul.f32 $1.131370830e+01, v5;
	v5 =	vld [tilespmem:s16+$0x20]  }
0x497: {  	v6 =	vld [tilespmem:s16+$0x80];
	[tilespmem:s16+$0xFFFFFFB0] =	vst v0;
	v0 =	vmul.f32 $1.131370830e+01, v8  }
0x498: {  	v1 =	vmul.f32 $1.131370830e+01, v1;
	[tilespmem:s16+$0xFFFFFFC0] =	vst v2;
	v2 =	vld [tilespmem:s16+$0x40]  }
0x499: {  	[tilespmem:s16+$0xFFFFFFD0] =	vst v0;
	v0 =	vmul.f32 $1.131370830e+01, v3  }
0x49a: {  	v3 =	vld [tilespmem:s16+$0x50];
	[tilespmem:s16+$0xFFFFFFE0] =	vst v1;
	v4 =	vmul.f32 $1.131370830e+01, v4  }
0x49b: {  	v1 =	vld [tilespmem:s16+$0x60];
	[tilespmem:s16+$0x0] =	vst v0;
	v0 =	vmul.f32 $1.131370830e+01, v5  }
0x49c: {  	v6 =	vmul.f32 $1.131370830e+01, v6;
	v5 =	vld [tilespmem:s16+$0x70];
	[tilespmem:s16+$0x10] =	vst v4  }
0x49d: {  	v4 =	vmul.f32 $1.131370830e+01, v7;
	v7 =	vld [tilespmem:s16+$0x90];
	[tilespmem:s16+$0x20] =	vst v0;
	v0 =	vmul.f32 $1.131370830e+01, v2  }
0x49e: {  	v8 =	vld [tilespmem:s16+$0xA0];
	[tilespmem:s16+$0x80] =	vst v6  }
0x49f: {  	v2 =	vmul.f32 $1.131370830e+01, v3;
	[tilespmem:s16+$0x40] =	vst v0;
	v0 =	vld [tilespmem:s16+$0xB0]  }
0x4a0: {  	[tilespmem:s16+$0x30] =	vst v4;
	v3 =	vmul.f32 $1.131370830e+01, v1;
	v1 =	vld [tilespmem:s16+$0xC0]  }
0x4a1: {  	[tilespmem:s16+$0x50] =	vst v2;
	v4 =	vmul.f32 $1.131370830e+01, v5;
	v2 =	vld [tilespmem:s16+$0xD0]  }
0x4a2: {  	[tilespmem:s16+$0x60] =	vst v3;
	v3 =	vld [tilespmem:s16+$0xE0];
	v5 =	vmul.f32 $1.131370830e+01, v7  }
0x4a3: {  	s17 =	simm.s32 $0x11F00;
	s7 =	simm.s32 $0x0;
	v6 =	vmul.f32 $1.131370830e+01, v8;
	[tilespmem:s16+$0x70] =	vst v4;
	v4 =	vld [tilespmem:s16+$0xFFFFFF00]  }
.LBB2_32:
0x4a4: {  	v7 =	vld [tilespmem:s17+$0xF0];
	s7 =	sadd.s32 $0x4, s7;
	[tilespmem:s16+$0x90] =	vst v5;
	v0 =	vmul.f32 $1.131370830e+01, v0  }
0x4a5: {  	v5 =	vld [tilespmem:s17+$0xFFFFFF10];
	p0 =	slt.u32 s7, $0x7C;
	[tilespmem:s16+$0xA0] =	vst v6;
	v1 =	vmul.f32 $1.131370830e+01, v1  }
0x4a6: {  	v6 =	vld [tilespmem:s17+$0xFFFFFF20];
	[tilespmem:s16+$0xB0] =	vst v0;
	v0 =	vmul.f32 $1.131370830e+01, v2  }
0x4a7: {  	v2 =	vld [tilespmem:s17+$0xFFFFFF30];
	[tilespmem:s16+$0xC0] =	vst v1;
	v1 =	vmul.f32 $1.131370830e+01, v3  }
0x4a8: {  	v3 =	vld [tilespmem:s17+$0xFFFFFF40];
	v4 =	vmul.f32 $1.131370830e+01, v4;
	[tilespmem:s16+$0xD0] =	vst v0  }
0x4a9: {  	v0 =	vld [tilespmem:s17+$0xFFFFFF50];
	v7 =	vmul.f32 $1.131370830e+01, v7;
	[tilespmem:s16+$0xE0] =	vst v1  }
0x4aa: {  	v1 =	vmul.f32 $1.131370830e+01, v5;
	v5 =	vld [tilespmem:s17+$0xFFFFFF60];
	[tilespmem:s16+$0xFFFFFF00] =	vst v4;
	s16 =	smov.u32 s17  }
0x4ab: {  	v4 =	vmul.f32 $1.131370830e+01, v6;
	v6 =	vld [tilespmem:s17+$0xFFFFFF70];
	[tilespmem:s17+$0xF0] =	vst v7  }
0x4ac: {  	[tilespmem:s17+$0xFFFFFF10] =	vst v1;
	v1 =	vmul.f32 $1.131370830e+01, v2;
	v2 =	vld [tilespmem:s17+$0xFFFFFF80]  }
0x4ad: {  	[tilespmem:s17+$0xFFFFFF20] =	vst v4;
	v3 =	vmul.f32 $1.131370830e+01, v3;
	v4 =	vld [tilespmem:s17+$0xFFFFFF90]  }
0x4ae: {  	[tilespmem:s17+$0xFFFFFF30] =	vst v1;
	v0 =	vmul.f32 $1.131370830e+01, v0;
	v1 =	vld [tilespmem:s17+$0xFFFFFFA0]  }
0x4af: {  	[tilespmem:s17+$0xFFFFFF40] =	vst v3;
	v3 =	vmul.f32 $1.131370830e+01, v5;
	v5 =	vld [tilespmem:s17+$0xFFFFFFB0]  }
0x4b0: {  	[tilespmem:s17+$0xFFFFFF50] =	vst v0;
	v0 =	vmul.f32 $1.131370830e+01, v6;
	v6 =	vld [tilespmem:s17+$0xFFFFFFC0]  }
0x4b1: {  	[tilespmem:s17+$0xFFFFFF60] =	vst v3;
	v2 =	vmul.f32 $1.131370830e+01, v2;
	v3 =	vld [tilespmem:s17+$0xFFFFFFD0]  }
0x4b2: {  	[tilespmem:s17+$0xFFFFFF70] =	vst v0;
	v0 =	vmul.f32 $1.131370830e+01, v4;
	v4 =	vld [tilespmem:s17+$0xFFFFFFE0]  }
0x4b3: {  	[tilespmem:s17+$0xFFFFFF80] =	vst v2;
	v1 =	vmul.f32 $1.131370830e+01, v1;
	v2 =	vld [tilespmem:s17+$0xFFFFFFF0]  }
0x4b4: {  	[tilespmem:s17+$0xFFFFFF90] =	vst v0;
	v0 =	vmul.f32 $1.131370830e+01, v5;
	v5 =	vld [tilespmem:s17+$0x0]  }
0x4b5: {  	[tilespmem:s17+$0xFFFFFFA0] =	vst v1;
	v1 =	vmul.f32 $1.131370830e+01, v6;
	v6 =	vld [tilespmem:s17+$0x10]  }
0x4b6: {  	[tilespmem:s17+$0xFFFFFFB0] =	vst v0;
	v0 =	vmul.f32 $1.131370830e+01, v3;
	v3 =	vld [tilespmem:s17+$0x20]  }
0x4b7: {  	[tilespmem:s17+$0xFFFFFFC0] =	vst v1;
	v1 =	vmul.f32 $1.131370830e+01, v4;
	v4 =	vld [tilespmem:s17+$0x30]  }
0x4b8: {  	[tilespmem:s17+$0xFFFFFFD0] =	vst v0;
	v0 =	vmul.f32 $1.131370830e+01, v2;
	v2 =	vld [tilespmem:s17+$0x40]  }
0x4b9: {  	[tilespmem:s17+$0xFFFFFFE0] =	vst v1;
	v1 =	vmul.f32 $1.131370830e+01, v5;
	v5 =	vld [tilespmem:s17+$0x50]  }
0x4ba: {  	[tilespmem:s17+$0xFFFFFFF0] =	vst v0;
	v0 =	vmul.f32 $1.131370830e+01, v6;
	v6 =	vld [tilespmem:s17+$0x60]  }
0x4bb: {  	[tilespmem:s17+$0x0] =	vst v1;
	v1 =	vmul.f32 $1.131370830e+01, v3;
	v3 =	vld [tilespmem:s17+$0x70]  }
0x4bc: {  	[tilespmem:s17+$0x10] =	vst v0;
	v0 =	vmul.f32 $1.131370830e+01, v4;
	v4 =	vld [tilespmem:s17+$0x80]  }
0x4bd: {  	[tilespmem:s17+$0x20] =	vst v1;
	v1 =	vmul.f32 $1.131370830e+01, v2;
	v7 =	vld [tilespmem:s17+$0x90]  }
0x4be: {  	[tilespmem:s17+$0x30] =	vst v0;
	v2 =	vmul.f32 $1.131370830e+01, v5;
	v8 =	vld [tilespmem:s17+$0xA0]  }
.Ltmp15:
0x4bf: {  	[tilespmem:s17+$0x40] =	vst v1;
	v5 =	vmul.f32 $1.131370830e+01, v6;
	v0 =	vld [tilespmem:s17+$0xB0];
	(pc) =	sbr.rel @p0 .LBB2_32-.Ltmp15, $4  }
0x4c0: {  	[tilespmem:s17+$0x50] =	vst v2;
	v3 =	vmul.f32 $1.131370830e+01, v3;
	v1 =	vld [tilespmem:s17+$0xC0]  }
0x4c1: {  	[tilespmem:s17+$0x60] =	vst v5;
	v6 =	vmul.f32 $1.131370830e+01, v4;
	v2 =	vld [tilespmem:s17+$0xD0]  }
0x4c2: {  	[tilespmem:s17+$0x70] =	vst v3;
	v5 =	vmul.f32 $1.131370830e+01, v7;
	v3 =	vld [tilespmem:s17+$0xE0]  }
0x4c3: {  	s17 =	sadd.s32 $0x200, s17;
	v4 =	vld [tilespmem:s16+$0xFFFFFF00];
	[tilespmem:s16+$0x80] =	vst v6;
	v6 =	vmul.f32 $1.131370830e+01, v8  }
0x4c4: {  	[tilespmem:s16+$0x90] =	vst v5;
	v0 =	vmul.f32 $1.131370830e+01, v0  }
0x4c5: {  	[tilespmem:s16+$0xA0] =	vst v6;
	v1 =	vmul.f32 $1.131370830e+01, v1  }
0x4c6: {  	[tilespmem:s16+$0xB0] =	vst v0;
	v61 =	vmul.f32 $1.131370830e+01, v2  }
0x4c7: {  	[tilespmem:s16+$0xC0] =	vst v1;
	v62 =	vmul.f32 $1.131370830e+01, v3  }
0x4c8: {  	v63 =	vmul.f32 $1.131370830e+01, v4;
	[tilespmem:s16+$0xD0] =	vst v61  }
0x4c9: {  	[tilespmem:s16+$0xE0] =	vst v62  }
0x4ca: {  	[tilespmem:s16+$0xFFFFFF00] =	vst v63  }
0x4cb: {  	s7 =	rddreg [dreg:$0xe]  }
0x4cc: {  	[hbm4b:s7+s4] =	stream.linear.scatter [tilespmem:s2], [sflag:$0xA], $0x4000, $0x38;
	[tilespmem:$0x15C00] =	vst v63  }
0x4cd: {  	_ =	swait.ge [sflag:s25], $0x4000  }
0x4ce: {  	[sflag:s25] =	ssyncset.done $0x0  }
0x4cf: {  	[sflag:s25] =	ssyncadd.s32 $0xFFFFC000  }
0x4d0: {  	_ =	swait.ge [sflag:s28], $0x4000  }
0x4d1: {  	[sflag:s28] =	ssyncset.done $0x0  }
0x4d2: {  	[sflag:s28] =	ssyncadd.s32 $0xFFFFC000  }
0x4d3: {  	_ =	swait.ge [sflag:s8], $0x4000  }
0x4d4: {  	[sflag:s8] =	ssyncset.done $0x0  }
0x4d5: {  	[sflag:s8] =	ssyncadd.s32 $0xFFFFC000  }
0x4d6: {  	_ =	swait.ge [sflag:s10], $0x4000  }
0x4d7: {  	[sflag:s10] =	ssyncset.done $0x0  }
0x4d8: {  	[sflag:s10] =	ssyncadd.s32 $0xFFFFC000  }
0x4d9: {  	_ =	swait.ge [sflag:s11], $0x4000  }
0x4da: {  	s15 =	sadd.s32 $0x1, s15;
	s21 =	rddreg [dreg:$0xf]  }
0x4db: {  	p0 =	sne.s32 s15, s21  }
.Ltmp16:
0x4dc: {  	_ = 	snop;
	(pc) =	sbr.rel @p0 .LBB2_1-.Ltmp16, $3  }
0x4dd: {  	_ =	sdelay $0x1  }
0x4de: {  	[sflag:s11] =	ssyncset.done $0x0  }
0x4df: {  	[sflag:s11] =	ssyncadd.s32 $0xFFFFC000  }
0x4e0: {  	_ =	sfence.sel $0x180000  }
0x4e1: {  	[bflag:$0x0] =	sbarrier.arrive $0xFFFF  }
0x4e2: {  	_ =	strace $0x90000047  }
0x4e3: {  	s0 =	stileid.u32;
	[bflag:$0x2] =	sbarrier.arrive $0xFFFF  }
0x4e4: {  	p0 =	sne.s32 s0, $0x0;
	s0 =	rddreg [dreg:$0x3]  }
0x4e5: {  	s0 =	sadd.s32 @!p0 $0x100000, s0  }
0x4e6: {  	[sflag:s0] =	ssyncadd.tile.s32 @!p0 $0x1;
	_ =	shalt  }
.Lfunc_end2:
_tile_overlayer_lowered:
.L_overlay_start_2:
0x4e7: {  	(tag) =	ssettag $0x2  }
0x4e8: {  	s0 =	rddreg [dreg:$0x0];
	s2 =	stileid.u32  }
0x4e9: {  	s1 =	rddreg [dreg:$0x1];
	p0 =	sne.s32 s2, $0x0  }
0x4ea: {  	s3 =	rddreg [dreg:$0x2];
	[bflag:$0x3] =	sbarrier.arrive $0xFFFF;
	s2 =	simm.s32 @!p0 $0x1C0B  }
0x4eb: {  	[timem:s3], [sflag:s2] =	dma.local @!p0 [hbm:s0], s1  }
0x4ec: {  	s0 =	simm.s32 @!p0 $0xB  }
0x4ed: {  	_ =	swait.ge @!p0 [sflag:s0], s1  }
0x4ee: {  	s1 =	ssub.s32 @!p0 $0x0, s1;
	[sflag:s0] =	ssyncset.done @!p0 $0x0  }
0x4ef: {  	[sflag:s0] =	ssyncadd.s32 @!p0 s1  }
0x4f0: {  	[bflag:$0x3] =	sbarrier.arrive $0xFFFF  }
0x4f1: {  	_ =	shalt  }

</sc_bundles>
